<compile_context>
chip_gen: v7x
topology: tpu7x:2x2x1
jax: 0.10.2.dev20260603
libtpu: 0.0.44.dev20260713+nightly
codegen_flags: <defaults>
</compile_context>

<pallas_src>
import functools

import jax
import jax.numpy as jnp
from jax import lax
from jax.experimental import pallas as pl
from jax.experimental.pallas import tpu as pltpu
from jax.experimental.pallas import tpu_sc as plsc

N_NODES = 10000
IN_CH = 128
HID = 64
LAT = 64
N_EDGES = 320000

NC, NS = 2, 16
NT = NC * NS
NPT = 320
NPAD = NT * NPT
CAP = 12288
NSEG = 4
CAPS = CAP // NSEG
CHUNK = 16000
G = 320

DEC_N = N_NODES * IN_CH
DEC_BLK = 25600
DEC_GRID = DEC_N // DEC_BLK

_mesh = plsc.VectorSubcoreMesh(core_axis_name="c", subcore_axis_name="s")


def _wid():
    return lax.axis_index("s") * NC + lax.axis_index("c")


def _preproc_body(src_hbm, dst_hbm, slist_hbm, dlist_hbm, cnt_hbm, deg_hbm,
                  csrc_a, cdst_a, csrc_b, cdst_b, slist_v, dlist_v, deg_v,
                  cntv_v, sem_a, sem_b):
    wid = _wid()
    lo = wid * NPT
    hi = lo + NPT
    zeros16i = jnp.zeros((16,), jnp.int32)
    ones16f = jnp.ones((16,), jnp.float32)

    def init_deg(i, _):
        deg_v[pl.ds(i * 16, 16)] = ones16f
        return 0
    lax.fori_loop(0, NPT // 16, init_deg, 0)

    def init_lists(i, _):
        slist_v[pl.ds(i * 16, 16)] = zeros16i
        return 0
    lax.fori_loop(0, CAP // 16, init_lists, 0)

    bufs = ((csrc_a, cdst_a, sem_a), (csrc_b, cdst_b, sem_b))

    def issue(c, b):
        s_, d_, sm = bufs[b]
        pltpu.async_copy(src_hbm.at[pl.ds(c * CHUNK, CHUNK)], s_, sm)
        pltpu.async_copy(dst_hbm.at[pl.ds(c * CHUNK, CHUNK)], d_, sm)

    def wait(b):
        s_, d_, sm = bufs[b]
        pltpu.make_async_copy(src_hbm.at[pl.ds(0, CHUNK)], s_, sm).wait()
        pltpu.make_async_copy(src_hbm.at[pl.ds(0, CHUNK)], d_, sm).wait()

    def scan_chunk(b, cnt):
        s_, d_, sm = bufs[b]

        def grp(gi, cnt):
            vd = d_[pl.ds(gi * 16, 16)]
            vs = s_[pl.ds(gi * 16, 16)]
            m = (vd >= lo) & (vd < hi)
            csum = plsc.cumsum(m.astype(jnp.int32))
            pos = cnt + csum - 1
            plsc.store_scatter(slist_v, [pos], vs, mask=m)
            plsc.store_scatter(dlist_v, [pos], (vd - lo) * HID, mask=m)
            plsc.addupdate_scatter(deg_v, [vd - lo], ones16f, mask=m)
            return cnt + csum[15]

        return lax.fori_loop(0, CHUNK // 16, grp, cnt)

    ncp = N_EDGES // CHUNK
    issue(0, 0)
    cnt = jnp.int32(0)
    for c in range(ncp):
        if c + 1 < ncp:
            issue(c + 1, (c + 1) % 2)
        wait(c % 2)
        cnt = scan_chunk(c % 2, cnt)

    cntv_v[...] = jnp.full((16,), cnt, jnp.int32)
    pltpu.sync_copy(slist_v, slist_hbm.at[wid])
    pltpu.sync_copy(dlist_v, dlist_hbm.at[wid])
    pltpu.sync_copy(cntv_v, cnt_hbm.at[wid])
    pltpu.sync_copy(deg_v, deg_hbm.at[wid])


_SC_PARAMS = pltpu.CompilerParams(needs_layout_passes=False)

_preproc = functools.partial(
    pl.kernel,
    compiler_params=_SC_PARAMS,
    out_type=[
        jax.ShapeDtypeStruct((NT, CAP), jnp.int32),
        jax.ShapeDtypeStruct((NT, CAP), jnp.int32),
        jax.ShapeDtypeStruct((NT, 16), jnp.int32),
        jax.ShapeDtypeStruct((NT, NPT), jnp.float32),
    ],
    mesh=_mesh,
    scratch_types=[
        pltpu.VMEM((CHUNK,), jnp.int32),
        pltpu.VMEM((CHUNK,), jnp.int32),
        pltpu.VMEM((CHUNK,), jnp.int32),
        pltpu.VMEM((CHUNK,), jnp.int32),
        pltpu.VMEM((CAP,), jnp.int32),
        pltpu.VMEM((CAP,), jnp.int32),
        pltpu.VMEM((NPT,), jnp.float32),
        pltpu.VMEM((16,), jnp.int32),
        pltpu.SemaphoreType.DMA,
        pltpu.SemaphoreType.DMA,
    ],
)(_preproc_body)


def _make_accum(mode):
    def body(slist_hbm, dlist_hbm, cnt_hbm, g_hbm, dinv_hbm, b_hbm, out_hbm,
             slist_v, dlist_v, rows_a, rows_b, acc_v, dinv_v, b_v, cntc_v,
             psum_v, sem_a, sem_b):
        wid = _wid()
        lo = wid * NPT
        zeros16f = jnp.zeros((16,), jnp.float32)

        pltpu.async_copy(slist_hbm.at[wid], slist_v.at[pl.ds(0, CAP)],
                         sem_a).wait()
        pltpu.async_copy(dlist_hbm.at[wid], dlist_v.at[pl.ds(0, CAP)],
                         sem_a).wait()
        pltpu.async_copy(cnt_hbm.at[wid], cntc_v, sem_a).wait()
        pltpu.async_copy(dinv_hbm.at[pl.ds(lo, NPT)], dinv_v.at[pl.ds(0, NPT)],
                         sem_a).wait()
        pltpu.async_copy(b_hbm, b_v, sem_a).wait()
        cnt = cntc_v[...][0]

        def zero_acc(r, _):
            acc_v[pl.ds(r * 16, 16)] = zeros16f
            return 0
        lax.fori_loop(0, NPT * HID // 16, zero_acc, 0)

        nch = (cnt + G - 1) // G
        bufs = ((rows_a, sem_a), (rows_b, sem_b))

        def issue(c, buf, sm):
            pltpu.async_copy(g_hbm.at[slist_v.at[pl.ds(c * G, G)]], buf, sm)

        def wait(buf, sm):
            pltpu.make_async_copy(g_hbm.at[pl.ds(0, G)], buf, sm).wait()

        def process(c, buf):
            cbase = c * G
            en = jnp.minimum(G, cnt - cbase)

            @plsc.parallel_loop(0, en, unroll=4)
            def _(e):
                dbase = dlist_v[pl.ds(cbase + e, 16)][0]
                for f in range(HID // 16):
                    plsc.addupdate(acc_v.at[pl.ds(dbase + f * 16, 16)],
                                   buf[e, pl.ds(f * 16, 16)])

        @pl.when(nch > 0)
        def _():
            issue(0, rows_a, sem_a)

        def cbody(c, _):
            even = lax.rem(c, 2) == 0

            @pl.when(even)
            def _():
                @pl.when(c + 1 < nch)
                def _():
                    issue(c + 1, rows_b, sem_b)
                wait(rows_a, sem_a)
                process(c, rows_a)

            @pl.when(jnp.logical_not(even))
            def _():
                @pl.when(c + 1 < nch)
                def _():
                    issue(c + 1, rows_a, sem_a)
                wait(rows_b, sem_b)
                process(c, rows_b)

            return 0

        lax.fori_loop(0, nch, cbody, 0)

        pltpu.async_copy(g_hbm.at[pl.ds(lo, NPT)], rows_a.at[pl.ds(0, NPT)],
                         sem_a).wait()

        if mode == "rows":
            def fin(r, _):
                dv = dinv_v[pl.ds(r, 16)][0]
                for f in range(HID // 16):
                    sl = pl.ds(r * HID + f * 16, 16)
                    val = (acc_v[sl] + rows_a[r, pl.ds(f * 16, 16)]) * dv \
                        + b_v[pl.ds(f * 16, 16)]
                    acc_v[sl] = jnp.maximum(val, 0.0)
                return 0
            lax.fori_loop(0, NPT, fin, 0)
            pltpu.sync_copy(acc_v, out_hbm.at[wid])
        else:
            def fin(r, ps):
                dv = dinv_v[pl.ds(r, 16)][0]
                w = jnp.where(lo + r < N_NODES, 1.0, 0.0)
                out = []
                for f in range(HID // 16):
                    val = (acc_v[pl.ds(r * HID + f * 16, 16)]
                           + rows_a[r, pl.ds(f * 16, 16)]) * dv \
                        + b_v[pl.ds(f * 16, 16)]
                    out.append(ps[f] + jnp.maximum(val, 0.0) * w)
                return tuple(out)
            ps = lax.fori_loop(0, NPT, fin,
                               tuple(zeros16f for _ in range(HID // 16)))
            for f in range(HID // 16):
                psum_v[pl.ds(f * 16, 16)] = ps[f]
            for f in range(HID // 16, IN_CH // 16):
                psum_v[pl.ds(f * 16, 16)] = zeros16f
            pltpu.sync_copy(psum_v, out_hbm.at[wid])

    out_shape = (jax.ShapeDtypeStruct((NT, NPT * HID), jnp.float32)
                 if mode == "rows"
                 else jax.ShapeDtypeStruct((NT, IN_CH), jnp.float32))
    return functools.partial(
        pl.kernel,
        compiler_params=_SC_PARAMS,
        out_type=out_shape,
        mesh=_mesh,
        scratch_types=[
            pltpu.VMEM((CAP,), jnp.int32),
            pltpu.VMEM((CAP + 16,), jnp.int32),
            pltpu.VMEM((G, IN_CH), jnp.float32),
            pltpu.VMEM((G, IN_CH), jnp.float32),
            pltpu.VMEM((NPT * HID,), jnp.float32),
            pltpu.VMEM((NPT + 16,), jnp.float32),
            pltpu.VMEM((HID,), jnp.float32),
            pltpu.VMEM((16,), jnp.int32),
            pltpu.VMEM((IN_CH,), jnp.float32),
            pltpu.SemaphoreType.DMA,
            pltpu.SemaphoreType.DMA,
        ],
    )(body)


_accum_rows = _make_accum("rows")
_accum_pool = _make_accum("pool")


_LIN_R = 512


def _lin1_body(x_ref, w_ref, deg_ref, g_ref, dinv_ref):
    dinv = deg_ref[...] ** -0.5
    h = jnp.dot(x_ref[...], w_ref[...], preferred_element_type=jnp.float32)
    g_ref[...] = jnp.concatenate(
        [h * dinv, jnp.zeros((_LIN_R, IN_CH - HID), jnp.float32)], axis=1)
    dinv_ref[...] = dinv


def _lin1(x_pad, w, deg):
    grid = NPAD // _LIN_R
    return pl.pallas_call(
        _lin1_body,
        grid=(grid,),
        in_specs=[
            pl.BlockSpec((_LIN_R, IN_CH), lambda i: (i, 0)),
            pl.BlockSpec((IN_CH, HID), lambda i: (0, 0)),
            pl.BlockSpec((_LIN_R, 1), lambda i: (i, 0)),
        ],
        out_specs=[
            pl.BlockSpec((_LIN_R, IN_CH), lambda i: (i, 0)),
            pl.BlockSpec((_LIN_R, 1), lambda i: (i, 0)),
        ],
        out_shape=[
            jax.ShapeDtypeStruct((NPAD, IN_CH), jnp.float32),
            jax.ShapeDtypeStruct((NPAD, 1), jnp.float32),
        ],
    )(x_pad, w, deg.reshape(NPAD, 1))


def _lin2_body(x_ref, w_ref, dinv_ref, g_ref):
    h = jnp.dot(x_ref[...], w_ref[...], preferred_element_type=jnp.float32)
    g_ref[...] = jnp.concatenate(
        [h * dinv_ref[...], jnp.zeros((_LIN_R, IN_CH - HID), jnp.float32)],
        axis=1)


def _lin2(h, w, dinv):
    grid = NPAD // _LIN_R
    return pl.pallas_call(
        _lin2_body,
        grid=(grid,),
        in_specs=[
            pl.BlockSpec((_LIN_R, HID), lambda i: (i, 0)),
            pl.BlockSpec((HID, HID), lambda i: (0, 0)),
            pl.BlockSpec((_LIN_R, 1), lambda i: (i, 0)),
        ],
        out_specs=pl.BlockSpec((_LIN_R, IN_CH), lambda i: (i, 0)),
        out_shape=jax.ShapeDtypeStruct((NPAD, IN_CH), jnp.float32),
    )(h, w, dinv)


def _head_body(part_ref, muw_ref, mub_ref, lvw_ref, lvb_ref,
               d1w_ref, d1b_ref, eps_ref, mu_ref, lv_ref, d_ref):
    pooled = jnp.sum(part_ref[...], axis=0,
                     keepdims=True)[:, :HID] * (1.0 / N_NODES)
    mu = jnp.dot(pooled, muw_ref[...],
                 preferred_element_type=jnp.float32) + mub_ref[...]
    logvar = jnp.dot(pooled, lvw_ref[...],
                     preferred_element_type=jnp.float32) + lvb_ref[...]
    std = jnp.exp(0.5 * logvar)
    z = mu + eps_ref[...] * std
    d = jnp.dot(z, d1w_ref[...],
                preferred_element_type=jnp.float32) + d1b_ref[...]
    mu_ref[...] = mu
    lv_ref[...] = logvar
    d_ref[...] = jnp.maximum(d, 0.0)


def _head(partials, mu_w, mu_b, lv_w, lv_b, dec1_w, dec1_b, eps):
    return pl.pallas_call(
        _head_body,
        out_shape=[
            jax.ShapeDtypeStruct((1, LAT), jnp.float32),
            jax.ShapeDtypeStruct((1, LAT), jnp.float32),
            jax.ShapeDtypeStruct((1, HID), jnp.float32),
        ],
    )(partials, mu_w, mu_b.reshape(1, LAT), lv_w, lv_b.reshape(1, LAT),
      dec1_w, dec1_b.reshape(1, HID), eps.reshape(1, LAT))


def _dec2_body(d_ref, w_ref, b_ref, out_ref):
    out_ref[...] = jnp.dot(d_ref[...], w_ref[...],
                           preferred_element_type=jnp.float32) + b_ref[...]


def _dec2_matvec(d, dec2_w, dec2_b):
    out = pl.pallas_call(
        _dec2_body,
        grid=(DEC_GRID,),
        in_specs=[
            pl.BlockSpec((1, HID), lambda i: (0, 0)),
            pl.BlockSpec((HID, DEC_BLK), lambda i: (0, i)),
            pl.BlockSpec((1, DEC_BLK), lambda i: (0, i)),
        ],
        out_specs=pl.BlockSpec((1, DEC_BLK), lambda i: (0, i)),
        out_shape=jax.ShapeDtypeStruct((1, DEC_N), jnp.float32),
    )(d, dec2_w, dec2_b.reshape(1, DEC_N))
    return out.reshape(N_NODES, IN_CH)


def kernel(x, edge_index, conv1_w, conv1_b, conv2_w, conv2_b,
           mu_w, mu_b, lv_w, lv_b, dec1_w, dec1_b, dec2_w, dec2_b):
    src = edge_index[0].astype(jnp.int32)
    dst = edge_index[1].astype(jnp.int32)
    x_pad = jnp.pad(x, ((0, NPAD - N_NODES), (0, 0)))
    eps = jax.random.normal(jax.random.key(42), (LAT,), dtype=jnp.float32)

    slist, dlist, cnt, deg = _preproc(src, dst)

    g1, dinv = _lin1(x_pad, conv1_w, deg.reshape(NPAD))
    out1 = _accum_rows(slist, dlist, cnt, g1, dinv.reshape(NPAD), conv1_b)
    g2 = _lin2(out1.reshape(NPAD, HID), conv2_w, dinv)
    partials = _accum_pool(slist, dlist, cnt, g2, dinv.reshape(NPAD), conv2_b)

    mu, logvar, d = _head(partials, mu_w, mu_b, lv_w, lv_b,
                          dec1_w, dec1_b, eps)
    recon_x = _dec2_matvec(d, dec2_w, dec2_b)
    return (recon_x, mu.reshape(LAT), logvar.reshape(LAT))

# --- scband reference (transcript-rebuilt; emitter-appended) ---
"""Pipeline reference for scband-graph-vae-67826123538494 (READ-ONLY COPY).

The authoritative reference and input builder live on the scoring server;
editing this copy changes nothing except your own understanding.
"""

import jax, jax.numpy as jnp
import numpy as np

N_NODES = 10000
IN_CH = 128
HID = 64
LAT = 64
N_EDGES = 320000


def _gcn_conv(x, edge_index, W, b, n_nodes):
    # Faithful PyG GCNConv: add self loops, symmetric normalization, linear, scatter-add, bias
    src = edge_index[0]
    dst = edge_index[1]
    loop = jnp.arange(n_nodes, dtype=src.dtype)
    src = jnp.concatenate([src, loop])
    dst = jnp.concatenate([dst, loop])
    deg = jnp.zeros((n_nodes,), dtype=x.dtype).at[dst].add(1.0)
    dinv = jnp.where(deg > 0, deg ** -0.5, 0.0)
    norm = dinv[src] * dinv[dst]
    h = x @ W
    msg = jnp.take(h, src, axis=0) * norm[:, None]
    out = jnp.zeros((n_nodes, W.shape[1]), dtype=x.dtype).at[dst].add(msg)
    return out + b


def setup_inputs(seed: int = 0) -> dict:
    key = jax.random.key(seed)
    ks = jax.random.split(key, 16)
    x = jax.random.normal(ks[0], (N_NODES, IN_CH), dtype=jnp.float32)
    edge_index = jax.random.randint(ks[1], (2, N_EDGES), 0, N_NODES, dtype=jnp.int64)
    conv1_w = jax.random.normal(ks[2], (IN_CH, HID), dtype=jnp.float32) * 0.05
    conv1_b = jnp.zeros((HID,), dtype=jnp.float32)
    conv2_w = jax.random.normal(ks[3], (HID, HID), dtype=jnp.float32) * 0.05
    conv2_b = jnp.zeros((HID,), dtype=jnp.float32)
    mu_w = jax.random.normal(ks[4], (HID, LAT), dtype=jnp.float32) * 0.05
    mu_b = jnp.zeros((LAT,), dtype=jnp.float32)
    lv_w = jax.random.normal(ks[5], (HID, LAT), dtype=jnp.float32) * 0.05
    lv_b = jnp.zeros((LAT,), dtype=jnp.float32)
    dec1_w = jax.random.normal(ks[6], (LAT, HID), dtype=jnp.float32) * 0.05
    dec1_b = jnp.zeros((HID,), dtype=jnp.float32)
    dec2_w = jax.random.normal(ks[7], (HID, N_NODES * IN_CH), dtype=jnp.float32) * 0.02
    dec2_b = jnp.zeros((N_NODES * IN_CH,), dtype=jnp.float32)
    return {"x": x, "edge_index": edge_index,
            "conv1_w": conv1_w, "conv1_b": conv1_b,
            "conv2_w": conv2_w, "conv2_b": conv2_b,
            "mu_w": mu_w, "mu_b": mu_b, "lv_w": lv_w, "lv_b": lv_b,
            "dec1_w": dec1_w, "dec1_b": dec1_b, "dec2_w": dec2_w, "dec2_b": dec2_b}


def reference(x, edge_index, conv1_w, conv1_b, conv2_w, conv2_b, mu_w, mu_b, lv_w, lv_b, dec1_w, dec1_b, dec2_w, dec2_b):
    n = x.shape[0]
    # Encoder
    h = jax.nn.relu(_gcn_conv(x, edge_index, conv1_w, conv1_b, n))
    h = jax.nn.relu(_gcn_conv(h, edge_index, conv2_w, conv2_b, n))
    h = h.mean(axis=0)
    mu = h @ mu_w + mu_b
    logvar = h @ lv_w + lv_b
    # Reparameterize (fixed key for determinism, mirrors torch.randn_like)
    std = jnp.exp(0.5 * logvar)
    eps = jax.random.normal(jax.random.key(42), std.shape, dtype=std.dtype)
    z = mu + eps * std
    # Decoder
    d = jax.nn.relu(z @ dec1_w + dec1_b)
    out = d @ dec2_w + dec2_b
    recon_x = out.reshape(N_NODES, IN_CH)
    return (recon_x, mu, logvar)

if __name__ == "__main__":
    import jax
    _d = setup_inputs()
    print(jax.jit(kernel)(*tuple(_d.values())))

</pallas_src>

<mosaic_0001>
#map = affine_map<(d0, d1) -> (0, 0)>
#map1 = affine_map<(d0, d1) -> (0)>
module attributes {stable_mosaic.version = 14 : i64} {
  func.func @body(%arg0: i32, %arg1: i32, %arg2: memref<32x12288xi32, #tpu.memory_space<hbm>>, %arg3: memref<32x12288xi32, #tpu.memory_space<hbm>>, %arg4: memref<32x16xi32, #tpu.memory_space<hbm>>, %arg5: memref<10240x128xf32, #tpu.memory_space<hbm>>, %arg6: memref<10240xf32, #tpu.memory_space<hbm>>, %arg7: memref<64xf32, #tpu.memory_space<hbm>>, %arg8: memref<32x20480xf32, #tpu.memory_space<hbm>>, %arg9: memref<12288xi32, #tpu.memory_space<vmem>>, %arg10: memref<12304xi32, #tpu.memory_space<vmem>>, %arg11: memref<320x128xf32, #tpu.memory_space<vmem>>, %arg12: memref<320x128xf32, #tpu.memory_space<vmem>>, %arg13: memref<20480xf32, #tpu.memory_space<vmem>>, %arg14: memref<336xf32, #tpu.memory_space<vmem>>, %arg15: memref<64xf32, #tpu.memory_space<vmem>>, %arg16: memref<16xi32, #tpu.memory_space<vmem>>, %arg17: memref<128xf32, #tpu.memory_space<vmem>>, %arg18: memref<!tpu.dma_semaphore, #tpu.memory_space<semaphore_mem>>, %arg19: memref<!tpu.dma_semaphore, #tpu.memory_space<semaphore_mem>>) attributes {dimension_semantics = [#tpu.dimension_semantics<core_parallel>, #tpu.dimension_semantics<subcore_parallel>], iteration_bounds = array<i64: 2, 16>, scalar_prefetch = 0 : i64, scratch_operands = 11 : i64, tpu.core_type = #tpu.core_type<sc_vector_subcore>, window_params = [{transform_indices = #map}, {transform_indices = #map}, {transform_indices = #map}, {transform_indices = #map}, {transform_indices = #map1}, {transform_indices = #map1}, {transform_indices = #map}]} {
    %mul3A = arith.constant 2 : i32
    %mul3A_0 = arith.muli %arg1, %mul3A : i32
    %add3A = arith.addi %mul3A_0, %arg0 : i32
    %mul3A_1 = arith.constant 320 : i32
    %mul3A_2 = arith.muli %add3A, %mul3A_1 : i32
    %broadcast_in_dim3A = arith.constant 0.000000e+00 : f32
    %broadcast_in_dim3A_3 = vector.broadcast %broadcast_in_dim3A : f32 to vector<16xf32>
    %dma_start3A = arith.constant 0 : i32
    %dma_start3A_4 = tpu.memref_slice %arg9[%dma_start3A] : memref<12288xi32, #tpu.memory_space<vmem>> -> memref<12288xi32, #tpu.memory_space<vmem>>
    %dma_start3A_5 = arith.constant 0 : i32
    %dma_start3A_6 = tpu.memref_slice %arg2[%add3A, %dma_start3A_5] : memref<32x12288xi32, #tpu.memory_space<hbm>> -> memref<1x12288xi32, #tpu.memory_space<hbm>>
    %dma_start3A_7 = tpu.memref_squeeze %dma_start3A_6 : memref<1x12288xi32, #tpu.memory_space<hbm>> -> memref<12288xi32, #tpu.memory_space<hbm>>
    %dma_start3A_8 = arith.constant 0 : i32
    %dma_start3A_9 = tpu.memref_slice %arg9[%dma_start3A_8] : memref<12288xi32, #tpu.memory_space<vmem>> -> memref<12288xi32, #tpu.memory_space<vmem>>
    %dma_start3A_10 = arith.constant 0 : i32
    %dma_start3A_11 = tpu.memref_slice %arg2[%add3A, %dma_start3A_10] : memref<32x12288xi32, #tpu.memory_space<hbm>> -> memref<1x12288xi32, #tpu.memory_space<hbm>>
    %dma_start3A_12 = tpu.memref_squeeze %dma_start3A_11 : memref<1x12288xi32, #tpu.memory_space<hbm>> -> memref<12288xi32, #tpu.memory_space<hbm>>
    tpu.enqueue_dma source(%dma_start3A_12 : memref<12288xi32, #tpu.memory_space<hbm>>) target(%dma_start3A_9 : memref<12288xi32, #tpu.memory_space<vmem>>) target_semaphore(%arg18 : memref<!tpu.dma_semaphore, #tpu.memory_space<semaphore_mem>>)
    %dma_wait3A = arith.constant 0 : i32
    %dma_wait3A_13 = tpu.memref_slice %arg9[%dma_wait3A] : memref<12288xi32, #tpu.memory_space<vmem>> -> memref<12288xi32, #tpu.memory_space<vmem>>
    %dma_wait3A_14 = arith.constant 0 : i32
    %dma_wait3A_15 = tpu.memref_slice %arg2[%add3A, %dma_wait3A_14] : memref<32x12288xi32, #tpu.memory_space<hbm>> -> memref<1x12288xi32, #tpu.memory_space<hbm>>
    %dma_wait3A_16 = tpu.memref_squeeze %dma_wait3A_15 : memref<1x12288xi32, #tpu.memory_space<hbm>> -> memref<12288xi32, #tpu.memory_space<hbm>>
    %dma_wait3A_17 = arith.constant 0 : i32
    %dma_wait3A_18 = tpu.memref_slice %arg9[%dma_wait3A_17] : memref<12288xi32, #tpu.memory_space<vmem>> -> memref<12288xi32, #tpu.memory_space<vmem>>
    %dma_wait3A_19 = arith.constant 0 : i32
    %dma_wait3A_20 = tpu.memref_slice %arg2[%add3A, %dma_wait3A_19] : memref<32x12288xi32, #tpu.memory_space<hbm>> -> memref<1x12288xi32, #tpu.memory_space<hbm>>
    %dma_wait3A_21 = tpu.memref_squeeze %dma_wait3A_20 : memref<1x12288xi32, #tpu.memory_space<hbm>> -> memref<12288xi32, #tpu.memory_space<hbm>>
    tpu.wait_dma2 semaphore(%arg18 : memref<!tpu.dma_semaphore, #tpu.memory_space<semaphore_mem>>) src(%dma_wait3A_21 : memref<12288xi32, #tpu.memory_space<hbm>>) dst(%dma_wait3A_18 : memref<12288xi32, #tpu.memory_space<vmem>>)
    %dma_start3A_22 = arith.constant 0 : i32
    %dma_start3A_23 = tpu.memref_slice %arg10[%dma_start3A_22] : memref<12304xi32, #tpu.memory_space<vmem>> -> memref<12288xi32, #tpu.memory_space<vmem>>
    %dma_start3A_24 = arith.constant 0 : i32
    %dma_start3A_25 = tpu.memref_slice %arg3[%add3A, %dma_start3A_24] : memref<32x12288xi32, #tpu.memory_space<hbm>> -> memref<1x12288xi32, #tpu.memory_space<hbm>>
    %dma_start3A_26 = tpu.memref_squeeze %dma_start3A_25 : memref<1x12288xi32, #tpu.memory_space<hbm>> -> memref<12288xi32, #tpu.memory_space<hbm>>
    %dma_start3A_27 = arith.constant 0 : i32
    %dma_start3A_28 = tpu.memref_slice %arg10[%dma_start3A_27] : memref<12304xi32, #tpu.memory_space<vmem>> -> memref<12288xi32, #tpu.memory_space<vmem>>
    %dma_start3A_29 = arith.constant 0 : i32
    %dma_start3A_30 = tpu.memref_slice %arg3[%add3A, %dma_start3A_29] : memref<32x12288xi32, #tpu.memory_space<hbm>> -> memref<1x12288xi32, #tpu.memory_space<hbm>>
    %dma_start3A_31 = tpu.memref_squeeze %dma_start3A_30 : memref<1x12288xi32, #tpu.memory_space<hbm>> -> memref<12288xi32, #tpu.memory_space<hbm>>
    tpu.enqueue_dma source(%dma_start3A_31 : memref<12288xi32, #tpu.memory_space<hbm>>) target(%dma_start3A_28 : memref<12288xi32, #tpu.memory_space<vmem>>) target_semaphore(%arg18 : memref<!tpu.dma_semaphore, #tpu.memory_space<semaphore_mem>>)
    %dma_wait3A_32 = arith.constant 0 : i32
    %dma_wait3A_33 = tpu.memref_slice %arg10[%dma_wait3A_32] : memref<12304xi32, #tpu.memory_space<vmem>> -> memref<12288xi32, #tpu.memory_space<vmem>>
    %dma_wait3A_34 = arith.constant 0 : i32
    %dma_wait3A_35 = tpu.memref_slice %arg3[%add3A, %dma_wait3A_34] : memref<32x12288xi32, #tpu.memory_space<hbm>> -> memref<1x12288xi32, #tpu.memory_space<hbm>>
    %dma_wait3A_36 = tpu.memref_squeeze %dma_wait3A_35 : memref<1x12288xi32, #tpu.memory_space<hbm>> -> memref<12288xi32, #tpu.memory_space<hbm>>
    %dma_wait3A_37 = arith.constant 0 : i32
    %dma_wait3A_38 = tpu.memref_slice %arg10[%dma_wait3A_37] : memref<12304xi32, #tpu.memory_space<vmem>> -> memref<12288xi32, #tpu.memory_space<vmem>>
    %dma_wait3A_39 = arith.constant 0 : i32
    %dma_wait3A_40 = tpu.memref_slice %arg3[%add3A, %dma_wait3A_39] : memref<32x12288xi32, #tpu.memory_space<hbm>> -> memref<1x12288xi32, #tpu.memory_space<hbm>>
    %dma_wait3A_41 = tpu.memref_squeeze %dma_wait3A_40 : memref<1x12288xi32, #tpu.memory_space<hbm>> -> memref<12288xi32, #tpu.memory_space<hbm>>
    tpu.wait_dma2 semaphore(%arg18 : memref<!tpu.dma_semaphore, #tpu.memory_space<semaphore_mem>>) src(%dma_wait3A_41 : memref<12288xi32, #tpu.memory_space<hbm>>) dst(%dma_wait3A_38 : memref<12288xi32, #tpu.memory_space<vmem>>)
    %dma_start3A_42 = arith.constant 0 : i32
    %dma_start3A_43 = tpu.memref_slice %arg4[%add3A, %dma_start3A_42] : memref<32x16xi32, #tpu.memory_space<hbm>> -> memref<1x16xi32, #tpu.memory_space<hbm>>
    %dma_start3A_44 = tpu.memref_squeeze %dma_start3A_43 : memref<1x16xi32, #tpu.memory_space<hbm>> -> memref<16xi32, #tpu.memory_space<hbm>>
    %dma_start3A_45 = arith.constant 0 : i32
    %dma_start3A_46 = tpu.memref_slice %arg4[%add3A, %dma_start3A_45] : memref<32x16xi32, #tpu.memory_space<hbm>> -> memref<1x16xi32, #tpu.memory_space<hbm>>
    %dma_start3A_47 = tpu.memref_squeeze %dma_start3A_46 : memref<1x16xi32, #tpu.memory_space<hbm>> -> memref<16xi32, #tpu.memory_space<hbm>>
    tpu.enqueue_dma source(%dma_start3A_47 : memref<16xi32, #tpu.memory_space<hbm>>) target(%arg16 : memref<16xi32, #tpu.memory_space<vmem>>) target_semaphore(%arg18 : memref<!tpu.dma_semaphore, #tpu.memory_space<semaphore_mem>>)
    %dma_wait3A_48 = arith.constant 0 : i32
    %dma_wait3A_49 = tpu.memref_slice %arg4[%add3A, %dma_wait3A_48] : memref<32x16xi32, #tpu.memory_space<hbm>> -> memref<1x16xi32, #tpu.memory_space<hbm>>
    %dma_wait3A_50 = tpu.memref_squeeze %dma_wait3A_49 : memref<1x16xi32, #tpu.memory_space<hbm>> -> memref<16xi32, #tpu.memory_space<hbm>>
    %dma_wait3A_51 = arith.constant 0 : i32
    %dma_wait3A_52 = tpu.memref_slice %arg4[%add3A, %dma_wait3A_51] : memref<32x16xi32, #tpu.memory_space<hbm>> -> memref<1x16xi32, #tpu.memory_space<hbm>>
    %dma_wait3A_53 = tpu.memref_squeeze %dma_wait3A_52 : memref<1x16xi32, #tpu.memory_space<hbm>> -> memref<16xi32, #tpu.memory_space<hbm>>
    tpu.wait_dma2 semaphore(%arg18 : memref<!tpu.dma_semaphore, #tpu.memory_space<semaphore_mem>>) src(%dma_wait3A_53 : memref<16xi32, #tpu.memory_space<hbm>>) dst(%arg16 : memref<16xi32, #tpu.memory_space<vmem>>)
    %dma_start3A_54 = arith.constant 0 : i32
    %dma_start3A_55 = tpu.memref_slice %arg14[%dma_start3A_54] : memref<336xf32, #tpu.memory_space<vmem>> -> memref<320xf32, #tpu.memory_space<vmem>>
    %dma_start3A_56 = tpu.memref_slice %arg6[%mul3A_2] : memref<10240xf32, #tpu.memory_space<hbm>> -> memref<320xf32, #tpu.memory_space<hbm>>
    %dma_start3A_57 = arith.constant 0 : i32
    %dma_start3A_58 = tpu.memref_slice %arg14[%dma_start3A_57] : memref<336xf32, #tpu.memory_space<vmem>> -> memref<320xf32, #tpu.memory_space<vmem>>
    %dma_start3A_59 = tpu.memref_slice %arg6[%mul3A_2] : memref<10240xf32, #tpu.memory_space<hbm>> -> memref<320xf32, #tpu.memory_space<hbm>>
    tpu.enqueue_dma source(%dma_start3A_59 : memref<320xf32, #tpu.memory_space<hbm>>) target(%dma_start3A_58 : memref<320xf32, #tpu.memory_space<vmem>>) target_semaphore(%arg18 : memref<!tpu.dma_semaphore, #tpu.memory_space<semaphore_mem>>)
    %dma_wait3A_60 = arith.constant 0 : i32
    %dma_wait3A_61 = tpu.memref_slice %arg14[%dma_wait3A_60] : memref<336xf32, #tpu.memory_space<vmem>> -> memref<320xf32, #tpu.memory_space<vmem>>
    %dma_wait3A_62 = tpu.memref_slice %arg6[%mul3A_2] : memref<10240xf32, #tpu.memory_space<hbm>> -> memref<320xf32, #tpu.memory_space<hbm>>
    %dma_wait3A_63 = arith.constant 0 : i32
    %dma_wait3A_64 = tpu.memref_slice %arg14[%dma_wait3A_63] : memref<336xf32, #tpu.memory_space<vmem>> -> memref<320xf32, #tpu.memory_space<vmem>>
    %dma_wait3A_65 = tpu.memref_slice %arg6[%mul3A_2] : memref<10240xf32, #tpu.memory_space<hbm>> -> memref<320xf32, #tpu.memory_space<hbm>>
    tpu.wait_dma2 semaphore(%arg18 : memref<!tpu.dma_semaphore, #tpu.memory_space<semaphore_mem>>) src(%dma_wait3A_65 : memref<320xf32, #tpu.memory_space<hbm>>) dst(%dma_wait3A_64 : memref<320xf32, #tpu.memory_space<vmem>>)
    tpu.enqueue_dma source(%arg7 : memref<64xf32, #tpu.memory_space<hbm>>) target(%arg15 : memref<64xf32, #tpu.memory_space<vmem>>) target_semaphore(%arg18 : memref<!tpu.dma_semaphore, #tpu.memory_space<semaphore_mem>>)
    tpu.wait_dma2 semaphore(%arg18 : memref<!tpu.dma_semaphore, #tpu.memory_space<semaphore_mem>>) src(%arg7 : memref<64xf32, #tpu.memory_space<hbm>>) dst(%arg15 : memref<64xf32, #tpu.memory_space<vmem>>)
    %get3A = arith.constant 0 : index
    %get3A_66 = tpu.vector_load %arg16[%get3A] {strides = array<i32>} : memref<16xi32, #tpu.memory_space<vmem>>, vector<16xi32>,
    %slice3A = vector.extract_strided_slice %get3A_66 {offsets = [0], sizes = [1], strides = [1]} : vector<16xi32> to vector<1xi32>
    %squeeze3A = vector.extract %slice3A[0] : i32 from vector<1xi32>
    %scan3A = arith.constant 0 : i32
    %scan3A_67 = arith.constant 0 : i32
    %scan3A_68 = arith.constant 1280 : i32
    %scan3A_69 = arith.addi %scan3A_67, %scan3A_68 : i32
    %scan3A_70 = arith.constant 1 : i32
    %scan3A_71 = scf.for %scan3A_133 = %scan3A_67 to %scan3A_69 step %scan3A_70 iter_args(%scan3A_134 = %scan3A) -> (i32)  : i32 {
      %mul3A_135 = arith.constant 16 : i32
      %mul3A_136 = arith.muli %scan3A_133, %mul3A_135 : i32
      %swap3A = arith.index_cast %mul3A_136 : i32 to index
      %swap3A_137 = tpu.vector_load %arg13[%swap3A] {strides = array<i32>} : memref<20480xf32, #tpu.memory_space<vmem>>, vector<16xf32>,
      tpu.vector_store %arg13[%swap3A], %broadcast_in_dim3A_3 {strides = array<i32>} : memref<20480xf32, #tpu.memory_space<vmem>>, vector<16xf32>,
      %scan3A_138 = arith.constant 0 : i32
      scf.yield %scan3A_138 : i32
    }
    %scan3A_72 = arith.constant 1280 : i32
    %add3A_73 = arith.constant 320 : i32
    %add3A_74 = arith.addi %squeeze3A, %add3A_73 : i32
    %sub3A = arith.constant 1 : i32
    %sub3A_75 = arith.subi %add3A_74, %sub3A : i32
    %jit3A = arith.constant 320 : i32
    %div3A = arith.divsi %sub3A_75, %jit3A : i32
    %sign3A = arith.constant 0 : i32
    %sign3A_76 = arith.cmpi sgt, %sub3A_75, %sign3A : i32
    %sign3A_77 = arith.extui %sign3A_76 : i1 to i32
    %sign3A_78 = arith.constant 0 : i32
    %sign3A_79 = arith.cmpi slt, %sub3A_75, %sign3A_78 : i32
    %sign3A_80 = arith.extui %sign3A_79 : i1 to i32
    %sign3A_81 = arith.subi %sign3A_77, %sign3A_80 : i32
    %sign3A_82 = arith.constant 0 : i32
    %sign3A_83 = arith.cmpi sgt, %jit3A, %sign3A_82 : i32
    %sign3A_84 = arith.extui %sign3A_83 : i1 to i32
    %sign3A_85 = arith.constant 0 : i32
    %sign3A_86 = arith.cmpi slt, %jit3A, %sign3A_85 : i32
    %sign3A_87 = arith.extui %sign3A_86 : i1 to i32
    %sign3A_88 = arith.subi %sign3A_84, %sign3A_87 : i32
    %ne3A = arith.cmpi ne, %sign3A_81, %sign3A_88 : i32
    %rem3A = arith.remsi %sub3A_75, %jit3A : i32
    %ne3A_89 = arith.constant 0 : i32
    %ne3A_90 = arith.cmpi ne, %rem3A, %ne3A_89 : i32
    %and3A = arith.andi %ne3A, %ne3A_90 : i1
    %sub3A_91 = arith.constant 1 : i32
    %sub3A_92 = arith.subi %div3A, %sub3A_91 : i32
    %select_n3A = arith.select %and3A, %sub3A_92, %div3A : i32
    %gt3A = arith.constant 0 : i32
    %gt3A_93 = arith.cmpi sgt, %select_n3A, %gt3A : i32
    %convert_element_type3A = arith.extui %gt3A_93 : i1 to i32
    %cond3A = arith.constant 0 : i32
    %cond3A_94 = arith.cmpi ne, %convert_element_type3A, %cond3A : i32
    scf.if %cond3A_94 {
      %dma_start3A_133 = arith.constant 0 : i32
      %dma_start3A_134 = tpu.memref_slice %arg9[%dma_start3A_133] : memref<12288xi32, #tpu.memory_space<vmem>> -> memref<320xi32, #tpu.memory_space<vmem>>
      %dma_start3A_135 = arith.constant 0 : i32
      %dma_start3A_136 = arith.constant 0 : i32
      %dma_start3A_137 = tpu.memref_slice %arg5[%dma_start3A_135, %dma_start3A_136] : memref<10240x128xf32, #tpu.memory_space<hbm>> -> memref<10240x128xf32, #tpu.memory_space<hbm>>
      tpu.enqueue_indirect_dma source(%dma_start3A_137 : memref<10240x128xf32, #tpu.memory_space<hbm>>) target(%arg11 : memref<320x128xf32, #tpu.memory_space<vmem>>) offsets(%dma_start3A_134 : memref<320xi32, #tpu.memory_space<vmem>>) semaphore(%arg18 : memref<!tpu.dma_semaphore, #tpu.memory_space<semaphore_mem>>)
    } else {
    }
    %while3A = arith.constant 0 : i32
    %while3A_95 = arith.constant 0 : i32
    %while3A_96 = arith.subi %select_n3A, %while3A : i32
    %while3A_97 = arith.addi %while3A, %while3A_96 : i32
    %while3A_98 = arith.constant 1 : i32
    %while3A_99 = arith.divsi %while3A_96, %while3A_98 : i32
    %while3A_100 = arith.muli %while3A_99, %while3A_98 : i32
    %while3A_101 = arith.addi %while3A, %while3A_100 : i32
    %while3A_102 = arith.constant 1 : i32
    %while3A_103 = scf.for %while3A_133 = %while3A to %while3A_101 step %while3A_102 iter_args(%while3A_134 = %while3A_95) -> (i32)  : i32 {
      %rem3A_135 = arith.constant 2 : i32
      %rem3A_136 = arith.remsi %while3A_133, %rem3A_135 : i32
      %eq3A = arith.constant 0 : i32
      %eq3A_137 = arith.cmpi eq, %rem3A_136, %eq3A : i32
      %convert_element_type3A_138 = arith.extui %eq3A_137 : i1 to i32
      %cond3A_139 = arith.constant 0 : i32
      %cond3A_140 = arith.cmpi ne, %convert_element_type3A_138, %cond3A_139 : i32
      scf.if %cond3A_140 {
        %add3A_146 = arith.constant 1 : i32
        %add3A_147 = arith.addi %while3A_133, %add3A_146 : i32
        %lt3A = arith.cmpi slt, %add3A_147, %select_n3A : i32
        %convert_element_type3A_148 = arith.extui %lt3A : i1 to i32
        %cond3A_149 = arith.constant 0 : i32
        %cond3A_150 = arith.cmpi ne, %convert_element_type3A_148, %cond3A_149 : i32
        scf.if %cond3A_150 {
          %add3A_162 = arith.constant 1 : i32
          %add3A_163 = arith.addi %while3A_133, %add3A_162 : i32
          %mul3A_164 = arith.constant 320 : i32
          %mul3A_165 = arith.muli %add3A_163, %mul3A_164 : i32
          %dma_start3A_166 = tpu.memref_slice %arg9[%mul3A_165] : memref<12288xi32, #tpu.memory_space<vmem>> -> memref<320xi32, #tpu.memory_space<vmem>>
          %dma_start3A_167 = arith.constant 0 : i32
          %dma_start3A_168 = arith.constant 0 : i32
          %dma_start3A_169 = tpu.memref_slice %arg5[%dma_start3A_167, %dma_start3A_168] : memref<10240x128xf32, #tpu.memory_space<hbm>> -> memref<10240x128xf32, #tpu.memory_space<hbm>>
          tpu.enqueue_indirect_dma source(%dma_start3A_169 : memref<10240x128xf32, #tpu.memory_space<hbm>>) target(%arg12 : memref<320x128xf32, #tpu.memory_space<vmem>>) offsets(%dma_start3A_166 : memref<320xi32, #tpu.memory_space<vmem>>) semaphore(%arg19 : memref<!tpu.dma_semaphore, #tpu.memory_space<semaphore_mem>>)
        } else {
        }
        %dma_wait3A_151 = arith.constant 0 : i32
        %dma_wait3A_152 = arith.constant 0 : i32
        %dma_wait3A_153 = tpu.memref_slice %arg5[%dma_wait3A_151, %dma_wait3A_152] : memref<10240x128xf32, #tpu.memory_space<hbm>> -> memref<320x128xf32, #tpu.memory_space<hbm>>
        %dma_wait3A_154 = arith.constant 0 : i32
        %dma_wait3A_155 = arith.constant 0 : i32
        %dma_wait3A_156 = tpu.memref_slice %arg5[%dma_wait3A_154, %dma_wait3A_155] : memref<10240x128xf32, #tpu.memory_space<hbm>> -> memref<320x128xf32, #tpu.memory_space<hbm>>
        tpu.wait_dma2 semaphore(%arg18 : memref<!tpu.dma_semaphore, #tpu.memory_space<semaphore_mem>>) src(%dma_wait3A_156 : memref<320x128xf32, #tpu.memory_space<hbm>>) dst(%arg11 : memref<320x128xf32, #tpu.memory_space<vmem>>)
        %mul3A_157 = arith.constant 320 : i32
        %mul3A_158 = arith.muli %while3A_133, %mul3A_157 : i32
        %sub3A_159 = arith.subi %squeeze3A, %mul3A_158 : i32
        %min3A = arith.constant 320 : i32
        %min3A_160 = arith.minsi %min3A, %sub3A_159 : i32
        %parallel_loop3A = arith.constant 0 : i32
        %parallel_loop3A_161 = arith.constant 1 : i32
        scf.for %parallel_loop3A_162 = %parallel_loop3A to %min3A_160 step %parallel_loop3A_161  : i32 {
          %parallel_loop3A_163 = arith.addi %mul3A_158, %parallel_loop3A_162 : i32
          %parallel_loop3A_164 = arith.index_cast %parallel_loop3A_163 : i32 to index
          %parallel_loop3A_165 = tpu.vector_load %arg10[%parallel_loop3A_164] {strides = array<i32>} : memref<12304xi32, #tpu.memory_space<vmem>>, vector<16xi32>,
          %parallel_loop3A_166 = vector.extract_strided_slice %parallel_loop3A_165 {offsets = [0], sizes = [1], strides = [1]} : vector<16xi32> to vector<1xi32>
          %parallel_loop3A_167 = vector.extract %parallel_loop3A_166[0] : i32 from vector<1xi32>
          %parallel_loop3A_168 = arith.constant 0 : i32
          %parallel_loop3A_169 = arith.addi %parallel_loop3A_167, %parallel_loop3A_168 : i32
          %parallel_loop3A_170 = arith.index_cast %parallel_loop3A_162 : i32 to index
          %parallel_loop3A_171 = arith.constant 0 : index
          %parallel_loop3A_172 = tpu.vector_load %arg11[%parallel_loop3A_170, %parallel_loop3A_171] {strides = array<i32>} : memref<320x128xf32, #tpu.memory_space<vmem>>, vector<16xf32>,
          %parallel_loop3A_173 = arith.index_cast %parallel_loop3A_169 : i32 to index
          %parallel_loop3A_174 = tpu.vector_load %arg13[%parallel_loop3A_173] {strides = array<i32>} : memref<20480xf32, #tpu.memory_space<vmem>>, vector<16xf32>,
          tpu.vector_store %arg13[%parallel_loop3A_173], %parallel_loop3A_172 {add = true, strides = array<i32>} : memref<20480xf32, #tpu.memory_space<vmem>>, vector<16xf32>,
          %parallel_loop3A_175 = arith.constant 16 : i32
          %parallel_loop3A_176 = arith.addi %parallel_loop3A_167, %parallel_loop3A_175 : i32
          %parallel_loop3A_177 = arith.index_cast %parallel_loop3A_162 : i32 to index
          %parallel_loop3A_178 = arith.constant 16 : index
          %parallel_loop3A_179 = tpu.vector_load %arg11[%parallel_loop3A_177, %parallel_loop3A_178] {strides = array<i32>} : memref<320x128xf32, #tpu.memory_space<vmem>>, vector<16xf32>,
          %parallel_loop3A_180 = arith.index_cast %parallel_loop3A_176 : i32 to index
          %parallel_loop3A_181 = tpu.vector_load %arg13[%parallel_loop3A_180] {strides = array<i32>} : memref<20480xf32, #tpu.memory_space<vmem>>, vector<16xf32>,
          tpu.vector_store %arg13[%parallel_loop3A_180], %parallel_loop3A_179 {add = true, strides = array<i32>} : memref<20480xf32, #tpu.memory_space<vmem>>, vector<16xf32>,
          %parallel_loop3A_182 = arith.constant 32 : i32
          %parallel_loop3A_183 = arith.addi %parallel_loop3A_167, %parallel_loop3A_182 : i32
          %parallel_loop3A_184 = arith.index_cast %parallel_loop3A_162 : i32 to index
          %parallel_loop3A_185 = arith.constant 32 : index
          %parallel_loop3A_186 = tpu.vector_load %arg11[%parallel_loop3A_184, %parallel_loop3A_185] {strides = array<i32>} : memref<320x128xf32, #tpu.memory_space<vmem>>, vector<16xf32>,
          %parallel_loop3A_187 = arith.index_cast %parallel_loop3A_183 : i32 to index
          %parallel_loop3A_188 = tpu.vector_load %arg13[%parallel_loop3A_187] {strides = array<i32>} : memref<20480xf32, #tpu.memory_space<vmem>>, vector<16xf32>,
          tpu.vector_store %arg13[%parallel_loop3A_187], %parallel_loop3A_186 {add = true, strides = array<i32>} : memref<20480xf32, #tpu.memory_space<vmem>>, vector<16xf32>,
          %parallel_loop3A_189 = arith.constant 48 : i32
          %parallel_loop3A_190 = arith.addi %parallel_loop3A_167, %parallel_loop3A_189 : i32
          %parallel_loop3A_191 = arith.index_cast %parallel_loop3A_162 : i32 to index
          %parallel_loop3A_192 = arith.constant 48 : index
          %parallel_loop3A_193 = tpu.vector_load %arg11[%parallel_loop3A_191, %parallel_loop3A_192] {strides = array<i32>} : memref<320x128xf32, #tpu.memory_space<vmem>>, vector<16xf32>,
          %parallel_loop3A_194 = arith.index_cast %parallel_loop3A_190 : i32 to index
          %parallel_loop3A_195 = tpu.vector_load %arg13[%parallel_loop3A_194] {strides = array<i32>} : memref<20480xf32, #tpu.memory_space<vmem>>, vector<16xf32>,
          tpu.vector_store %arg13[%parallel_loop3A_194], %parallel_loop3A_193 {add = true, strides = array<i32>} : memref<20480xf32, #tpu.memory_space<vmem>>, vector<16xf32>,
        } {sc.loop_unroll_factor = 4 : i64, sc.parallel_access}
      } else {
      }
      %not3A = arith.constant true
      %not3A_141 = arith.xori %eq3A_137, %not3A : i1
      %convert_element_type3A_142 = arith.extui %not3A_141 : i1 to i32
      %cond3A_143 = arith.constant 0 : i32
      %cond3A_144 = arith.cmpi ne, %convert_element_type3A_142, %cond3A_143 : i32
      scf.if %cond3A_144 {
        %add3A_146 = arith.constant 1 : i32
        %add3A_147 = arith.addi %while3A_133, %add3A_146 : i32
        %lt3A = arith.cmpi slt, %add3A_147, %select_n3A : i32
        %convert_element_type3A_148 = arith.extui %lt3A : i1 to i32
        %cond3A_149 = arith.constant 0 : i32
        %cond3A_150 = arith.cmpi ne, %convert_element_type3A_148, %cond3A_149 : i32
        scf.if %cond3A_150 {
          %add3A_162 = arith.constant 1 : i32
          %add3A_163 = arith.addi %while3A_133, %add3A_162 : i32
          %mul3A_164 = arith.constant 320 : i32
          %mul3A_165 = arith.muli %add3A_163, %mul3A_164 : i32
          %dma_start3A_166 = tpu.memref_slice %arg9[%mul3A_165] : memref<12288xi32, #tpu.memory_space<vmem>> -> memref<320xi32, #tpu.memory_space<vmem>>
          %dma_start3A_167 = arith.constant 0 : i32
          %dma_start3A_168 = arith.constant 0 : i32
          %dma_start3A_169 = tpu.memref_slice %arg5[%dma_start3A_167, %dma_start3A_168] : memref<10240x128xf32, #tpu.memory_space<hbm>> -> memref<10240x128xf32, #tpu.memory_space<hbm>>
          tpu.enqueue_indirect_dma source(%dma_start3A_169 : memref<10240x128xf32, #tpu.memory_space<hbm>>) target(%arg11 : memref<320x128xf32, #tpu.memory_space<vmem>>) offsets(%dma_start3A_166 : memref<320xi32, #tpu.memory_space<vmem>>) semaphore(%arg18 : memref<!tpu.dma_semaphore, #tpu.memory_space<semaphore_mem>>)
        } else {
        }
        %dma_wait3A_151 = arith.constant 0 : i32
        %dma_wait3A_152 = arith.constant 0 : i32
        %dma_wait3A_153 = tpu.memref_slice %arg5[%dma_wait3A_151, %dma_wait3A_152] : memref<10240x128xf32, #tpu.memory_space<hbm>> -> memref<320x128xf32, #tpu.memory_space<hbm>>
        %dma_wait3A_154 = arith.constant 0 : i32
        %dma_wait3A_155 = arith.constant 0 : i32
        %dma_wait3A_156 = tpu.memref_slice %arg5[%dma_wait3A_154, %dma_wait3A_155] : memref<10240x128xf32, #tpu.memory_space<hbm>> -> memref<320x128xf32, #tpu.memory_space<hbm>>
        tpu.wait_dma2 semaphore(%arg19 : memref<!tpu.dma_semaphore, #tpu.memory_space<semaphore_mem>>) src(%dma_wait3A_156 : memref<320x128xf32, #tpu.memory_space<hbm>>) dst(%arg12 : memref<320x128xf32, #tpu.memory_space<vmem>>)
        %mul3A_157 = arith.constant 320 : i32
        %mul3A_158 = arith.muli %while3A_133, %mul3A_157 : i32
        %sub3A_159 = arith.subi %squeeze3A, %mul3A_158 : i32
        %min3A = arith.constant 320 : i32
        %min3A_160 = arith.minsi %min3A, %sub3A_159 : i32
        %parallel_loop3A = arith.constant 0 : i32
        %parallel_loop3A_161 = arith.constant 1 : i32
        scf.for %parallel_loop3A_162 = %parallel_loop3A to %min3A_160 step %parallel_loop3A_161  : i32 {
          %parallel_loop3A_163 = arith.addi %mul3A_158, %parallel_loop3A_162 : i32
          %parallel_loop3A_164 = arith.index_cast %parallel_loop3A_163 : i32 to index
          %parallel_loop3A_165 = tpu.vector_load %arg10[%parallel_loop3A_164] {strides = array<i32>} : memref<12304xi32, #tpu.memory_space<vmem>>, vector<16xi32>,
          %parallel_loop3A_166 = vector.extract_strided_slice %parallel_loop3A_165 {offsets = [0], sizes = [1], strides = [1]} : vector<16xi32> to vector<1xi32>
          %parallel_loop3A_167 = vector.extract %parallel_loop3A_166[0] : i32 from vector<1xi32>
          %parallel_loop3A_168 = arith.constant 0 : i32
          %parallel_loop3A_169 = arith.addi %parallel_loop3A_167, %parallel_loop3A_168 : i32
          %parallel_loop3A_170 = arith.index_cast %parallel_loop3A_162 : i32 to index
          %parallel_loop3A_171 = arith.constant 0 : index
          %parallel_loop3A_172 = tpu.vector_load %arg12[%parallel_loop3A_170, %parallel_loop3A_171] {strides = array<i32>} : memref<320x128xf32, #tpu.memory_space<vmem>>, vector<16xf32>,
          %parallel_loop3A_173 = arith.index_cast %parallel_loop3A_169 : i32 to index
          %parallel_loop3A_174 = tpu.vector_load %arg13[%parallel_loop3A_173] {strides = array<i32>} : memref<20480xf32, #tpu.memory_space<vmem>>, vector<16xf32>,
          tpu.vector_store %arg13[%parallel_loop3A_173], %parallel_loop3A_172 {add = true, strides = array<i32>} : memref<20480xf32, #tpu.memory_space<vmem>>, vector<16xf32>,
          %parallel_loop3A_175 = arith.constant 16 : i32
          %parallel_loop3A_176 = arith.addi %parallel_loop3A_167, %parallel_loop3A_175 : i32
          %parallel_loop3A_177 = arith.index_cast %parallel_loop3A_162 : i32 to index
          %parallel_loop3A_178 = arith.constant 16 : index
          %parallel_loop3A_179 = tpu.vector_load %arg12[%parallel_loop3A_177, %parallel_loop3A_178] {strides = array<i32>} : memref<320x128xf32, #tpu.memory_space<vmem>>, vector<16xf32>,
          %parallel_loop3A_180 = arith.index_cast %parallel_loop3A_176 : i32 to index
          %parallel_loop3A_181 = tpu.vector_load %arg13[%parallel_loop3A_180] {strides = array<i32>} : memref<20480xf32, #tpu.memory_space<vmem>>, vector<16xf32>,
          tpu.vector_store %arg13[%parallel_loop3A_180], %parallel_loop3A_179 {add = true, strides = array<i32>} : memref<20480xf32, #tpu.memory_space<vmem>>, vector<16xf32>,
          %parallel_loop3A_182 = arith.constant 32 : i32
          %parallel_loop3A_183 = arith.addi %parallel_loop3A_167, %parallel_loop3A_182 : i32
          %parallel_loop3A_184 = arith.index_cast %parallel_loop3A_162 : i32 to index
          %parallel_loop3A_185 = arith.constant 32 : index
          %parallel_loop3A_186 = tpu.vector_load %arg12[%parallel_loop3A_184, %parallel_loop3A_185] {strides = array<i32>} : memref<320x128xf32, #tpu.memory_space<vmem>>, vector<16xf32>,
          %parallel_loop3A_187 = arith.index_cast %parallel_loop3A_183 : i32 to index
          %parallel_loop3A_188 = tpu.vector_load %arg13[%parallel_loop3A_187] {strides = array<i32>} : memref<20480xf32, #tpu.memory_space<vmem>>, vector<16xf32>,
          tpu.vector_store %arg13[%parallel_loop3A_187], %parallel_loop3A_186 {add = true, strides = array<i32>} : memref<20480xf32, #tpu.memory_space<vmem>>, vector<16xf32>,
          %parallel_loop3A_189 = arith.constant 48 : i32
          %parallel_loop3A_190 = arith.addi %parallel_loop3A_167, %parallel_loop3A_189 : i32
          %parallel_loop3A_191 = arith.index_cast %parallel_loop3A_162 : i32 to index
          %parallel_loop3A_192 = arith.constant 48 : index
          %parallel_loop3A_193 = tpu.vector_load %arg12[%parallel_loop3A_191, %parallel_loop3A_192] {strides = array<i32>} : memref<320x128xf32, #tpu.memory_space<vmem>>, vector<16xf32>,
          %parallel_loop3A_194 = arith.index_cast %parallel_loop3A_190 : i32 to index
          %parallel_loop3A_195 = tpu.vector_load %arg13[%parallel_loop3A_194] {strides = array<i32>} : memref<20480xf32, #tpu.memory_space<vmem>>, vector<16xf32>,
          tpu.vector_store %arg13[%parallel_loop3A_194], %parallel_loop3A_193 {add = true, strides = array<i32>} : memref<20480xf32, #tpu.memory_space<vmem>>, vector<16xf32>,
        } {sc.loop_unroll_factor = 4 : i64, sc.parallel_access}
      } else {
      }
      %while3A_145 = arith.constant 0 : i32
      scf.yield %while3A_145 : i32
    }
    %while3A_104 = arith.constant 1 : i32
    %while3A_105 = scf.for %while3A_133 = %while3A_101 to %while3A_97 step %while3A_104 iter_args(%while3A_134 = %while3A_103) -> (i32)  : i32 {
      %rem3A_135 = arith.constant 2 : i32
      %rem3A_136 = arith.remsi %while3A_133, %rem3A_135 : i32
      %eq3A = arith.constant 0 : i32
      %eq3A_137 = arith.cmpi eq, %rem3A_136, %eq3A : i32
      %convert_element_type3A_138 = arith.extui %eq3A_137 : i1 to i32
      %cond3A_139 = arith.constant 0 : i32
      %cond3A_140 = arith.cmpi ne, %convert_element_type3A_138, %cond3A_139 : i32
      scf.if %cond3A_140 {
        %add3A_146 = arith.constant 1 : i32
        %add3A_147 = arith.addi %while3A_133, %add3A_146 : i32
        %lt3A = arith.cmpi slt, %add3A_147, %select_n3A : i32
        %convert_element_type3A_148 = arith.extui %lt3A : i1 to i32
        %cond3A_149 = arith.constant 0 : i32
        %cond3A_150 = arith.cmpi ne, %convert_element_type3A_148, %cond3A_149 : i32
        scf.if %cond3A_150 {
          %add3A_162 = arith.constant 1 : i32
          %add3A_163 = arith.addi %while3A_133, %add3A_162 : i32
          %mul3A_164 = arith.constant 320 : i32
          %mul3A_165 = arith.muli %add3A_163, %mul3A_164 : i32
          %dma_start3A_166 = tpu.memref_slice %arg9[%mul3A_165] : memref<12288xi32, #tpu.memory_space<vmem>> -> memref<320xi32, #tpu.memory_space<vmem>>
          %dma_start3A_167 = arith.constant 0 : i32
          %dma_start3A_168 = arith.constant 0 : i32
          %dma_start3A_169 = tpu.memref_slice %arg5[%dma_start3A_167, %dma_start3A_168] : memref<10240x128xf32, #tpu.memory_space<hbm>> -> memref<10240x128xf32, #tpu.memory_space<hbm>>
          tpu.enqueue_indirect_dma source(%dma_start3A_169 : memref<10240x128xf32, #tpu.memory_space<hbm>>) target(%arg12 : memref<320x128xf32, #tpu.memory_space<vmem>>) offsets(%dma_start3A_166 : memref<320xi32, #tpu.memory_space<vmem>>) semaphore(%arg19 : memref<!tpu.dma_semaphore, #tpu.memory_space<semaphore_mem>>)
        } else {
        }
        %dma_wait3A_151 = arith.constant 0 : i32
        %dma_wait3A_152 = arith.constant 0 : i32
        %dma_wait3A_153 = tpu.memref_slice %arg5[%dma_wait3A_151, %dma_wait3A_152] : memref<10240x128xf32, #tpu.memory_space<hbm>> -> memref<320x128xf32, #tpu.memory_space<hbm>>
        %dma_wait3A_154 = arith.constant 0 : i32
        %dma_wait3A_155 = arith.constant 0 : i32
        %dma_wait3A_156 = tpu.memref_slice %arg5[%dma_wait3A_154, %dma_wait3A_155] : memref<10240x128xf32, #tpu.memory_space<hbm>> -> memref<320x128xf32, #tpu.memory_space<hbm>>
        tpu.wait_dma2 semaphore(%arg18 : memref<!tpu.dma_semaphore, #tpu.memory_space<semaphore_mem>>) src(%dma_wait3A_156 : memref<320x128xf32, #tpu.memory_space<hbm>>) dst(%arg11 : memref<320x128xf32, #tpu.memory_space<vmem>>)
        %mul3A_157 = arith.constant 320 : i32
        %mul3A_158 = arith.muli %while3A_133, %mul3A_157 : i32
        %sub3A_159 = arith.subi %squeeze3A, %mul3A_158 : i32
        %min3A = arith.constant 320 : i32
        %min3A_160 = arith.minsi %min3A, %sub3A_159 : i32
        %parallel_loop3A = arith.constant 0 : i32
        %parallel_loop3A_161 = arith.constant 1 : i32
        scf.for %parallel_loop3A_162 = %parallel_loop3A to %min3A_160 step %parallel_loop3A_161  : i32 {
          %parallel_loop3A_163 = arith.addi %mul3A_158, %parallel_loop3A_162 : i32
          %parallel_loop3A_164 = arith.index_cast %parallel_loop3A_163 : i32 to index
          %parallel_loop3A_165 = tpu.vector_load %arg10[%parallel_loop3A_164] {strides = array<i32>} : memref<12304xi32, #tpu.memory_space<vmem>>, vector<16xi32>,
          %parallel_loop3A_166 = vector.extract_strided_slice %parallel_loop3A_165 {offsets = [0], sizes = [1], strides = [1]} : vector<16xi32> to vector<1xi32>
          %parallel_loop3A_167 = vector.extract %parallel_loop3A_166[0] : i32 from vector<1xi32>
          %parallel_loop3A_168 = arith.constant 0 : i32
          %parallel_loop3A_169 = arith.addi %parallel_loop3A_167, %parallel_loop3A_168 : i32
          %parallel_loop3A_170 = arith.index_cast %parallel_loop3A_162 : i32 to index
          %parallel_loop3A_171 = arith.constant 0 : index
          %parallel_loop3A_172 = tpu.vector_load %arg11[%parallel_loop3A_170, %parallel_loop3A_171] {strides = array<i32>} : memref<320x128xf32, #tpu.memory_space<vmem>>, vector<16xf32>,
          %parallel_loop3A_173 = arith.index_cast %parallel_loop3A_169 : i32 to index
          %parallel_loop3A_174 = tpu.vector_load %arg13[%parallel_loop3A_173] {strides = array<i32>} : memref<20480xf32, #tpu.memory_space<vmem>>, vector<16xf32>,
          tpu.vector_store %arg13[%parallel_loop3A_173], %parallel_loop3A_172 {add = true, strides = array<i32>} : memref<20480xf32, #tpu.memory_space<vmem>>, vector<16xf32>,
          %parallel_loop3A_175 = arith.constant 16 : i32
          %parallel_loop3A_176 = arith.addi %parallel_loop3A_167, %parallel_loop3A_175 : i32
          %parallel_loop3A_177 = arith.index_cast %parallel_loop3A_162 : i32 to index
          %parallel_loop3A_178 = arith.constant 16 : index
          %parallel_loop3A_179 = tpu.vector_load %arg11[%parallel_loop3A_177, %parallel_loop3A_178] {strides = array<i32>} : memref<320x128xf32, #tpu.memory_space<vmem>>, vector<16xf32>,
          %parallel_loop3A_180 = arith.index_cast %parallel_loop3A_176 : i32 to index
          %parallel_loop3A_181 = tpu.vector_load %arg13[%parallel_loop3A_180] {strides = array<i32>} : memref<20480xf32, #tpu.memory_space<vmem>>, vector<16xf32>,
          tpu.vector_store %arg13[%parallel_loop3A_180], %parallel_loop3A_179 {add = true, strides = array<i32>} : memref<20480xf32, #tpu.memory_space<vmem>>, vector<16xf32>,
          %parallel_loop3A_182 = arith.constant 32 : i32
          %parallel_loop3A_183 = arith.addi %parallel_loop3A_167, %parallel_loop3A_182 : i32
          %parallel_loop3A_184 = arith.index_cast %parallel_loop3A_162 : i32 to index
          %parallel_loop3A_185 = arith.constant 32 : index
          %parallel_loop3A_186 = tpu.vector_load %arg11[%parallel_loop3A_184, %parallel_loop3A_185] {strides = array<i32>} : memref<320x128xf32, #tpu.memory_space<vmem>>, vector<16xf32>,
          %parallel_loop3A_187 = arith.index_cast %parallel_loop3A_183 : i32 to index
          %parallel_loop3A_188 = tpu.vector_load %arg13[%parallel_loop3A_187] {strides = array<i32>} : memref<20480xf32, #tpu.memory_space<vmem>>, vector<16xf32>,
          tpu.vector_store %arg13[%parallel_loop3A_187], %parallel_loop3A_186 {add = true, strides = array<i32>} : memref<20480xf32, #tpu.memory_space<vmem>>, vector<16xf32>,
          %parallel_loop3A_189 = arith.constant 48 : i32
          %parallel_loop3A_190 = arith.addi %parallel_loop3A_167, %parallel_loop3A_189 : i32
          %parallel_loop3A_191 = arith.index_cast %parallel_loop3A_162 : i32 to index
          %parallel_loop3A_192 = arith.constant 48 : index
          %parallel_loop3A_193 = tpu.vector_load %arg11[%parallel_loop3A_191, %parallel_loop3A_192] {strides = array<i32>} : memref<320x128xf32, #tpu.memory_space<vmem>>, vector<16xf32>,
          %parallel_loop3A_194 = arith.index_cast %parallel_loop3A_190 : i32 to index
          %parallel_loop3A_195 = tpu.vector_load %arg13[%parallel_loop3A_194] {strides = array<i32>} : memref<20480xf32, #tpu.memory_space<vmem>>, vector<16xf32>,
          tpu.vector_store %arg13[%parallel_loop3A_194], %parallel_loop3A_193 {add = true, strides = array<i32>} : memref<20480xf32, #tpu.memory_space<vmem>>, vector<16xf32>,
        } {sc.loop_unroll_factor = 4 : i64, sc.parallel_access}
      } else {
      }
      %not3A = arith.constant true
      %not3A_141 = arith.xori %eq3A_137, %not3A : i1
      %convert_element_type3A_142 = arith.extui %not3A_141 : i1 to i32
      %cond3A_143 = arith.constant 0 : i32
      %cond3A_144 = arith.cmpi ne, %convert_element_type3A_142, %cond3A_143 : i32
      scf.if %cond3A_144 {
        %add3A_146 = arith.constant 1 : i32
        %add3A_147 = arith.addi %while3A_133, %add3A_146 : i32
        %lt3A = arith.cmpi slt, %add3A_147, %select_n3A : i32
        %convert_element_type3A_148 = arith.extui %lt3A : i1 to i32
        %cond3A_149 = arith.constant 0 : i32
        %cond3A_150 = arith.cmpi ne, %convert_element_type3A_148, %cond3A_149 : i32
        scf.if %cond3A_150 {
          %add3A_162 = arith.constant 1 : i32
          %add3A_163 = arith.addi %while3A_133, %add3A_162 : i32
          %mul3A_164 = arith.constant 320 : i32
          %mul3A_165 = arith.muli %add3A_163, %mul3A_164 : i32
          %dma_start3A_166 = tpu.memref_slice %arg9[%mul3A_165] : memref<12288xi32, #tpu.memory_space<vmem>> -> memref<320xi32, #tpu.memory_space<vmem>>
          %dma_start3A_167 = arith.constant 0 : i32
          %dma_start3A_168 = arith.constant 0 : i32
          %dma_start3A_169 = tpu.memref_slice %arg5[%dma_start3A_167, %dma_start3A_168] : memref<10240x128xf32, #tpu.memory_space<hbm>> -> memref<10240x128xf32, #tpu.memory_space<hbm>>
          tpu.enqueue_indirect_dma source(%dma_start3A_169 : memref<10240x128xf32, #tpu.memory_space<hbm>>) target(%arg11 : memref<320x128xf32, #tpu.memory_space<vmem>>) offsets(%dma_start3A_166 : memref<320xi32, #tpu.memory_space<vmem>>) semaphore(%arg18 : memref<!tpu.dma_semaphore, #tpu.memory_space<semaphore_mem>>)
        } else {
        }
        %dma_wait3A_151 = arith.constant 0 : i32
        %dma_wait3A_152 = arith.constant 0 : i32
        %dma_wait3A_153 = tpu.memref_slice %arg5[%dma_wait3A_151, %dma_wait3A_152] : memref<10240x128xf32, #tpu.memory_space<hbm>> -> memref<320x128xf32, #tpu.memory_space<hbm>>
        %dma_wait3A_154 = arith.constant 0 : i32
        %dma_wait3A_155 = arith.constant 0 : i32
        %dma_wait3A_156 = tpu.memref_slice %arg5[%dma_wait3A_154, %dma_wait3A_155] : memref<10240x128xf32, #tpu.memory_space<hbm>> -> memref<320x128xf32, #tpu.memory_space<hbm>>
        tpu.wait_dma2 semaphore(%arg19 : memref<!tpu.dma_semaphore, #tpu.memory_space<semaphore_mem>>) src(%dma_wait3A_156 : memref<320x128xf32, #tpu.memory_space<hbm>>) dst(%arg12 : memref<320x128xf32, #tpu.memory_space<vmem>>)
        %mul3A_157 = arith.constant 320 : i32
        %mul3A_158 = arith.muli %while3A_133, %mul3A_157 : i32
        %sub3A_159 = arith.subi %squeeze3A, %mul3A_158 : i32
        %min3A = arith.constant 320 : i32
        %min3A_160 = arith.minsi %min3A, %sub3A_159 : i32
        %parallel_loop3A = arith.constant 0 : i32
        %parallel_loop3A_161 = arith.constant 1 : i32
        scf.for %parallel_loop3A_162 = %parallel_loop3A to %min3A_160 step %parallel_loop3A_161  : i32 {
          %parallel_loop3A_163 = arith.addi %mul3A_158, %parallel_loop3A_162 : i32
          %parallel_loop3A_164 = arith.index_cast %parallel_loop3A_163 : i32 to index
          %parallel_loop3A_165 = tpu.vector_load %arg10[%parallel_loop3A_164] {strides = array<i32>} : memref<12304xi32, #tpu.memory_space<vmem>>, vector<16xi32>,
          %parallel_loop3A_166 = vector.extract_strided_slice %parallel_loop3A_165 {offsets = [0], sizes = [1], strides = [1]} : vector<16xi32> to vector<1xi32>
          %parallel_loop3A_167 = vector.extract %parallel_loop3A_166[0] : i32 from vector<1xi32>
          %parallel_loop3A_168 = arith.constant 0 : i32
          %parallel_loop3A_169 = arith.addi %parallel_loop3A_167, %parallel_loop3A_168 : i32
          %parallel_loop3A_170 = arith.index_cast %parallel_loop3A_162 : i32 to index
          %parallel_loop3A_171 = arith.constant 0 : index
          %parallel_loop3A_172 = tpu.vector_load %arg12[%parallel_loop3A_170, %parallel_loop3A_171] {strides = array<i32>} : memref<320x128xf32, #tpu.memory_space<vmem>>, vector<16xf32>,
          %parallel_loop3A_173 = arith.index_cast %parallel_loop3A_169 : i32 to index
          %parallel_loop3A_174 = tpu.vector_load %arg13[%parallel_loop3A_173] {strides = array<i32>} : memref<20480xf32, #tpu.memory_space<vmem>>, vector<16xf32>,
          tpu.vector_store %arg13[%parallel_loop3A_173], %parallel_loop3A_172 {add = true, strides = array<i32>} : memref<20480xf32, #tpu.memory_space<vmem>>, vector<16xf32>,
          %parallel_loop3A_175 = arith.constant 16 : i32
          %parallel_loop3A_176 = arith.addi %parallel_loop3A_167, %parallel_loop3A_175 : i32
          %parallel_loop3A_177 = arith.index_cast %parallel_loop3A_162 : i32 to index
          %parallel_loop3A_178 = arith.constant 16 : index
          %parallel_loop3A_179 = tpu.vector_load %arg12[%parallel_loop3A_177, %parallel_loop3A_178] {strides = array<i32>} : memref<320x128xf32, #tpu.memory_space<vmem>>, vector<16xf32>,
          %parallel_loop3A_180 = arith.index_cast %parallel_loop3A_176 : i32 to index
          %parallel_loop3A_181 = tpu.vector_load %arg13[%parallel_loop3A_180] {strides = array<i32>} : memref<20480xf32, #tpu.memory_space<vmem>>, vector<16xf32>,
          tpu.vector_store %arg13[%parallel_loop3A_180], %parallel_loop3A_179 {add = true, strides = array<i32>} : memref<20480xf32, #tpu.memory_space<vmem>>, vector<16xf32>,
          %parallel_loop3A_182 = arith.constant 32 : i32
          %parallel_loop3A_183 = arith.addi %parallel_loop3A_167, %parallel_loop3A_182 : i32
          %parallel_loop3A_184 = arith.index_cast %parallel_loop3A_162 : i32 to index
          %parallel_loop3A_185 = arith.constant 32 : index
          %parallel_loop3A_186 = tpu.vector_load %arg12[%parallel_loop3A_184, %parallel_loop3A_185] {strides = array<i32>} : memref<320x128xf32, #tpu.memory_space<vmem>>, vector<16xf32>,
          %parallel_loop3A_187 = arith.index_cast %parallel_loop3A_183 : i32 to index
          %parallel_loop3A_188 = tpu.vector_load %arg13[%parallel_loop3A_187] {strides = array<i32>} : memref<20480xf32, #tpu.memory_space<vmem>>, vector<16xf32>,
          tpu.vector_store %arg13[%parallel_loop3A_187], %parallel_loop3A_186 {add = true, strides = array<i32>} : memref<20480xf32, #tpu.memory_space<vmem>>, vector<16xf32>,
          %parallel_loop3A_189 = arith.constant 48 : i32
          %parallel_loop3A_190 = arith.addi %parallel_loop3A_167, %parallel_loop3A_189 : i32
          %parallel_loop3A_191 = arith.index_cast %parallel_loop3A_162 : i32 to index
          %parallel_loop3A_192 = arith.constant 48 : index
          %parallel_loop3A_193 = tpu.vector_load %arg12[%parallel_loop3A_191, %parallel_loop3A_192] {strides = array<i32>} : memref<320x128xf32, #tpu.memory_space<vmem>>, vector<16xf32>,
          %parallel_loop3A_194 = arith.index_cast %parallel_loop3A_190 : i32 to index
          %parallel_loop3A_195 = tpu.vector_load %arg13[%parallel_loop3A_194] {strides = array<i32>} : memref<20480xf32, #tpu.memory_space<vmem>>, vector<16xf32>,
          tpu.vector_store %arg13[%parallel_loop3A_194], %parallel_loop3A_193 {add = true, strides = array<i32>} : memref<20480xf32, #tpu.memory_space<vmem>>, vector<16xf32>,
        } {sc.loop_unroll_factor = 4 : i64, sc.parallel_access}
      } else {
      }
      %while3A_145 = arith.constant 0 : i32
      scf.yield %while3A_145 : i32
    }
    %dma_start3A_106 = arith.constant 0 : i32
    %dma_start3A_107 = arith.constant 0 : i32
    %dma_start3A_108 = tpu.memref_slice %arg11[%dma_start3A_106, %dma_start3A_107] : memref<320x128xf32, #tpu.memory_space<vmem>> -> memref<320x128xf32, #tpu.memory_space<vmem>>
    %dma_start3A_109 = arith.constant 0 : i32
    %dma_start3A_110 = tpu.memref_slice %arg5[%mul3A_2, %dma_start3A_109] : memref<10240x128xf32, #tpu.memory_space<hbm>> -> memref<320x128xf32, #tpu.memory_space<hbm>>
    %dma_start3A_111 = arith.constant 0 : i32
    %dma_start3A_112 = arith.constant 0 : i32
    %dma_start3A_113 = tpu.memref_slice %arg11[%dma_start3A_111, %dma_start3A_112] : memref<320x128xf32, #tpu.memory_space<vmem>> -> memref<320x128xf32, #tpu.memory_space<vmem>>
    %dma_start3A_114 = arith.constant 0 : i32
    %dma_start3A_115 = tpu.memref_slice %arg5[%mul3A_2, %dma_start3A_114] : memref<10240x128xf32, #tpu.memory_space<hbm>> -> memref<320x128xf32, #tpu.memory_space<hbm>>
    tpu.enqueue_dma source(%dma_start3A_115 : memref<320x128xf32, #tpu.memory_space<hbm>>) target(%dma_start3A_113 : memref<320x128xf32, #tpu.memory_space<vmem>>) target_semaphore(%arg18 : memref<!tpu.dma_semaphore, #tpu.memory_space<semaphore_mem>>)
    %dma_wait3A_116 = arith.constant 0 : i32
    %dma_wait3A_117 = arith.constant 0 : i32
    %dma_wait3A_118 = tpu.memref_slice %arg11[%dma_wait3A_116, %dma_wait3A_117] : memref<320x128xf32, #tpu.memory_space<vmem>> -> memref<320x128xf32, #tpu.memory_space<vmem>>
    %dma_wait3A_119 = arith.constant 0 : i32
    %dma_wait3A_120 = tpu.memref_slice %arg5[%mul3A_2, %dma_wait3A_119] : memref<10240x128xf32, #tpu.memory_space<hbm>> -> memref<320x128xf32, #tpu.memory_space<hbm>>
    %dma_wait3A_121 = arith.constant 0 : i32
    %dma_wait3A_122 = arith.constant 0 : i32
    %dma_wait3A_123 = tpu.memref_slice %arg11[%dma_wait3A_121, %dma_wait3A_122] : memref<320x128xf32, #tpu.memory_space<vmem>> -> memref<320x128xf32, #tpu.memory_space<vmem>>
    %dma_wait3A_124 = arith.constant 0 : i32
    %dma_wait3A_125 = tpu.memref_slice %arg5[%mul3A_2, %dma_wait3A_124] : memref<10240x128xf32, #tpu.memory_space<hbm>> -> memref<320x128xf32, #tpu.memory_space<hbm>>
    tpu.wait_dma2 semaphore(%arg18 : memref<!tpu.dma_semaphore, #tpu.memory_space<semaphore_mem>>) src(%dma_wait3A_125 : memref<320x128xf32, #tpu.memory_space<hbm>>) dst(%dma_wait3A_123 : memref<320x128xf32, #tpu.memory_space<vmem>>)
    %scan3A_126 = arith.constant 0 : i32
    %scan3A_127 = arith.constant 0 : i32
    %scan3A_128 = arith.constant 320 : i32
    %scan3A_129 = arith.addi %scan3A_127, %scan3A_128 : i32
    %scan3A_130 = arith.constant 1 : i32
    %scan3A_131 = scf.for %scan3A_133 = %scan3A_127 to %scan3A_129 step %scan3A_130 iter_args(%scan3A_134 = %scan3A_126) -> (i32)  : i32 {
      %get3A_135 = arith.index_cast %scan3A_133 : i32 to index
      %get3A_136 = tpu.vector_load %arg14[%get3A_135] {strides = array<i32>} : memref<336xf32, #tpu.memory_space<vmem>>, vector<16xf32>,
      %slice3A_137 = vector.extract_strided_slice %get3A_136 {offsets = [0], sizes = [1], strides = [1]} : vector<16xf32> to vector<1xf32>
      %squeeze3A_138 = vector.extract %slice3A_137[0] : f32 from vector<1xf32>
      %mul3A_139 = arith.constant 64 : i32
      %mul3A_140 = arith.muli %scan3A_133, %mul3A_139 : i32
      %add3A_141 = arith.constant 0 : i32
      %add3A_142 = arith.addi %mul3A_140, %add3A_141 : i32
      %get3A_143 = arith.index_cast %add3A_142 : i32 to index
      %get3A_144 = tpu.vector_load %arg13[%get3A_143] {strides = array<i32>} : memref<20480xf32, #tpu.memory_space<vmem>>, vector<16xf32>,
      %get3A_145 = arith.index_cast %scan3A_133 : i32 to index
      %get3A_146 = arith.constant 0 : index
      %get3A_147 = tpu.vector_load %arg11[%get3A_145, %get3A_146] {strides = array<i32>} : memref<320x128xf32, #tpu.memory_space<vmem>>, vector<16xf32>,
      %add3A_148 = arith.addf %get3A_144, %get3A_147 : vector<16xf32>
      %mul3A_149 = vector.broadcast %squeeze3A_138 : f32 to vector<16xf32>
      %mul3A_150 = arith.mulf %add3A_148, %mul3A_149 : vector<16xf32>
      %get3A_151 = arith.constant 0 : index
      %get3A_152 = tpu.vector_load %arg15[%get3A_151] {strides = array<i32>} : memref<64xf32, #tpu.memory_space<vmem>>, vector<16xf32>,
      %add3A_153 = arith.addf %mul3A_150, %get3A_152 : vector<16xf32>
      %max3A = arith.constant 0.000000e+00 : f32
      %max3A_154 = vector.broadcast %max3A : f32 to vector<16xf32>
      %max3A_155 = arith.maximumf %add3A_153, %max3A_154 : vector<16xf32>
      %swap3A = arith.index_cast %add3A_142 : i32 to index
      %swap3A_156 = tpu.vector_load %arg13[%swap3A] {strides = array<i32>} : memref<20480xf32, #tpu.memory_space<vmem>>, vector<16xf32>,
      tpu.vector_store %arg13[%swap3A], %max3A_155 {strides = array<i32>} : memref<20480xf32, #tpu.memory_space<vmem>>, vector<16xf32>,
      %mul3A_157 = arith.constant 64 : i32
      %mul3A_158 = arith.muli %scan3A_133, %mul3A_157 : i32
      %add3A_159 = arith.constant 16 : i32
      %add3A_160 = arith.addi %mul3A_158, %add3A_159 : i32
      %get3A_161 = arith.index_cast %add3A_160 : i32 to index
      %get3A_162 = tpu.vector_load %arg13[%get3A_161] {strides = array<i32>} : memref<20480xf32, #tpu.memory_space<vmem>>, vector<16xf32>,
      %get3A_163 = arith.index_cast %scan3A_133 : i32 to index
      %get3A_164 = arith.constant 16 : index
      %get3A_165 = tpu.vector_load %arg11[%get3A_163, %get3A_164] {strides = array<i32>} : memref<320x128xf32, #tpu.memory_space<vmem>>, vector<16xf32>,
      %add3A_166 = arith.addf %get3A_162, %get3A_165 : vector<16xf32>
      %mul3A_167 = vector.broadcast %squeeze3A_138 : f32 to vector<16xf32>
      %mul3A_168 = arith.mulf %add3A_166, %mul3A_167 : vector<16xf32>
      %get3A_169 = arith.constant 16 : index
      %get3A_170 = tpu.vector_load %arg15[%get3A_169] {strides = array<i32>} : memref<64xf32, #tpu.memory_space<vmem>>, vector<16xf32>,
      %add3A_171 = arith.addf %mul3A_168, %get3A_170 : vector<16xf32>
      %max3A_172 = arith.constant 0.000000e+00 : f32
      %max3A_173 = vector.broadcast %max3A_172 : f32 to vector<16xf32>
      %max3A_174 = arith.maximumf %add3A_171, %max3A_173 : vector<16xf32>
      %swap3A_175 = arith.index_cast %add3A_160 : i32 to index
      %swap3A_176 = tpu.vector_load %arg13[%swap3A_175] {strides = array<i32>} : memref<20480xf32, #tpu.memory_space<vmem>>, vector<16xf32>,
      tpu.vector_store %arg13[%swap3A_175], %max3A_174 {strides = array<i32>} : memref<20480xf32, #tpu.memory_space<vmem>>, vector<16xf32>,
      %mul3A_177 = arith.constant 64 : i32
      %mul3A_178 = arith.muli %scan3A_133, %mul3A_177 : i32
      %add3A_179 = arith.constant 32 : i32
      %add3A_180 = arith.addi %mul3A_178, %add3A_179 : i32
      %get3A_181 = arith.index_cast %add3A_180 : i32 to index
      %get3A_182 = tpu.vector_load %arg13[%get3A_181] {strides = array<i32>} : memref<20480xf32, #tpu.memory_space<vmem>>, vector<16xf32>,
      %get3A_183 = arith.index_cast %scan3A_133 : i32 to index
      %get3A_184 = arith.constant 32 : index
      %get3A_185 = tpu.vector_load %arg11[%get3A_183, %get3A_184] {strides = array<i32>} : memref<320x128xf32, #tpu.memory_space<vmem>>, vector<16xf32>,
      %add3A_186 = arith.addf %get3A_182, %get3A_185 : vector<16xf32>
      %mul3A_187 = vector.broadcast %squeeze3A_138 : f32 to vector<16xf32>
      %mul3A_188 = arith.mulf %add3A_186, %mul3A_187 : vector<16xf32>
      %get3A_189 = arith.constant 32 : index
      %get3A_190 = tpu.vector_load %arg15[%get3A_189] {strides = array<i32>} : memref<64xf32, #tpu.memory_space<vmem>>, vector<16xf32>,
      %add3A_191 = arith.addf %mul3A_188, %get3A_190 : vector<16xf32>
      %max3A_192 = arith.constant 0.000000e+00 : f32
      %max3A_193 = vector.broadcast %max3A_192 : f32 to vector<16xf32>
      %max3A_194 = arith.maximumf %add3A_191, %max3A_193 : vector<16xf32>
      %swap3A_195 = arith.index_cast %add3A_180 : i32 to index
      %swap3A_196 = tpu.vector_load %arg13[%swap3A_195] {strides = array<i32>} : memref<20480xf32, #tpu.memory_space<vmem>>, vector<16xf32>,
      tpu.vector_store %arg13[%swap3A_195], %max3A_194 {strides = array<i32>} : memref<20480xf32, #tpu.memory_space<vmem>>, vector<16xf32>,
      %mul3A_197 = arith.constant 64 : i32
      %mul3A_198 = arith.muli %scan3A_133, %mul3A_197 : i32
      %add3A_199 = arith.constant 48 : i32
      %add3A_200 = arith.addi %mul3A_198, %add3A_199 : i32
      %get3A_201 = arith.index_cast %add3A_200 : i32 to index
      %get3A_202 = tpu.vector_load %arg13[%get3A_201] {strides = array<i32>} : memref<20480xf32, #tpu.memory_space<vmem>>, vector<16xf32>,
      %get3A_203 = arith.index_cast %scan3A_133 : i32 to index
      %get3A_204 = arith.constant 48 : index
      %get3A_205 = tpu.vector_load %arg11[%get3A_203, %get3A_204] {strides = array<i32>} : memref<320x128xf32, #tpu.memory_space<vmem>>, vector<16xf32>,
      %add3A_206 = arith.addf %get3A_202, %get3A_205 : vector<16xf32>
      %mul3A_207 = vector.broadcast %squeeze3A_138 : f32 to vector<16xf32>
      %mul3A_208 = arith.mulf %add3A_206, %mul3A_207 : vector<16xf32>
      %get3A_209 = arith.constant 48 : index
      %get3A_210 = tpu.vector_load %arg15[%get3A_209] {strides = array<i32>} : memref<64xf32, #tpu.memory_space<vmem>>, vector<16xf32>,
      %add3A_211 = arith.addf %mul3A_208, %get3A_210 : vector<16xf32>
      %max3A_212 = arith.constant 0.000000e+00 : f32
      %max3A_213 = vector.broadcast %max3A_212 : f32 to vector<16xf32>
      %max3A_214 = arith.maximumf %add3A_211, %max3A_213 : vector<16xf32>
      %swap3A_215 = arith.index_cast %add3A_200 : i32 to index
      %swap3A_216 = tpu.vector_load %arg13[%swap3A_215] {strides = array<i32>} : memref<20480xf32, #tpu.memory_space<vmem>>, vector<16xf32>,
      tpu.vector_store %arg13[%swap3A_215], %max3A_214 {strides = array<i32>} : memref<20480xf32, #tpu.memory_space<vmem>>, vector<16xf32>,
      %scan3A_217 = arith.constant 0 : i32
      scf.yield %scan3A_217 : i32
    }
    %scan3A_132 = arith.constant 320 : i32
    "tpu.region"() ({
      %run_scoped3A = tpu.sem_alloc : memref<!tpu.dma_semaphore, #tpu.memory_space<semaphore_mem>>
      %dma_start3A_133 = arith.constant 0 : i32
      %dma_start3A_134 = tpu.memref_slice %arg8[%add3A, %dma_start3A_133] : memref<32x20480xf32, #tpu.memory_space<hbm>> -> memref<1x20480xf32, #tpu.memory_space<hbm>>
      %dma_start3A_135 = tpu.memref_squeeze %dma_start3A_134 : memref<1x20480xf32, #tpu.memory_space<hbm>> -> memref<20480xf32, #tpu.memory_space<hbm>>
      %dma_start3A_136 = arith.constant 0 : i32
      %dma_start3A_137 = tpu.memref_slice %arg8[%add3A, %dma_start3A_136] : memref<32x20480xf32, #tpu.memory_space<hbm>> -> memref<1x20480xf32, #tpu.memory_space<hbm>>
      %dma_start3A_138 = tpu.memref_squeeze %dma_start3A_137 : memref<1x20480xf32, #tpu.memory_space<hbm>> -> memref<20480xf32, #tpu.memory_space<hbm>>
      tpu.enqueue_dma source(%arg13 : memref<20480xf32, #tpu.memory_space<vmem>>) target(%dma_start3A_138 : memref<20480xf32, #tpu.memory_space<hbm>>) target_semaphore(%run_scoped3A : memref<!tpu.dma_semaphore, #tpu.memory_space<semaphore_mem>>)
      %dma_wait3A_139 = arith.constant 0 : i32
      %dma_wait3A_140 = tpu.memref_slice %arg8[%add3A, %dma_wait3A_139] : memref<32x20480xf32, #tpu.memory_space<hbm>> -> memref<1x20480xf32, #tpu.memory_space<hbm>>
      %dma_wait3A_141 = tpu.memref_squeeze %dma_wait3A_140 : memref<1x20480xf32, #tpu.memory_space<hbm>> -> memref<20480xf32, #tpu.memory_space<hbm>>
      %dma_wait3A_142 = arith.constant 0 : i32
      %dma_wait3A_143 = tpu.memref_slice %arg8[%add3A, %dma_wait3A_142] : memref<32x20480xf32, #tpu.memory_space<hbm>> -> memref<1x20480xf32, #tpu.memory_space<hbm>>
      %dma_wait3A_144 = tpu.memref_squeeze %dma_wait3A_143 : memref<1x20480xf32, #tpu.memory_space<hbm>> -> memref<20480xf32, #tpu.memory_space<hbm>>
      tpu.wait_dma2 semaphore(%run_scoped3A : memref<!tpu.dma_semaphore, #tpu.memory_space<semaphore_mem>>) src(%arg13 : memref<20480xf32, #tpu.memory_space<vmem>>) dst(%dma_wait3A_144 : memref<20480xf32, #tpu.memory_space<hbm>>)
      tpu.yield
    }) : () -> ()
    return
  }
}

#map = affine_map<(d0, d1) -> (0, 0)>
#map1 = affine_map<(d0, d1) -> (0)>
module attributes {stable_mosaic.version = 14 : i64} {
  func.func @body(%arg0: i32, %arg1: i32, %arg2: memref<32x12288xi32, #tpu.memory_space<hbm>>, %arg3: memref<32x12288xi32, #tpu.memory_space<hbm>>, %arg4: memref<32x16xi32, #tpu.memory_space<hbm>>, %arg5: memref<10240x128xf32, #tpu.memory_space<hbm>>, %arg6: memref<10240xf32, #tpu.memory_space<hbm>>, %arg7: memref<64xf32, #tpu.memory_space<hbm>>, %arg8: memref<32x128xf32, #tpu.memory_space<hbm>>, %arg9: memref<12288xi32, #tpu.memory_space<vmem>>, %arg10: memref<12304xi32, #tpu.memory_space<vmem>>, %arg11: memref<320x128xf32, #tpu.memory_space<vmem>>, %arg12: memref<320x128xf32, #tpu.memory_space<vmem>>, %arg13: memref<20480xf32, #tpu.memory_space<vmem>>, %arg14: memref<336xf32, #tpu.memory_space<vmem>>, %arg15: memref<64xf32, #tpu.memory_space<vmem>>, %arg16: memref<16xi32, #tpu.memory_space<vmem>>, %arg17: memref<128xf32, #tpu.memory_space<vmem>>, %arg18: memref<!tpu.dma_semaphore, #tpu.memory_space<semaphore_mem>>, %arg19: memref<!tpu.dma_semaphore, #tpu.memory_space<semaphore_mem>>) attributes {dimension_semantics = [#tpu.dimension_semantics<core_parallel>, #tpu.dimension_semantics<subcore_parallel>], iteration_bounds = array<i64: 2, 16>, scalar_prefetch = 0 : i64, scratch_operands = 11 : i64, tpu.core_type = #tpu.core_type<sc_vector_subcore>, window_params = [{transform_indices = #map}, {transform_indices = #map}, {transform_indices = #map}, {transform_indices = #map}, {transform_indices = #map1}, {transform_indices = #map1}, {transform_indices = #map}]} {
    %mul3A = arith.constant 2 : i32
    %mul3A_0 = arith.muli %arg1, %mul3A : i32
    %add3A = arith.addi %mul3A_0, %arg0 : i32
    %mul3A_1 = arith.constant 320 : i32
    %mul3A_2 = arith.muli %add3A, %mul3A_1 : i32
    %broadcast_in_dim3A = arith.constant 0.000000e+00 : f32
    %broadcast_in_dim3A_3 = vector.broadcast %broadcast_in_dim3A : f32 to vector<16xf32>
    %dma_start3A = arith.constant 0 : i32
    %dma_start3A_4 = tpu.memref_slice %arg9[%dma_start3A] : memref<12288xi32, #tpu.memory_space<vmem>> -> memref<12288xi32, #tpu.memory_space<vmem>>
    %dma_start3A_5 = arith.constant 0 : i32
    %dma_start3A_6 = tpu.memref_slice %arg2[%add3A, %dma_start3A_5] : memref<32x12288xi32, #tpu.memory_space<hbm>> -> memref<1x12288xi32, #tpu.memory_space<hbm>>
    %dma_start3A_7 = tpu.memref_squeeze %dma_start3A_6 : memref<1x12288xi32, #tpu.memory_space<hbm>> -> memref<12288xi32, #tpu.memory_space<hbm>>
    %dma_start3A_8 = arith.constant 0 : i32
    %dma_start3A_9 = tpu.memref_slice %arg9[%dma_start3A_8] : memref<12288xi32, #tpu.memory_space<vmem>> -> memref<12288xi32, #tpu.memory_space<vmem>>
    %dma_start3A_10 = arith.constant 0 : i32
    %dma_start3A_11 = tpu.memref_slice %arg2[%add3A, %dma_start3A_10] : memref<32x12288xi32, #tpu.memory_space<hbm>> -> memref<1x12288xi32, #tpu.memory_space<hbm>>
    %dma_start3A_12 = tpu.memref_squeeze %dma_start3A_11 : memref<1x12288xi32, #tpu.memory_space<hbm>> -> memref<12288xi32, #tpu.memory_space<hbm>>
    tpu.enqueue_dma source(%dma_start3A_12 : memref<12288xi32, #tpu.memory_space<hbm>>) target(%dma_start3A_9 : memref<12288xi32, #tpu.memory_space<vmem>>) target_semaphore(%arg18 : memref<!tpu.dma_semaphore, #tpu.memory_space<semaphore_mem>>)
    %dma_wait3A = arith.constant 0 : i32
    %dma_wait3A_13 = tpu.memref_slice %arg9[%dma_wait3A] : memref<12288xi32, #tpu.memory_space<vmem>> -> memref<12288xi32, #tpu.memory_space<vmem>>
    %dma_wait3A_14 = arith.constant 0 : i32
    %dma_wait3A_15 = tpu.memref_slice %arg2[%add3A, %dma_wait3A_14] : memref<32x12288xi32, #tpu.memory_space<hbm>> -> memref<1x12288xi32, #tpu.memory_space<hbm>>
    %dma_wait3A_16 = tpu.memref_squeeze %dma_wait3A_15 : memref<1x12288xi32, #tpu.memory_space<hbm>> -> memref<12288xi32, #tpu.memory_space<hbm>>
    %dma_wait3A_17 = arith.constant 0 : i32
    %dma_wait3A_18 = tpu.memref_slice %arg9[%dma_wait3A_17] : memref<12288xi32, #tpu.memory_space<vmem>> -> memref<12288xi32, #tpu.memory_space<vmem>>
    %dma_wait3A_19 = arith.constant 0 : i32
    %dma_wait3A_20 = tpu.memref_slice %arg2[%add3A, %dma_wait3A_19] : memref<32x12288xi32, #tpu.memory_space<hbm>> -> memref<1x12288xi32, #tpu.memory_space<hbm>>
    %dma_wait3A_21 = tpu.memref_squeeze %dma_wait3A_20 : memref<1x12288xi32, #tpu.memory_space<hbm>> -> memref<12288xi32, #tpu.memory_space<hbm>>
    tpu.wait_dma2 semaphore(%arg18 : memref<!tpu.dma_semaphore, #tpu.memory_space<semaphore_mem>>) src(%dma_wait3A_21 : memref<12288xi32, #tpu.memory_space<hbm>>) dst(%dma_wait3A_18 : memref<12288xi32, #tpu.memory_space<vmem>>)
    %dma_start3A_22 = arith.constant 0 : i32
    %dma_start3A_23 = tpu.memref_slice %arg10[%dma_start3A_22] : memref<12304xi32, #tpu.memory_space<vmem>> -> memref<12288xi32, #tpu.memory_space<vmem>>
    %dma_start3A_24 = arith.constant 0 : i32
    %dma_start3A_25 = tpu.memref_slice %arg3[%add3A, %dma_start3A_24] : memref<32x12288xi32, #tpu.memory_space<hbm>> -> memref<1x12288xi32, #tpu.memory_space<hbm>>
    %dma_start3A_26 = tpu.memref_squeeze %dma_start3A_25 : memref<1x12288xi32, #tpu.memory_space<hbm>> -> memref<12288xi32, #tpu.memory_space<hbm>>
    %dma_start3A_27 = arith.constant 0 : i32
    %dma_start3A_28 = tpu.memref_slice %arg10[%dma_start3A_27] : memref<12304xi32, #tpu.memory_space<vmem>> -> memref<12288xi32, #tpu.memory_space<vmem>>
    %dma_start3A_29 = arith.constant 0 : i32
    %dma_start3A_30 = tpu.memref_slice %arg3[%add3A, %dma_start3A_29] : memref<32x12288xi32, #tpu.memory_space<hbm>> -> memref<1x12288xi32, #tpu.memory_space<hbm>>
    %dma_start3A_31 = tpu.memref_squeeze %dma_start3A_30 : memref<1x12288xi32, #tpu.memory_space<hbm>> -> memref<12288xi32, #tpu.memory_space<hbm>>
    tpu.enqueue_dma source(%dma_start3A_31 : memref<12288xi32, #tpu.memory_space<hbm>>) target(%dma_start3A_28 : memref<12288xi32, #tpu.memory_space<vmem>>) target_semaphore(%arg18 : memref<!tpu.dma_semaphore, #tpu.memory_space<semaphore_mem>>)
    %dma_wait3A_32 = arith.constant 0 : i32
    %dma_wait3A_33 = tpu.memref_slice %arg10[%dma_wait3A_32] : memref<12304xi32, #tpu.memory_space<vmem>> -> memref<12288xi32, #tpu.memory_space<vmem>>
    %dma_wait3A_34 = arith.constant 0 : i32
    %dma_wait3A_35 = tpu.memref_slice %arg3[%add3A, %dma_wait3A_34] : memref<32x12288xi32, #tpu.memory_space<hbm>> -> memref<1x12288xi32, #tpu.memory_space<hbm>>
    %dma_wait3A_36 = tpu.memref_squeeze %dma_wait3A_35 : memref<1x12288xi32, #tpu.memory_space<hbm>> -> memref<12288xi32, #tpu.memory_space<hbm>>
    %dma_wait3A_37 = arith.constant 0 : i32
    %dma_wait3A_38 = tpu.memref_slice %arg10[%dma_wait3A_37] : memref<12304xi32, #tpu.memory_space<vmem>> -> memref<12288xi32, #tpu.memory_space<vmem>>
    %dma_wait3A_39 = arith.constant 0 : i32
    %dma_wait3A_40 = tpu.memref_slice %arg3[%add3A, %dma_wait3A_39] : memref<32x12288xi32, #tpu.memory_space<hbm>> -> memref<1x12288xi32, #tpu.memory_space<hbm>>
    %dma_wait3A_41 = tpu.memref_squeeze %dma_wait3A_40 : memref<1x12288xi32, #tpu.memory_space<hbm>> -> memref<12288xi32, #tpu.memory_space<hbm>>
    tpu.wait_dma2 semaphore(%arg18 : memref<!tpu.dma_semaphore, #tpu.memory_space<semaphore_mem>>) src(%dma_wait3A_41 : memref<12288xi32, #tpu.memory_space<hbm>>) dst(%dma_wait3A_38 : memref<12288xi32, #tpu.memory_space<vmem>>)
    %dma_start3A_42 = arith.constant 0 : i32
    %dma_start3A_43 = tpu.memref_slice %arg4[%add3A, %dma_start3A_42] : memref<32x16xi32, #tpu.memory_space<hbm>> -> memref<1x16xi32, #tpu.memory_space<hbm>>
    %dma_start3A_44 = tpu.memref_squeeze %dma_start3A_43 : memref<1x16xi32, #tpu.memory_space<hbm>> -> memref<16xi32, #tpu.memory_space<hbm>>
    %dma_start3A_45 = arith.constant 0 : i32
    %dma_start3A_46 = tpu.memref_slice %arg4[%add3A, %dma_start3A_45] : memref<32x16xi32, #tpu.memory_space<hbm>> -> memref<1x16xi32, #tpu.memory_space<hbm>>
    %dma_start3A_47 = tpu.memref_squeeze %dma_start3A_46 : memref<1x16xi32, #tpu.memory_space<hbm>> -> memref<16xi32, #tpu.memory_space<hbm>>
    tpu.enqueue_dma source(%dma_start3A_47 : memref<16xi32, #tpu.memory_space<hbm>>) target(%arg16 : memref<16xi32, #tpu.memory_space<vmem>>) target_semaphore(%arg18 : memref<!tpu.dma_semaphore, #tpu.memory_space<semaphore_mem>>)
    %dma_wait3A_48 = arith.constant 0 : i32
    %dma_wait3A_49 = tpu.memref_slice %arg4[%add3A, %dma_wait3A_48] : memref<32x16xi32, #tpu.memory_space<hbm>> -> memref<1x16xi32, #tpu.memory_space<hbm>>
    %dma_wait3A_50 = tpu.memref_squeeze %dma_wait3A_49 : memref<1x16xi32, #tpu.memory_space<hbm>> -> memref<16xi32, #tpu.memory_space<hbm>>
    %dma_wait3A_51 = arith.constant 0 : i32
    %dma_wait3A_52 = tpu.memref_slice %arg4[%add3A, %dma_wait3A_51] : memref<32x16xi32, #tpu.memory_space<hbm>> -> memref<1x16xi32, #tpu.memory_space<hbm>>
    %dma_wait3A_53 = tpu.memref_squeeze %dma_wait3A_52 : memref<1x16xi32, #tpu.memory_space<hbm>> -> memref<16xi32, #tpu.memory_space<hbm>>
    tpu.wait_dma2 semaphore(%arg18 : memref<!tpu.dma_semaphore, #tpu.memory_space<semaphore_mem>>) src(%dma_wait3A_53 : memref<16xi32, #tpu.memory_space<hbm>>) dst(%arg16 : memref<16xi32, #tpu.memory_space<vmem>>)
    %dma_start3A_54 = arith.constant 0 : i32
    %dma_start3A_55 = tpu.memref_slice %arg14[%dma_start3A_54] : memref<336xf32, #tpu.memory_space<vmem>> -> memref<320xf32, #tpu.memory_space<vmem>>
    %dma_start3A_56 = tpu.memref_slice %arg6[%mul3A_2] : memref<10240xf32, #tpu.memory_space<hbm>> -> memref<320xf32, #tpu.memory_space<hbm>>
    %dma_start3A_57 = arith.constant 0 : i32
    %dma_start3A_58 = tpu.memref_slice %arg14[%dma_start3A_57] : memref<336xf32, #tpu.memory_space<vmem>> -> memref<320xf32, #tpu.memory_space<vmem>>
    %dma_start3A_59 = tpu.memref_slice %arg6[%mul3A_2] : memref<10240xf32, #tpu.memory_space<hbm>> -> memref<320xf32, #tpu.memory_space<hbm>>
    tpu.enqueue_dma source(%dma_start3A_59 : memref<320xf32, #tpu.memory_space<hbm>>) target(%dma_start3A_58 : memref<320xf32, #tpu.memory_space<vmem>>) target_semaphore(%arg18 : memref<!tpu.dma_semaphore, #tpu.memory_space<semaphore_mem>>)
    %dma_wait3A_60 = arith.constant 0 : i32
    %dma_wait3A_61 = tpu.memref_slice %arg14[%dma_wait3A_60] : memref<336xf32, #tpu.memory_space<vmem>> -> memref<320xf32, #tpu.memory_space<vmem>>
    %dma_wait3A_62 = tpu.memref_slice %arg6[%mul3A_2] : memref<10240xf32, #tpu.memory_space<hbm>> -> memref<320xf32, #tpu.memory_space<hbm>>
    %dma_wait3A_63 = arith.constant 0 : i32
    %dma_wait3A_64 = tpu.memref_slice %arg14[%dma_wait3A_63] : memref<336xf32, #tpu.memory_space<vmem>> -> memref<320xf32, #tpu.memory_space<vmem>>
    %dma_wait3A_65 = tpu.memref_slice %arg6[%mul3A_2] : memref<10240xf32, #tpu.memory_space<hbm>> -> memref<320xf32, #tpu.memory_space<hbm>>
    tpu.wait_dma2 semaphore(%arg18 : memref<!tpu.dma_semaphore, #tpu.memory_space<semaphore_mem>>) src(%dma_wait3A_65 : memref<320xf32, #tpu.memory_space<hbm>>) dst(%dma_wait3A_64 : memref<320xf32, #tpu.memory_space<vmem>>)
    tpu.enqueue_dma source(%arg7 : memref<64xf32, #tpu.memory_space<hbm>>) target(%arg15 : memref<64xf32, #tpu.memory_space<vmem>>) target_semaphore(%arg18 : memref<!tpu.dma_semaphore, #tpu.memory_space<semaphore_mem>>)
    tpu.wait_dma2 semaphore(%arg18 : memref<!tpu.dma_semaphore, #tpu.memory_space<semaphore_mem>>) src(%arg7 : memref<64xf32, #tpu.memory_space<hbm>>) dst(%arg15 : memref<64xf32, #tpu.memory_space<vmem>>)
    %get3A = arith.constant 0 : index
    %get3A_66 = tpu.vector_load %arg16[%get3A] {strides = array<i32>} : memref<16xi32, #tpu.memory_space<vmem>>, vector<16xi32>,
    %slice3A = vector.extract_strided_slice %get3A_66 {offsets = [0], sizes = [1], strides = [1]} : vector<16xi32> to vector<1xi32>
    %squeeze3A = vector.extract %slice3A[0] : i32 from vector<1xi32>
    %scan3A = arith.constant 0 : i32
    %scan3A_67 = arith.constant 0 : i32
    %scan3A_68 = arith.constant 1280 : i32
    %scan3A_69 = arith.addi %scan3A_67, %scan3A_68 : i32
    %scan3A_70 = arith.constant 1 : i32
    %scan3A_71 = scf.for %scan3A_147 = %scan3A_67 to %scan3A_69 step %scan3A_70 iter_args(%scan3A_148 = %scan3A) -> (i32)  : i32 {
      %mul3A_149 = arith.constant 16 : i32
      %mul3A_150 = arith.muli %scan3A_147, %mul3A_149 : i32
      %swap3A_151 = arith.index_cast %mul3A_150 : i32 to index
      %swap3A_152 = tpu.vector_load %arg13[%swap3A_151] {strides = array<i32>} : memref<20480xf32, #tpu.memory_space<vmem>>, vector<16xf32>,
      tpu.vector_store %arg13[%swap3A_151], %broadcast_in_dim3A_3 {strides = array<i32>} : memref<20480xf32, #tpu.memory_space<vmem>>, vector<16xf32>,
      %scan3A_153 = arith.constant 0 : i32
      scf.yield %scan3A_153 : i32
    }
    %scan3A_72 = arith.constant 1280 : i32
    %add3A_73 = arith.constant 320 : i32
    %add3A_74 = arith.addi %squeeze3A, %add3A_73 : i32
    %sub3A = arith.constant 1 : i32
    %sub3A_75 = arith.subi %add3A_74, %sub3A : i32
    %jit3A = arith.constant 320 : i32
    %div3A = arith.divsi %sub3A_75, %jit3A : i32
    %sign3A = arith.constant 0 : i32
    %sign3A_76 = arith.cmpi sgt, %sub3A_75, %sign3A : i32
    %sign3A_77 = arith.extui %sign3A_76 : i1 to i32
    %sign3A_78 = arith.constant 0 : i32
    %sign3A_79 = arith.cmpi slt, %sub3A_75, %sign3A_78 : i32
    %sign3A_80 = arith.extui %sign3A_79 : i1 to i32
    %sign3A_81 = arith.subi %sign3A_77, %sign3A_80 : i32
    %sign3A_82 = arith.constant 0 : i32
    %sign3A_83 = arith.cmpi sgt, %jit3A, %sign3A_82 : i32
    %sign3A_84 = arith.extui %sign3A_83 : i1 to i32
    %sign3A_85 = arith.constant 0 : i32
    %sign3A_86 = arith.cmpi slt, %jit3A, %sign3A_85 : i32
    %sign3A_87 = arith.extui %sign3A_86 : i1 to i32
    %sign3A_88 = arith.subi %sign3A_84, %sign3A_87 : i32
    %ne3A = arith.cmpi ne, %sign3A_81, %sign3A_88 : i32
    %rem3A = arith.remsi %sub3A_75, %jit3A : i32
    %ne3A_89 = arith.constant 0 : i32
    %ne3A_90 = arith.cmpi ne, %rem3A, %ne3A_89 : i32
    %and3A = arith.andi %ne3A, %ne3A_90 : i1
    %sub3A_91 = arith.constant 1 : i32
    %sub3A_92 = arith.subi %div3A, %sub3A_91 : i32
    %select_n3A = arith.select %and3A, %sub3A_92, %div3A : i32
    %gt3A = arith.constant 0 : i32
    %gt3A_93 = arith.cmpi sgt, %select_n3A, %gt3A : i32
    %convert_element_type3A = arith.extui %gt3A_93 : i1 to i32
    %cond3A = arith.constant 0 : i32
    %cond3A_94 = arith.cmpi ne, %convert_element_type3A, %cond3A : i32
    scf.if %cond3A_94 {
      %dma_start3A_147 = arith.constant 0 : i32
      %dma_start3A_148 = tpu.memref_slice %arg9[%dma_start3A_147] : memref<12288xi32, #tpu.memory_space<vmem>> -> memref<320xi32, #tpu.memory_space<vmem>>
      %dma_start3A_149 = arith.constant 0 : i32
      %dma_start3A_150 = arith.constant 0 : i32
      %dma_start3A_151 = tpu.memref_slice %arg5[%dma_start3A_149, %dma_start3A_150] : memref<10240x128xf32, #tpu.memory_space<hbm>> -> memref<10240x128xf32, #tpu.memory_space<hbm>>
      tpu.enqueue_indirect_dma source(%dma_start3A_151 : memref<10240x128xf32, #tpu.memory_space<hbm>>) target(%arg11 : memref<320x128xf32, #tpu.memory_space<vmem>>) offsets(%dma_start3A_148 : memref<320xi32, #tpu.memory_space<vmem>>) semaphore(%arg18 : memref<!tpu.dma_semaphore, #tpu.memory_space<semaphore_mem>>)
    } else {
    }
    %while3A = arith.constant 0 : i32
    %while3A_95 = arith.constant 0 : i32
    %while3A_96 = arith.subi %select_n3A, %while3A : i32
    %while3A_97 = arith.addi %while3A, %while3A_96 : i32
    %while3A_98 = arith.constant 1 : i32
    %while3A_99 = arith.divsi %while3A_96, %while3A_98 : i32
    %while3A_100 = arith.muli %while3A_99, %while3A_98 : i32
    %while3A_101 = arith.addi %while3A, %while3A_100 : i32
    %while3A_102 = arith.constant 1 : i32
    %while3A_103 = scf.for %while3A_147 = %while3A to %while3A_101 step %while3A_102 iter_args(%while3A_148 = %while3A_95) -> (i32)  : i32 {
      %rem3A_149 = arith.constant 2 : i32
      %rem3A_150 = arith.remsi %while3A_147, %rem3A_149 : i32
      %eq3A = arith.constant 0 : i32
      %eq3A_151 = arith.cmpi eq, %rem3A_150, %eq3A : i32
      %convert_element_type3A_152 = arith.extui %eq3A_151 : i1 to i32
      %cond3A_153 = arith.constant 0 : i32
      %cond3A_154 = arith.cmpi ne, %convert_element_type3A_152, %cond3A_153 : i32
      scf.if %cond3A_154 {
        %add3A_160 = arith.constant 1 : i32
        %add3A_161 = arith.addi %while3A_147, %add3A_160 : i32
        %lt3A = arith.cmpi slt, %add3A_161, %select_n3A : i32
        %convert_element_type3A_162 = arith.extui %lt3A : i1 to i32
        %cond3A_163 = arith.constant 0 : i32
        %cond3A_164 = arith.cmpi ne, %convert_element_type3A_162, %cond3A_163 : i32
        scf.if %cond3A_164 {
          %add3A_176 = arith.constant 1 : i32
          %add3A_177 = arith.addi %while3A_147, %add3A_176 : i32
          %mul3A_178 = arith.constant 320 : i32
          %mul3A_179 = arith.muli %add3A_177, %mul3A_178 : i32
          %dma_start3A_180 = tpu.memref_slice %arg9[%mul3A_179] : memref<12288xi32, #tpu.memory_space<vmem>> -> memref<320xi32, #tpu.memory_space<vmem>>
          %dma_start3A_181 = arith.constant 0 : i32
          %dma_start3A_182 = arith.constant 0 : i32
          %dma_start3A_183 = tpu.memref_slice %arg5[%dma_start3A_181, %dma_start3A_182] : memref<10240x128xf32, #tpu.memory_space<hbm>> -> memref<10240x128xf32, #tpu.memory_space<hbm>>
          tpu.enqueue_indirect_dma source(%dma_start3A_183 : memref<10240x128xf32, #tpu.memory_space<hbm>>) target(%arg12 : memref<320x128xf32, #tpu.memory_space<vmem>>) offsets(%dma_start3A_180 : memref<320xi32, #tpu.memory_space<vmem>>) semaphore(%arg19 : memref<!tpu.dma_semaphore, #tpu.memory_space<semaphore_mem>>)
        } else {
        }
        %dma_wait3A_165 = arith.constant 0 : i32
        %dma_wait3A_166 = arith.constant 0 : i32
        %dma_wait3A_167 = tpu.memref_slice %arg5[%dma_wait3A_165, %dma_wait3A_166] : memref<10240x128xf32, #tpu.memory_space<hbm>> -> memref<320x128xf32, #tpu.memory_space<hbm>>
        %dma_wait3A_168 = arith.constant 0 : i32
        %dma_wait3A_169 = arith.constant 0 : i32
        %dma_wait3A_170 = tpu.memref_slice %arg5[%dma_wait3A_168, %dma_wait3A_169] : memref<10240x128xf32, #tpu.memory_space<hbm>> -> memref<320x128xf32, #tpu.memory_space<hbm>>
        tpu.wait_dma2 semaphore(%arg18 : memref<!tpu.dma_semaphore, #tpu.memory_space<semaphore_mem>>) src(%dma_wait3A_170 : memref<320x128xf32, #tpu.memory_space<hbm>>) dst(%arg11 : memref<320x128xf32, #tpu.memory_space<vmem>>)
        %mul3A_171 = arith.constant 320 : i32
        %mul3A_172 = arith.muli %while3A_147, %mul3A_171 : i32
        %sub3A_173 = arith.subi %squeeze3A, %mul3A_172 : i32
        %min3A = arith.constant 320 : i32
        %min3A_174 = arith.minsi %min3A, %sub3A_173 : i32
        %parallel_loop3A = arith.constant 0 : i32
        %parallel_loop3A_175 = arith.constant 1 : i32
        scf.for %parallel_loop3A_176 = %parallel_loop3A to %min3A_174 step %parallel_loop3A_175  : i32 {
          %parallel_loop3A_177 = arith.addi %mul3A_172, %parallel_loop3A_176 : i32
          %parallel_loop3A_178 = arith.index_cast %parallel_loop3A_177 : i32 to index
          %parallel_loop3A_179 = tpu.vector_load %arg10[%parallel_loop3A_178] {strides = array<i32>} : memref<12304xi32, #tpu.memory_space<vmem>>, vector<16xi32>,
          %parallel_loop3A_180 = vector.extract_strided_slice %parallel_loop3A_179 {offsets = [0], sizes = [1], strides = [1]} : vector<16xi32> to vector<1xi32>
          %parallel_loop3A_181 = vector.extract %parallel_loop3A_180[0] : i32 from vector<1xi32>
          %parallel_loop3A_182 = arith.constant 0 : i32
          %parallel_loop3A_183 = arith.addi %parallel_loop3A_181, %parallel_loop3A_182 : i32
          %parallel_loop3A_184 = arith.index_cast %parallel_loop3A_176 : i32 to index
          %parallel_loop3A_185 = arith.constant 0 : index
          %parallel_loop3A_186 = tpu.vector_load %arg11[%parallel_loop3A_184, %parallel_loop3A_185] {strides = array<i32>} : memref<320x128xf32, #tpu.memory_space<vmem>>, vector<16xf32>,
          %parallel_loop3A_187 = arith.index_cast %parallel_loop3A_183 : i32 to index
          %parallel_loop3A_188 = tpu.vector_load %arg13[%parallel_loop3A_187] {strides = array<i32>} : memref<20480xf32, #tpu.memory_space<vmem>>, vector<16xf32>,
          tpu.vector_store %arg13[%parallel_loop3A_187], %parallel_loop3A_186 {add = true, strides = array<i32>} : memref<20480xf32, #tpu.memory_space<vmem>>, vector<16xf32>,
          %parallel_loop3A_189 = arith.constant 16 : i32
          %parallel_loop3A_190 = arith.addi %parallel_loop3A_181, %parallel_loop3A_189 : i32
          %parallel_loop3A_191 = arith.index_cast %parallel_loop3A_176 : i32 to index
          %parallel_loop3A_192 = arith.constant 16 : index
          %parallel_loop3A_193 = tpu.vector_load %arg11[%parallel_loop3A_191, %parallel_loop3A_192] {strides = array<i32>} : memref<320x128xf32, #tpu.memory_space<vmem>>, vector<16xf32>,
          %parallel_loop3A_194 = arith.index_cast %parallel_loop3A_190 : i32 to index
          %parallel_loop3A_195 = tpu.vector_load %arg13[%parallel_loop3A_194] {strides = array<i32>} : memref<20480xf32, #tpu.memory_space<vmem>>, vector<16xf32>,
          tpu.vector_store %arg13[%parallel_loop3A_194], %parallel_loop3A_193 {add = true, strides = array<i32>} : memref<20480xf32, #tpu.memory_space<vmem>>, vector<16xf32>,
          %parallel_loop3A_196 = arith.constant 32 : i32
          %parallel_loop3A_197 = arith.addi %parallel_loop3A_181, %parallel_loop3A_196 : i32
          %parallel_loop3A_198 = arith.index_cast %parallel_loop3A_176 : i32 to index
          %parallel_loop3A_199 = arith.constant 32 : index
          %parallel_loop3A_200 = tpu.vector_load %arg11[%parallel_loop3A_198, %parallel_loop3A_199] {strides = array<i32>} : memref<320x128xf32, #tpu.memory_space<vmem>>, vector<16xf32>,
          %parallel_loop3A_201 = arith.index_cast %parallel_loop3A_197 : i32 to index
          %parallel_loop3A_202 = tpu.vector_load %arg13[%parallel_loop3A_201] {strides = array<i32>} : memref<20480xf32, #tpu.memory_space<vmem>>, vector<16xf32>,
          tpu.vector_store %arg13[%parallel_loop3A_201], %parallel_loop3A_200 {add = true, strides = array<i32>} : memref<20480xf32, #tpu.memory_space<vmem>>, vector<16xf32>,
          %parallel_loop3A_203 = arith.constant 48 : i32
          %parallel_loop3A_204 = arith.addi %parallel_loop3A_181, %parallel_loop3A_203 : i32
          %parallel_loop3A_205 = arith.index_cast %parallel_loop3A_176 : i32 to index
          %parallel_loop3A_206 = arith.constant 48 : index
          %parallel_loop3A_207 = tpu.vector_load %arg11[%parallel_loop3A_205, %parallel_loop3A_206] {strides = array<i32>} : memref<320x128xf32, #tpu.memory_space<vmem>>, vector<16xf32>,
          %parallel_loop3A_208 = arith.index_cast %parallel_loop3A_204 : i32 to index
          %parallel_loop3A_209 = tpu.vector_load %arg13[%parallel_loop3A_208] {strides = array<i32>} : memref<20480xf32, #tpu.memory_space<vmem>>, vector<16xf32>,
          tpu.vector_store %arg13[%parallel_loop3A_208], %parallel_loop3A_207 {add = true, strides = array<i32>} : memref<20480xf32, #tpu.memory_space<vmem>>, vector<16xf32>,
        } {sc.loop_unroll_factor = 4 : i64, sc.parallel_access}
      } else {
      }
      %not3A = arith.constant true
      %not3A_155 = arith.xori %eq3A_151, %not3A : i1
      %convert_element_type3A_156 = arith.extui %not3A_155 : i1 to i32
      %cond3A_157 = arith.constant 0 : i32
      %cond3A_158 = arith.cmpi ne, %convert_element_type3A_156, %cond3A_157 : i32
      scf.if %cond3A_158 {
        %add3A_160 = arith.constant 1 : i32
        %add3A_161 = arith.addi %while3A_147, %add3A_160 : i32
        %lt3A = arith.cmpi slt, %add3A_161, %select_n3A : i32
        %convert_element_type3A_162 = arith.extui %lt3A : i1 to i32
        %cond3A_163 = arith.constant 0 : i32
        %cond3A_164 = arith.cmpi ne, %convert_element_type3A_162, %cond3A_163 : i32
        scf.if %cond3A_164 {
          %add3A_176 = arith.constant 1 : i32
          %add3A_177 = arith.addi %while3A_147, %add3A_176 : i32
          %mul3A_178 = arith.constant 320 : i32
          %mul3A_179 = arith.muli %add3A_177, %mul3A_178 : i32
          %dma_start3A_180 = tpu.memref_slice %arg9[%mul3A_179] : memref<12288xi32, #tpu.memory_space<vmem>> -> memref<320xi32, #tpu.memory_space<vmem>>
          %dma_start3A_181 = arith.constant 0 : i32
          %dma_start3A_182 = arith.constant 0 : i32
          %dma_start3A_183 = tpu.memref_slice %arg5[%dma_start3A_181, %dma_start3A_182] : memref<10240x128xf32, #tpu.memory_space<hbm>> -> memref<10240x128xf32, #tpu.memory_space<hbm>>
          tpu.enqueue_indirect_dma source(%dma_start3A_183 : memref<10240x128xf32, #tpu.memory_space<hbm>>) target(%arg11 : memref<320x128xf32, #tpu.memory_space<vmem>>) offsets(%dma_start3A_180 : memref<320xi32, #tpu.memory_space<vmem>>) semaphore(%arg18 : memref<!tpu.dma_semaphore, #tpu.memory_space<semaphore_mem>>)
        } else {
        }
        %dma_wait3A_165 = arith.constant 0 : i32
        %dma_wait3A_166 = arith.constant 0 : i32
        %dma_wait3A_167 = tpu.memref_slice %arg5[%dma_wait3A_165, %dma_wait3A_166] : memref<10240x128xf32, #tpu.memory_space<hbm>> -> memref<320x128xf32, #tpu.memory_space<hbm>>
        %dma_wait3A_168 = arith.constant 0 : i32
        %dma_wait3A_169 = arith.constant 0 : i32
        %dma_wait3A_170 = tpu.memref_slice %arg5[%dma_wait3A_168, %dma_wait3A_169] : memref<10240x128xf32, #tpu.memory_space<hbm>> -> memref<320x128xf32, #tpu.memory_space<hbm>>
        tpu.wait_dma2 semaphore(%arg19 : memref<!tpu.dma_semaphore, #tpu.memory_space<semaphore_mem>>) src(%dma_wait3A_170 : memref<320x128xf32, #tpu.memory_space<hbm>>) dst(%arg12 : memref<320x128xf32, #tpu.memory_space<vmem>>)
        %mul3A_171 = arith.constant 320 : i32
        %mul3A_172 = arith.muli %while3A_147, %mul3A_171 : i32
        %sub3A_173 = arith.subi %squeeze3A, %mul3A_172 : i32
        %min3A = arith.constant 320 : i32
        %min3A_174 = arith.minsi %min3A, %sub3A_173 : i32
        %parallel_loop3A = arith.constant 0 : i32
        %parallel_loop3A_175 = arith.constant 1 : i32
        scf.for %parallel_loop3A_176 = %parallel_loop3A to %min3A_174 step %parallel_loop3A_175  : i32 {
          %parallel_loop3A_177 = arith.addi %mul3A_172, %parallel_loop3A_176 : i32
          %parallel_loop3A_178 = arith.index_cast %parallel_loop3A_177 : i32 to index
          %parallel_loop3A_179 = tpu.vector_load %arg10[%parallel_loop3A_178] {strides = array<i32>} : memref<12304xi32, #tpu.memory_space<vmem>>, vector<16xi32>,
          %parallel_loop3A_180 = vector.extract_strided_slice %parallel_loop3A_179 {offsets = [0], sizes = [1], strides = [1]} : vector<16xi32> to vector<1xi32>
          %parallel_loop3A_181 = vector.extract %parallel_loop3A_180[0] : i32 from vector<1xi32>
          %parallel_loop3A_182 = arith.constant 0 : i32
          %parallel_loop3A_183 = arith.addi %parallel_loop3A_181, %parallel_loop3A_182 : i32
          %parallel_loop3A_184 = arith.index_cast %parallel_loop3A_176 : i32 to index
          %parallel_loop3A_185 = arith.constant 0 : index
          %parallel_loop3A_186 = tpu.vector_load %arg12[%parallel_loop3A_184, %parallel_loop3A_185] {strides = array<i32>} : memref<320x128xf32, #tpu.memory_space<vmem>>, vector<16xf32>,
          %parallel_loop3A_187 = arith.index_cast %parallel_loop3A_183 : i32 to index
          %parallel_loop3A_188 = tpu.vector_load %arg13[%parallel_loop3A_187] {strides = array<i32>} : memref<20480xf32, #tpu.memory_space<vmem>>, vector<16xf32>,
          tpu.vector_store %arg13[%parallel_loop3A_187], %parallel_loop3A_186 {add = true, strides = array<i32>} : memref<20480xf32, #tpu.memory_space<vmem>>, vector<16xf32>,
          %parallel_loop3A_189 = arith.constant 16 : i32
          %parallel_loop3A_190 = arith.addi %parallel_loop3A_181, %parallel_loop3A_189 : i32
          %parallel_loop3A_191 = arith.index_cast %parallel_loop3A_176 : i32 to index
          %parallel_loop3A_192 = arith.constant 16 : index
          %parallel_loop3A_193 = tpu.vector_load %arg12[%parallel_loop3A_191, %parallel_loop3A_192] {strides = array<i32>} : memref<320x128xf32, #tpu.memory_space<vmem>>, vector<16xf32>,
          %parallel_loop3A_194 = arith.index_cast %parallel_loop3A_190 : i32 to index
          %parallel_loop3A_195 = tpu.vector_load %arg13[%parallel_loop3A_194] {strides = array<i32>} : memref<20480xf32, #tpu.memory_space<vmem>>, vector<16xf32>,
          tpu.vector_store %arg13[%parallel_loop3A_194], %parallel_loop3A_193 {add = true, strides = array<i32>} : memref<20480xf32, #tpu.memory_space<vmem>>, vector<16xf32>,
          %parallel_loop3A_196 = arith.constant 32 : i32
          %parallel_loop3A_197 = arith.addi %parallel_loop3A_181, %parallel_loop3A_196 : i32
          %parallel_loop3A_198 = arith.index_cast %parallel_loop3A_176 : i32 to index
          %parallel_loop3A_199 = arith.constant 32 : index
          %parallel_loop3A_200 = tpu.vector_load %arg12[%parallel_loop3A_198, %parallel_loop3A_199] {strides = array<i32>} : memref<320x128xf32, #tpu.memory_space<vmem>>, vector<16xf32>,
          %parallel_loop3A_201 = arith.index_cast %parallel_loop3A_197 : i32 to index
          %parallel_loop3A_202 = tpu.vector_load %arg13[%parallel_loop3A_201] {strides = array<i32>} : memref<20480xf32, #tpu.memory_space<vmem>>, vector<16xf32>,
          tpu.vector_store %arg13[%parallel_loop3A_201], %parallel_loop3A_200 {add = true, strides = array<i32>} : memref<20480xf32, #tpu.memory_space<vmem>>, vector<16xf32>,
          %parallel_loop3A_203 = arith.constant 48 : i32
          %parallel_loop3A_204 = arith.addi %parallel_loop3A_181, %parallel_loop3A_203 : i32
          %parallel_loop3A_205 = arith.index_cast %parallel_loop3A_176 : i32 to index
          %parallel_loop3A_206 = arith.constant 48 : index
          %parallel_loop3A_207 = tpu.vector_load %arg12[%parallel_loop3A_205, %parallel_loop3A_206] {strides = array<i32>} : memref<320x128xf32, #tpu.memory_space<vmem>>, vector<16xf32>,
          %parallel_loop3A_208 = arith.index_cast %parallel_loop3A_204 : i32 to index
          %parallel_loop3A_209 = tpu.vector_load %arg13[%parallel_loop3A_208] {strides = array<i32>} : memref<20480xf32, #tpu.memory_space<vmem>>, vector<16xf32>,
          tpu.vector_store %arg13[%parallel_loop3A_208], %parallel_loop3A_207 {add = true, strides = array<i32>} : memref<20480xf32, #tpu.memory_space<vmem>>, vector<16xf32>,
        } {sc.loop_unroll_factor = 4 : i64, sc.parallel_access}
      } else {
      }
      %while3A_159 = arith.constant 0 : i32
      scf.yield %while3A_159 : i32
    }
    %while3A_104 = arith.constant 1 : i32
    %while3A_105 = scf.for %while3A_147 = %while3A_101 to %while3A_97 step %while3A_104 iter_args(%while3A_148 = %while3A_103) -> (i32)  : i32 {
      %rem3A_149 = arith.constant 2 : i32
      %rem3A_150 = arith.remsi %while3A_147, %rem3A_149 : i32
      %eq3A = arith.constant 0 : i32
      %eq3A_151 = arith.cmpi eq, %rem3A_150, %eq3A : i32
      %convert_element_type3A_152 = arith.extui %eq3A_151 : i1 to i32
      %cond3A_153 = arith.constant 0 : i32
      %cond3A_154 = arith.cmpi ne, %convert_element_type3A_152, %cond3A_153 : i32
      scf.if %cond3A_154 {
        %add3A_160 = arith.constant 1 : i32
        %add3A_161 = arith.addi %while3A_147, %add3A_160 : i32
        %lt3A = arith.cmpi slt, %add3A_161, %select_n3A : i32
        %convert_element_type3A_162 = arith.extui %lt3A : i1 to i32
        %cond3A_163 = arith.constant 0 : i32
        %cond3A_164 = arith.cmpi ne, %convert_element_type3A_162, %cond3A_163 : i32
        scf.if %cond3A_164 {
          %add3A_176 = arith.constant 1 : i32
          %add3A_177 = arith.addi %while3A_147, %add3A_176 : i32
          %mul3A_178 = arith.constant 320 : i32
          %mul3A_179 = arith.muli %add3A_177, %mul3A_178 : i32
          %dma_start3A_180 = tpu.memref_slice %arg9[%mul3A_179] : memref<12288xi32, #tpu.memory_space<vmem>> -> memref<320xi32, #tpu.memory_space<vmem>>
          %dma_start3A_181 = arith.constant 0 : i32
          %dma_start3A_182 = arith.constant 0 : i32
          %dma_start3A_183 = tpu.memref_slice %arg5[%dma_start3A_181, %dma_start3A_182] : memref<10240x128xf32, #tpu.memory_space<hbm>> -> memref<10240x128xf32, #tpu.memory_space<hbm>>
          tpu.enqueue_indirect_dma source(%dma_start3A_183 : memref<10240x128xf32, #tpu.memory_space<hbm>>) target(%arg12 : memref<320x128xf32, #tpu.memory_space<vmem>>) offsets(%dma_start3A_180 : memref<320xi32, #tpu.memory_space<vmem>>) semaphore(%arg19 : memref<!tpu.dma_semaphore, #tpu.memory_space<semaphore_mem>>)
        } else {
        }
        %dma_wait3A_165 = arith.constant 0 : i32
        %dma_wait3A_166 = arith.constant 0 : i32
        %dma_wait3A_167 = tpu.memref_slice %arg5[%dma_wait3A_165, %dma_wait3A_166] : memref<10240x128xf32, #tpu.memory_space<hbm>> -> memref<320x128xf32, #tpu.memory_space<hbm>>
        %dma_wait3A_168 = arith.constant 0 : i32
        %dma_wait3A_169 = arith.constant 0 : i32
        %dma_wait3A_170 = tpu.memref_slice %arg5[%dma_wait3A_168, %dma_wait3A_169] : memref<10240x128xf32, #tpu.memory_space<hbm>> -> memref<320x128xf32, #tpu.memory_space<hbm>>
        tpu.wait_dma2 semaphore(%arg18 : memref<!tpu.dma_semaphore, #tpu.memory_space<semaphore_mem>>) src(%dma_wait3A_170 : memref<320x128xf32, #tpu.memory_space<hbm>>) dst(%arg11 : memref<320x128xf32, #tpu.memory_space<vmem>>)
        %mul3A_171 = arith.constant 320 : i32
        %mul3A_172 = arith.muli %while3A_147, %mul3A_171 : i32
        %sub3A_173 = arith.subi %squeeze3A, %mul3A_172 : i32
        %min3A = arith.constant 320 : i32
        %min3A_174 = arith.minsi %min3A, %sub3A_173 : i32
        %parallel_loop3A = arith.constant 0 : i32
        %parallel_loop3A_175 = arith.constant 1 : i32
        scf.for %parallel_loop3A_176 = %parallel_loop3A to %min3A_174 step %parallel_loop3A_175  : i32 {
          %parallel_loop3A_177 = arith.addi %mul3A_172, %parallel_loop3A_176 : i32
          %parallel_loop3A_178 = arith.index_cast %parallel_loop3A_177 : i32 to index
          %parallel_loop3A_179 = tpu.vector_load %arg10[%parallel_loop3A_178] {strides = array<i32>} : memref<12304xi32, #tpu.memory_space<vmem>>, vector<16xi32>,
          %parallel_loop3A_180 = vector.extract_strided_slice %parallel_loop3A_179 {offsets = [0], sizes = [1], strides = [1]} : vector<16xi32> to vector<1xi32>
          %parallel_loop3A_181 = vector.extract %parallel_loop3A_180[0] : i32 from vector<1xi32>
          %parallel_loop3A_182 = arith.constant 0 : i32
          %parallel_loop3A_183 = arith.addi %parallel_loop3A_181, %parallel_loop3A_182 : i32
          %parallel_loop3A_184 = arith.index_cast %parallel_loop3A_176 : i32 to index
          %parallel_loop3A_185 = arith.constant 0 : index
          %parallel_loop3A_186 = tpu.vector_load %arg11[%parallel_loop3A_184, %parallel_loop3A_185] {strides = array<i32>} : memref<320x128xf32, #tpu.memory_space<vmem>>, vector<16xf32>,
          %parallel_loop3A_187 = arith.index_cast %parallel_loop3A_183 : i32 to index
          %parallel_loop3A_188 = tpu.vector_load %arg13[%parallel_loop3A_187] {strides = array<i32>} : memref<20480xf32, #tpu.memory_space<vmem>>, vector<16xf32>,
          tpu.vector_store %arg13[%parallel_loop3A_187], %parallel_loop3A_186 {add = true, strides = array<i32>} : memref<20480xf32, #tpu.memory_space<vmem>>, vector<16xf32>,
          %parallel_loop3A_189 = arith.constant 16 : i32
          %parallel_loop3A_190 = arith.addi %parallel_loop3A_181, %parallel_loop3A_189 : i32
          %parallel_loop3A_191 = arith.index_cast %parallel_loop3A_176 : i32 to index
          %parallel_loop3A_192 = arith.constant 16 : index
          %parallel_loop3A_193 = tpu.vector_load %arg11[%parallel_loop3A_191, %parallel_loop3A_192] {strides = array<i32>} : memref<320x128xf32, #tpu.memory_space<vmem>>, vector<16xf32>,
          %parallel_loop3A_194 = arith.index_cast %parallel_loop3A_190 : i32 to index
          %parallel_loop3A_195 = tpu.vector_load %arg13[%parallel_loop3A_194] {strides = array<i32>} : memref<20480xf32, #tpu.memory_space<vmem>>, vector<16xf32>,
          tpu.vector_store %arg13[%parallel_loop3A_194], %parallel_loop3A_193 {add = true, strides = array<i32>} : memref<20480xf32, #tpu.memory_space<vmem>>, vector<16xf32>,
          %parallel_loop3A_196 = arith.constant 32 : i32
          %parallel_loop3A_197 = arith.addi %parallel_loop3A_181, %parallel_loop3A_196 : i32
          %parallel_loop3A_198 = arith.index_cast %parallel_loop3A_176 : i32 to index
          %parallel_loop3A_199 = arith.constant 32 : index
          %parallel_loop3A_200 = tpu.vector_load %arg11[%parallel_loop3A_198, %parallel_loop3A_199] {strides = array<i32>} : memref<320x128xf32, #tpu.memory_space<vmem>>, vector<16xf32>,
          %parallel_loop3A_201 = arith.index_cast %parallel_loop3A_197 : i32 to index
          %parallel_loop3A_202 = tpu.vector_load %arg13[%parallel_loop3A_201] {strides = array<i32>} : memref<20480xf32, #tpu.memory_space<vmem>>, vector<16xf32>,
          tpu.vector_store %arg13[%parallel_loop3A_201], %parallel_loop3A_200 {add = true, strides = array<i32>} : memref<20480xf32, #tpu.memory_space<vmem>>, vector<16xf32>,
          %parallel_loop3A_203 = arith.constant 48 : i32
          %parallel_loop3A_204 = arith.addi %parallel_loop3A_181, %parallel_loop3A_203 : i32
          %parallel_loop3A_205 = arith.index_cast %parallel_loop3A_176 : i32 to index
          %parallel_loop3A_206 = arith.constant 48 : index
          %parallel_loop3A_207 = tpu.vector_load %arg11[%parallel_loop3A_205, %parallel_loop3A_206] {strides = array<i32>} : memref<320x128xf32, #tpu.memory_space<vmem>>, vector<16xf32>,
          %parallel_loop3A_208 = arith.index_cast %parallel_loop3A_204 : i32 to index
          %parallel_loop3A_209 = tpu.vector_load %arg13[%parallel_loop3A_208] {strides = array<i32>} : memref<20480xf32, #tpu.memory_space<vmem>>, vector<16xf32>,
          tpu.vector_store %arg13[%parallel_loop3A_208], %parallel_loop3A_207 {add = true, strides = array<i32>} : memref<20480xf32, #tpu.memory_space<vmem>>, vector<16xf32>,
        } {sc.loop_unroll_factor = 4 : i64, sc.parallel_access}
      } else {
      }
      %not3A = arith.constant true
      %not3A_155 = arith.xori %eq3A_151, %not3A : i1
      %convert_element_type3A_156 = arith.extui %not3A_155 : i1 to i32
      %cond3A_157 = arith.constant 0 : i32
      %cond3A_158 = arith.cmpi ne, %convert_element_type3A_156, %cond3A_157 : i32
      scf.if %cond3A_158 {
        %add3A_160 = arith.constant 1 : i32
        %add3A_161 = arith.addi %while3A_147, %add3A_160 : i32
        %lt3A = arith.cmpi slt, %add3A_161, %select_n3A : i32
        %convert_element_type3A_162 = arith.extui %lt3A : i1 to i32
        %cond3A_163 = arith.constant 0 : i32
        %cond3A_164 = arith.cmpi ne, %convert_element_type3A_162, %cond3A_163 : i32
        scf.if %cond3A_164 {
          %add3A_176 = arith.constant 1 : i32
          %add3A_177 = arith.addi %while3A_147, %add3A_176 : i32
          %mul3A_178 = arith.constant 320 : i32
          %mul3A_179 = arith.muli %add3A_177, %mul3A_178 : i32
          %dma_start3A_180 = tpu.memref_slice %arg9[%mul3A_179] : memref<12288xi32, #tpu.memory_space<vmem>> -> memref<320xi32, #tpu.memory_space<vmem>>
          %dma_start3A_181 = arith.constant 0 : i32
          %dma_start3A_182 = arith.constant 0 : i32
          %dma_start3A_183 = tpu.memref_slice %arg5[%dma_start3A_181, %dma_start3A_182] : memref<10240x128xf32, #tpu.memory_space<hbm>> -> memref<10240x128xf32, #tpu.memory_space<hbm>>
          tpu.enqueue_indirect_dma source(%dma_start3A_183 : memref<10240x128xf32, #tpu.memory_space<hbm>>) target(%arg11 : memref<320x128xf32, #tpu.memory_space<vmem>>) offsets(%dma_start3A_180 : memref<320xi32, #tpu.memory_space<vmem>>) semaphore(%arg18 : memref<!tpu.dma_semaphore, #tpu.memory_space<semaphore_mem>>)
        } else {
        }
        %dma_wait3A_165 = arith.constant 0 : i32
        %dma_wait3A_166 = arith.constant 0 : i32
        %dma_wait3A_167 = tpu.memref_slice %arg5[%dma_wait3A_165, %dma_wait3A_166] : memref<10240x128xf32, #tpu.memory_space<hbm>> -> memref<320x128xf32, #tpu.memory_space<hbm>>
        %dma_wait3A_168 = arith.constant 0 : i32
        %dma_wait3A_169 = arith.constant 0 : i32
        %dma_wait3A_170 = tpu.memref_slice %arg5[%dma_wait3A_168, %dma_wait3A_169] : memref<10240x128xf32, #tpu.memory_space<hbm>> -> memref<320x128xf32, #tpu.memory_space<hbm>>
        tpu.wait_dma2 semaphore(%arg19 : memref<!tpu.dma_semaphore, #tpu.memory_space<semaphore_mem>>) src(%dma_wait3A_170 : memref<320x128xf32, #tpu.memory_space<hbm>>) dst(%arg12 : memref<320x128xf32, #tpu.memory_space<vmem>>)
        %mul3A_171 = arith.constant 320 : i32
        %mul3A_172 = arith.muli %while3A_147, %mul3A_171 : i32
        %sub3A_173 = arith.subi %squeeze3A, %mul3A_172 : i32
        %min3A = arith.constant 320 : i32
        %min3A_174 = arith.minsi %min3A, %sub3A_173 : i32
        %parallel_loop3A = arith.constant 0 : i32
        %parallel_loop3A_175 = arith.constant 1 : i32
        scf.for %parallel_loop3A_176 = %parallel_loop3A to %min3A_174 step %parallel_loop3A_175  : i32 {
          %parallel_loop3A_177 = arith.addi %mul3A_172, %parallel_loop3A_176 : i32
          %parallel_loop3A_178 = arith.index_cast %parallel_loop3A_177 : i32 to index
          %parallel_loop3A_179 = tpu.vector_load %arg10[%parallel_loop3A_178] {strides = array<i32>} : memref<12304xi32, #tpu.memory_space<vmem>>, vector<16xi32>,
          %parallel_loop3A_180 = vector.extract_strided_slice %parallel_loop3A_179 {offsets = [0], sizes = [1], strides = [1]} : vector<16xi32> to vector<1xi32>
          %parallel_loop3A_181 = vector.extract %parallel_loop3A_180[0] : i32 from vector<1xi32>
          %parallel_loop3A_182 = arith.constant 0 : i32
          %parallel_loop3A_183 = arith.addi %parallel_loop3A_181, %parallel_loop3A_182 : i32
          %parallel_loop3A_184 = arith.index_cast %parallel_loop3A_176 : i32 to index
          %parallel_loop3A_185 = arith.constant 0 : index
          %parallel_loop3A_186 = tpu.vector_load %arg12[%parallel_loop3A_184, %parallel_loop3A_185] {strides = array<i32>} : memref<320x128xf32, #tpu.memory_space<vmem>>, vector<16xf32>,
          %parallel_loop3A_187 = arith.index_cast %parallel_loop3A_183 : i32 to index
          %parallel_loop3A_188 = tpu.vector_load %arg13[%parallel_loop3A_187] {strides = array<i32>} : memref<20480xf32, #tpu.memory_space<vmem>>, vector<16xf32>,
          tpu.vector_store %arg13[%parallel_loop3A_187], %parallel_loop3A_186 {add = true, strides = array<i32>} : memref<20480xf32, #tpu.memory_space<vmem>>, vector<16xf32>,
          %parallel_loop3A_189 = arith.constant 16 : i32
          %parallel_loop3A_190 = arith.addi %parallel_loop3A_181, %parallel_loop3A_189 : i32
          %parallel_loop3A_191 = arith.index_cast %parallel_loop3A_176 : i32 to index
          %parallel_loop3A_192 = arith.constant 16 : index
          %parallel_loop3A_193 = tpu.vector_load %arg12[%parallel_loop3A_191, %parallel_loop3A_192] {strides = array<i32>} : memref<320x128xf32, #tpu.memory_space<vmem>>, vector<16xf32>,
          %parallel_loop3A_194 = arith.index_cast %parallel_loop3A_190 : i32 to index
          %parallel_loop3A_195 = tpu.vector_load %arg13[%parallel_loop3A_194] {strides = array<i32>} : memref<20480xf32, #tpu.memory_space<vmem>>, vector<16xf32>,
          tpu.vector_store %arg13[%parallel_loop3A_194], %parallel_loop3A_193 {add = true, strides = array<i32>} : memref<20480xf32, #tpu.memory_space<vmem>>, vector<16xf32>,
          %parallel_loop3A_196 = arith.constant 32 : i32
          %parallel_loop3A_197 = arith.addi %parallel_loop3A_181, %parallel_loop3A_196 : i32
          %parallel_loop3A_198 = arith.index_cast %parallel_loop3A_176 : i32 to index
          %parallel_loop3A_199 = arith.constant 32 : index
          %parallel_loop3A_200 = tpu.vector_load %arg12[%parallel_loop3A_198, %parallel_loop3A_199] {strides = array<i32>} : memref<320x128xf32, #tpu.memory_space<vmem>>, vector<16xf32>,
          %parallel_loop3A_201 = arith.index_cast %parallel_loop3A_197 : i32 to index
          %parallel_loop3A_202 = tpu.vector_load %arg13[%parallel_loop3A_201] {strides = array<i32>} : memref<20480xf32, #tpu.memory_space<vmem>>, vector<16xf32>,
          tpu.vector_store %arg13[%parallel_loop3A_201], %parallel_loop3A_200 {add = true, strides = array<i32>} : memref<20480xf32, #tpu.memory_space<vmem>>, vector<16xf32>,
          %parallel_loop3A_203 = arith.constant 48 : i32
          %parallel_loop3A_204 = arith.addi %parallel_loop3A_181, %parallel_loop3A_203 : i32
          %parallel_loop3A_205 = arith.index_cast %parallel_loop3A_176 : i32 to index
          %parallel_loop3A_206 = arith.constant 48 : index
          %parallel_loop3A_207 = tpu.vector_load %arg12[%parallel_loop3A_205, %parallel_loop3A_206] {strides = array<i32>} : memref<320x128xf32, #tpu.memory_space<vmem>>, vector<16xf32>,
          %parallel_loop3A_208 = arith.index_cast %parallel_loop3A_204 : i32 to index
          %parallel_loop3A_209 = tpu.vector_load %arg13[%parallel_loop3A_208] {strides = array<i32>} : memref<20480xf32, #tpu.memory_space<vmem>>, vector<16xf32>,
          tpu.vector_store %arg13[%parallel_loop3A_208], %parallel_loop3A_207 {add = true, strides = array<i32>} : memref<20480xf32, #tpu.memory_space<vmem>>, vector<16xf32>,
        } {sc.loop_unroll_factor = 4 : i64, sc.parallel_access}
      } else {
      }
      %while3A_159 = arith.constant 0 : i32
      scf.yield %while3A_159 : i32
    }
    %dma_start3A_106 = arith.constant 0 : i32
    %dma_start3A_107 = arith.constant 0 : i32
    %dma_start3A_108 = tpu.memref_slice %arg11[%dma_start3A_106, %dma_start3A_107] : memref<320x128xf32, #tpu.memory_space<vmem>> -> memref<320x128xf32, #tpu.memory_space<vmem>>
    %dma_start3A_109 = arith.constant 0 : i32
    %dma_start3A_110 = tpu.memref_slice %arg5[%mul3A_2, %dma_start3A_109] : memref<10240x128xf32, #tpu.memory_space<hbm>> -> memref<320x128xf32, #tpu.memory_space<hbm>>
    %dma_start3A_111 = arith.constant 0 : i32
    %dma_start3A_112 = arith.constant 0 : i32
    %dma_start3A_113 = tpu.memref_slice %arg11[%dma_start3A_111, %dma_start3A_112] : memref<320x128xf32, #tpu.memory_space<vmem>> -> memref<320x128xf32, #tpu.memory_space<vmem>>
    %dma_start3A_114 = arith.constant 0 : i32
    %dma_start3A_115 = tpu.memref_slice %arg5[%mul3A_2, %dma_start3A_114] : memref<10240x128xf32, #tpu.memory_space<hbm>> -> memref<320x128xf32, #tpu.memory_space<hbm>>
    tpu.enqueue_dma source(%dma_start3A_115 : memref<320x128xf32, #tpu.memory_space<hbm>>) target(%dma_start3A_113 : memref<320x128xf32, #tpu.memory_space<vmem>>) target_semaphore(%arg18 : memref<!tpu.dma_semaphore, #tpu.memory_space<semaphore_mem>>)
    %dma_wait3A_116 = arith.constant 0 : i32
    %dma_wait3A_117 = arith.constant 0 : i32
    %dma_wait3A_118 = tpu.memref_slice %arg11[%dma_wait3A_116, %dma_wait3A_117] : memref<320x128xf32, #tpu.memory_space<vmem>> -> memref<320x128xf32, #tpu.memory_space<vmem>>
    %dma_wait3A_119 = arith.constant 0 : i32
    %dma_wait3A_120 = tpu.memref_slice %arg5[%mul3A_2, %dma_wait3A_119] : memref<10240x128xf32, #tpu.memory_space<hbm>> -> memref<320x128xf32, #tpu.memory_space<hbm>>
    %dma_wait3A_121 = arith.constant 0 : i32
    %dma_wait3A_122 = arith.constant 0 : i32
    %dma_wait3A_123 = tpu.memref_slice %arg11[%dma_wait3A_121, %dma_wait3A_122] : memref<320x128xf32, #tpu.memory_space<vmem>> -> memref<320x128xf32, #tpu.memory_space<vmem>>
    %dma_wait3A_124 = arith.constant 0 : i32
    %dma_wait3A_125 = tpu.memref_slice %arg5[%mul3A_2, %dma_wait3A_124] : memref<10240x128xf32, #tpu.memory_space<hbm>> -> memref<320x128xf32, #tpu.memory_space<hbm>>
    tpu.wait_dma2 semaphore(%arg18 : memref<!tpu.dma_semaphore, #tpu.memory_space<semaphore_mem>>) src(%dma_wait3A_125 : memref<320x128xf32, #tpu.memory_space<hbm>>) dst(%dma_wait3A_123 : memref<320x128xf32, #tpu.memory_space<vmem>>)
    %scan3A_126 = arith.constant 0 : i32
    %scan3A_127 = arith.constant 320 : i32
    %scan3A_128 = arith.addi %scan3A_126, %scan3A_127 : i32
    %scan3A_129 = arith.constant 1 : i32
    %scan3A_130:4 = scf.for %scan3A_147 = %scan3A_126 to %scan3A_128 step %scan3A_129 iter_args(%scan3A_148 = %broadcast_in_dim3A_3, %scan3A_149 = %broadcast_in_dim3A_3, %scan3A_150 = %broadcast_in_dim3A_3, %scan3A_151 = %broadcast_in_dim3A_3) -> (vector<16xf32>, vector<16xf32>, vector<16xf32>, vector<16xf32>)  : i32 {
      %get3A_152 = arith.index_cast %scan3A_147 : i32 to index
      %get3A_153 = tpu.vector_load %arg14[%get3A_152] {strides = array<i32>} : memref<336xf32, #tpu.memory_space<vmem>>, vector<16xf32>,
      %slice3A_154 = vector.extract_strided_slice %get3A_153 {offsets = [0], sizes = [1], strides = [1]} : vector<16xf32> to vector<1xf32>
      %squeeze3A_155 = vector.extract %slice3A_154[0] : f32 from vector<1xf32>
      %add3A_156 = arith.addi %mul3A_2, %scan3A_147 : i32
      %lt3A = arith.constant 10000 : i32
      %lt3A_157 = arith.cmpi slt, %add3A_156, %lt3A : i32
      %jit3A_158 = arith.constant 1.000000e+00 : f32
      %jit3A_159 = arith.constant 0.000000e+00 : f32
      %select_n3A_160 = arith.select %lt3A_157, %jit3A_158, %jit3A_159 : f32
      %mul3A_161 = arith.constant 64 : i32
      %mul3A_162 = arith.muli %scan3A_147, %mul3A_161 : i32
      %add3A_163 = arith.constant 0 : i32
      %add3A_164 = arith.addi %mul3A_162, %add3A_163 : i32
      %get3A_165 = arith.index_cast %add3A_164 : i32 to index
      %get3A_166 = tpu.vector_load %arg13[%get3A_165] {strides = array<i32>} : memref<20480xf32, #tpu.memory_space<vmem>>, vector<16xf32>,
      %get3A_167 = arith.index_cast %scan3A_147 : i32 to index
      %get3A_168 = arith.constant 0 : index
      %get3A_169 = tpu.vector_load %arg11[%get3A_167, %get3A_168] {strides = array<i32>} : memref<320x128xf32, #tpu.memory_space<vmem>>, vector<16xf32>,
      %add3A_170 = arith.addf %get3A_166, %get3A_169 : vector<16xf32>
      %mul3A_171 = vector.broadcast %squeeze3A_155 : f32 to vector<16xf32>
      %mul3A_172 = arith.mulf %add3A_170, %mul3A_171 : vector<16xf32>
      %get3A_173 = arith.constant 0 : index
      %get3A_174 = tpu.vector_load %arg15[%get3A_173] {strides = array<i32>} : memref<64xf32, #tpu.memory_space<vmem>>, vector<16xf32>,
      %add3A_175 = arith.addf %mul3A_172, %get3A_174 : vector<16xf32>
      %max3A = arith.constant 0.000000e+00 : f32
      %max3A_176 = vector.broadcast %max3A : f32 to vector<16xf32>
      %max3A_177 = arith.maximumf %add3A_175, %max3A_176 : vector<16xf32>
      %mul3A_178 = vector.broadcast %select_n3A_160 : f32 to vector<16xf32>
      %mul3A_179 = arith.mulf %max3A_177, %mul3A_178 : vector<16xf32>
      %add3A_180 = arith.addf %scan3A_148, %mul3A_179 : vector<16xf32>
      %mul3A_181 = arith.constant 64 : i32
      %mul3A_182 = arith.muli %scan3A_147, %mul3A_181 : i32
      %add3A_183 = arith.constant 16 : i32
      %add3A_184 = arith.addi %mul3A_182, %add3A_183 : i32
      %get3A_185 = arith.index_cast %add3A_184 : i32 to index
      %get3A_186 = tpu.vector_load %arg13[%get3A_185] {strides = array<i32>} : memref<20480xf32, #tpu.memory_space<vmem>>, vector<16xf32>,
      %get3A_187 = arith.index_cast %scan3A_147 : i32 to index
      %get3A_188 = arith.constant 16 : index
      %get3A_189 = tpu.vector_load %arg11[%get3A_187, %get3A_188] {strides = array<i32>} : memref<320x128xf32, #tpu.memory_space<vmem>>, vector<16xf32>,
      %add3A_190 = arith.addf %get3A_186, %get3A_189 : vector<16xf32>
      %mul3A_191 = vector.broadcast %squeeze3A_155 : f32 to vector<16xf32>
      %mul3A_192 = arith.mulf %add3A_190, %mul3A_191 : vector<16xf32>
      %get3A_193 = arith.constant 16 : index
      %get3A_194 = tpu.vector_load %arg15[%get3A_193] {strides = array<i32>} : memref<64xf32, #tpu.memory_space<vmem>>, vector<16xf32>,
      %add3A_195 = arith.addf %mul3A_192, %get3A_194 : vector<16xf32>
      %max3A_196 = arith.constant 0.000000e+00 : f32
      %max3A_197 = vector.broadcast %max3A_196 : f32 to vector<16xf32>
      %max3A_198 = arith.maximumf %add3A_195, %max3A_197 : vector<16xf32>
      %mul3A_199 = vector.broadcast %select_n3A_160 : f32 to vector<16xf32>
      %mul3A_200 = arith.mulf %max3A_198, %mul3A_199 : vector<16xf32>
      %add3A_201 = arith.addf %scan3A_149, %mul3A_200 : vector<16xf32>
      %mul3A_202 = arith.constant 64 : i32
      %mul3A_203 = arith.muli %scan3A_147, %mul3A_202 : i32
      %add3A_204 = arith.constant 32 : i32
      %add3A_205 = arith.addi %mul3A_203, %add3A_204 : i32
      %get3A_206 = arith.index_cast %add3A_205 : i32 to index
      %get3A_207 = tpu.vector_load %arg13[%get3A_206] {strides = array<i32>} : memref<20480xf32, #tpu.memory_space<vmem>>, vector<16xf32>,
      %get3A_208 = arith.index_cast %scan3A_147 : i32 to index
      %get3A_209 = arith.constant 32 : index
      %get3A_210 = tpu.vector_load %arg11[%get3A_208, %get3A_209] {strides = array<i32>} : memref<320x128xf32, #tpu.memory_space<vmem>>, vector<16xf32>,
      %add3A_211 = arith.addf %get3A_207, %get3A_210 : vector<16xf32>
      %mul3A_212 = vector.broadcast %squeeze3A_155 : f32 to vector<16xf32>
      %mul3A_213 = arith.mulf %add3A_211, %mul3A_212 : vector<16xf32>
      %get3A_214 = arith.constant 32 : index
      %get3A_215 = tpu.vector_load %arg15[%get3A_214] {strides = array<i32>} : memref<64xf32, #tpu.memory_space<vmem>>, vector<16xf32>,
      %add3A_216 = arith.addf %mul3A_213, %get3A_215 : vector<16xf32>
      %max3A_217 = arith.constant 0.000000e+00 : f32
      %max3A_218 = vector.broadcast %max3A_217 : f32 to vector<16xf32>
      %max3A_219 = arith.maximumf %add3A_216, %max3A_218 : vector<16xf32>
      %mul3A_220 = vector.broadcast %select_n3A_160 : f32 to vector<16xf32>
      %mul3A_221 = arith.mulf %max3A_219, %mul3A_220 : vector<16xf32>
      %add3A_222 = arith.addf %scan3A_150, %mul3A_221 : vector<16xf32>
      %mul3A_223 = arith.constant 64 : i32
      %mul3A_224 = arith.muli %scan3A_147, %mul3A_223 : i32
      %add3A_225 = arith.constant 48 : i32
      %add3A_226 = arith.addi %mul3A_224, %add3A_225 : i32
      %get3A_227 = arith.index_cast %add3A_226 : i32 to index
      %get3A_228 = tpu.vector_load %arg13[%get3A_227] {strides = array<i32>} : memref<20480xf32, #tpu.memory_space<vmem>>, vector<16xf32>,
      %get3A_229 = arith.index_cast %scan3A_147 : i32 to index
      %get3A_230 = arith.constant 48 : index
      %get3A_231 = tpu.vector_load %arg11[%get3A_229, %get3A_230] {strides = array<i32>} : memref<320x128xf32, #tpu.memory_space<vmem>>, vector<16xf32>,
      %add3A_232 = arith.addf %get3A_228, %get3A_231 : vector<16xf32>
      %mul3A_233 = vector.broadcast %squeeze3A_155 : f32 to vector<16xf32>
      %mul3A_234 = arith.mulf %add3A_232, %mul3A_233 : vector<16xf32>
      %get3A_235 = arith.constant 48 : index
      %get3A_236 = tpu.vector_load %arg15[%get3A_235] {strides = array<i32>} : memref<64xf32, #tpu.memory_space<vmem>>, vector<16xf32>,
      %add3A_237 = arith.addf %mul3A_234, %get3A_236 : vector<16xf32>
      %max3A_238 = arith.constant 0.000000e+00 : f32
      %max3A_239 = vector.broadcast %max3A_238 : f32 to vector<16xf32>
      %max3A_240 = arith.maximumf %add3A_237, %max3A_239 : vector<16xf32>
      %mul3A_241 = vector.broadcast %select_n3A_160 : f32 to vector<16xf32>
      %mul3A_242 = arith.mulf %max3A_240, %mul3A_241 : vector<16xf32>
      %add3A_243 = arith.addf %scan3A_151, %mul3A_242 : vector<16xf32>
      scf.yield %add3A_180, %add3A_201, %add3A_222, %add3A_243 : vector<16xf32>, vector<16xf32>, vector<16xf32>, vector<16xf32>
    }
    %scan3A_131 = arith.constant 320 : i32
    %swap3A = arith.constant 0 : index
    %swap3A_132 = tpu.vector_load %arg17[%swap3A] {strides = array<i32>} : memref<128xf32, #tpu.memory_space<vmem>>, vector<16xf32>,
    tpu.vector_store %arg17[%swap3A], %scan3A_130#0 {strides = array<i32>} : memref<128xf32, #tpu.memory_space<vmem>>, vector<16xf32>,
    %swap3A_133 = arith.constant 16 : index
    %swap3A_134 = tpu.vector_load %arg17[%swap3A_133] {strides = array<i32>} : memref<128xf32, #tpu.memory_space<vmem>>, vector<16xf32>,
    tpu.vector_store %arg17[%swap3A_133], %scan3A_130#1 {strides = array<i32>} : memref<128xf32, #tpu.memory_space<vmem>>, vector<16xf32>,
    %swap3A_135 = arith.constant 32 : index
    %swap3A_136 = tpu.vector_load %arg17[%swap3A_135] {strides = array<i32>} : memref<128xf32, #tpu.memory_space<vmem>>, vector<16xf32>,
    tpu.vector_store %arg17[%swap3A_135], %scan3A_130#2 {strides = array<i32>} : memref<128xf32, #tpu.memory_space<vmem>>, vector<16xf32>,
    %swap3A_137 = arith.constant 48 : index
    %swap3A_138 = tpu.vector_load %arg17[%swap3A_137] {strides = array<i32>} : memref<128xf32, #tpu.memory_space<vmem>>, vector<16xf32>,
    tpu.vector_store %arg17[%swap3A_137], %scan3A_130#3 {strides = array<i32>} : memref<128xf32, #tpu.memory_space<vmem>>, vector<16xf32>,
    %swap3A_139 = arith.constant 64 : index
    %swap3A_140 = tpu.vector_load %arg17[%swap3A_139] {strides = array<i32>} : memref<128xf32, #tpu.memory_space<vmem>>, vector<16xf32>,
    tpu.vector_store %arg17[%swap3A_139], %broadcast_in_dim3A_3 {strides = array<i32>} : memref<128xf32, #tpu.memory_space<vmem>>, vector<16xf32>,
    %swap3A_141 = arith.constant 80 : index
    %swap3A_142 = tpu.vector_load %arg17[%swap3A_141] {strides = array<i32>} : memref<128xf32, #tpu.memory_space<vmem>>, vector<16xf32>,
    tpu.vector_store %arg17[%swap3A_141], %broadcast_in_dim3A_3 {strides = array<i32>} : memref<128xf32, #tpu.memory_space<vmem>>, vector<16xf32>,
    %swap3A_143 = arith.constant 96 : index
    %swap3A_144 = tpu.vector_load %arg17[%swap3A_143] {strides = array<i32>} : memref<128xf32, #tpu.memory_space<vmem>>, vector<16xf32>,
    tpu.vector_store %arg17[%swap3A_143], %broadcast_in_dim3A_3 {strides = array<i32>} : memref<128xf32, #tpu.memory_space<vmem>>, vector<16xf32>,
    %swap3A_145 = arith.constant 112 : index
    %swap3A_146 = tpu.vector_load %arg17[%swap3A_145] {strides = array<i32>} : memref<128xf32, #tpu.memory_space<vmem>>, vector<16xf32>,
    tpu.vector_store %arg17[%swap3A_145], %broadcast_in_dim3A_3 {strides = array<i32>} : memref<128xf32, #tpu.memory_space<vmem>>, vector<16xf32>,
    "tpu.region"() ({
      %run_scoped3A = tpu.sem_alloc : memref<!tpu.dma_semaphore, #tpu.memory_space<semaphore_mem>>
      %dma_start3A_147 = arith.constant 0 : i32
      %dma_start3A_148 = tpu.memref_slice %arg8[%add3A, %dma_start3A_147] : memref<32x128xf32, #tpu.memory_space<hbm>> -> memref<1x128xf32, #tpu.memory_space<hbm>>
      %dma_start3A_149 = tpu.memref_squeeze %dma_start3A_148 : memref<1x128xf32, #tpu.memory_space<hbm>> -> memref<128xf32, #tpu.memory_space<hbm>>
      %dma_start3A_150 = arith.constant 0 : i32
      %dma_start3A_151 = tpu.memref_slice %arg8[%add3A, %dma_start3A_150] : memref<32x128xf32, #tpu.memory_space<hbm>> -> memref<1x128xf32, #tpu.memory_space<hbm>>
      %dma_start3A_152 = tpu.memref_squeeze %dma_start3A_151 : memref<1x128xf32, #tpu.memory_space<hbm>> -> memref<128xf32, #tpu.memory_space<hbm>>
      tpu.enqueue_dma source(%arg17 : memref<128xf32, #tpu.memory_space<vmem>>) target(%dma_start3A_152 : memref<128xf32, #tpu.memory_space<hbm>>) target_semaphore(%run_scoped3A : memref<!tpu.dma_semaphore, #tpu.memory_space<semaphore_mem>>)
      %dma_wait3A_153 = arith.constant 0 : i32
      %dma_wait3A_154 = tpu.memref_slice %arg8[%add3A, %dma_wait3A_153] : memref<32x128xf32, #tpu.memory_space<hbm>> -> memref<1x128xf32, #tpu.memory_space<hbm>>
      %dma_wait3A_155 = tpu.memref_squeeze %dma_wait3A_154 : memref<1x128xf32, #tpu.memory_space<hbm>> -> memref<128xf32, #tpu.memory_space<hbm>>
      %dma_wait3A_156 = arith.constant 0 : i32
      %dma_wait3A_157 = tpu.memref_slice %arg8[%add3A, %dma_wait3A_156] : memref<32x128xf32, #tpu.memory_space<hbm>> -> memref<1x128xf32, #tpu.memory_space<hbm>>
      %dma_wait3A_158 = tpu.memref_squeeze %dma_wait3A_157 : memref<1x128xf32, #tpu.memory_space<hbm>> -> memref<128xf32, #tpu.memory_space<hbm>>
      tpu.wait_dma2 semaphore(%run_scoped3A : memref<!tpu.dma_semaphore, #tpu.memory_space<semaphore_mem>>) src(%arg17 : memref<128xf32, #tpu.memory_space<vmem>>) dst(%dma_wait3A_158 : memref<128xf32, #tpu.memory_space<hbm>>)
      tpu.yield
    }) : () -> ()
    return
  }
}

#map = affine_map<(d0, d1) -> (0)>
#map1 = affine_map<(d0, d1) -> (0, 0)>
module attributes {stable_mosaic.version = 14 : i64} {
  func.func @_preproc_body(%arg0: i32, %arg1: i32, %arg2: memref<320000xi32, #tpu.memory_space<hbm>>, %arg3: memref<320000xi32, #tpu.memory_space<hbm>>, %arg4: memref<32x12288xi32, #tpu.memory_space<hbm>>, %arg5: memref<32x12288xi32, #tpu.memory_space<hbm>>, %arg6: memref<32x16xi32, #tpu.memory_space<hbm>>, %arg7: memref<32x320xf32, #tpu.memory_space<hbm>>, %arg8: memref<16000xi32, #tpu.memory_space<vmem>>, %arg9: memref<16000xi32, #tpu.memory_space<vmem>>, %arg10: memref<16000xi32, #tpu.memory_space<vmem>>, %arg11: memref<16000xi32, #tpu.memory_space<vmem>>, %arg12: memref<12288xi32, #tpu.memory_space<vmem>>, %arg13: memref<12288xi32, #tpu.memory_space<vmem>>, %arg14: memref<320xf32, #tpu.memory_space<vmem>>, %arg15: memref<16xi32, #tpu.memory_space<vmem>>, %arg16: memref<!tpu.dma_semaphore, #tpu.memory_space<semaphore_mem>>, %arg17: memref<!tpu.dma_semaphore, #tpu.memory_space<semaphore_mem>>) attributes {dimension_semantics = [#tpu.dimension_semantics<core_parallel>, #tpu.dimension_semantics<subcore_parallel>], iteration_bounds = array<i64: 2, 16>, scalar_prefetch = 0 : i64, scratch_operands = 10 : i64, tpu.core_type = #tpu.core_type<sc_vector_subcore>, window_params = [{transform_indices = #map}, {transform_indices = #map}, {transform_indices = #map1}, {transform_indices = #map1}, {transform_indices = #map1}, {transform_indices = #map1}]} {
    %mul3A = arith.constant 2 : i32
    %mul3A_0 = arith.muli %arg1, %mul3A : i32
    %add3A = arith.addi %mul3A_0, %arg0 : i32
    %mul3A_1 = arith.constant 320 : i32
    %mul3A_2 = arith.muli %add3A, %mul3A_1 : i32
    %add3A_3 = arith.constant 320 : i32
    %add3A_4 = arith.addi %mul3A_2, %add3A_3 : i32
    %broadcast_in_dim3A = arith.constant 0 : i32
    %broadcast_in_dim3A_5 = vector.broadcast %broadcast_in_dim3A : i32 to vector<16xi32>
    %broadcast_in_dim3A_6 = arith.constant 1.000000e+00 : f32
    %broadcast_in_dim3A_7 = vector.broadcast %broadcast_in_dim3A_6 : f32 to vector<16xf32>
    %scan3A = arith.constant 0 : i32
    %scan3A_8 = arith.constant 0 : i32
    %scan3A_9 = arith.constant 20 : i32
    %scan3A_10 = arith.addi %scan3A_8, %scan3A_9 : i32
    %scan3A_11 = arith.constant 1 : i32
    %scan3A_12 = scf.for %scan3A_462 = %scan3A_8 to %scan3A_10 step %scan3A_11 iter_args(%scan3A_463 = %scan3A) -> (i32)  : i32 {
      %mul3A_464 = arith.constant 16 : i32
      %mul3A_465 = arith.muli %scan3A_462, %mul3A_464 : i32
      %swap3A_466 = arith.index_cast %mul3A_465 : i32 to index
      %swap3A_467 = tpu.vector_load %arg14[%swap3A_466] {strides = array<i32>} : memref<320xf32, #tpu.memory_space<vmem>>, vector<16xf32>,
      tpu.vector_store %arg14[%swap3A_466], %broadcast_in_dim3A_7 {strides = array<i32>} : memref<320xf32, #tpu.memory_space<vmem>>, vector<16xf32>,
      %scan3A_468 = arith.constant 0 : i32
      scf.yield %scan3A_468 : i32
    }
    %scan3A_13 = arith.constant 20 : i32
    %scan3A_14 = arith.constant 0 : i32
    %scan3A_15 = arith.constant 0 : i32
    %scan3A_16 = arith.constant 768 : i32
    %scan3A_17 = arith.addi %scan3A_15, %scan3A_16 : i32
    %scan3A_18 = arith.constant 1 : i32
    %scan3A_19 = scf.for %scan3A_462 = %scan3A_15 to %scan3A_17 step %scan3A_18 iter_args(%scan3A_463 = %scan3A_14) -> (i32)  : i32 {
      %mul3A_464 = arith.constant 16 : i32
      %mul3A_465 = arith.muli %scan3A_462, %mul3A_464 : i32
      %swap3A_466 = arith.index_cast %mul3A_465 : i32 to index
      %swap3A_467 = tpu.vector_load %arg12[%swap3A_466] {strides = array<i32>} : memref<12288xi32, #tpu.memory_space<vmem>>, vector<16xi32>,
      tpu.vector_store %arg12[%swap3A_466], %broadcast_in_dim3A_5 {strides = array<i32>} : memref<12288xi32, #tpu.memory_space<vmem>>, vector<16xi32>,
      %scan3A_468 = arith.constant 0 : i32
      scf.yield %scan3A_468 : i32
    }
    %scan3A_20 = arith.constant 768 : i32
    %dma_start3A = arith.constant 0 : i32
    %dma_start3A_21 = tpu.memref_slice %arg2[%dma_start3A] : memref<320000xi32, #tpu.memory_space<hbm>> -> memref<16000xi32, #tpu.memory_space<hbm>>
    %dma_start3A_22 = arith.constant 0 : i32
    %dma_start3A_23 = tpu.memref_slice %arg2[%dma_start3A_22] : memref<320000xi32, #tpu.memory_space<hbm>> -> memref<16000xi32, #tpu.memory_space<hbm>>
    tpu.enqueue_dma source(%dma_start3A_23 : memref<16000xi32, #tpu.memory_space<hbm>>) target(%arg8 : memref<16000xi32, #tpu.memory_space<vmem>>) target_semaphore(%arg16 : memref<!tpu.dma_semaphore, #tpu.memory_space<semaphore_mem>>)
    %dma_start3A_24 = arith.constant 0 : i32
    %dma_start3A_25 = tpu.memref_slice %arg3[%dma_start3A_24] : memref<320000xi32, #tpu.memory_space<hbm>> -> memref<16000xi32, #tpu.memory_space<hbm>>
    %dma_start3A_26 = arith.constant 0 : i32
    %dma_start3A_27 = tpu.memref_slice %arg3[%dma_start3A_26] : memref<320000xi32, #tpu.memory_space<hbm>> -> memref<16000xi32, #tpu.memory_space<hbm>>
    tpu.enqueue_dma source(%dma_start3A_27 : memref<16000xi32, #tpu.memory_space<hbm>>) target(%arg9 : memref<16000xi32, #tpu.memory_space<vmem>>) target_semaphore(%arg16 : memref<!tpu.dma_semaphore, #tpu.memory_space<semaphore_mem>>)
    %dma_start3A_28 = arith.constant 16000 : i32
    %dma_start3A_29 = tpu.memref_slice %arg2[%dma_start3A_28] : memref<320000xi32, #tpu.memory_space<hbm>> -> memref<16000xi32, #tpu.memory_space<hbm>>
    %dma_start3A_30 = arith.constant 16000 : i32
    %dma_start3A_31 = tpu.memref_slice %arg2[%dma_start3A_30] : memref<320000xi32, #tpu.memory_space<hbm>> -> memref<16000xi32, #tpu.memory_space<hbm>>
    tpu.enqueue_dma source(%dma_start3A_31 : memref<16000xi32, #tpu.memory_space<hbm>>) target(%arg10 : memref<16000xi32, #tpu.memory_space<vmem>>) target_semaphore(%arg17 : memref<!tpu.dma_semaphore, #tpu.memory_space<semaphore_mem>>)
    %dma_start3A_32 = arith.constant 16000 : i32
    %dma_start3A_33 = tpu.memref_slice %arg3[%dma_start3A_32] : memref<320000xi32, #tpu.memory_space<hbm>> -> memref<16000xi32, #tpu.memory_space<hbm>>
    %dma_start3A_34 = arith.constant 16000 : i32
    %dma_start3A_35 = tpu.memref_slice %arg3[%dma_start3A_34] : memref<320000xi32, #tpu.memory_space<hbm>> -> memref<16000xi32, #tpu.memory_space<hbm>>
    tpu.enqueue_dma source(%dma_start3A_35 : memref<16000xi32, #tpu.memory_space<hbm>>) target(%arg11 : memref<16000xi32, #tpu.memory_space<vmem>>) target_semaphore(%arg17 : memref<!tpu.dma_semaphore, #tpu.memory_space<semaphore_mem>>)
    %dma_wait3A = arith.constant 0 : i32
    %dma_wait3A_36 = tpu.memref_slice %arg2[%dma_wait3A] : memref<320000xi32, #tpu.memory_space<hbm>> -> memref<16000xi32, #tpu.memory_space<hbm>>
    %dma_wait3A_37 = arith.constant 0 : i32
    %dma_wait3A_38 = tpu.memref_slice %arg2[%dma_wait3A_37] : memref<320000xi32, #tpu.memory_space<hbm>> -> memref<16000xi32, #tpu.memory_space<hbm>>
    tpu.wait_dma2 semaphore(%arg16 : memref<!tpu.dma_semaphore, #tpu.memory_space<semaphore_mem>>) src(%dma_wait3A_38 : memref<16000xi32, #tpu.memory_space<hbm>>) dst(%arg8 : memref<16000xi32, #tpu.memory_space<vmem>>)
    %dma_wait3A_39 = arith.constant 0 : i32
    %dma_wait3A_40 = tpu.memref_slice %arg2[%dma_wait3A_39] : memref<320000xi32, #tpu.memory_space<hbm>> -> memref<16000xi32, #tpu.memory_space<hbm>>
    %dma_wait3A_41 = arith.constant 0 : i32
    %dma_wait3A_42 = tpu.memref_slice %arg2[%dma_wait3A_41] : memref<320000xi32, #tpu.memory_space<hbm>> -> memref<16000xi32, #tpu.memory_space<hbm>>
    tpu.wait_dma2 semaphore(%arg16 : memref<!tpu.dma_semaphore, #tpu.memory_space<semaphore_mem>>) src(%dma_wait3A_42 : memref<16000xi32, #tpu.memory_space<hbm>>) dst(%arg9 : memref<16000xi32, #tpu.memory_space<vmem>>)
    %scan3A_43 = arith.constant 0 : i32
    %scan3A_44 = arith.constant 0 : i32
    %scan3A_45 = arith.constant 1000 : i32
    %scan3A_46 = arith.addi %scan3A_44, %scan3A_45 : i32
    %scan3A_47 = arith.constant 1 : i32
    %scan3A_48 = scf.for %scan3A_462 = %scan3A_44 to %scan3A_46 step %scan3A_47 iter_args(%scan3A_463 = %scan3A_43) -> (i32)  : i32 {
      %mul3A_464 = arith.constant 16 : i32
      %mul3A_465 = arith.muli %scan3A_462, %mul3A_464 : i32
      %get3A = arith.index_cast %mul3A_465 : i32 to index
      %get3A_466 = tpu.vector_load %arg9[%get3A] {strides = array<i32>} : memref<16000xi32, #tpu.memory_space<vmem>>, vector<16xi32>,
      %mul3A_467 = arith.constant 16 : i32
      %mul3A_468 = arith.muli %scan3A_462, %mul3A_467 : i32
      %get3A_469 = arith.index_cast %mul3A_468 : i32 to index
      %get3A_470 = tpu.vector_load %arg8[%get3A_469] {strides = array<i32>} : memref<16000xi32, #tpu.memory_space<vmem>>, vector<16xi32>,
      %ge3A = vector.broadcast %mul3A_2 : i32 to vector<16xi32>
      %ge3A_471 = arith.cmpi sge, %get3A_466, %ge3A : vector<16xi32>
      %lt3A = vector.broadcast %add3A_4 : i32 to vector<16xi32>
      %lt3A_472 = arith.cmpi slt, %get3A_466, %lt3A : vector<16xi32>
      %and3A = arith.andi %ge3A_471, %lt3A_472 : vector<16xi1>
      %convert_element_type3A = arith.extui %and3A : vector<16xi1> to vector<16xi32>
      %broadcast_in_dim3A_473 = arith.constant true
      %broadcast_in_dim3A_474 = vector.broadcast %broadcast_in_dim3A_473 : i1 to vector<16xi1>
      %masked_cumsum3A = tpu.scan <sum>, %convert_element_type3A masked %broadcast_in_dim3A_474 : vector<16xi32>, vector<16xi1> -> vector<16xi32>
      %add3A_475 = vector.broadcast %scan3A_463 : i32 to vector<16xi32>
      %add3A_476 = arith.addi %add3A_475, %masked_cumsum3A : vector<16xi32>
      %sub3A = arith.constant 1 : i32
      %sub3A_477 = vector.broadcast %sub3A : i32 to vector<16xi32>
      %sub3A_478 = arith.subi %add3A_476, %sub3A_477 : vector<16xi32>
      tpu.vector_store_idx %arg12[%sub3A_478], %get3A_470 masked %and3A : memref<12288xi32, #tpu.memory_space<vmem>>[vector<16xi32>], vector<16xi32>, vector<16xi1>
      %sub3A_479 = vector.broadcast %mul3A_2 : i32 to vector<16xi32>
      %sub3A_480 = arith.subi %get3A_466, %sub3A_479 : vector<16xi32>
      %mul3A_481 = arith.constant 64 : i32
      %mul3A_482 = vector.broadcast %mul3A_481 : i32 to vector<16xi32>
      %mul3A_483 = arith.muli %sub3A_480, %mul3A_482 : vector<16xi32>
      tpu.vector_store_idx %arg13[%sub3A_478], %mul3A_483 masked %and3A : memref<12288xi32, #tpu.memory_space<vmem>>[vector<16xi32>], vector<16xi32>, vector<16xi1>
      %sub3A_484 = vector.broadcast %mul3A_2 : i32 to vector<16xi32>
      %sub3A_485 = arith.subi %get3A_466, %sub3A_484 : vector<16xi32>
      tpu.vector_store_idx %arg14[%sub3A_485], %broadcast_in_dim3A_7 masked %and3A {add = true} : memref<320xf32, #tpu.memory_space<vmem>>[vector<16xi32>], vector<16xf32>, vector<16xi1>
      %slice3A = vector.extract_strided_slice %masked_cumsum3A {offsets = [15], sizes = [1], strides = [1]} : vector<16xi32> to vector<1xi32>
      %squeeze3A = vector.extract %slice3A[0] : i32 from vector<1xi32>
      %add3A_486 = arith.addi %scan3A_463, %squeeze3A : i32
      scf.yield %add3A_486 : i32
    }
    %scan3A_49 = arith.constant 1000 : i32
    %dma_start3A_50 = arith.constant 32000 : i32
    %dma_start3A_51 = tpu.memref_slice %arg2[%dma_start3A_50] : memref<320000xi32, #tpu.memory_space<hbm>> -> memref<16000xi32, #tpu.memory_space<hbm>>
    %dma_start3A_52 = arith.constant 32000 : i32
    %dma_start3A_53 = tpu.memref_slice %arg2[%dma_start3A_52] : memref<320000xi32, #tpu.memory_space<hbm>> -> memref<16000xi32, #tpu.memory_space<hbm>>
    tpu.enqueue_dma source(%dma_start3A_53 : memref<16000xi32, #tpu.memory_space<hbm>>) target(%arg8 : memref<16000xi32, #tpu.memory_space<vmem>>) target_semaphore(%arg16 : memref<!tpu.dma_semaphore, #tpu.memory_space<semaphore_mem>>)
    %dma_start3A_54 = arith.constant 32000 : i32
    %dma_start3A_55 = tpu.memref_slice %arg3[%dma_start3A_54] : memref<320000xi32, #tpu.memory_space<hbm>> -> memref<16000xi32, #tpu.memory_space<hbm>>
    %dma_start3A_56 = arith.constant 32000 : i32
    %dma_start3A_57 = tpu.memref_slice %arg3[%dma_start3A_56] : memref<320000xi32, #tpu.memory_space<hbm>> -> memref<16000xi32, #tpu.memory_space<hbm>>
    tpu.enqueue_dma source(%dma_start3A_57 : memref<16000xi32, #tpu.memory_space<hbm>>) target(%arg9 : memref<16000xi32, #tpu.memory_space<vmem>>) target_semaphore(%arg16 : memref<!tpu.dma_semaphore, #tpu.memory_space<semaphore_mem>>)
    %dma_wait3A_58 = arith.constant 0 : i32
    %dma_wait3A_59 = tpu.memref_slice %arg2[%dma_wait3A_58] : memref<320000xi32, #tpu.memory_space<hbm>> -> memref<16000xi32, #tpu.memory_space<hbm>>
    %dma_wait3A_60 = arith.constant 0 : i32
    %dma_wait3A_61 = tpu.memref_slice %arg2[%dma_wait3A_60] : memref<320000xi32, #tpu.memory_space<hbm>> -> memref<16000xi32, #tpu.memory_space<hbm>>
    tpu.wait_dma2 semaphore(%arg17 : memref<!tpu.dma_semaphore, #tpu.memory_space<semaphore_mem>>) src(%dma_wait3A_61 : memref<16000xi32, #tpu.memory_space<hbm>>) dst(%arg10 : memref<16000xi32, #tpu.memory_space<vmem>>)
    %dma_wait3A_62 = arith.constant 0 : i32
    %dma_wait3A_63 = tpu.memref_slice %arg2[%dma_wait3A_62] : memref<320000xi32, #tpu.memory_space<hbm>> -> memref<16000xi32, #tpu.memory_space<hbm>>
    %dma_wait3A_64 = arith.constant 0 : i32
    %dma_wait3A_65 = tpu.memref_slice %arg2[%dma_wait3A_64] : memref<320000xi32, #tpu.memory_space<hbm>> -> memref<16000xi32, #tpu.memory_space<hbm>>
    tpu.wait_dma2 semaphore(%arg17 : memref<!tpu.dma_semaphore, #tpu.memory_space<semaphore_mem>>) src(%dma_wait3A_65 : memref<16000xi32, #tpu.memory_space<hbm>>) dst(%arg11 : memref<16000xi32, #tpu.memory_space<vmem>>)
    %scan3A_66 = arith.constant 0 : i32
    %scan3A_67 = arith.constant 1000 : i32
    %scan3A_68 = arith.addi %scan3A_66, %scan3A_67 : i32
    %scan3A_69 = arith.constant 1 : i32
    %scan3A_70 = scf.for %scan3A_462 = %scan3A_66 to %scan3A_68 step %scan3A_69 iter_args(%scan3A_463 = %scan3A_48) -> (i32)  : i32 {
      %mul3A_464 = arith.constant 16 : i32
      %mul3A_465 = arith.muli %scan3A_462, %mul3A_464 : i32
      %get3A = arith.index_cast %mul3A_465 : i32 to index
      %get3A_466 = tpu.vector_load %arg11[%get3A] {strides = array<i32>} : memref<16000xi32, #tpu.memory_space<vmem>>, vector<16xi32>,
      %mul3A_467 = arith.constant 16 : i32
      %mul3A_468 = arith.muli %scan3A_462, %mul3A_467 : i32
      %get3A_469 = arith.index_cast %mul3A_468 : i32 to index
      %get3A_470 = tpu.vector_load %arg10[%get3A_469] {strides = array<i32>} : memref<16000xi32, #tpu.memory_space<vmem>>, vector<16xi32>,
      %ge3A = vector.broadcast %mul3A_2 : i32 to vector<16xi32>
      %ge3A_471 = arith.cmpi sge, %get3A_466, %ge3A : vector<16xi32>
      %lt3A = vector.broadcast %add3A_4 : i32 to vector<16xi32>
      %lt3A_472 = arith.cmpi slt, %get3A_466, %lt3A : vector<16xi32>
      %and3A = arith.andi %ge3A_471, %lt3A_472 : vector<16xi1>
      %convert_element_type3A = arith.extui %and3A : vector<16xi1> to vector<16xi32>
      %broadcast_in_dim3A_473 = arith.constant true
      %broadcast_in_dim3A_474 = vector.broadcast %broadcast_in_dim3A_473 : i1 to vector<16xi1>
      %masked_cumsum3A = tpu.scan <sum>, %convert_element_type3A masked %broadcast_in_dim3A_474 : vector<16xi32>, vector<16xi1> -> vector<16xi32>
      %add3A_475 = vector.broadcast %scan3A_463 : i32 to vector<16xi32>
      %add3A_476 = arith.addi %add3A_475, %masked_cumsum3A : vector<16xi32>
      %sub3A = arith.constant 1 : i32
      %sub3A_477 = vector.broadcast %sub3A : i32 to vector<16xi32>
      %sub3A_478 = arith.subi %add3A_476, %sub3A_477 : vector<16xi32>
      tpu.vector_store_idx %arg12[%sub3A_478], %get3A_470 masked %and3A : memref<12288xi32, #tpu.memory_space<vmem>>[vector<16xi32>], vector<16xi32>, vector<16xi1>
      %sub3A_479 = vector.broadcast %mul3A_2 : i32 to vector<16xi32>
      %sub3A_480 = arith.subi %get3A_466, %sub3A_479 : vector<16xi32>
      %mul3A_481 = arith.constant 64 : i32
      %mul3A_482 = vector.broadcast %mul3A_481 : i32 to vector<16xi32>
      %mul3A_483 = arith.muli %sub3A_480, %mul3A_482 : vector<16xi32>
      tpu.vector_store_idx %arg13[%sub3A_478], %mul3A_483 masked %and3A : memref<12288xi32, #tpu.memory_space<vmem>>[vector<16xi32>], vector<16xi32>, vector<16xi1>
      %sub3A_484 = vector.broadcast %mul3A_2 : i32 to vector<16xi32>
      %sub3A_485 = arith.subi %get3A_466, %sub3A_484 : vector<16xi32>
      tpu.vector_store_idx %arg14[%sub3A_485], %broadcast_in_dim3A_7 masked %and3A {add = true} : memref<320xf32, #tpu.memory_space<vmem>>[vector<16xi32>], vector<16xf32>, vector<16xi1>
      %slice3A = vector.extract_strided_slice %masked_cumsum3A {offsets = [15], sizes = [1], strides = [1]} : vector<16xi32> to vector<1xi32>
      %squeeze3A = vector.extract %slice3A[0] : i32 from vector<1xi32>
      %add3A_486 = arith.addi %scan3A_463, %squeeze3A : i32
      scf.yield %add3A_486 : i32
    }
    %scan3A_71 = arith.constant 1000 : i32
    %dma_start3A_72 = arith.constant 48000 : i32
    %dma_start3A_73 = tpu.memref_slice %arg2[%dma_start3A_72] : memref<320000xi32, #tpu.memory_space<hbm>> -> memref<16000xi32, #tpu.memory_space<hbm>>
    %dma_start3A_74 = arith.constant 48000 : i32
    %dma_start3A_75 = tpu.memref_slice %arg2[%dma_start3A_74] : memref<320000xi32, #tpu.memory_space<hbm>> -> memref<16000xi32, #tpu.memory_space<hbm>>
    tpu.enqueue_dma source(%dma_start3A_75 : memref<16000xi32, #tpu.memory_space<hbm>>) target(%arg10 : memref<16000xi32, #tpu.memory_space<vmem>>) target_semaphore(%arg17 : memref<!tpu.dma_semaphore, #tpu.memory_space<semaphore_mem>>)
    %dma_start3A_76 = arith.constant 48000 : i32
    %dma_start3A_77 = tpu.memref_slice %arg3[%dma_start3A_76] : memref<320000xi32, #tpu.memory_space<hbm>> -> memref<16000xi32, #tpu.memory_space<hbm>>
    %dma_start3A_78 = arith.constant 48000 : i32
    %dma_start3A_79 = tpu.memref_slice %arg3[%dma_start3A_78] : memref<320000xi32, #tpu.memory_space<hbm>> -> memref<16000xi32, #tpu.memory_space<hbm>>
    tpu.enqueue_dma source(%dma_start3A_79 : memref<16000xi32, #tpu.memory_space<hbm>>) target(%arg11 : memref<16000xi32, #tpu.memory_space<vmem>>) target_semaphore(%arg17 : memref<!tpu.dma_semaphore, #tpu.memory_space<semaphore_mem>>)
    %dma_wait3A_80 = arith.constant 0 : i32
    %dma_wait3A_81 = tpu.memref_slice %arg2[%dma_wait3A_80] : memref<320000xi32, #tpu.memory_space<hbm>> -> memref<16000xi32, #tpu.memory_space<hbm>>
    %dma_wait3A_82 = arith.constant 0 : i32
    %dma_wait3A_83 = tpu.memref_slice %arg2[%dma_wait3A_82] : memref<320000xi32, #tpu.memory_space<hbm>> -> memref<16000xi32, #tpu.memory_space<hbm>>
    tpu.wait_dma2 semaphore(%arg16 : memref<!tpu.dma_semaphore, #tpu.memory_space<semaphore_mem>>) src(%dma_wait3A_83 : memref<16000xi32, #tpu.memory_space<hbm>>) dst(%arg8 : memref<16000xi32, #tpu.memory_space<vmem>>)
    %dma_wait3A_84 = arith.constant 0 : i32
    %dma_wait3A_85 = tpu.memref_slice %arg2[%dma_wait3A_84] : memref<320000xi32, #tpu.memory_space<hbm>> -> memref<16000xi32, #tpu.memory_space<hbm>>
    %dma_wait3A_86 = arith.constant 0 : i32
    %dma_wait3A_87 = tpu.memref_slice %arg2[%dma_wait3A_86] : memref<320000xi32, #tpu.memory_space<hbm>> -> memref<16000xi32, #tpu.memory_space<hbm>>
    tpu.wait_dma2 semaphore(%arg16 : memref<!tpu.dma_semaphore, #tpu.memory_space<semaphore_mem>>) src(%dma_wait3A_87 : memref<16000xi32, #tpu.memory_space<hbm>>) dst(%arg9 : memref<16000xi32, #tpu.memory_space<vmem>>)
    %scan3A_88 = arith.constant 0 : i32
    %scan3A_89 = arith.constant 1000 : i32
    %scan3A_90 = arith.addi %scan3A_88, %scan3A_89 : i32
    %scan3A_91 = arith.constant 1 : i32
    %scan3A_92 = scf.for %scan3A_462 = %scan3A_88 to %scan3A_90 step %scan3A_91 iter_args(%scan3A_463 = %scan3A_70) -> (i32)  : i32 {
      %mul3A_464 = arith.constant 16 : i32
      %mul3A_465 = arith.muli %scan3A_462, %mul3A_464 : i32
      %get3A = arith.index_cast %mul3A_465 : i32 to index
      %get3A_466 = tpu.vector_load %arg9[%get3A] {strides = array<i32>} : memref<16000xi32, #tpu.memory_space<vmem>>, vector<16xi32>,
      %mul3A_467 = arith.constant 16 : i32
      %mul3A_468 = arith.muli %scan3A_462, %mul3A_467 : i32
      %get3A_469 = arith.index_cast %mul3A_468 : i32 to index
      %get3A_470 = tpu.vector_load %arg8[%get3A_469] {strides = array<i32>} : memref<16000xi32, #tpu.memory_space<vmem>>, vector<16xi32>,
      %ge3A = vector.broadcast %mul3A_2 : i32 to vector<16xi32>
      %ge3A_471 = arith.cmpi sge, %get3A_466, %ge3A : vector<16xi32>
      %lt3A = vector.broadcast %add3A_4 : i32 to vector<16xi32>
      %lt3A_472 = arith.cmpi slt, %get3A_466, %lt3A : vector<16xi32>
      %and3A = arith.andi %ge3A_471, %lt3A_472 : vector<16xi1>
      %convert_element_type3A = arith.extui %and3A : vector<16xi1> to vector<16xi32>
      %broadcast_in_dim3A_473 = arith.constant true
      %broadcast_in_dim3A_474 = vector.broadcast %broadcast_in_dim3A_473 : i1 to vector<16xi1>
      %masked_cumsum3A = tpu.scan <sum>, %convert_element_type3A masked %broadcast_in_dim3A_474 : vector<16xi32>, vector<16xi1> -> vector<16xi32>
      %add3A_475 = vector.broadcast %scan3A_463 : i32 to vector<16xi32>
      %add3A_476 = arith.addi %add3A_475, %masked_cumsum3A : vector<16xi32>
      %sub3A = arith.constant 1 : i32
      %sub3A_477 = vector.broadcast %sub3A : i32 to vector<16xi32>
      %sub3A_478 = arith.subi %add3A_476, %sub3A_477 : vector<16xi32>
      tpu.vector_store_idx %arg12[%sub3A_478], %get3A_470 masked %and3A : memref<12288xi32, #tpu.memory_space<vmem>>[vector<16xi32>], vector<16xi32>, vector<16xi1>
      %sub3A_479 = vector.broadcast %mul3A_2 : i32 to vector<16xi32>
      %sub3A_480 = arith.subi %get3A_466, %sub3A_479 : vector<16xi32>
      %mul3A_481 = arith.constant 64 : i32
      %mul3A_482 = vector.broadcast %mul3A_481 : i32 to vector<16xi32>
      %mul3A_483 = arith.muli %sub3A_480, %mul3A_482 : vector<16xi32>
      tpu.vector_store_idx %arg13[%sub3A_478], %mul3A_483 masked %and3A : memref<12288xi32, #tpu.memory_space<vmem>>[vector<16xi32>], vector<16xi32>, vector<16xi1>
      %sub3A_484 = vector.broadcast %mul3A_2 : i32 to vector<16xi32>
      %sub3A_485 = arith.subi %get3A_466, %sub3A_484 : vector<16xi32>
      tpu.vector_store_idx %arg14[%sub3A_485], %broadcast_in_dim3A_7 masked %and3A {add = true} : memref<320xf32, #tpu.memory_space<vmem>>[vector<16xi32>], vector<16xf32>, vector<16xi1>
      %slice3A = vector.extract_strided_slice %masked_cumsum3A {offsets = [15], sizes = [1], strides = [1]} : vector<16xi32> to vector<1xi32>
      %squeeze3A = vector.extract %slice3A[0] : i32 from vector<1xi32>
      %add3A_486 = arith.addi %scan3A_463, %squeeze3A : i32
      scf.yield %add3A_486 : i32
    }
    %scan3A_93 = arith.constant 1000 : i32
    %dma_start3A_94 = arith.constant 64000 : i32
    %dma_start3A_95 = tpu.memref_slice %arg2[%dma_start3A_94] : memref<320000xi32, #tpu.memory_space<hbm>> -> memref<16000xi32, #tpu.memory_space<hbm>>
    %dma_start3A_96 = arith.constant 64000 : i32
    %dma_start3A_97 = tpu.memref_slice %arg2[%dma_start3A_96] : memref<320000xi32, #tpu.memory_space<hbm>> -> memref<16000xi32, #tpu.memory_space<hbm>>
    tpu.enqueue_dma source(%dma_start3A_97 : memref<16000xi32, #tpu.memory_space<hbm>>) target(%arg8 : memref<16000xi32, #tpu.memory_space<vmem>>) target_semaphore(%arg16 : memref<!tpu.dma_semaphore, #tpu.memory_space<semaphore_mem>>)
    %dma_start3A_98 = arith.constant 64000 : i32
    %dma_start3A_99 = tpu.memref_slice %arg3[%dma_start3A_98] : memref<320000xi32, #tpu.memory_space<hbm>> -> memref<16000xi32, #tpu.memory_space<hbm>>
    %dma_start3A_100 = arith.constant 64000 : i32
    %dma_start3A_101 = tpu.memref_slice %arg3[%dma_start3A_100] : memref<320000xi32, #tpu.memory_space<hbm>> -> memref<16000xi32, #tpu.memory_space<hbm>>
    tpu.enqueue_dma source(%dma_start3A_101 : memref<16000xi32, #tpu.memory_space<hbm>>) target(%arg9 : memref<16000xi32, #tpu.memory_space<vmem>>) target_semaphore(%arg16 : memref<!tpu.dma_semaphore, #tpu.memory_space<semaphore_mem>>)
    %dma_wait3A_102 = arith.constant 0 : i32
    %dma_wait3A_103 = tpu.memref_slice %arg2[%dma_wait3A_102] : memref<320000xi32, #tpu.memory_space<hbm>> -> memref<16000xi32, #tpu.memory_space<hbm>>
    %dma_wait3A_104 = arith.constant 0 : i32
    %dma_wait3A_105 = tpu.memref_slice %arg2[%dma_wait3A_104] : memref<320000xi32, #tpu.memory_space<hbm>> -> memref<16000xi32, #tpu.memory_space<hbm>>
    tpu.wait_dma2 semaphore(%arg17 : memref<!tpu.dma_semaphore, #tpu.memory_space<semaphore_mem>>) src(%dma_wait3A_105 : memref<16000xi32, #tpu.memory_space<hbm>>) dst(%arg10 : memref<16000xi32, #tpu.memory_space<vmem>>)
    %dma_wait3A_106 = arith.constant 0 : i32
    %dma_wait3A_107 = tpu.memref_slice %arg2[%dma_wait3A_106] : memref<320000xi32, #tpu.memory_space<hbm>> -> memref<16000xi32, #tpu.memory_space<hbm>>
    %dma_wait3A_108 = arith.constant 0 : i32
    %dma_wait3A_109 = tpu.memref_slice %arg2[%dma_wait3A_108] : memref<320000xi32, #tpu.memory_space<hbm>> -> memref<16000xi32, #tpu.memory_space<hbm>>
    tpu.wait_dma2 semaphore(%arg17 : memref<!tpu.dma_semaphore, #tpu.memory_space<semaphore_mem>>) src(%dma_wait3A_109 : memref<16000xi32, #tpu.memory_space<hbm>>) dst(%arg11 : memref<16000xi32, #tpu.memory_space<vmem>>)
    %scan3A_110 = arith.constant 0 : i32
    %scan3A_111 = arith.constant 1000 : i32
    %scan3A_112 = arith.addi %scan3A_110, %scan3A_111 : i32
    %scan3A_113 = arith.constant 1 : i32
    %scan3A_114 = scf.for %scan3A_462 = %scan3A_110 to %scan3A_112 step %scan3A_113 iter_args(%scan3A_463 = %scan3A_92) -> (i32)  : i32 {
      %mul3A_464 = arith.constant 16 : i32
      %mul3A_465 = arith.muli %scan3A_462, %mul3A_464 : i32
      %get3A = arith.index_cast %mul3A_465 : i32 to index
      %get3A_466 = tpu.vector_load %arg11[%get3A] {strides = array<i32>} : memref<16000xi32, #tpu.memory_space<vmem>>, vector<16xi32>,
      %mul3A_467 = arith.constant 16 : i32
      %mul3A_468 = arith.muli %scan3A_462, %mul3A_467 : i32
      %get3A_469 = arith.index_cast %mul3A_468 : i32 to index
      %get3A_470 = tpu.vector_load %arg10[%get3A_469] {strides = array<i32>} : memref<16000xi32, #tpu.memory_space<vmem>>, vector<16xi32>,
      %ge3A = vector.broadcast %mul3A_2 : i32 to vector<16xi32>
      %ge3A_471 = arith.cmpi sge, %get3A_466, %ge3A : vector<16xi32>
      %lt3A = vector.broadcast %add3A_4 : i32 to vector<16xi32>
      %lt3A_472 = arith.cmpi slt, %get3A_466, %lt3A : vector<16xi32>
      %and3A = arith.andi %ge3A_471, %lt3A_472 : vector<16xi1>
      %convert_element_type3A = arith.extui %and3A : vector<16xi1> to vector<16xi32>
      %broadcast_in_dim3A_473 = arith.constant true
      %broadcast_in_dim3A_474 = vector.broadcast %broadcast_in_dim3A_473 : i1 to vector<16xi1>
      %masked_cumsum3A = tpu.scan <sum>, %convert_element_type3A masked %broadcast_in_dim3A_474 : vector<16xi32>, vector<16xi1> -> vector<16xi32>
      %add3A_475 = vector.broadcast %scan3A_463 : i32 to vector<16xi32>
      %add3A_476 = arith.addi %add3A_475, %masked_cumsum3A : vector<16xi32>
      %sub3A = arith.constant 1 : i32
      %sub3A_477 = vector.broadcast %sub3A : i32 to vector<16xi32>
      %sub3A_478 = arith.subi %add3A_476, %sub3A_477 : vector<16xi32>
      tpu.vector_store_idx %arg12[%sub3A_478], %get3A_470 masked %and3A : memref<12288xi32, #tpu.memory_space<vmem>>[vector<16xi32>], vector<16xi32>, vector<16xi1>
      %sub3A_479 = vector.broadcast %mul3A_2 : i32 to vector<16xi32>
      %sub3A_480 = arith.subi %get3A_466, %sub3A_479 : vector<16xi32>
      %mul3A_481 = arith.constant 64 : i32
      %mul3A_482 = vector.broadcast %mul3A_481 : i32 to vector<16xi32>
      %mul3A_483 = arith.muli %sub3A_480, %mul3A_482 : vector<16xi32>
      tpu.vector_store_idx %arg13[%sub3A_478], %mul3A_483 masked %and3A : memref<12288xi32, #tpu.memory_space<vmem>>[vector<16xi32>], vector<16xi32>, vector<16xi1>
      %sub3A_484 = vector.broadcast %mul3A_2 : i32 to vector<16xi32>
      %sub3A_485 = arith.subi %get3A_466, %sub3A_484 : vector<16xi32>
      tpu.vector_store_idx %arg14[%sub3A_485], %broadcast_in_dim3A_7 masked %and3A {add = true} : memref<320xf32, #tpu.memory_space<vmem>>[vector<16xi32>], vector<16xf32>, vector<16xi1>
      %slice3A = vector.extract_strided_slice %masked_cumsum3A {offsets = [15], sizes = [1], strides = [1]} : vector<16xi32> to vector<1xi32>
      %squeeze3A = vector.extract %slice3A[0] : i32 from vector<1xi32>
      %add3A_486 = arith.addi %scan3A_463, %squeeze3A : i32
      scf.yield %add3A_486 : i32
    }
    %scan3A_115 = arith.constant 1000 : i32
    %dma_start3A_116 = arith.constant 80000 : i32
    %dma_start3A_117 = tpu.memref_slice %arg2[%dma_start3A_116] : memref<320000xi32, #tpu.memory_space<hbm>> -> memref<16000xi32, #tpu.memory_space<hbm>>
    %dma_start3A_118 = arith.constant 80000 : i32
    %dma_start3A_119 = tpu.memref_slice %arg2[%dma_start3A_118] : memref<320000xi32, #tpu.memory_space<hbm>> -> memref<16000xi32, #tpu.memory_space<hbm>>
    tpu.enqueue_dma source(%dma_start3A_119 : memref<16000xi32, #tpu.memory_space<hbm>>) target(%arg10 : memref<16000xi32, #tpu.memory_space<vmem>>) target_semaphore(%arg17 : memref<!tpu.dma_semaphore, #tpu.memory_space<semaphore_mem>>)
    %dma_start3A_120 = arith.constant 80000 : i32
    %dma_start3A_121 = tpu.memref_slice %arg3[%dma_start3A_120] : memref<320000xi32, #tpu.memory_space<hbm>> -> memref<16000xi32, #tpu.memory_space<hbm>>
    %dma_start3A_122 = arith.constant 80000 : i32
    %dma_start3A_123 = tpu.memref_slice %arg3[%dma_start3A_122] : memref<320000xi32, #tpu.memory_space<hbm>> -> memref<16000xi32, #tpu.memory_space<hbm>>
    tpu.enqueue_dma source(%dma_start3A_123 : memref<16000xi32, #tpu.memory_space<hbm>>) target(%arg11 : memref<16000xi32, #tpu.memory_space<vmem>>) target_semaphore(%arg17 : memref<!tpu.dma_semaphore, #tpu.memory_space<semaphore_mem>>)
    %dma_wait3A_124 = arith.constant 0 : i32
    %dma_wait3A_125 = tpu.memref_slice %arg2[%dma_wait3A_124] : memref<320000xi32, #tpu.memory_space<hbm>> -> memref<16000xi32, #tpu.memory_space<hbm>>
    %dma_wait3A_126 = arith.constant 0 : i32
    %dma_wait3A_127 = tpu.memref_slice %arg2[%dma_wait3A_126] : memref<320000xi32, #tpu.memory_space<hbm>> -> memref<16000xi32, #tpu.memory_space<hbm>>
    tpu.wait_dma2 semaphore(%arg16 : memref<!tpu.dma_semaphore, #tpu.memory_space<semaphore_mem>>) src(%dma_wait3A_127 : memref<16000xi32, #tpu.memory_space<hbm>>) dst(%arg8 : memref<16000xi32, #tpu.memory_space<vmem>>)
    %dma_wait3A_128 = arith.constant 0 : i32
    %dma_wait3A_129 = tpu.memref_slice %arg2[%dma_wait3A_128] : memref<320000xi32, #tpu.memory_space<hbm>> -> memref<16000xi32, #tpu.memory_space<hbm>>
    %dma_wait3A_130 = arith.constant 0 : i32
    %dma_wait3A_131 = tpu.memref_slice %arg2[%dma_wait3A_130] : memref<320000xi32, #tpu.memory_space<hbm>> -> memref<16000xi32, #tpu.memory_space<hbm>>
    tpu.wait_dma2 semaphore(%arg16 : memref<!tpu.dma_semaphore, #tpu.memory_space<semaphore_mem>>) src(%dma_wait3A_131 : memref<16000xi32, #tpu.memory_space<hbm>>) dst(%arg9 : memref<16000xi32, #tpu.memory_space<vmem>>)
    %scan3A_132 = arith.constant 0 : i32
    %scan3A_133 = arith.constant 1000 : i32
    %scan3A_134 = arith.addi %scan3A_132, %scan3A_133 : i32
    %scan3A_135 = arith.constant 1 : i32
    %scan3A_136 = scf.for %scan3A_462 = %scan3A_132 to %scan3A_134 step %scan3A_135 iter_args(%scan3A_463 = %scan3A_114) -> (i32)  : i32 {
      %mul3A_464 = arith.constant 16 : i32
      %mul3A_465 = arith.muli %scan3A_462, %mul3A_464 : i32
      %get3A = arith.index_cast %mul3A_465 : i32 to index
      %get3A_466 = tpu.vector_load %arg9[%get3A] {strides = array<i32>} : memref<16000xi32, #tpu.memory_space<vmem>>, vector<16xi32>,
      %mul3A_467 = arith.constant 16 : i32
      %mul3A_468 = arith.muli %scan3A_462, %mul3A_467 : i32
      %get3A_469 = arith.index_cast %mul3A_468 : i32 to index
      %get3A_470 = tpu.vector_load %arg8[%get3A_469] {strides = array<i32>} : memref<16000xi32, #tpu.memory_space<vmem>>, vector<16xi32>,
      %ge3A = vector.broadcast %mul3A_2 : i32 to vector<16xi32>
      %ge3A_471 = arith.cmpi sge, %get3A_466, %ge3A : vector<16xi32>
      %lt3A = vector.broadcast %add3A_4 : i32 to vector<16xi32>
      %lt3A_472 = arith.cmpi slt, %get3A_466, %lt3A : vector<16xi32>
      %and3A = arith.andi %ge3A_471, %lt3A_472 : vector<16xi1>
      %convert_element_type3A = arith.extui %and3A : vector<16xi1> to vector<16xi32>
      %broadcast_in_dim3A_473 = arith.constant true
      %broadcast_in_dim3A_474 = vector.broadcast %broadcast_in_dim3A_473 : i1 to vector<16xi1>
      %masked_cumsum3A = tpu.scan <sum>, %convert_element_type3A masked %broadcast_in_dim3A_474 : vector<16xi32>, vector<16xi1> -> vector<16xi32>
      %add3A_475 = vector.broadcast %scan3A_463 : i32 to vector<16xi32>
      %add3A_476 = arith.addi %add3A_475, %masked_cumsum3A : vector<16xi32>
      %sub3A = arith.constant 1 : i32
      %sub3A_477 = vector.broadcast %sub3A : i32 to vector<16xi32>
      %sub3A_478 = arith.subi %add3A_476, %sub3A_477 : vector<16xi32>
      tpu.vector_store_idx %arg12[%sub3A_478], %get3A_470 masked %and3A : memref<12288xi32, #tpu.memory_space<vmem>>[vector<16xi32>], vector<16xi32>, vector<16xi1>
      %sub3A_479 = vector.broadcast %mul3A_2 : i32 to vector<16xi32>
      %sub3A_480 = arith.subi %get3A_466, %sub3A_479 : vector<16xi32>
      %mul3A_481 = arith.constant 64 : i32
      %mul3A_482 = vector.broadcast %mul3A_481 : i32 to vector<16xi32>
      %mul3A_483 = arith.muli %sub3A_480, %mul3A_482 : vector<16xi32>
      tpu.vector_store_idx %arg13[%sub3A_478], %mul3A_483 masked %and3A : memref<12288xi32, #tpu.memory_space<vmem>>[vector<16xi32>], vector<16xi32>, vector<16xi1>
      %sub3A_484 = vector.broadcast %mul3A_2 : i32 to vector<16xi32>
      %sub3A_485 = arith.subi %get3A_466, %sub3A_484 : vector<16xi32>
      tpu.vector_store_idx %arg14[%sub3A_485], %broadcast_in_dim3A_7 masked %and3A {add = true} : memref<320xf32, #tpu.memory_space<vmem>>[vector<16xi32>], vector<16xf32>, vector<16xi1>
      %slice3A = vector.extract_strided_slice %masked_cumsum3A {offsets = [15], sizes = [1], strides = [1]} : vector<16xi32> to vector<1xi32>
      %squeeze3A = vector.extract %slice3A[0] : i32 from vector<1xi32>
      %add3A_486 = arith.addi %scan3A_463, %squeeze3A : i32
      scf.yield %add3A_486 : i32
    }
    %scan3A_137 = arith.constant 1000 : i32
    %dma_start3A_138 = arith.constant 96000 : i32
    %dma_start3A_139 = tpu.memref_slice %arg2[%dma_start3A_138] : memref<320000xi32, #tpu.memory_space<hbm>> -> memref<16000xi32, #tpu.memory_space<hbm>>
    %dma_start3A_140 = arith.constant 96000 : i32
    %dma_start3A_141 = tpu.memref_slice %arg2[%dma_start3A_140] : memref<320000xi32, #tpu.memory_space<hbm>> -> memref<16000xi32, #tpu.memory_space<hbm>>
    tpu.enqueue_dma source(%dma_start3A_141 : memref<16000xi32, #tpu.memory_space<hbm>>) target(%arg8 : memref<16000xi32, #tpu.memory_space<vmem>>) target_semaphore(%arg16 : memref<!tpu.dma_semaphore, #tpu.memory_space<semaphore_mem>>)
    %dma_start3A_142 = arith.constant 96000 : i32
    %dma_start3A_143 = tpu.memref_slice %arg3[%dma_start3A_142] : memref<320000xi32, #tpu.memory_space<hbm>> -> memref<16000xi32, #tpu.memory_space<hbm>>
    %dma_start3A_144 = arith.constant 96000 : i32
    %dma_start3A_145 = tpu.memref_slice %arg3[%dma_start3A_144] : memref<320000xi32, #tpu.memory_space<hbm>> -> memref<16000xi32, #tpu.memory_space<hbm>>
    tpu.enqueue_dma source(%dma_start3A_145 : memref<16000xi32, #tpu.memory_space<hbm>>) target(%arg9 : memref<16000xi32, #tpu.memory_space<vmem>>) target_semaphore(%arg16 : memref<!tpu.dma_semaphore, #tpu.memory_space<semaphore_mem>>)
    %dma_wait3A_146 = arith.constant 0 : i32
    %dma_wait3A_147 = tpu.memref_slice %arg2[%dma_wait3A_146] : memref<320000xi32, #tpu.memory_space<hbm>> -> memref<16000xi32, #tpu.memory_space<hbm>>
    %dma_wait3A_148 = arith.constant 0 : i32
    %dma_wait3A_149 = tpu.memref_slice %arg2[%dma_wait3A_148] : memref<320000xi32, #tpu.memory_space<hbm>> -> memref<16000xi32, #tpu.memory_space<hbm>>
    tpu.wait_dma2 semaphore(%arg17 : memref<!tpu.dma_semaphore, #tpu.memory_space<semaphore_mem>>) src(%dma_wait3A_149 : memref<16000xi32, #tpu.memory_space<hbm>>) dst(%arg10 : memref<16000xi32, #tpu.memory_space<vmem>>)
    %dma_wait3A_150 = arith.constant 0 : i32
    %dma_wait3A_151 = tpu.memref_slice %arg2[%dma_wait3A_150] : memref<320000xi32, #tpu.memory_space<hbm>> -> memref<16000xi32, #tpu.memory_space<hbm>>
    %dma_wait3A_152 = arith.constant 0 : i32
    %dma_wait3A_153 = tpu.memref_slice %arg2[%dma_wait3A_152] : memref<320000xi32, #tpu.memory_space<hbm>> -> memref<16000xi32, #tpu.memory_space<hbm>>
    tpu.wait_dma2 semaphore(%arg17 : memref<!tpu.dma_semaphore, #tpu.memory_space<semaphore_mem>>) src(%dma_wait3A_153 : memref<16000xi32, #tpu.memory_space<hbm>>) dst(%arg11 : memref<16000xi32, #tpu.memory_space<vmem>>)
    %scan3A_154 = arith.constant 0 : i32
    %scan3A_155 = arith.constant 1000 : i32
    %scan3A_156 = arith.addi %scan3A_154, %scan3A_155 : i32
    %scan3A_157 = arith.constant 1 : i32
    %scan3A_158 = scf.for %scan3A_462 = %scan3A_154 to %scan3A_156 step %scan3A_157 iter_args(%scan3A_463 = %scan3A_136) -> (i32)  : i32 {
      %mul3A_464 = arith.constant 16 : i32
      %mul3A_465 = arith.muli %scan3A_462, %mul3A_464 : i32
      %get3A = arith.index_cast %mul3A_465 : i32 to index
      %get3A_466 = tpu.vector_load %arg11[%get3A] {strides = array<i32>} : memref<16000xi32, #tpu.memory_space<vmem>>, vector<16xi32>,
      %mul3A_467 = arith.constant 16 : i32
      %mul3A_468 = arith.muli %scan3A_462, %mul3A_467 : i32
      %get3A_469 = arith.index_cast %mul3A_468 : i32 to index
      %get3A_470 = tpu.vector_load %arg10[%get3A_469] {strides = array<i32>} : memref<16000xi32, #tpu.memory_space<vmem>>, vector<16xi32>,
      %ge3A = vector.broadcast %mul3A_2 : i32 to vector<16xi32>
      %ge3A_471 = arith.cmpi sge, %get3A_466, %ge3A : vector<16xi32>
      %lt3A = vector.broadcast %add3A_4 : i32 to vector<16xi32>
      %lt3A_472 = arith.cmpi slt, %get3A_466, %lt3A : vector<16xi32>
      %and3A = arith.andi %ge3A_471, %lt3A_472 : vector<16xi1>
      %convert_element_type3A = arith.extui %and3A : vector<16xi1> to vector<16xi32>
      %broadcast_in_dim3A_473 = arith.constant true
      %broadcast_in_dim3A_474 = vector.broadcast %broadcast_in_dim3A_473 : i1 to vector<16xi1>
      %masked_cumsum3A = tpu.scan <sum>, %convert_element_type3A masked %broadcast_in_dim3A_474 : vector<16xi32>, vector<16xi1> -> vector<16xi32>
      %add3A_475 = vector.broadcast %scan3A_463 : i32 to vector<16xi32>
      %add3A_476 = arith.addi %add3A_475, %masked_cumsum3A : vector<16xi32>
      %sub3A = arith.constant 1 : i32
      %sub3A_477 = vector.broadcast %sub3A : i32 to vector<16xi32>
      %sub3A_478 = arith.subi %add3A_476, %sub3A_477 : vector<16xi32>
      tpu.vector_store_idx %arg12[%sub3A_478], %get3A_470 masked %and3A : memref<12288xi32, #tpu.memory_space<vmem>>[vector<16xi32>], vector<16xi32>, vector<16xi1>
      %sub3A_479 = vector.broadcast %mul3A_2 : i32 to vector<16xi32>
      %sub3A_480 = arith.subi %get3A_466, %sub3A_479 : vector<16xi32>
      %mul3A_481 = arith.constant 64 : i32
      %mul3A_482 = vector.broadcast %mul3A_481 : i32 to vector<16xi32>
      %mul3A_483 = arith.muli %sub3A_480, %mul3A_482 : vector<16xi32>
      tpu.vector_store_idx %arg13[%sub3A_478], %mul3A_483 masked %and3A : memref<12288xi32, #tpu.memory_space<vmem>>[vector<16xi32>], vector<16xi32>, vector<16xi1>
      %sub3A_484 = vector.broadcast %mul3A_2 : i32 to vector<16xi32>
      %sub3A_485 = arith.subi %get3A_466, %sub3A_484 : vector<16xi32>
      tpu.vector_store_idx %arg14[%sub3A_485], %broadcast_in_dim3A_7 masked %and3A {add = true} : memref<320xf32, #tpu.memory_space<vmem>>[vector<16xi32>], vector<16xf32>, vector<16xi1>
      %slice3A = vector.extract_strided_slice %masked_cumsum3A {offsets = [15], sizes = [1], strides = [1]} : vector<16xi32> to vector<1xi32>
      %squeeze3A = vector.extract %slice3A[0] : i32 from vector<1xi32>
      %add3A_486 = arith.addi %scan3A_463, %squeeze3A : i32
      scf.yield %add3A_486 : i32
    }
    %scan3A_159 = arith.constant 1000 : i32
    %dma_start3A_160 = arith.constant 112000 : i32
    %dma_start3A_161 = tpu.memref_slice %arg2[%dma_start3A_160] : memref<320000xi32, #tpu.memory_space<hbm>> -> memref<16000xi32, #tpu.memory_space<hbm>>
    %dma_start3A_162 = arith.constant 112000 : i32
    %dma_start3A_163 = tpu.memref_slice %arg2[%dma_start3A_162] : memref<320000xi32, #tpu.memory_space<hbm>> -> memref<16000xi32, #tpu.memory_space<hbm>>
    tpu.enqueue_dma source(%dma_start3A_163 : memref<16000xi32, #tpu.memory_space<hbm>>) target(%arg10 : memref<16000xi32, #tpu.memory_space<vmem>>) target_semaphore(%arg17 : memref<!tpu.dma_semaphore, #tpu.memory_space<semaphore_mem>>)
    %dma_start3A_164 = arith.constant 112000 : i32
    %dma_start3A_165 = tpu.memref_slice %arg3[%dma_start3A_164] : memref<320000xi32, #tpu.memory_space<hbm>> -> memref<16000xi32, #tpu.memory_space<hbm>>
    %dma_start3A_166 = arith.constant 112000 : i32
    %dma_start3A_167 = tpu.memref_slice %arg3[%dma_start3A_166] : memref<320000xi32, #tpu.memory_space<hbm>> -> memref<16000xi32, #tpu.memory_space<hbm>>
    tpu.enqueue_dma source(%dma_start3A_167 : memref<16000xi32, #tpu.memory_space<hbm>>) target(%arg11 : memref<16000xi32, #tpu.memory_space<vmem>>) target_semaphore(%arg17 : memref<!tpu.dma_semaphore, #tpu.memory_space<semaphore_mem>>)
    %dma_wait3A_168 = arith.constant 0 : i32
    %dma_wait3A_169 = tpu.memref_slice %arg2[%dma_wait3A_168] : memref<320000xi32, #tpu.memory_space<hbm>> -> memref<16000xi32, #tpu.memory_space<hbm>>
    %dma_wait3A_170 = arith.constant 0 : i32
    %dma_wait3A_171 = tpu.memref_slice %arg2[%dma_wait3A_170] : memref<320000xi32, #tpu.memory_space<hbm>> -> memref<16000xi32, #tpu.memory_space<hbm>>
    tpu.wait_dma2 semaphore(%arg16 : memref<!tpu.dma_semaphore, #tpu.memory_space<semaphore_mem>>) src(%dma_wait3A_171 : memref<16000xi32, #tpu.memory_space<hbm>>) dst(%arg8 : memref<16000xi32, #tpu.memory_space<vmem>>)
    %dma_wait3A_172 = arith.constant 0 : i32
    %dma_wait3A_173 = tpu.memref_slice %arg2[%dma_wait3A_172] : memref<320000xi32, #tpu.memory_space<hbm>> -> memref<16000xi32, #tpu.memory_space<hbm>>
    %dma_wait3A_174 = arith.constant 0 : i32
    %dma_wait3A_175 = tpu.memref_slice %arg2[%dma_wait3A_174] : memref<320000xi32, #tpu.memory_space<hbm>> -> memref<16000xi32, #tpu.memory_space<hbm>>
    tpu.wait_dma2 semaphore(%arg16 : memref<!tpu.dma_semaphore, #tpu.memory_space<semaphore_mem>>) src(%dma_wait3A_175 : memref<16000xi32, #tpu.memory_space<hbm>>) dst(%arg9 : memref<16000xi32, #tpu.memory_space<vmem>>)
    %scan3A_176 = arith.constant 0 : i32
    %scan3A_177 = arith.constant 1000 : i32
    %scan3A_178 = arith.addi %scan3A_176, %scan3A_177 : i32
    %scan3A_179 = arith.constant 1 : i32
    %scan3A_180 = scf.for %scan3A_462 = %scan3A_176 to %scan3A_178 step %scan3A_179 iter_args(%scan3A_463 = %scan3A_158) -> (i32)  : i32 {
      %mul3A_464 = arith.constant 16 : i32
      %mul3A_465 = arith.muli %scan3A_462, %mul3A_464 : i32
      %get3A = arith.index_cast %mul3A_465 : i32 to index
      %get3A_466 = tpu.vector_load %arg9[%get3A] {strides = array<i32>} : memref<16000xi32, #tpu.memory_space<vmem>>, vector<16xi32>,
      %mul3A_467 = arith.constant 16 : i32
      %mul3A_468 = arith.muli %scan3A_462, %mul3A_467 : i32
      %get3A_469 = arith.index_cast %mul3A_468 : i32 to index
      %get3A_470 = tpu.vector_load %arg8[%get3A_469] {strides = array<i32>} : memref<16000xi32, #tpu.memory_space<vmem>>, vector<16xi32>,
      %ge3A = vector.broadcast %mul3A_2 : i32 to vector<16xi32>
      %ge3A_471 = arith.cmpi sge, %get3A_466, %ge3A : vector<16xi32>
      %lt3A = vector.broadcast %add3A_4 : i32 to vector<16xi32>
      %lt3A_472 = arith.cmpi slt, %get3A_466, %lt3A : vector<16xi32>
      %and3A = arith.andi %ge3A_471, %lt3A_472 : vector<16xi1>
      %convert_element_type3A = arith.extui %and3A : vector<16xi1> to vector<16xi32>
      %broadcast_in_dim3A_473 = arith.constant true
      %broadcast_in_dim3A_474 = vector.broadcast %broadcast_in_dim3A_473 : i1 to vector<16xi1>
      %masked_cumsum3A = tpu.scan <sum>, %convert_element_type3A masked %broadcast_in_dim3A_474 : vector<16xi32>, vector<16xi1> -> vector<16xi32>
      %add3A_475 = vector.broadcast %scan3A_463 : i32 to vector<16xi32>
      %add3A_476 = arith.addi %add3A_475, %masked_cumsum3A : vector<16xi32>
      %sub3A = arith.constant 1 : i32
      %sub3A_477 = vector.broadcast %sub3A : i32 to vector<16xi32>
      %sub3A_478 = arith.subi %add3A_476, %sub3A_477 : vector<16xi32>
      tpu.vector_store_idx %arg12[%sub3A_478], %get3A_470 masked %and3A : memref<12288xi32, #tpu.memory_space<vmem>>[vector<16xi32>], vector<16xi32>, vector<16xi1>
      %sub3A_479 = vector.broadcast %mul3A_2 : i32 to vector<16xi32>
      %sub3A_480 = arith.subi %get3A_466, %sub3A_479 : vector<16xi32>
      %mul3A_481 = arith.constant 64 : i32
      %mul3A_482 = vector.broadcast %mul3A_481 : i32 to vector<16xi32>
      %mul3A_483 = arith.muli %sub3A_480, %mul3A_482 : vector<16xi32>
      tpu.vector_store_idx %arg13[%sub3A_478], %mul3A_483 masked %and3A : memref<12288xi32, #tpu.memory_space<vmem>>[vector<16xi32>], vector<16xi32>, vector<16xi1>
      %sub3A_484 = vector.broadcast %mul3A_2 : i32 to vector<16xi32>
      %sub3A_485 = arith.subi %get3A_466, %sub3A_484 : vector<16xi32>
      tpu.vector_store_idx %arg14[%sub3A_485], %broadcast_in_dim3A_7 masked %and3A {add = true} : memref<320xf32, #tpu.memory_space<vmem>>[vector<16xi32>], vector<16xf32>, vector<16xi1>
      %slice3A = vector.extract_strided_slice %masked_cumsum3A {offsets = [15], sizes = [1], strides = [1]} : vector<16xi32> to vector<1xi32>
      %squeeze3A = vector.extract %slice3A[0] : i32 from vector<1xi32>
      %add3A_486 = arith.addi %scan3A_463, %squeeze3A : i32
      scf.yield %add3A_486 : i32
    }
    %scan3A_181 = arith.constant 1000 : i32
    %dma_start3A_182 = arith.constant 128000 : i32
    %dma_start3A_183 = tpu.memref_slice %arg2[%dma_start3A_182] : memref<320000xi32, #tpu.memory_space<hbm>> -> memref<16000xi32, #tpu.memory_space<hbm>>
    %dma_start3A_184 = arith.constant 128000 : i32
    %dma_start3A_185 = tpu.memref_slice %arg2[%dma_start3A_184] : memref<320000xi32, #tpu.memory_space<hbm>> -> memref<16000xi32, #tpu.memory_space<hbm>>
    tpu.enqueue_dma source(%dma_start3A_185 : memref<16000xi32, #tpu.memory_space<hbm>>) target(%arg8 : memref<16000xi32, #tpu.memory_space<vmem>>) target_semaphore(%arg16 : memref<!tpu.dma_semaphore, #tpu.memory_space<semaphore_mem>>)
    %dma_start3A_186 = arith.constant 128000 : i32
    %dma_start3A_187 = tpu.memref_slice %arg3[%dma_start3A_186] : memref<320000xi32, #tpu.memory_space<hbm>> -> memref<16000xi32, #tpu.memory_space<hbm>>
    %dma_start3A_188 = arith.constant 128000 : i32
    %dma_start3A_189 = tpu.memref_slice %arg3[%dma_start3A_188] : memref<320000xi32, #tpu.memory_space<hbm>> -> memref<16000xi32, #tpu.memory_space<hbm>>
    tpu.enqueue_dma source(%dma_start3A_189 : memref<16000xi32, #tpu.memory_space<hbm>>) target(%arg9 : memref<16000xi32, #tpu.memory_space<vmem>>) target_semaphore(%arg16 : memref<!tpu.dma_semaphore, #tpu.memory_space<semaphore_mem>>)
    %dma_wait3A_190 = arith.constant 0 : i32
    %dma_wait3A_191 = tpu.memref_slice %arg2[%dma_wait3A_190] : memref<320000xi32, #tpu.memory_space<hbm>> -> memref<16000xi32, #tpu.memory_space<hbm>>
    %dma_wait3A_192 = arith.constant 0 : i32
    %dma_wait3A_193 = tpu.memref_slice %arg2[%dma_wait3A_192] : memref<320000xi32, #tpu.memory_space<hbm>> -> memref<16000xi32, #tpu.memory_space<hbm>>
    tpu.wait_dma2 semaphore(%arg17 : memref<!tpu.dma_semaphore, #tpu.memory_space<semaphore_mem>>) src(%dma_wait3A_193 : memref<16000xi32, #tpu.memory_space<hbm>>) dst(%arg10 : memref<16000xi32, #tpu.memory_space<vmem>>)
    %dma_wait3A_194 = arith.constant 0 : i32
    %dma_wait3A_195 = tpu.memref_slice %arg2[%dma_wait3A_194] : memref<320000xi32, #tpu.memory_space<hbm>> -> memref<16000xi32, #tpu.memory_space<hbm>>
    %dma_wait3A_196 = arith.constant 0 : i32
    %dma_wait3A_197 = tpu.memref_slice %arg2[%dma_wait3A_196] : memref<320000xi32, #tpu.memory_space<hbm>> -> memref<16000xi32, #tpu.memory_space<hbm>>
    tpu.wait_dma2 semaphore(%arg17 : memref<!tpu.dma_semaphore, #tpu.memory_space<semaphore_mem>>) src(%dma_wait3A_197 : memref<16000xi32, #tpu.memory_space<hbm>>) dst(%arg11 : memref<16000xi32, #tpu.memory_space<vmem>>)
    %scan3A_198 = arith.constant 0 : i32
    %scan3A_199 = arith.constant 1000 : i32
    %scan3A_200 = arith.addi %scan3A_198, %scan3A_199 : i32
    %scan3A_201 = arith.constant 1 : i32
    %scan3A_202 = scf.for %scan3A_462 = %scan3A_198 to %scan3A_200 step %scan3A_201 iter_args(%scan3A_463 = %scan3A_180) -> (i32)  : i32 {
      %mul3A_464 = arith.constant 16 : i32
      %mul3A_465 = arith.muli %scan3A_462, %mul3A_464 : i32
      %get3A = arith.index_cast %mul3A_465 : i32 to index
      %get3A_466 = tpu.vector_load %arg11[%get3A] {strides = array<i32>} : memref<16000xi32, #tpu.memory_space<vmem>>, vector<16xi32>,
      %mul3A_467 = arith.constant 16 : i32
      %mul3A_468 = arith.muli %scan3A_462, %mul3A_467 : i32
      %get3A_469 = arith.index_cast %mul3A_468 : i32 to index
      %get3A_470 = tpu.vector_load %arg10[%get3A_469] {strides = array<i32>} : memref<16000xi32, #tpu.memory_space<vmem>>, vector<16xi32>,
      %ge3A = vector.broadcast %mul3A_2 : i32 to vector<16xi32>
      %ge3A_471 = arith.cmpi sge, %get3A_466, %ge3A : vector<16xi32>
      %lt3A = vector.broadcast %add3A_4 : i32 to vector<16xi32>
      %lt3A_472 = arith.cmpi slt, %get3A_466, %lt3A : vector<16xi32>
      %and3A = arith.andi %ge3A_471, %lt3A_472 : vector<16xi1>
      %convert_element_type3A = arith.extui %and3A : vector<16xi1> to vector<16xi32>
      %broadcast_in_dim3A_473 = arith.constant true
      %broadcast_in_dim3A_474 = vector.broadcast %broadcast_in_dim3A_473 : i1 to vector<16xi1>
      %masked_cumsum3A = tpu.scan <sum>, %convert_element_type3A masked %broadcast_in_dim3A_474 : vector<16xi32>, vector<16xi1> -> vector<16xi32>
      %add3A_475 = vector.broadcast %scan3A_463 : i32 to vector<16xi32>
      %add3A_476 = arith.addi %add3A_475, %masked_cumsum3A : vector<16xi32>
      %sub3A = arith.constant 1 : i32
      %sub3A_477 = vector.broadcast %sub3A : i32 to vector<16xi32>
      %sub3A_478 = arith.subi %add3A_476, %sub3A_477 : vector<16xi32>
      tpu.vector_store_idx %arg12[%sub3A_478], %get3A_470 masked %and3A : memref<12288xi32, #tpu.memory_space<vmem>>[vector<16xi32>], vector<16xi32>, vector<16xi1>
      %sub3A_479 = vector.broadcast %mul3A_2 : i32 to vector<16xi32>
      %sub3A_480 = arith.subi %get3A_466, %sub3A_479 : vector<16xi32>
      %mul3A_481 = arith.constant 64 : i32
      %mul3A_482 = vector.broadcast %mul3A_481 : i32 to vector<16xi32>
      %mul3A_483 = arith.muli %sub3A_480, %mul3A_482 : vector<16xi32>
      tpu.vector_store_idx %arg13[%sub3A_478], %mul3A_483 masked %and3A : memref<12288xi32, #tpu.memory_space<vmem>>[vector<16xi32>], vector<16xi32>, vector<16xi1>
      %sub3A_484 = vector.broadcast %mul3A_2 : i32 to vector<16xi32>
      %sub3A_485 = arith.subi %get3A_466, %sub3A_484 : vector<16xi32>
      tpu.vector_store_idx %arg14[%sub3A_485], %broadcast_in_dim3A_7 masked %and3A {add = true} : memref<320xf32, #tpu.memory_space<vmem>>[vector<16xi32>], vector<16xf32>, vector<16xi1>
      %slice3A = vector.extract_strided_slice %masked_cumsum3A {offsets = [15], sizes = [1], strides = [1]} : vector<16xi32> to vector<1xi32>
      %squeeze3A = vector.extract %slice3A[0] : i32 from vector<1xi32>
      %add3A_486 = arith.addi %scan3A_463, %squeeze3A : i32
      scf.yield %add3A_486 : i32
    }
    %scan3A_203 = arith.constant 1000 : i32
    %dma_start3A_204 = arith.constant 144000 : i32
    %dma_start3A_205 = tpu.memref_slice %arg2[%dma_start3A_204] : memref<320000xi32, #tpu.memory_space<hbm>> -> memref<16000xi32, #tpu.memory_space<hbm>>
    %dma_start3A_206 = arith.constant 144000 : i32
    %dma_start3A_207 = tpu.memref_slice %arg2[%dma_start3A_206] : memref<320000xi32, #tpu.memory_space<hbm>> -> memref<16000xi32, #tpu.memory_space<hbm>>
    tpu.enqueue_dma source(%dma_start3A_207 : memref<16000xi32, #tpu.memory_space<hbm>>) target(%arg10 : memref<16000xi32, #tpu.memory_space<vmem>>) target_semaphore(%arg17 : memref<!tpu.dma_semaphore, #tpu.memory_space<semaphore_mem>>)
    %dma_start3A_208 = arith.constant 144000 : i32
    %dma_start3A_209 = tpu.memref_slice %arg3[%dma_start3A_208] : memref<320000xi32, #tpu.memory_space<hbm>> -> memref<16000xi32, #tpu.memory_space<hbm>>
    %dma_start3A_210 = arith.constant 144000 : i32
    %dma_start3A_211 = tpu.memref_slice %arg3[%dma_start3A_210] : memref<320000xi32, #tpu.memory_space<hbm>> -> memref<16000xi32, #tpu.memory_space<hbm>>
    tpu.enqueue_dma source(%dma_start3A_211 : memref<16000xi32, #tpu.memory_space<hbm>>) target(%arg11 : memref<16000xi32, #tpu.memory_space<vmem>>) target_semaphore(%arg17 : memref<!tpu.dma_semaphore, #tpu.memory_space<semaphore_mem>>)
    %dma_wait3A_212 = arith.constant 0 : i32
    %dma_wait3A_213 = tpu.memref_slice %arg2[%dma_wait3A_212] : memref<320000xi32, #tpu.memory_space<hbm>> -> memref<16000xi32, #tpu.memory_space<hbm>>
    %dma_wait3A_214 = arith.constant 0 : i32
    %dma_wait3A_215 = tpu.memref_slice %arg2[%dma_wait3A_214] : memref<320000xi32, #tpu.memory_space<hbm>> -> memref<16000xi32, #tpu.memory_space<hbm>>
    tpu.wait_dma2 semaphore(%arg16 : memref<!tpu.dma_semaphore, #tpu.memory_space<semaphore_mem>>) src(%dma_wait3A_215 : memref<16000xi32, #tpu.memory_space<hbm>>) dst(%arg8 : memref<16000xi32, #tpu.memory_space<vmem>>)
    %dma_wait3A_216 = arith.constant 0 : i32
    %dma_wait3A_217 = tpu.memref_slice %arg2[%dma_wait3A_216] : memref<320000xi32, #tpu.memory_space<hbm>> -> memref<16000xi32, #tpu.memory_space<hbm>>
    %dma_wait3A_218 = arith.constant 0 : i32
    %dma_wait3A_219 = tpu.memref_slice %arg2[%dma_wait3A_218] : memref<320000xi32, #tpu.memory_space<hbm>> -> memref<16000xi32, #tpu.memory_space<hbm>>
    tpu.wait_dma2 semaphore(%arg16 : memref<!tpu.dma_semaphore, #tpu.memory_space<semaphore_mem>>) src(%dma_wait3A_219 : memref<16000xi32, #tpu.memory_space<hbm>>) dst(%arg9 : memref<16000xi32, #tpu.memory_space<vmem>>)
    %scan3A_220 = arith.constant 0 : i32
    %scan3A_221 = arith.constant 1000 : i32
    %scan3A_222 = arith.addi %scan3A_220, %scan3A_221 : i32
    %scan3A_223 = arith.constant 1 : i32
    %scan3A_224 = scf.for %scan3A_462 = %scan3A_220 to %scan3A_222 step %scan3A_223 iter_args(%scan3A_463 = %scan3A_202) -> (i32)  : i32 {
      %mul3A_464 = arith.constant 16 : i32
      %mul3A_465 = arith.muli %scan3A_462, %mul3A_464 : i32
      %get3A = arith.index_cast %mul3A_465 : i32 to index
      %get3A_466 = tpu.vector_load %arg9[%get3A] {strides = array<i32>} : memref<16000xi32, #tpu.memory_space<vmem>>, vector<16xi32>,
      %mul3A_467 = arith.constant 16 : i32
      %mul3A_468 = arith.muli %scan3A_462, %mul3A_467 : i32
      %get3A_469 = arith.index_cast %mul3A_468 : i32 to index
      %get3A_470 = tpu.vector_load %arg8[%get3A_469] {strides = array<i32>} : memref<16000xi32, #tpu.memory_space<vmem>>, vector<16xi32>,
      %ge3A = vector.broadcast %mul3A_2 : i32 to vector<16xi32>
      %ge3A_471 = arith.cmpi sge, %get3A_466, %ge3A : vector<16xi32>
      %lt3A = vector.broadcast %add3A_4 : i32 to vector<16xi32>
      %lt3A_472 = arith.cmpi slt, %get3A_466, %lt3A : vector<16xi32>
      %and3A = arith.andi %ge3A_471, %lt3A_472 : vector<16xi1>
      %convert_element_type3A = arith.extui %and3A : vector<16xi1> to vector<16xi32>
      %broadcast_in_dim3A_473 = arith.constant true
      %broadcast_in_dim3A_474 = vector.broadcast %broadcast_in_dim3A_473 : i1 to vector<16xi1>
      %masked_cumsum3A = tpu.scan <sum>, %convert_element_type3A masked %broadcast_in_dim3A_474 : vector<16xi32>, vector<16xi1> -> vector<16xi32>
      %add3A_475 = vector.broadcast %scan3A_463 : i32 to vector<16xi32>
      %add3A_476 = arith.addi %add3A_475, %masked_cumsum3A : vector<16xi32>
      %sub3A = arith.constant 1 : i32
      %sub3A_477 = vector.broadcast %sub3A : i32 to vector<16xi32>
      %sub3A_478 = arith.subi %add3A_476, %sub3A_477 : vector<16xi32>
      tpu.vector_store_idx %arg12[%sub3A_478], %get3A_470 masked %and3A : memref<12288xi32, #tpu.memory_space<vmem>>[vector<16xi32>], vector<16xi32>, vector<16xi1>
      %sub3A_479 = vector.broadcast %mul3A_2 : i32 to vector<16xi32>
      %sub3A_480 = arith.subi %get3A_466, %sub3A_479 : vector<16xi32>
      %mul3A_481 = arith.constant 64 : i32
      %mul3A_482 = vector.broadcast %mul3A_481 : i32 to vector<16xi32>
      %mul3A_483 = arith.muli %sub3A_480, %mul3A_482 : vector<16xi32>
      tpu.vector_store_idx %arg13[%sub3A_478], %mul3A_483 masked %and3A : memref<12288xi32, #tpu.memory_space<vmem>>[vector<16xi32>], vector<16xi32>, vector<16xi1>
      %sub3A_484 = vector.broadcast %mul3A_2 : i32 to vector<16xi32>
      %sub3A_485 = arith.subi %get3A_466, %sub3A_484 : vector<16xi32>
      tpu.vector_store_idx %arg14[%sub3A_485], %broadcast_in_dim3A_7 masked %and3A {add = true} : memref<320xf32, #tpu.memory_space<vmem>>[vector<16xi32>], vector<16xf32>, vector<16xi1>
      %slice3A = vector.extract_strided_slice %masked_cumsum3A {offsets = [15], sizes = [1], strides = [1]} : vector<16xi32> to vector<1xi32>
      %squeeze3A = vector.extract %slice3A[0] : i32 from vector<1xi32>
      %add3A_486 = arith.addi %scan3A_463, %squeeze3A : i32
      scf.yield %add3A_486 : i32
    }
    %scan3A_225 = arith.constant 1000 : i32
    %dma_start3A_226 = arith.constant 160000 : i32
    %dma_start3A_227 = tpu.memref_slice %arg2[%dma_start3A_226] : memref<320000xi32, #tpu.memory_space<hbm>> -> memref<16000xi32, #tpu.memory_space<hbm>>
    %dma_start3A_228 = arith.constant 160000 : i32
    %dma_start3A_229 = tpu.memref_slice %arg2[%dma_start3A_228] : memref<320000xi32, #tpu.memory_space<hbm>> -> memref<16000xi32, #tpu.memory_space<hbm>>
    tpu.enqueue_dma source(%dma_start3A_229 : memref<16000xi32, #tpu.memory_space<hbm>>) target(%arg8 : memref<16000xi32, #tpu.memory_space<vmem>>) target_semaphore(%arg16 : memref<!tpu.dma_semaphore, #tpu.memory_space<semaphore_mem>>)
    %dma_start3A_230 = arith.constant 160000 : i32
    %dma_start3A_231 = tpu.memref_slice %arg3[%dma_start3A_230] : memref<320000xi32, #tpu.memory_space<hbm>> -> memref<16000xi32, #tpu.memory_space<hbm>>
    %dma_start3A_232 = arith.constant 160000 : i32
    %dma_start3A_233 = tpu.memref_slice %arg3[%dma_start3A_232] : memref<320000xi32, #tpu.memory_space<hbm>> -> memref<16000xi32, #tpu.memory_space<hbm>>
    tpu.enqueue_dma source(%dma_start3A_233 : memref<16000xi32, #tpu.memory_space<hbm>>) target(%arg9 : memref<16000xi32, #tpu.memory_space<vmem>>) target_semaphore(%arg16 : memref<!tpu.dma_semaphore, #tpu.memory_space<semaphore_mem>>)
    %dma_wait3A_234 = arith.constant 0 : i32
    %dma_wait3A_235 = tpu.memref_slice %arg2[%dma_wait3A_234] : memref<320000xi32, #tpu.memory_space<hbm>> -> memref<16000xi32, #tpu.memory_space<hbm>>
    %dma_wait3A_236 = arith.constant 0 : i32
    %dma_wait3A_237 = tpu.memref_slice %arg2[%dma_wait3A_236] : memref<320000xi32, #tpu.memory_space<hbm>> -> memref<16000xi32, #tpu.memory_space<hbm>>
    tpu.wait_dma2 semaphore(%arg17 : memref<!tpu.dma_semaphore, #tpu.memory_space<semaphore_mem>>) src(%dma_wait3A_237 : memref<16000xi32, #tpu.memory_space<hbm>>) dst(%arg10 : memref<16000xi32, #tpu.memory_space<vmem>>)
    %dma_wait3A_238 = arith.constant 0 : i32
    %dma_wait3A_239 = tpu.memref_slice %arg2[%dma_wait3A_238] : memref<320000xi32, #tpu.memory_space<hbm>> -> memref<16000xi32, #tpu.memory_space<hbm>>
    %dma_wait3A_240 = arith.constant 0 : i32
    %dma_wait3A_241 = tpu.memref_slice %arg2[%dma_wait3A_240] : memref<320000xi32, #tpu.memory_space<hbm>> -> memref<16000xi32, #tpu.memory_space<hbm>>
    tpu.wait_dma2 semaphore(%arg17 : memref<!tpu.dma_semaphore, #tpu.memory_space<semaphore_mem>>) src(%dma_wait3A_241 : memref<16000xi32, #tpu.memory_space<hbm>>) dst(%arg11 : memref<16000xi32, #tpu.memory_space<vmem>>)
    %scan3A_242 = arith.constant 0 : i32
    %scan3A_243 = arith.constant 1000 : i32
    %scan3A_244 = arith.addi %scan3A_242, %scan3A_243 : i32
    %scan3A_245 = arith.constant 1 : i32
    %scan3A_246 = scf.for %scan3A_462 = %scan3A_242 to %scan3A_244 step %scan3A_245 iter_args(%scan3A_463 = %scan3A_224) -> (i32)  : i32 {
      %mul3A_464 = arith.constant 16 : i32
      %mul3A_465 = arith.muli %scan3A_462, %mul3A_464 : i32
      %get3A = arith.index_cast %mul3A_465 : i32 to index
      %get3A_466 = tpu.vector_load %arg11[%get3A] {strides = array<i32>} : memref<16000xi32, #tpu.memory_space<vmem>>, vector<16xi32>,
      %mul3A_467 = arith.constant 16 : i32
      %mul3A_468 = arith.muli %scan3A_462, %mul3A_467 : i32
      %get3A_469 = arith.index_cast %mul3A_468 : i32 to index
      %get3A_470 = tpu.vector_load %arg10[%get3A_469] {strides = array<i32>} : memref<16000xi32, #tpu.memory_space<vmem>>, vector<16xi32>,
      %ge3A = vector.broadcast %mul3A_2 : i32 to vector<16xi32>
      %ge3A_471 = arith.cmpi sge, %get3A_466, %ge3A : vector<16xi32>
      %lt3A = vector.broadcast %add3A_4 : i32 to vector<16xi32>
      %lt3A_472 = arith.cmpi slt, %get3A_466, %lt3A : vector<16xi32>
      %and3A = arith.andi %ge3A_471, %lt3A_472 : vector<16xi1>
      %convert_element_type3A = arith.extui %and3A : vector<16xi1> to vector<16xi32>
      %broadcast_in_dim3A_473 = arith.constant true
      %broadcast_in_dim3A_474 = vector.broadcast %broadcast_in_dim3A_473 : i1 to vector<16xi1>
      %masked_cumsum3A = tpu.scan <sum>, %convert_element_type3A masked %broadcast_in_dim3A_474 : vector<16xi32>, vector<16xi1> -> vector<16xi32>
      %add3A_475 = vector.broadcast %scan3A_463 : i32 to vector<16xi32>
      %add3A_476 = arith.addi %add3A_475, %masked_cumsum3A : vector<16xi32>
      %sub3A = arith.constant 1 : i32
      %sub3A_477 = vector.broadcast %sub3A : i32 to vector<16xi32>
      %sub3A_478 = arith.subi %add3A_476, %sub3A_477 : vector<16xi32>
      tpu.vector_store_idx %arg12[%sub3A_478], %get3A_470 masked %and3A : memref<12288xi32, #tpu.memory_space<vmem>>[vector<16xi32>], vector<16xi32>, vector<16xi1>
      %sub3A_479 = vector.broadcast %mul3A_2 : i32 to vector<16xi32>
      %sub3A_480 = arith.subi %get3A_466, %sub3A_479 : vector<16xi32>
      %mul3A_481 = arith.constant 64 : i32
      %mul3A_482 = vector.broadcast %mul3A_481 : i32 to vector<16xi32>
      %mul3A_483 = arith.muli %sub3A_480, %mul3A_482 : vector<16xi32>
      tpu.vector_store_idx %arg13[%sub3A_478], %mul3A_483 masked %and3A : memref<12288xi32, #tpu.memory_space<vmem>>[vector<16xi32>], vector<16xi32>, vector<16xi1>
      %sub3A_484 = vector.broadcast %mul3A_2 : i32 to vector<16xi32>
      %sub3A_485 = arith.subi %get3A_466, %sub3A_484 : vector<16xi32>
      tpu.vector_store_idx %arg14[%sub3A_485], %broadcast_in_dim3A_7 masked %and3A {add = true} : memref<320xf32, #tpu.memory_space<vmem>>[vector<16xi32>], vector<16xf32>, vector<16xi1>
      %slice3A = vector.extract_strided_slice %masked_cumsum3A {offsets = [15], sizes = [1], strides = [1]} : vector<16xi32> to vector<1xi32>
      %squeeze3A = vector.extract %slice3A[0] : i32 from vector<1xi32>
      %add3A_486 = arith.addi %scan3A_463, %squeeze3A : i32
      scf.yield %add3A_486 : i32
    }
    %scan3A_247 = arith.constant 1000 : i32
    %dma_start3A_248 = arith.constant 176000 : i32
    %dma_start3A_249 = tpu.memref_slice %arg2[%dma_start3A_248] : memref<320000xi32, #tpu.memory_space<hbm>> -> memref<16000xi32, #tpu.memory_space<hbm>>
    %dma_start3A_250 = arith.constant 176000 : i32
    %dma_start3A_251 = tpu.memref_slice %arg2[%dma_start3A_250] : memref<320000xi32, #tpu.memory_space<hbm>> -> memref<16000xi32, #tpu.memory_space<hbm>>
    tpu.enqueue_dma source(%dma_start3A_251 : memref<16000xi32, #tpu.memory_space<hbm>>) target(%arg10 : memref<16000xi32, #tpu.memory_space<vmem>>) target_semaphore(%arg17 : memref<!tpu.dma_semaphore, #tpu.memory_space<semaphore_mem>>)
    %dma_start3A_252 = arith.constant 176000 : i32
    %dma_start3A_253 = tpu.memref_slice %arg3[%dma_start3A_252] : memref<320000xi32, #tpu.memory_space<hbm>> -> memref<16000xi32, #tpu.memory_space<hbm>>
    %dma_start3A_254 = arith.constant 176000 : i32
    %dma_start3A_255 = tpu.memref_slice %arg3[%dma_start3A_254] : memref<320000xi32, #tpu.memory_space<hbm>> -> memref<16000xi32, #tpu.memory_space<hbm>>
    tpu.enqueue_dma source(%dma_start3A_255 : memref<16000xi32, #tpu.memory_space<hbm>>) target(%arg11 : memref<16000xi32, #tpu.memory_space<vmem>>) target_semaphore(%arg17 : memref<!tpu.dma_semaphore, #tpu.memory_space<semaphore_mem>>)
    %dma_wait3A_256 = arith.constant 0 : i32
    %dma_wait3A_257 = tpu.memref_slice %arg2[%dma_wait3A_256] : memref<320000xi32, #tpu.memory_space<hbm>> -> memref<16000xi32, #tpu.memory_space<hbm>>
    %dma_wait3A_258 = arith.constant 0 : i32
    %dma_wait3A_259 = tpu.memref_slice %arg2[%dma_wait3A_258] : memref<320000xi32, #tpu.memory_space<hbm>> -> memref<16000xi32, #tpu.memory_space<hbm>>
    tpu.wait_dma2 semaphore(%arg16 : memref<!tpu.dma_semaphore, #tpu.memory_space<semaphore_mem>>) src(%dma_wait3A_259 : memref<16000xi32, #tpu.memory_space<hbm>>) dst(%arg8 : memref<16000xi32, #tpu.memory_space<vmem>>)
    %dma_wait3A_260 = arith.constant 0 : i32
    %dma_wait3A_261 = tpu.memref_slice %arg2[%dma_wait3A_260] : memref<320000xi32, #tpu.memory_space<hbm>> -> memref<16000xi32, #tpu.memory_space<hbm>>
    %dma_wait3A_262 = arith.constant 0 : i32
    %dma_wait3A_263 = tpu.memref_slice %arg2[%dma_wait3A_262] : memref<320000xi32, #tpu.memory_space<hbm>> -> memref<16000xi32, #tpu.memory_space<hbm>>
    tpu.wait_dma2 semaphore(%arg16 : memref<!tpu.dma_semaphore, #tpu.memory_space<semaphore_mem>>) src(%dma_wait3A_263 : memref<16000xi32, #tpu.memory_space<hbm>>) dst(%arg9 : memref<16000xi32, #tpu.memory_space<vmem>>)
    %scan3A_264 = arith.constant 0 : i32
    %scan3A_265 = arith.constant 1000 : i32
    %scan3A_266 = arith.addi %scan3A_264, %scan3A_265 : i32
    %scan3A_267 = arith.constant 1 : i32
    %scan3A_268 = scf.for %scan3A_462 = %scan3A_264 to %scan3A_266 step %scan3A_267 iter_args(%scan3A_463 = %scan3A_246) -> (i32)  : i32 {
      %mul3A_464 = arith.constant 16 : i32
      %mul3A_465 = arith.muli %scan3A_462, %mul3A_464 : i32
      %get3A = arith.index_cast %mul3A_465 : i32 to index
      %get3A_466 = tpu.vector_load %arg9[%get3A] {strides = array<i32>} : memref<16000xi32, #tpu.memory_space<vmem>>, vector<16xi32>,
      %mul3A_467 = arith.constant 16 : i32
      %mul3A_468 = arith.muli %scan3A_462, %mul3A_467 : i32
      %get3A_469 = arith.index_cast %mul3A_468 : i32 to index
      %get3A_470 = tpu.vector_load %arg8[%get3A_469] {strides = array<i32>} : memref<16000xi32, #tpu.memory_space<vmem>>, vector<16xi32>,
      %ge3A = vector.broadcast %mul3A_2 : i32 to vector<16xi32>
      %ge3A_471 = arith.cmpi sge, %get3A_466, %ge3A : vector<16xi32>
      %lt3A = vector.broadcast %add3A_4 : i32 to vector<16xi32>
      %lt3A_472 = arith.cmpi slt, %get3A_466, %lt3A : vector<16xi32>
      %and3A = arith.andi %ge3A_471, %lt3A_472 : vector<16xi1>
      %convert_element_type3A = arith.extui %and3A : vector<16xi1> to vector<16xi32>
      %broadcast_in_dim3A_473 = arith.constant true
      %broadcast_in_dim3A_474 = vector.broadcast %broadcast_in_dim3A_473 : i1 to vector<16xi1>
      %masked_cumsum3A = tpu.scan <sum>, %convert_element_type3A masked %broadcast_in_dim3A_474 : vector<16xi32>, vector<16xi1> -> vector<16xi32>
      %add3A_475 = vector.broadcast %scan3A_463 : i32 to vector<16xi32>
      %add3A_476 = arith.addi %add3A_475, %masked_cumsum3A : vector<16xi32>
      %sub3A = arith.constant 1 : i32
      %sub3A_477 = vector.broadcast %sub3A : i32 to vector<16xi32>
      %sub3A_478 = arith.subi %add3A_476, %sub3A_477 : vector<16xi32>
      tpu.vector_store_idx %arg12[%sub3A_478], %get3A_470 masked %and3A : memref<12288xi32, #tpu.memory_space<vmem>>[vector<16xi32>], vector<16xi32>, vector<16xi1>
      %sub3A_479 = vector.broadcast %mul3A_2 : i32 to vector<16xi32>
      %sub3A_480 = arith.subi %get3A_466, %sub3A_479 : vector<16xi32>
      %mul3A_481 = arith.constant 64 : i32
      %mul3A_482 = vector.broadcast %mul3A_481 : i32 to vector<16xi32>
      %mul3A_483 = arith.muli %sub3A_480, %mul3A_482 : vector<16xi32>
      tpu.vector_store_idx %arg13[%sub3A_478], %mul3A_483 masked %and3A : memref<12288xi32, #tpu.memory_space<vmem>>[vector<16xi32>], vector<16xi32>, vector<16xi1>
      %sub3A_484 = vector.broadcast %mul3A_2 : i32 to vector<16xi32>
      %sub3A_485 = arith.subi %get3A_466, %sub3A_484 : vector<16xi32>
      tpu.vector_store_idx %arg14[%sub3A_485], %broadcast_in_dim3A_7 masked %and3A {add = true} : memref<320xf32, #tpu.memory_space<vmem>>[vector<16xi32>], vector<16xf32>, vector<16xi1>
      %slice3A = vector.extract_strided_slice %masked_cumsum3A {offsets = [15], sizes = [1], strides = [1]} : vector<16xi32> to vector<1xi32>
      %squeeze3A = vector.extract %slice3A[0] : i32 from vector<1xi32>
      %add3A_486 = arith.addi %scan3A_463, %squeeze3A : i32
      scf.yield %add3A_486 : i32
    }
    %scan3A_269 = arith.constant 1000 : i32
    %dma_start3A_270 = arith.constant 192000 : i32
    %dma_start3A_271 = tpu.memref_slice %arg2[%dma_start3A_270] : memref<320000xi32, #tpu.memory_space<hbm>> -> memref<16000xi32, #tpu.memory_space<hbm>>
    %dma_start3A_272 = arith.constant 192000 : i32
    %dma_start3A_273 = tpu.memref_slice %arg2[%dma_start3A_272] : memref<320000xi32, #tpu.memory_space<hbm>> -> memref<16000xi32, #tpu.memory_space<hbm>>
    tpu.enqueue_dma source(%dma_start3A_273 : memref<16000xi32, #tpu.memory_space<hbm>>) target(%arg8 : memref<16000xi32, #tpu.memory_space<vmem>>) target_semaphore(%arg16 : memref<!tpu.dma_semaphore, #tpu.memory_space<semaphore_mem>>)
    %dma_start3A_274 = arith.constant 192000 : i32
    %dma_start3A_275 = tpu.memref_slice %arg3[%dma_start3A_274] : memref<320000xi32, #tpu.memory_space<hbm>> -> memref<16000xi32, #tpu.memory_space<hbm>>
    %dma_start3A_276 = arith.constant 192000 : i32
    %dma_start3A_277 = tpu.memref_slice %arg3[%dma_start3A_276] : memref<320000xi32, #tpu.memory_space<hbm>> -> memref<16000xi32, #tpu.memory_space<hbm>>
    tpu.enqueue_dma source(%dma_start3A_277 : memref<16000xi32, #tpu.memory_space<hbm>>) target(%arg9 : memref<16000xi32, #tpu.memory_space<vmem>>) target_semaphore(%arg16 : memref<!tpu.dma_semaphore, #tpu.memory_space<semaphore_mem>>)
    %dma_wait3A_278 = arith.constant 0 : i32
    %dma_wait3A_279 = tpu.memref_slice %arg2[%dma_wait3A_278] : memref<320000xi32, #tpu.memory_space<hbm>> -> memref<16000xi32, #tpu.memory_space<hbm>>
    %dma_wait3A_280 = arith.constant 0 : i32
    %dma_wait3A_281 = tpu.memref_slice %arg2[%dma_wait3A_280] : memref<320000xi32, #tpu.memory_space<hbm>> -> memref<16000xi32, #tpu.memory_space<hbm>>
    tpu.wait_dma2 semaphore(%arg17 : memref<!tpu.dma_semaphore, #tpu.memory_space<semaphore_mem>>) src(%dma_wait3A_281 : memref<16000xi32, #tpu.memory_space<hbm>>) dst(%arg10 : memref<16000xi32, #tpu.memory_space<vmem>>)
    %dma_wait3A_282 = arith.constant 0 : i32
    %dma_wait3A_283 = tpu.memref_slice %arg2[%dma_wait3A_282] : memref<320000xi32, #tpu.memory_space<hbm>> -> memref<16000xi32, #tpu.memory_space<hbm>>
    %dma_wait3A_284 = arith.constant 0 : i32
    %dma_wait3A_285 = tpu.memref_slice %arg2[%dma_wait3A_284] : memref<320000xi32, #tpu.memory_space<hbm>> -> memref<16000xi32, #tpu.memory_space<hbm>>
    tpu.wait_dma2 semaphore(%arg17 : memref<!tpu.dma_semaphore, #tpu.memory_space<semaphore_mem>>) src(%dma_wait3A_285 : memref<16000xi32, #tpu.memory_space<hbm>>) dst(%arg11 : memref<16000xi32, #tpu.memory_space<vmem>>)
    %scan3A_286 = arith.constant 0 : i32
    %scan3A_287 = arith.constant 1000 : i32
    %scan3A_288 = arith.addi %scan3A_286, %scan3A_287 : i32
    %scan3A_289 = arith.constant 1 : i32
    %scan3A_290 = scf.for %scan3A_462 = %scan3A_286 to %scan3A_288 step %scan3A_289 iter_args(%scan3A_463 = %scan3A_268) -> (i32)  : i32 {
      %mul3A_464 = arith.constant 16 : i32
      %mul3A_465 = arith.muli %scan3A_462, %mul3A_464 : i32
      %get3A = arith.index_cast %mul3A_465 : i32 to index
      %get3A_466 = tpu.vector_load %arg11[%get3A] {strides = array<i32>} : memref<16000xi32, #tpu.memory_space<vmem>>, vector<16xi32>,
      %mul3A_467 = arith.constant 16 : i32
      %mul3A_468 = arith.muli %scan3A_462, %mul3A_467 : i32
      %get3A_469 = arith.index_cast %mul3A_468 : i32 to index
      %get3A_470 = tpu.vector_load %arg10[%get3A_469] {strides = array<i32>} : memref<16000xi32, #tpu.memory_space<vmem>>, vector<16xi32>,
      %ge3A = vector.broadcast %mul3A_2 : i32 to vector<16xi32>
      %ge3A_471 = arith.cmpi sge, %get3A_466, %ge3A : vector<16xi32>
      %lt3A = vector.broadcast %add3A_4 : i32 to vector<16xi32>
      %lt3A_472 = arith.cmpi slt, %get3A_466, %lt3A : vector<16xi32>
      %and3A = arith.andi %ge3A_471, %lt3A_472 : vector<16xi1>
      %convert_element_type3A = arith.extui %and3A : vector<16xi1> to vector<16xi32>
      %broadcast_in_dim3A_473 = arith.constant true
      %broadcast_in_dim3A_474 = vector.broadcast %broadcast_in_dim3A_473 : i1 to vector<16xi1>
      %masked_cumsum3A = tpu.scan <sum>, %convert_element_type3A masked %broadcast_in_dim3A_474 : vector<16xi32>, vector<16xi1> -> vector<16xi32>
      %add3A_475 = vector.broadcast %scan3A_463 : i32 to vector<16xi32>
      %add3A_476 = arith.addi %add3A_475, %masked_cumsum3A : vector<16xi32>
      %sub3A = arith.constant 1 : i32
      %sub3A_477 = vector.broadcast %sub3A : i32 to vector<16xi32>
      %sub3A_478 = arith.subi %add3A_476, %sub3A_477 : vector<16xi32>
      tpu.vector_store_idx %arg12[%sub3A_478], %get3A_470 masked %and3A : memref<12288xi32, #tpu.memory_space<vmem>>[vector<16xi32>], vector<16xi32>, vector<16xi1>
      %sub3A_479 = vector.broadcast %mul3A_2 : i32 to vector<16xi32>
      %sub3A_480 = arith.subi %get3A_466, %sub3A_479 : vector<16xi32>
      %mul3A_481 = arith.constant 64 : i32
      %mul3A_482 = vector.broadcast %mul3A_481 : i32 to vector<16xi32>
      %mul3A_483 = arith.muli %sub3A_480, %mul3A_482 : vector<16xi32>
      tpu.vector_store_idx %arg13[%sub3A_478], %mul3A_483 masked %and3A : memref<12288xi32, #tpu.memory_space<vmem>>[vector<16xi32>], vector<16xi32>, vector<16xi1>
      %sub3A_484 = vector.broadcast %mul3A_2 : i32 to vector<16xi32>
      %sub3A_485 = arith.subi %get3A_466, %sub3A_484 : vector<16xi32>
      tpu.vector_store_idx %arg14[%sub3A_485], %broadcast_in_dim3A_7 masked %and3A {add = true} : memref<320xf32, #tpu.memory_space<vmem>>[vector<16xi32>], vector<16xf32>, vector<16xi1>
      %slice3A = vector.extract_strided_slice %masked_cumsum3A {offsets = [15], sizes = [1], strides = [1]} : vector<16xi32> to vector<1xi32>
      %squeeze3A = vector.extract %slice3A[0] : i32 from vector<1xi32>
      %add3A_486 = arith.addi %scan3A_463, %squeeze3A : i32
      scf.yield %add3A_486 : i32
    }
    %scan3A_291 = arith.constant 1000 : i32
    %dma_start3A_292 = arith.constant 208000 : i32
    %dma_start3A_293 = tpu.memref_slice %arg2[%dma_start3A_292] : memref<320000xi32, #tpu.memory_space<hbm>> -> memref<16000xi32, #tpu.memory_space<hbm>>
    %dma_start3A_294 = arith.constant 208000 : i32
    %dma_start3A_295 = tpu.memref_slice %arg2[%dma_start3A_294] : memref<320000xi32, #tpu.memory_space<hbm>> -> memref<16000xi32, #tpu.memory_space<hbm>>
    tpu.enqueue_dma source(%dma_start3A_295 : memref<16000xi32, #tpu.memory_space<hbm>>) target(%arg10 : memref<16000xi32, #tpu.memory_space<vmem>>) target_semaphore(%arg17 : memref<!tpu.dma_semaphore, #tpu.memory_space<semaphore_mem>>)
    %dma_start3A_296 = arith.constant 208000 : i32
    %dma_start3A_297 = tpu.memref_slice %arg3[%dma_start3A_296] : memref<320000xi32, #tpu.memory_space<hbm>> -> memref<16000xi32, #tpu.memory_space<hbm>>
    %dma_start3A_298 = arith.constant 208000 : i32
    %dma_start3A_299 = tpu.memref_slice %arg3[%dma_start3A_298] : memref<320000xi32, #tpu.memory_space<hbm>> -> memref<16000xi32, #tpu.memory_space<hbm>>
    tpu.enqueue_dma source(%dma_start3A_299 : memref<16000xi32, #tpu.memory_space<hbm>>) target(%arg11 : memref<16000xi32, #tpu.memory_space<vmem>>) target_semaphore(%arg17 : memref<!tpu.dma_semaphore, #tpu.memory_space<semaphore_mem>>)
    %dma_wait3A_300 = arith.constant 0 : i32
    %dma_wait3A_301 = tpu.memref_slice %arg2[%dma_wait3A_300] : memref<320000xi32, #tpu.memory_space<hbm>> -> memref<16000xi32, #tpu.memory_space<hbm>>
    %dma_wait3A_302 = arith.constant 0 : i32
    %dma_wait3A_303 = tpu.memref_slice %arg2[%dma_wait3A_302] : memref<320000xi32, #tpu.memory_space<hbm>> -> memref<16000xi32, #tpu.memory_space<hbm>>
    tpu.wait_dma2 semaphore(%arg16 : memref<!tpu.dma_semaphore, #tpu.memory_space<semaphore_mem>>) src(%dma_wait3A_303 : memref<16000xi32, #tpu.memory_space<hbm>>) dst(%arg8 : memref<16000xi32, #tpu.memory_space<vmem>>)
    %dma_wait3A_304 = arith.constant 0 : i32
    %dma_wait3A_305 = tpu.memref_slice %arg2[%dma_wait3A_304] : memref<320000xi32, #tpu.memory_space<hbm>> -> memref<16000xi32, #tpu.memory_space<hbm>>
    %dma_wait3A_306 = arith.constant 0 : i32
    %dma_wait3A_307 = tpu.memref_slice %arg2[%dma_wait3A_306] : memref<320000xi32, #tpu.memory_space<hbm>> -> memref<16000xi32, #tpu.memory_space<hbm>>
    tpu.wait_dma2 semaphore(%arg16 : memref<!tpu.dma_semaphore, #tpu.memory_space<semaphore_mem>>) src(%dma_wait3A_307 : memref<16000xi32, #tpu.memory_space<hbm>>) dst(%arg9 : memref<16000xi32, #tpu.memory_space<vmem>>)
    %scan3A_308 = arith.constant 0 : i32
    %scan3A_309 = arith.constant 1000 : i32
    %scan3A_310 = arith.addi %scan3A_308, %scan3A_309 : i32
    %scan3A_311 = arith.constant 1 : i32
    %scan3A_312 = scf.for %scan3A_462 = %scan3A_308 to %scan3A_310 step %scan3A_311 iter_args(%scan3A_463 = %scan3A_290) -> (i32)  : i32 {
      %mul3A_464 = arith.constant 16 : i32
      %mul3A_465 = arith.muli %scan3A_462, %mul3A_464 : i32
      %get3A = arith.index_cast %mul3A_465 : i32 to index
      %get3A_466 = tpu.vector_load %arg9[%get3A] {strides = array<i32>} : memref<16000xi32, #tpu.memory_space<vmem>>, vector<16xi32>,
      %mul3A_467 = arith.constant 16 : i32
      %mul3A_468 = arith.muli %scan3A_462, %mul3A_467 : i32
      %get3A_469 = arith.index_cast %mul3A_468 : i32 to index
      %get3A_470 = tpu.vector_load %arg8[%get3A_469] {strides = array<i32>} : memref<16000xi32, #tpu.memory_space<vmem>>, vector<16xi32>,
      %ge3A = vector.broadcast %mul3A_2 : i32 to vector<16xi32>
      %ge3A_471 = arith.cmpi sge, %get3A_466, %ge3A : vector<16xi32>
      %lt3A = vector.broadcast %add3A_4 : i32 to vector<16xi32>
      %lt3A_472 = arith.cmpi slt, %get3A_466, %lt3A : vector<16xi32>
      %and3A = arith.andi %ge3A_471, %lt3A_472 : vector<16xi1>
      %convert_element_type3A = arith.extui %and3A : vector<16xi1> to vector<16xi32>
      %broadcast_in_dim3A_473 = arith.constant true
      %broadcast_in_dim3A_474 = vector.broadcast %broadcast_in_dim3A_473 : i1 to vector<16xi1>
      %masked_cumsum3A = tpu.scan <sum>, %convert_element_type3A masked %broadcast_in_dim3A_474 : vector<16xi32>, vector<16xi1> -> vector<16xi32>
      %add3A_475 = vector.broadcast %scan3A_463 : i32 to vector<16xi32>
      %add3A_476 = arith.addi %add3A_475, %masked_cumsum3A : vector<16xi32>
      %sub3A = arith.constant 1 : i32
      %sub3A_477 = vector.broadcast %sub3A : i32 to vector<16xi32>
      %sub3A_478 = arith.subi %add3A_476, %sub3A_477 : vector<16xi32>
      tpu.vector_store_idx %arg12[%sub3A_478], %get3A_470 masked %and3A : memref<12288xi32, #tpu.memory_space<vmem>>[vector<16xi32>], vector<16xi32>, vector<16xi1>
      %sub3A_479 = vector.broadcast %mul3A_2 : i32 to vector<16xi32>
      %sub3A_480 = arith.subi %get3A_466, %sub3A_479 : vector<16xi32>
      %mul3A_481 = arith.constant 64 : i32
      %mul3A_482 = vector.broadcast %mul3A_481 : i32 to vector<16xi32>
      %mul3A_483 = arith.muli %sub3A_480, %mul3A_482 : vector<16xi32>
      tpu.vector_store_idx %arg13[%sub3A_478], %mul3A_483 masked %and3A : memref<12288xi32, #tpu.memory_space<vmem>>[vector<16xi32>], vector<16xi32>, vector<16xi1>
      %sub3A_484 = vector.broadcast %mul3A_2 : i32 to vector<16xi32>
      %sub3A_485 = arith.subi %get3A_466, %sub3A_484 : vector<16xi32>
      tpu.vector_store_idx %arg14[%sub3A_485], %broadcast_in_dim3A_7 masked %and3A {add = true} : memref<320xf32, #tpu.memory_space<vmem>>[vector<16xi32>], vector<16xf32>, vector<16xi1>
      %slice3A = vector.extract_strided_slice %masked_cumsum3A {offsets = [15], sizes = [1], strides = [1]} : vector<16xi32> to vector<1xi32>
      %squeeze3A = vector.extract %slice3A[0] : i32 from vector<1xi32>
      %add3A_486 = arith.addi %scan3A_463, %squeeze3A : i32
      scf.yield %add3A_486 : i32
    }
    %scan3A_313 = arith.constant 1000 : i32
    %dma_start3A_314 = arith.constant 224000 : i32
    %dma_start3A_315 = tpu.memref_slice %arg2[%dma_start3A_314] : memref<320000xi32, #tpu.memory_space<hbm>> -> memref<16000xi32, #tpu.memory_space<hbm>>
    %dma_start3A_316 = arith.constant 224000 : i32
    %dma_start3A_317 = tpu.memref_slice %arg2[%dma_start3A_316] : memref<320000xi32, #tpu.memory_space<hbm>> -> memref<16000xi32, #tpu.memory_space<hbm>>
    tpu.enqueue_dma source(%dma_start3A_317 : memref<16000xi32, #tpu.memory_space<hbm>>) target(%arg8 : memref<16000xi32, #tpu.memory_space<vmem>>) target_semaphore(%arg16 : memref<!tpu.dma_semaphore, #tpu.memory_space<semaphore_mem>>)
    %dma_start3A_318 = arith.constant 224000 : i32
    %dma_start3A_319 = tpu.memref_slice %arg3[%dma_start3A_318] : memref<320000xi32, #tpu.memory_space<hbm>> -> memref<16000xi32, #tpu.memory_space<hbm>>
    %dma_start3A_320 = arith.constant 224000 : i32
    %dma_start3A_321 = tpu.memref_slice %arg3[%dma_start3A_320] : memref<320000xi32, #tpu.memory_space<hbm>> -> memref<16000xi32, #tpu.memory_space<hbm>>
    tpu.enqueue_dma source(%dma_start3A_321 : memref<16000xi32, #tpu.memory_space<hbm>>) target(%arg9 : memref<16000xi32, #tpu.memory_space<vmem>>) target_semaphore(%arg16 : memref<!tpu.dma_semaphore, #tpu.memory_space<semaphore_mem>>)
    %dma_wait3A_322 = arith.constant 0 : i32
    %dma_wait3A_323 = tpu.memref_slice %arg2[%dma_wait3A_322] : memref<320000xi32, #tpu.memory_space<hbm>> -> memref<16000xi32, #tpu.memory_space<hbm>>
    %dma_wait3A_324 = arith.constant 0 : i32
    %dma_wait3A_325 = tpu.memref_slice %arg2[%dma_wait3A_324] : memref<320000xi32, #tpu.memory_space<hbm>> -> memref<16000xi32, #tpu.memory_space<hbm>>
    tpu.wait_dma2 semaphore(%arg17 : memref<!tpu.dma_semaphore, #tpu.memory_space<semaphore_mem>>) src(%dma_wait3A_325 : memref<16000xi32, #tpu.memory_space<hbm>>) dst(%arg10 : memref<16000xi32, #tpu.memory_space<vmem>>)
    %dma_wait3A_326 = arith.constant 0 : i32
    %dma_wait3A_327 = tpu.memref_slice %arg2[%dma_wait3A_326] : memref<320000xi32, #tpu.memory_space<hbm>> -> memref<16000xi32, #tpu.memory_space<hbm>>
    %dma_wait3A_328 = arith.constant 0 : i32
    %dma_wait3A_329 = tpu.memref_slice %arg2[%dma_wait3A_328] : memref<320000xi32, #tpu.memory_space<hbm>> -> memref<16000xi32, #tpu.memory_space<hbm>>
    tpu.wait_dma2 semaphore(%arg17 : memref<!tpu.dma_semaphore, #tpu.memory_space<semaphore_mem>>) src(%dma_wait3A_329 : memref<16000xi32, #tpu.memory_space<hbm>>) dst(%arg11 : memref<16000xi32, #tpu.memory_space<vmem>>)
    %scan3A_330 = arith.constant 0 : i32
    %scan3A_331 = arith.constant 1000 : i32
    %scan3A_332 = arith.addi %scan3A_330, %scan3A_331 : i32
    %scan3A_333 = arith.constant 1 : i32
    %scan3A_334 = scf.for %scan3A_462 = %scan3A_330 to %scan3A_332 step %scan3A_333 iter_args(%scan3A_463 = %scan3A_312) -> (i32)  : i32 {
      %mul3A_464 = arith.constant 16 : i32
      %mul3A_465 = arith.muli %scan3A_462, %mul3A_464 : i32
      %get3A = arith.index_cast %mul3A_465 : i32 to index
      %get3A_466 = tpu.vector_load %arg11[%get3A] {strides = array<i32>} : memref<16000xi32, #tpu.memory_space<vmem>>, vector<16xi32>,
      %mul3A_467 = arith.constant 16 : i32
      %mul3A_468 = arith.muli %scan3A_462, %mul3A_467 : i32
      %get3A_469 = arith.index_cast %mul3A_468 : i32 to index
      %get3A_470 = tpu.vector_load %arg10[%get3A_469] {strides = array<i32>} : memref<16000xi32, #tpu.memory_space<vmem>>, vector<16xi32>,
      %ge3A = vector.broadcast %mul3A_2 : i32 to vector<16xi32>
      %ge3A_471 = arith.cmpi sge, %get3A_466, %ge3A : vector<16xi32>
      %lt3A = vector.broadcast %add3A_4 : i32 to vector<16xi32>
      %lt3A_472 = arith.cmpi slt, %get3A_466, %lt3A : vector<16xi32>
      %and3A = arith.andi %ge3A_471, %lt3A_472 : vector<16xi1>
      %convert_element_type3A = arith.extui %and3A : vector<16xi1> to vector<16xi32>
      %broadcast_in_dim3A_473 = arith.constant true
      %broadcast_in_dim3A_474 = vector.broadcast %broadcast_in_dim3A_473 : i1 to vector<16xi1>
      %masked_cumsum3A = tpu.scan <sum>, %convert_element_type3A masked %broadcast_in_dim3A_474 : vector<16xi32>, vector<16xi1> -> vector<16xi32>
      %add3A_475 = vector.broadcast %scan3A_463 : i32 to vector<16xi32>
      %add3A_476 = arith.addi %add3A_475, %masked_cumsum3A : vector<16xi32>
      %sub3A = arith.constant 1 : i32
      %sub3A_477 = vector.broadcast %sub3A : i32 to vector<16xi32>
      %sub3A_478 = arith.subi %add3A_476, %sub3A_477 : vector<16xi32>
      tpu.vector_store_idx %arg12[%sub3A_478], %get3A_470 masked %and3A : memref<12288xi32, #tpu.memory_space<vmem>>[vector<16xi32>], vector<16xi32>, vector<16xi1>
      %sub3A_479 = vector.broadcast %mul3A_2 : i32 to vector<16xi32>
      %sub3A_480 = arith.subi %get3A_466, %sub3A_479 : vector<16xi32>
      %mul3A_481 = arith.constant 64 : i32
      %mul3A_482 = vector.broadcast %mul3A_481 : i32 to vector<16xi32>
      %mul3A_483 = arith.muli %sub3A_480, %mul3A_482 : vector<16xi32>
      tpu.vector_store_idx %arg13[%sub3A_478], %mul3A_483 masked %and3A : memref<12288xi32, #tpu.memory_space<vmem>>[vector<16xi32>], vector<16xi32>, vector<16xi1>
      %sub3A_484 = vector.broadcast %mul3A_2 : i32 to vector<16xi32>
      %sub3A_485 = arith.subi %get3A_466, %sub3A_484 : vector<16xi32>
      tpu.vector_store_idx %arg14[%sub3A_485], %broadcast_in_dim3A_7 masked %and3A {add = true} : memref<320xf32, #tpu.memory_space<vmem>>[vector<16xi32>], vector<16xf32>, vector<16xi1>
      %slice3A = vector.extract_strided_slice %masked_cumsum3A {offsets = [15], sizes = [1], strides = [1]} : vector<16xi32> to vector<1xi32>
      %squeeze3A = vector.extract %slice3A[0] : i32 from vector<1xi32>
      %add3A_486 = arith.addi %scan3A_463, %squeeze3A : i32
      scf.yield %add3A_486 : i32
    }
    %scan3A_335 = arith.constant 1000 : i32
    %dma_start3A_336 = arith.constant 240000 : i32
    %dma_start3A_337 = tpu.memref_slice %arg2[%dma_start3A_336] : memref<320000xi32, #tpu.memory_space<hbm>> -> memref<16000xi32, #tpu.memory_space<hbm>>
    %dma_start3A_338 = arith.constant 240000 : i32
    %dma_start3A_339 = tpu.memref_slice %arg2[%dma_start3A_338] : memref<320000xi32, #tpu.memory_space<hbm>> -> memref<16000xi32, #tpu.memory_space<hbm>>
    tpu.enqueue_dma source(%dma_start3A_339 : memref<16000xi32, #tpu.memory_space<hbm>>) target(%arg10 : memref<16000xi32, #tpu.memory_space<vmem>>) target_semaphore(%arg17 : memref<!tpu.dma_semaphore, #tpu.memory_space<semaphore_mem>>)
    %dma_start3A_340 = arith.constant 240000 : i32
    %dma_start3A_341 = tpu.memref_slice %arg3[%dma_start3A_340] : memref<320000xi32, #tpu.memory_space<hbm>> -> memref<16000xi32, #tpu.memory_space<hbm>>
    %dma_start3A_342 = arith.constant 240000 : i32
    %dma_start3A_343 = tpu.memref_slice %arg3[%dma_start3A_342] : memref<320000xi32, #tpu.memory_space<hbm>> -> memref<16000xi32, #tpu.memory_space<hbm>>
    tpu.enqueue_dma source(%dma_start3A_343 : memref<16000xi32, #tpu.memory_space<hbm>>) target(%arg11 : memref<16000xi32, #tpu.memory_space<vmem>>) target_semaphore(%arg17 : memref<!tpu.dma_semaphore, #tpu.memory_space<semaphore_mem>>)
    %dma_wait3A_344 = arith.constant 0 : i32
    %dma_wait3A_345 = tpu.memref_slice %arg2[%dma_wait3A_344] : memref<320000xi32, #tpu.memory_space<hbm>> -> memref<16000xi32, #tpu.memory_space<hbm>>
    %dma_wait3A_346 = arith.constant 0 : i32
    %dma_wait3A_347 = tpu.memref_slice %arg2[%dma_wait3A_346] : memref<320000xi32, #tpu.memory_space<hbm>> -> memref<16000xi32, #tpu.memory_space<hbm>>
    tpu.wait_dma2 semaphore(%arg16 : memref<!tpu.dma_semaphore, #tpu.memory_space<semaphore_mem>>) src(%dma_wait3A_347 : memref<16000xi32, #tpu.memory_space<hbm>>) dst(%arg8 : memref<16000xi32, #tpu.memory_space<vmem>>)
    %dma_wait3A_348 = arith.constant 0 : i32
    %dma_wait3A_349 = tpu.memref_slice %arg2[%dma_wait3A_348] : memref<320000xi32, #tpu.memory_space<hbm>> -> memref<16000xi32, #tpu.memory_space<hbm>>
    %dma_wait3A_350 = arith.constant 0 : i32
    %dma_wait3A_351 = tpu.memref_slice %arg2[%dma_wait3A_350] : memref<320000xi32, #tpu.memory_space<hbm>> -> memref<16000xi32, #tpu.memory_space<hbm>>
    tpu.wait_dma2 semaphore(%arg16 : memref<!tpu.dma_semaphore, #tpu.memory_space<semaphore_mem>>) src(%dma_wait3A_351 : memref<16000xi32, #tpu.memory_space<hbm>>) dst(%arg9 : memref<16000xi32, #tpu.memory_space<vmem>>)
    %scan3A_352 = arith.constant 0 : i32
    %scan3A_353 = arith.constant 1000 : i32
    %scan3A_354 = arith.addi %scan3A_352, %scan3A_353 : i32
    %scan3A_355 = arith.constant 1 : i32
    %scan3A_356 = scf.for %scan3A_462 = %scan3A_352 to %scan3A_354 step %scan3A_355 iter_args(%scan3A_463 = %scan3A_334) -> (i32)  : i32 {
      %mul3A_464 = arith.constant 16 : i32
      %mul3A_465 = arith.muli %scan3A_462, %mul3A_464 : i32
      %get3A = arith.index_cast %mul3A_465 : i32 to index
      %get3A_466 = tpu.vector_load %arg9[%get3A] {strides = array<i32>} : memref<16000xi32, #tpu.memory_space<vmem>>, vector<16xi32>,
      %mul3A_467 = arith.constant 16 : i32
      %mul3A_468 = arith.muli %scan3A_462, %mul3A_467 : i32
      %get3A_469 = arith.index_cast %mul3A_468 : i32 to index
      %get3A_470 = tpu.vector_load %arg8[%get3A_469] {strides = array<i32>} : memref<16000xi32, #tpu.memory_space<vmem>>, vector<16xi32>,
      %ge3A = vector.broadcast %mul3A_2 : i32 to vector<16xi32>
      %ge3A_471 = arith.cmpi sge, %get3A_466, %ge3A : vector<16xi32>
      %lt3A = vector.broadcast %add3A_4 : i32 to vector<16xi32>
      %lt3A_472 = arith.cmpi slt, %get3A_466, %lt3A : vector<16xi32>
      %and3A = arith.andi %ge3A_471, %lt3A_472 : vector<16xi1>
      %convert_element_type3A = arith.extui %and3A : vector<16xi1> to vector<16xi32>
      %broadcast_in_dim3A_473 = arith.constant true
      %broadcast_in_dim3A_474 = vector.broadcast %broadcast_in_dim3A_473 : i1 to vector<16xi1>
      %masked_cumsum3A = tpu.scan <sum>, %convert_element_type3A masked %broadcast_in_dim3A_474 : vector<16xi32>, vector<16xi1> -> vector<16xi32>
      %add3A_475 = vector.broadcast %scan3A_463 : i32 to vector<16xi32>
      %add3A_476 = arith.addi %add3A_475, %masked_cumsum3A : vector<16xi32>
      %sub3A = arith.constant 1 : i32
      %sub3A_477 = vector.broadcast %sub3A : i32 to vector<16xi32>
      %sub3A_478 = arith.subi %add3A_476, %sub3A_477 : vector<16xi32>
      tpu.vector_store_idx %arg12[%sub3A_478], %get3A_470 masked %and3A : memref<12288xi32, #tpu.memory_space<vmem>>[vector<16xi32>], vector<16xi32>, vector<16xi1>
      %sub3A_479 = vector.broadcast %mul3A_2 : i32 to vector<16xi32>
      %sub3A_480 = arith.subi %get3A_466, %sub3A_479 : vector<16xi32>
      %mul3A_481 = arith.constant 64 : i32
      %mul3A_482 = vector.broadcast %mul3A_481 : i32 to vector<16xi32>
      %mul3A_483 = arith.muli %sub3A_480, %mul3A_482 : vector<16xi32>
      tpu.vector_store_idx %arg13[%sub3A_478], %mul3A_483 masked %and3A : memref<12288xi32, #tpu.memory_space<vmem>>[vector<16xi32>], vector<16xi32>, vector<16xi1>
      %sub3A_484 = vector.broadcast %mul3A_2 : i32 to vector<16xi32>
      %sub3A_485 = arith.subi %get3A_466, %sub3A_484 : vector<16xi32>
      tpu.vector_store_idx %arg14[%sub3A_485], %broadcast_in_dim3A_7 masked %and3A {add = true} : memref<320xf32, #tpu.memory_space<vmem>>[vector<16xi32>], vector<16xf32>, vector<16xi1>
      %slice3A = vector.extract_strided_slice %masked_cumsum3A {offsets = [15], sizes = [1], strides = [1]} : vector<16xi32> to vector<1xi32>
      %squeeze3A = vector.extract %slice3A[0] : i32 from vector<1xi32>
      %add3A_486 = arith.addi %scan3A_463, %squeeze3A : i32
      scf.yield %add3A_486 : i32
    }
    %scan3A_357 = arith.constant 1000 : i32
    %dma_start3A_358 = arith.constant 256000 : i32
    %dma_start3A_359 = tpu.memref_slice %arg2[%dma_start3A_358] : memref<320000xi32, #tpu.memory_space<hbm>> -> memref<16000xi32, #tpu.memory_space<hbm>>
    %dma_start3A_360 = arith.constant 256000 : i32
    %dma_start3A_361 = tpu.memref_slice %arg2[%dma_start3A_360] : memref<320000xi32, #tpu.memory_space<hbm>> -> memref<16000xi32, #tpu.memory_space<hbm>>
    tpu.enqueue_dma source(%dma_start3A_361 : memref<16000xi32, #tpu.memory_space<hbm>>) target(%arg8 : memref<16000xi32, #tpu.memory_space<vmem>>) target_semaphore(%arg16 : memref<!tpu.dma_semaphore, #tpu.memory_space<semaphore_mem>>)
    %dma_start3A_362 = arith.constant 256000 : i32
    %dma_start3A_363 = tpu.memref_slice %arg3[%dma_start3A_362] : memref<320000xi32, #tpu.memory_space<hbm>> -> memref<16000xi32, #tpu.memory_space<hbm>>
    %dma_start3A_364 = arith.constant 256000 : i32
    %dma_start3A_365 = tpu.memref_slice %arg3[%dma_start3A_364] : memref<320000xi32, #tpu.memory_space<hbm>> -> memref<16000xi32, #tpu.memory_space<hbm>>
    tpu.enqueue_dma source(%dma_start3A_365 : memref<16000xi32, #tpu.memory_space<hbm>>) target(%arg9 : memref<16000xi32, #tpu.memory_space<vmem>>) target_semaphore(%arg16 : memref<!tpu.dma_semaphore, #tpu.memory_space<semaphore_mem>>)
    %dma_wait3A_366 = arith.constant 0 : i32
    %dma_wait3A_367 = tpu.memref_slice %arg2[%dma_wait3A_366] : memref<320000xi32, #tpu.memory_space<hbm>> -> memref<16000xi32, #tpu.memory_space<hbm>>
    %dma_wait3A_368 = arith.constant 0 : i32
    %dma_wait3A_369 = tpu.memref_slice %arg2[%dma_wait3A_368] : memref<320000xi32, #tpu.memory_space<hbm>> -> memref<16000xi32, #tpu.memory_space<hbm>>
    tpu.wait_dma2 semaphore(%arg17 : memref<!tpu.dma_semaphore, #tpu.memory_space<semaphore_mem>>) src(%dma_wait3A_369 : memref<16000xi32, #tpu.memory_space<hbm>>) dst(%arg10 : memref<16000xi32, #tpu.memory_space<vmem>>)
    %dma_wait3A_370 = arith.constant 0 : i32
    %dma_wait3A_371 = tpu.memref_slice %arg2[%dma_wait3A_370] : memref<320000xi32, #tpu.memory_space<hbm>> -> memref<16000xi32, #tpu.memory_space<hbm>>
    %dma_wait3A_372 = arith.constant 0 : i32
    %dma_wait3A_373 = tpu.memref_slice %arg2[%dma_wait3A_372] : memref<320000xi32, #tpu.memory_space<hbm>> -> memref<16000xi32, #tpu.memory_space<hbm>>
    tpu.wait_dma2 semaphore(%arg17 : memref<!tpu.dma_semaphore, #tpu.memory_space<semaphore_mem>>) src(%dma_wait3A_373 : memref<16000xi32, #tpu.memory_space<hbm>>) dst(%arg11 : memref<16000xi32, #tpu.memory_space<vmem>>)
    %scan3A_374 = arith.constant 0 : i32
    %scan3A_375 = arith.constant 1000 : i32
    %scan3A_376 = arith.addi %scan3A_374, %scan3A_375 : i32
    %scan3A_377 = arith.constant 1 : i32
    %scan3A_378 = scf.for %scan3A_462 = %scan3A_374 to %scan3A_376 step %scan3A_377 iter_args(%scan3A_463 = %scan3A_356) -> (i32)  : i32 {
      %mul3A_464 = arith.constant 16 : i32
      %mul3A_465 = arith.muli %scan3A_462, %mul3A_464 : i32
      %get3A = arith.index_cast %mul3A_465 : i32 to index
      %get3A_466 = tpu.vector_load %arg11[%get3A] {strides = array<i32>} : memref<16000xi32, #tpu.memory_space<vmem>>, vector<16xi32>,
      %mul3A_467 = arith.constant 16 : i32
      %mul3A_468 = arith.muli %scan3A_462, %mul3A_467 : i32
      %get3A_469 = arith.index_cast %mul3A_468 : i32 to index
      %get3A_470 = tpu.vector_load %arg10[%get3A_469] {strides = array<i32>} : memref<16000xi32, #tpu.memory_space<vmem>>, vector<16xi32>,
      %ge3A = vector.broadcast %mul3A_2 : i32 to vector<16xi32>
      %ge3A_471 = arith.cmpi sge, %get3A_466, %ge3A : vector<16xi32>
      %lt3A = vector.broadcast %add3A_4 : i32 to vector<16xi32>
      %lt3A_472 = arith.cmpi slt, %get3A_466, %lt3A : vector<16xi32>
      %and3A = arith.andi %ge3A_471, %lt3A_472 : vector<16xi1>
      %convert_element_type3A = arith.extui %and3A : vector<16xi1> to vector<16xi32>
      %broadcast_in_dim3A_473 = arith.constant true
      %broadcast_in_dim3A_474 = vector.broadcast %broadcast_in_dim3A_473 : i1 to vector<16xi1>
      %masked_cumsum3A = tpu.scan <sum>, %convert_element_type3A masked %broadcast_in_dim3A_474 : vector<16xi32>, vector<16xi1> -> vector<16xi32>
      %add3A_475 = vector.broadcast %scan3A_463 : i32 to vector<16xi32>
      %add3A_476 = arith.addi %add3A_475, %masked_cumsum3A : vector<16xi32>
      %sub3A = arith.constant 1 : i32
      %sub3A_477 = vector.broadcast %sub3A : i32 to vector<16xi32>
      %sub3A_478 = arith.subi %add3A_476, %sub3A_477 : vector<16xi32>
      tpu.vector_store_idx %arg12[%sub3A_478], %get3A_470 masked %and3A : memref<12288xi32, #tpu.memory_space<vmem>>[vector<16xi32>], vector<16xi32>, vector<16xi1>
      %sub3A_479 = vector.broadcast %mul3A_2 : i32 to vector<16xi32>
      %sub3A_480 = arith.subi %get3A_466, %sub3A_479 : vector<16xi32>
      %mul3A_481 = arith.constant 64 : i32
      %mul3A_482 = vector.broadcast %mul3A_481 : i32 to vector<16xi32>
      %mul3A_483 = arith.muli %sub3A_480, %mul3A_482 : vector<16xi32>
      tpu.vector_store_idx %arg13[%sub3A_478], %mul3A_483 masked %and3A : memref<12288xi32, #tpu.memory_space<vmem>>[vector<16xi32>], vector<16xi32>, vector<16xi1>
      %sub3A_484 = vector.broadcast %mul3A_2 : i32 to vector<16xi32>
      %sub3A_485 = arith.subi %get3A_466, %sub3A_484 : vector<16xi32>
      tpu.vector_store_idx %arg14[%sub3A_485], %broadcast_in_dim3A_7 masked %and3A {add = true} : memref<320xf32, #tpu.memory_space<vmem>>[vector<16xi32>], vector<16xf32>, vector<16xi1>
      %slice3A = vector.extract_strided_slice %masked_cumsum3A {offsets = [15], sizes = [1], strides = [1]} : vector<16xi32> to vector<1xi32>
      %squeeze3A = vector.extract %slice3A[0] : i32 from vector<1xi32>
      %add3A_486 = arith.addi %scan3A_463, %squeeze3A : i32
      scf.yield %add3A_486 : i32
    }
    %scan3A_379 = arith.constant 1000 : i32
    %dma_start3A_380 = arith.constant 272000 : i32
    %dma_start3A_381 = tpu.memref_slice %arg2[%dma_start3A_380] : memref<320000xi32, #tpu.memory_space<hbm>> -> memref<16000xi32, #tpu.memory_space<hbm>>
    %dma_start3A_382 = arith.constant 272000 : i32
    %dma_start3A_383 = tpu.memref_slice %arg2[%dma_start3A_382] : memref<320000xi32, #tpu.memory_space<hbm>> -> memref<16000xi32, #tpu.memory_space<hbm>>
    tpu.enqueue_dma source(%dma_start3A_383 : memref<16000xi32, #tpu.memory_space<hbm>>) target(%arg10 : memref<16000xi32, #tpu.memory_space<vmem>>) target_semaphore(%arg17 : memref<!tpu.dma_semaphore, #tpu.memory_space<semaphore_mem>>)
    %dma_start3A_384 = arith.constant 272000 : i32
    %dma_start3A_385 = tpu.memref_slice %arg3[%dma_start3A_384] : memref<320000xi32, #tpu.memory_space<hbm>> -> memref<16000xi32, #tpu.memory_space<hbm>>
    %dma_start3A_386 = arith.constant 272000 : i32
    %dma_start3A_387 = tpu.memref_slice %arg3[%dma_start3A_386] : memref<320000xi32, #tpu.memory_space<hbm>> -> memref<16000xi32, #tpu.memory_space<hbm>>
    tpu.enqueue_dma source(%dma_start3A_387 : memref<16000xi32, #tpu.memory_space<hbm>>) target(%arg11 : memref<16000xi32, #tpu.memory_space<vmem>>) target_semaphore(%arg17 : memref<!tpu.dma_semaphore, #tpu.memory_space<semaphore_mem>>)
    %dma_wait3A_388 = arith.constant 0 : i32
    %dma_wait3A_389 = tpu.memref_slice %arg2[%dma_wait3A_388] : memref<320000xi32, #tpu.memory_space<hbm>> -> memref<16000xi32, #tpu.memory_space<hbm>>
    %dma_wait3A_390 = arith.constant 0 : i32
    %dma_wait3A_391 = tpu.memref_slice %arg2[%dma_wait3A_390] : memref<320000xi32, #tpu.memory_space<hbm>> -> memref<16000xi32, #tpu.memory_space<hbm>>
    tpu.wait_dma2 semaphore(%arg16 : memref<!tpu.dma_semaphore, #tpu.memory_space<semaphore_mem>>) src(%dma_wait3A_391 : memref<16000xi32, #tpu.memory_space<hbm>>) dst(%arg8 : memref<16000xi32, #tpu.memory_space<vmem>>)
    %dma_wait3A_392 = arith.constant 0 : i32
    %dma_wait3A_393 = tpu.memref_slice %arg2[%dma_wait3A_392] : memref<320000xi32, #tpu.memory_space<hbm>> -> memref<16000xi32, #tpu.memory_space<hbm>>
    %dma_wait3A_394 = arith.constant 0 : i32
    %dma_wait3A_395 = tpu.memref_slice %arg2[%dma_wait3A_394] : memref<320000xi32, #tpu.memory_space<hbm>> -> memref<16000xi32, #tpu.memory_space<hbm>>
    tpu.wait_dma2 semaphore(%arg16 : memref<!tpu.dma_semaphore, #tpu.memory_space<semaphore_mem>>) src(%dma_wait3A_395 : memref<16000xi32, #tpu.memory_space<hbm>>) dst(%arg9 : memref<16000xi32, #tpu.memory_space<vmem>>)
    %scan3A_396 = arith.constant 0 : i32
    %scan3A_397 = arith.constant 1000 : i32
    %scan3A_398 = arith.addi %scan3A_396, %scan3A_397 : i32
    %scan3A_399 = arith.constant 1 : i32
    %scan3A_400 = scf.for %scan3A_462 = %scan3A_396 to %scan3A_398 step %scan3A_399 iter_args(%scan3A_463 = %scan3A_378) -> (i32)  : i32 {
      %mul3A_464 = arith.constant 16 : i32
      %mul3A_465 = arith.muli %scan3A_462, %mul3A_464 : i32
      %get3A = arith.index_cast %mul3A_465 : i32 to index
      %get3A_466 = tpu.vector_load %arg9[%get3A] {strides = array<i32>} : memref<16000xi32, #tpu.memory_space<vmem>>, vector<16xi32>,
      %mul3A_467 = arith.constant 16 : i32
      %mul3A_468 = arith.muli %scan3A_462, %mul3A_467 : i32
      %get3A_469 = arith.index_cast %mul3A_468 : i32 to index
      %get3A_470 = tpu.vector_load %arg8[%get3A_469] {strides = array<i32>} : memref<16000xi32, #tpu.memory_space<vmem>>, vector<16xi32>,
      %ge3A = vector.broadcast %mul3A_2 : i32 to vector<16xi32>
      %ge3A_471 = arith.cmpi sge, %get3A_466, %ge3A : vector<16xi32>
      %lt3A = vector.broadcast %add3A_4 : i32 to vector<16xi32>
      %lt3A_472 = arith.cmpi slt, %get3A_466, %lt3A : vector<16xi32>
      %and3A = arith.andi %ge3A_471, %lt3A_472 : vector<16xi1>
      %convert_element_type3A = arith.extui %and3A : vector<16xi1> to vector<16xi32>
      %broadcast_in_dim3A_473 = arith.constant true
      %broadcast_in_dim3A_474 = vector.broadcast %broadcast_in_dim3A_473 : i1 to vector<16xi1>
      %masked_cumsum3A = tpu.scan <sum>, %convert_element_type3A masked %broadcast_in_dim3A_474 : vector<16xi32>, vector<16xi1> -> vector<16xi32>
      %add3A_475 = vector.broadcast %scan3A_463 : i32 to vector<16xi32>
      %add3A_476 = arith.addi %add3A_475, %masked_cumsum3A : vector<16xi32>
      %sub3A = arith.constant 1 : i32
      %sub3A_477 = vector.broadcast %sub3A : i32 to vector<16xi32>
      %sub3A_478 = arith.subi %add3A_476, %sub3A_477 : vector<16xi32>
      tpu.vector_store_idx %arg12[%sub3A_478], %get3A_470 masked %and3A : memref<12288xi32, #tpu.memory_space<vmem>>[vector<16xi32>], vector<16xi32>, vector<16xi1>
      %sub3A_479 = vector.broadcast %mul3A_2 : i32 to vector<16xi32>
      %sub3A_480 = arith.subi %get3A_466, %sub3A_479 : vector<16xi32>
      %mul3A_481 = arith.constant 64 : i32
      %mul3A_482 = vector.broadcast %mul3A_481 : i32 to vector<16xi32>
      %mul3A_483 = arith.muli %sub3A_480, %mul3A_482 : vector<16xi32>
      tpu.vector_store_idx %arg13[%sub3A_478], %mul3A_483 masked %and3A : memref<12288xi32, #tpu.memory_space<vmem>>[vector<16xi32>], vector<16xi32>, vector<16xi1>
      %sub3A_484 = vector.broadcast %mul3A_2 : i32 to vector<16xi32>
      %sub3A_485 = arith.subi %get3A_466, %sub3A_484 : vector<16xi32>
      tpu.vector_store_idx %arg14[%sub3A_485], %broadcast_in_dim3A_7 masked %and3A {add = true} : memref<320xf32, #tpu.memory_space<vmem>>[vector<16xi32>], vector<16xf32>, vector<16xi1>
      %slice3A = vector.extract_strided_slice %masked_cumsum3A {offsets = [15], sizes = [1], strides = [1]} : vector<16xi32> to vector<1xi32>
      %squeeze3A = vector.extract %slice3A[0] : i32 from vector<1xi32>
      %add3A_486 = arith.addi %scan3A_463, %squeeze3A : i32
      scf.yield %add3A_486 : i32
    }
    %scan3A_401 = arith.constant 1000 : i32
    %dma_start3A_402 = arith.constant 288000 : i32
    %dma_start3A_403 = tpu.memref_slice %arg2[%dma_start3A_402] : memref<320000xi32, #tpu.memory_space<hbm>> -> memref<16000xi32, #tpu.memory_space<hbm>>
    %dma_start3A_404 = arith.constant 288000 : i32
    %dma_start3A_405 = tpu.memref_slice %arg2[%dma_start3A_404] : memref<320000xi32, #tpu.memory_space<hbm>> -> memref<16000xi32, #tpu.memory_space<hbm>>
    tpu.enqueue_dma source(%dma_start3A_405 : memref<16000xi32, #tpu.memory_space<hbm>>) target(%arg8 : memref<16000xi32, #tpu.memory_space<vmem>>) target_semaphore(%arg16 : memref<!tpu.dma_semaphore, #tpu.memory_space<semaphore_mem>>)
    %dma_start3A_406 = arith.constant 288000 : i32
    %dma_start3A_407 = tpu.memref_slice %arg3[%dma_start3A_406] : memref<320000xi32, #tpu.memory_space<hbm>> -> memref<16000xi32, #tpu.memory_space<hbm>>
    %dma_start3A_408 = arith.constant 288000 : i32
    %dma_start3A_409 = tpu.memref_slice %arg3[%dma_start3A_408] : memref<320000xi32, #tpu.memory_space<hbm>> -> memref<16000xi32, #tpu.memory_space<hbm>>
    tpu.enqueue_dma source(%dma_start3A_409 : memref<16000xi32, #tpu.memory_space<hbm>>) target(%arg9 : memref<16000xi32, #tpu.memory_space<vmem>>) target_semaphore(%arg16 : memref<!tpu.dma_semaphore, #tpu.memory_space<semaphore_mem>>)
    %dma_wait3A_410 = arith.constant 0 : i32
    %dma_wait3A_411 = tpu.memref_slice %arg2[%dma_wait3A_410] : memref<320000xi32, #tpu.memory_space<hbm>> -> memref<16000xi32, #tpu.memory_space<hbm>>
    %dma_wait3A_412 = arith.constant 0 : i32
    %dma_wait3A_413 = tpu.memref_slice %arg2[%dma_wait3A_412] : memref<320000xi32, #tpu.memory_space<hbm>> -> memref<16000xi32, #tpu.memory_space<hbm>>
    tpu.wait_dma2 semaphore(%arg17 : memref<!tpu.dma_semaphore, #tpu.memory_space<semaphore_mem>>) src(%dma_wait3A_413 : memref<16000xi32, #tpu.memory_space<hbm>>) dst(%arg10 : memref<16000xi32, #tpu.memory_space<vmem>>)
    %dma_wait3A_414 = arith.constant 0 : i32
    %dma_wait3A_415 = tpu.memref_slice %arg2[%dma_wait3A_414] : memref<320000xi32, #tpu.memory_space<hbm>> -> memref<16000xi32, #tpu.memory_space<hbm>>
    %dma_wait3A_416 = arith.constant 0 : i32
    %dma_wait3A_417 = tpu.memref_slice %arg2[%dma_wait3A_416] : memref<320000xi32, #tpu.memory_space<hbm>> -> memref<16000xi32, #tpu.memory_space<hbm>>
    tpu.wait_dma2 semaphore(%arg17 : memref<!tpu.dma_semaphore, #tpu.memory_space<semaphore_mem>>) src(%dma_wait3A_417 : memref<16000xi32, #tpu.memory_space<hbm>>) dst(%arg11 : memref<16000xi32, #tpu.memory_space<vmem>>)
    %scan3A_418 = arith.constant 0 : i32
    %scan3A_419 = arith.constant 1000 : i32
    %scan3A_420 = arith.addi %scan3A_418, %scan3A_419 : i32
    %scan3A_421 = arith.constant 1 : i32
    %scan3A_422 = scf.for %scan3A_462 = %scan3A_418 to %scan3A_420 step %scan3A_421 iter_args(%scan3A_463 = %scan3A_400) -> (i32)  : i32 {
      %mul3A_464 = arith.constant 16 : i32
      %mul3A_465 = arith.muli %scan3A_462, %mul3A_464 : i32
      %get3A = arith.index_cast %mul3A_465 : i32 to index
      %get3A_466 = tpu.vector_load %arg11[%get3A] {strides = array<i32>} : memref<16000xi32, #tpu.memory_space<vmem>>, vector<16xi32>,
      %mul3A_467 = arith.constant 16 : i32
      %mul3A_468 = arith.muli %scan3A_462, %mul3A_467 : i32
      %get3A_469 = arith.index_cast %mul3A_468 : i32 to index
      %get3A_470 = tpu.vector_load %arg10[%get3A_469] {strides = array<i32>} : memref<16000xi32, #tpu.memory_space<vmem>>, vector<16xi32>,
      %ge3A = vector.broadcast %mul3A_2 : i32 to vector<16xi32>
      %ge3A_471 = arith.cmpi sge, %get3A_466, %ge3A : vector<16xi32>
      %lt3A = vector.broadcast %add3A_4 : i32 to vector<16xi32>
      %lt3A_472 = arith.cmpi slt, %get3A_466, %lt3A : vector<16xi32>
      %and3A = arith.andi %ge3A_471, %lt3A_472 : vector<16xi1>
      %convert_element_type3A = arith.extui %and3A : vector<16xi1> to vector<16xi32>
      %broadcast_in_dim3A_473 = arith.constant true
      %broadcast_in_dim3A_474 = vector.broadcast %broadcast_in_dim3A_473 : i1 to vector<16xi1>
      %masked_cumsum3A = tpu.scan <sum>, %convert_element_type3A masked %broadcast_in_dim3A_474 : vector<16xi32>, vector<16xi1> -> vector<16xi32>
      %add3A_475 = vector.broadcast %scan3A_463 : i32 to vector<16xi32>
      %add3A_476 = arith.addi %add3A_475, %masked_cumsum3A : vector<16xi32>
      %sub3A = arith.constant 1 : i32
      %sub3A_477 = vector.broadcast %sub3A : i32 to vector<16xi32>
      %sub3A_478 = arith.subi %add3A_476, %sub3A_477 : vector<16xi32>
      tpu.vector_store_idx %arg12[%sub3A_478], %get3A_470 masked %and3A : memref<12288xi32, #tpu.memory_space<vmem>>[vector<16xi32>], vector<16xi32>, vector<16xi1>
      %sub3A_479 = vector.broadcast %mul3A_2 : i32 to vector<16xi32>
      %sub3A_480 = arith.subi %get3A_466, %sub3A_479 : vector<16xi32>
      %mul3A_481 = arith.constant 64 : i32
      %mul3A_482 = vector.broadcast %mul3A_481 : i32 to vector<16xi32>
      %mul3A_483 = arith.muli %sub3A_480, %mul3A_482 : vector<16xi32>
      tpu.vector_store_idx %arg13[%sub3A_478], %mul3A_483 masked %and3A : memref<12288xi32, #tpu.memory_space<vmem>>[vector<16xi32>], vector<16xi32>, vector<16xi1>
      %sub3A_484 = vector.broadcast %mul3A_2 : i32 to vector<16xi32>
      %sub3A_485 = arith.subi %get3A_466, %sub3A_484 : vector<16xi32>
      tpu.vector_store_idx %arg14[%sub3A_485], %broadcast_in_dim3A_7 masked %and3A {add = true} : memref<320xf32, #tpu.memory_space<vmem>>[vector<16xi32>], vector<16xf32>, vector<16xi1>
      %slice3A = vector.extract_strided_slice %masked_cumsum3A {offsets = [15], sizes = [1], strides = [1]} : vector<16xi32> to vector<1xi32>
      %squeeze3A = vector.extract %slice3A[0] : i32 from vector<1xi32>
      %add3A_486 = arith.addi %scan3A_463, %squeeze3A : i32
      scf.yield %add3A_486 : i32
    }
    %scan3A_423 = arith.constant 1000 : i32
    %dma_start3A_424 = arith.constant 304000 : i32
    %dma_start3A_425 = tpu.memref_slice %arg2[%dma_start3A_424] : memref<320000xi32, #tpu.memory_space<hbm>> -> memref<16000xi32, #tpu.memory_space<hbm>>
    %dma_start3A_426 = arith.constant 304000 : i32
    %dma_start3A_427 = tpu.memref_slice %arg2[%dma_start3A_426] : memref<320000xi32, #tpu.memory_space<hbm>> -> memref<16000xi32, #tpu.memory_space<hbm>>
    tpu.enqueue_dma source(%dma_start3A_427 : memref<16000xi32, #tpu.memory_space<hbm>>) target(%arg10 : memref<16000xi32, #tpu.memory_space<vmem>>) target_semaphore(%arg17 : memref<!tpu.dma_semaphore, #tpu.memory_space<semaphore_mem>>)
    %dma_start3A_428 = arith.constant 304000 : i32
    %dma_start3A_429 = tpu.memref_slice %arg3[%dma_start3A_428] : memref<320000xi32, #tpu.memory_space<hbm>> -> memref<16000xi32, #tpu.memory_space<hbm>>
    %dma_start3A_430 = arith.constant 304000 : i32
    %dma_start3A_431 = tpu.memref_slice %arg3[%dma_start3A_430] : memref<320000xi32, #tpu.memory_space<hbm>> -> memref<16000xi32, #tpu.memory_space<hbm>>
    tpu.enqueue_dma source(%dma_start3A_431 : memref<16000xi32, #tpu.memory_space<hbm>>) target(%arg11 : memref<16000xi32, #tpu.memory_space<vmem>>) target_semaphore(%arg17 : memref<!tpu.dma_semaphore, #tpu.memory_space<semaphore_mem>>)
    %dma_wait3A_432 = arith.constant 0 : i32
    %dma_wait3A_433 = tpu.memref_slice %arg2[%dma_wait3A_432] : memref<320000xi32, #tpu.memory_space<hbm>> -> memref<16000xi32, #tpu.memory_space<hbm>>
    %dma_wait3A_434 = arith.constant 0 : i32
    %dma_wait3A_435 = tpu.memref_slice %arg2[%dma_wait3A_434] : memref<320000xi32, #tpu.memory_space<hbm>> -> memref<16000xi32, #tpu.memory_space<hbm>>
    tpu.wait_dma2 semaphore(%arg16 : memref<!tpu.dma_semaphore, #tpu.memory_space<semaphore_mem>>) src(%dma_wait3A_435 : memref<16000xi32, #tpu.memory_space<hbm>>) dst(%arg8 : memref<16000xi32, #tpu.memory_space<vmem>>)
    %dma_wait3A_436 = arith.constant 0 : i32
    %dma_wait3A_437 = tpu.memref_slice %arg2[%dma_wait3A_436] : memref<320000xi32, #tpu.memory_space<hbm>> -> memref<16000xi32, #tpu.memory_space<hbm>>
    %dma_wait3A_438 = arith.constant 0 : i32
    %dma_wait3A_439 = tpu.memref_slice %arg2[%dma_wait3A_438] : memref<320000xi32, #tpu.memory_space<hbm>> -> memref<16000xi32, #tpu.memory_space<hbm>>
    tpu.wait_dma2 semaphore(%arg16 : memref<!tpu.dma_semaphore, #tpu.memory_space<semaphore_mem>>) src(%dma_wait3A_439 : memref<16000xi32, #tpu.memory_space<hbm>>) dst(%arg9 : memref<16000xi32, #tpu.memory_space<vmem>>)
    %scan3A_440 = arith.constant 0 : i32
    %scan3A_441 = arith.constant 1000 : i32
    %scan3A_442 = arith.addi %scan3A_440, %scan3A_441 : i32
    %scan3A_443 = arith.constant 1 : i32
    %scan3A_444 = scf.for %scan3A_462 = %scan3A_440 to %scan3A_442 step %scan3A_443 iter_args(%scan3A_463 = %scan3A_422) -> (i32)  : i32 {
      %mul3A_464 = arith.constant 16 : i32
      %mul3A_465 = arith.muli %scan3A_462, %mul3A_464 : i32
      %get3A = arith.index_cast %mul3A_465 : i32 to index
      %get3A_466 = tpu.vector_load %arg9[%get3A] {strides = array<i32>} : memref<16000xi32, #tpu.memory_space<vmem>>, vector<16xi32>,
      %mul3A_467 = arith.constant 16 : i32
      %mul3A_468 = arith.muli %scan3A_462, %mul3A_467 : i32
      %get3A_469 = arith.index_cast %mul3A_468 : i32 to index
      %get3A_470 = tpu.vector_load %arg8[%get3A_469] {strides = array<i32>} : memref<16000xi32, #tpu.memory_space<vmem>>, vector<16xi32>,
      %ge3A = vector.broadcast %mul3A_2 : i32 to vector<16xi32>
      %ge3A_471 = arith.cmpi sge, %get3A_466, %ge3A : vector<16xi32>
      %lt3A = vector.broadcast %add3A_4 : i32 to vector<16xi32>
      %lt3A_472 = arith.cmpi slt, %get3A_466, %lt3A : vector<16xi32>
      %and3A = arith.andi %ge3A_471, %lt3A_472 : vector<16xi1>
      %convert_element_type3A = arith.extui %and3A : vector<16xi1> to vector<16xi32>
      %broadcast_in_dim3A_473 = arith.constant true
      %broadcast_in_dim3A_474 = vector.broadcast %broadcast_in_dim3A_473 : i1 to vector<16xi1>
      %masked_cumsum3A = tpu.scan <sum>, %convert_element_type3A masked %broadcast_in_dim3A_474 : vector<16xi32>, vector<16xi1> -> vector<16xi32>
      %add3A_475 = vector.broadcast %scan3A_463 : i32 to vector<16xi32>
      %add3A_476 = arith.addi %add3A_475, %masked_cumsum3A : vector<16xi32>
      %sub3A = arith.constant 1 : i32
      %sub3A_477 = vector.broadcast %sub3A : i32 to vector<16xi32>
      %sub3A_478 = arith.subi %add3A_476, %sub3A_477 : vector<16xi32>
      tpu.vector_store_idx %arg12[%sub3A_478], %get3A_470 masked %and3A : memref<12288xi32, #tpu.memory_space<vmem>>[vector<16xi32>], vector<16xi32>, vector<16xi1>
      %sub3A_479 = vector.broadcast %mul3A_2 : i32 to vector<16xi32>
      %sub3A_480 = arith.subi %get3A_466, %sub3A_479 : vector<16xi32>
      %mul3A_481 = arith.constant 64 : i32
      %mul3A_482 = vector.broadcast %mul3A_481 : i32 to vector<16xi32>
      %mul3A_483 = arith.muli %sub3A_480, %mul3A_482 : vector<16xi32>
      tpu.vector_store_idx %arg13[%sub3A_478], %mul3A_483 masked %and3A : memref<12288xi32, #tpu.memory_space<vmem>>[vector<16xi32>], vector<16xi32>, vector<16xi1>
      %sub3A_484 = vector.broadcast %mul3A_2 : i32 to vector<16xi32>
      %sub3A_485 = arith.subi %get3A_466, %sub3A_484 : vector<16xi32>
      tpu.vector_store_idx %arg14[%sub3A_485], %broadcast_in_dim3A_7 masked %and3A {add = true} : memref<320xf32, #tpu.memory_space<vmem>>[vector<16xi32>], vector<16xf32>, vector<16xi1>
      %slice3A = vector.extract_strided_slice %masked_cumsum3A {offsets = [15], sizes = [1], strides = [1]} : vector<16xi32> to vector<1xi32>
      %squeeze3A = vector.extract %slice3A[0] : i32 from vector<1xi32>
      %add3A_486 = arith.addi %scan3A_463, %squeeze3A : i32
      scf.yield %add3A_486 : i32
    }
    %scan3A_445 = arith.constant 1000 : i32
    %dma_wait3A_446 = arith.constant 0 : i32
    %dma_wait3A_447 = tpu.memref_slice %arg2[%dma_wait3A_446] : memref<320000xi32, #tpu.memory_space<hbm>> -> memref<16000xi32, #tpu.memory_space<hbm>>
    %dma_wait3A_448 = arith.constant 0 : i32
    %dma_wait3A_449 = tpu.memref_slice %arg2[%dma_wait3A_448] : memref<320000xi32, #tpu.memory_space<hbm>> -> memref<16000xi32, #tpu.memory_space<hbm>>
    tpu.wait_dma2 semaphore(%arg17 : memref<!tpu.dma_semaphore, #tpu.memory_space<semaphore_mem>>) src(%dma_wait3A_449 : memref<16000xi32, #tpu.memory_space<hbm>>) dst(%arg10 : memref<16000xi32, #tpu.memory_space<vmem>>)
    %dma_wait3A_450 = arith.constant 0 : i32
    %dma_wait3A_451 = tpu.memref_slice %arg2[%dma_wait3A_450] : memref<320000xi32, #tpu.memory_space<hbm>> -> memref<16000xi32, #tpu.memory_space<hbm>>
    %dma_wait3A_452 = arith.constant 0 : i32
    %dma_wait3A_453 = tpu.memref_slice %arg2[%dma_wait3A_452] : memref<320000xi32, #tpu.memory_space<hbm>> -> memref<16000xi32, #tpu.memory_space<hbm>>
    tpu.wait_dma2 semaphore(%arg17 : memref<!tpu.dma_semaphore, #tpu.memory_space<semaphore_mem>>) src(%dma_wait3A_453 : memref<16000xi32, #tpu.memory_space<hbm>>) dst(%arg11 : memref<16000xi32, #tpu.memory_space<vmem>>)
    %scan3A_454 = arith.constant 0 : i32
    %scan3A_455 = arith.constant 1000 : i32
    %scan3A_456 = arith.addi %scan3A_454, %scan3A_455 : i32
    %scan3A_457 = arith.constant 1 : i32
    %scan3A_458 = scf.for %scan3A_462 = %scan3A_454 to %scan3A_456 step %scan3A_457 iter_args(%scan3A_463 = %scan3A_444) -> (i32)  : i32 {
      %mul3A_464 = arith.constant 16 : i32
      %mul3A_465 = arith.muli %scan3A_462, %mul3A_464 : i32
      %get3A = arith.index_cast %mul3A_465 : i32 to index
      %get3A_466 = tpu.vector_load %arg11[%get3A] {strides = array<i32>} : memref<16000xi32, #tpu.memory_space<vmem>>, vector<16xi32>,
      %mul3A_467 = arith.constant 16 : i32
      %mul3A_468 = arith.muli %scan3A_462, %mul3A_467 : i32
      %get3A_469 = arith.index_cast %mul3A_468 : i32 to index
      %get3A_470 = tpu.vector_load %arg10[%get3A_469] {strides = array<i32>} : memref<16000xi32, #tpu.memory_space<vmem>>, vector<16xi32>,
      %ge3A = vector.broadcast %mul3A_2 : i32 to vector<16xi32>
      %ge3A_471 = arith.cmpi sge, %get3A_466, %ge3A : vector<16xi32>
      %lt3A = vector.broadcast %add3A_4 : i32 to vector<16xi32>
      %lt3A_472 = arith.cmpi slt, %get3A_466, %lt3A : vector<16xi32>
      %and3A = arith.andi %ge3A_471, %lt3A_472 : vector<16xi1>
      %convert_element_type3A = arith.extui %and3A : vector<16xi1> to vector<16xi32>
      %broadcast_in_dim3A_473 = arith.constant true
      %broadcast_in_dim3A_474 = vector.broadcast %broadcast_in_dim3A_473 : i1 to vector<16xi1>
      %masked_cumsum3A = tpu.scan <sum>, %convert_element_type3A masked %broadcast_in_dim3A_474 : vector<16xi32>, vector<16xi1> -> vector<16xi32>
      %add3A_475 = vector.broadcast %scan3A_463 : i32 to vector<16xi32>
      %add3A_476 = arith.addi %add3A_475, %masked_cumsum3A : vector<16xi32>
      %sub3A = arith.constant 1 : i32
      %sub3A_477 = vector.broadcast %sub3A : i32 to vector<16xi32>
      %sub3A_478 = arith.subi %add3A_476, %sub3A_477 : vector<16xi32>
      tpu.vector_store_idx %arg12[%sub3A_478], %get3A_470 masked %and3A : memref<12288xi32, #tpu.memory_space<vmem>>[vector<16xi32>], vector<16xi32>, vector<16xi1>
      %sub3A_479 = vector.broadcast %mul3A_2 : i32 to vector<16xi32>
      %sub3A_480 = arith.subi %get3A_466, %sub3A_479 : vector<16xi32>
      %mul3A_481 = arith.constant 64 : i32
      %mul3A_482 = vector.broadcast %mul3A_481 : i32 to vector<16xi32>
      %mul3A_483 = arith.muli %sub3A_480, %mul3A_482 : vector<16xi32>
      tpu.vector_store_idx %arg13[%sub3A_478], %mul3A_483 masked %and3A : memref<12288xi32, #tpu.memory_space<vmem>>[vector<16xi32>], vector<16xi32>, vector<16xi1>
      %sub3A_484 = vector.broadcast %mul3A_2 : i32 to vector<16xi32>
      %sub3A_485 = arith.subi %get3A_466, %sub3A_484 : vector<16xi32>
      tpu.vector_store_idx %arg14[%sub3A_485], %broadcast_in_dim3A_7 masked %and3A {add = true} : memref<320xf32, #tpu.memory_space<vmem>>[vector<16xi32>], vector<16xf32>, vector<16xi1>
      %slice3A = vector.extract_strided_slice %masked_cumsum3A {offsets = [15], sizes = [1], strides = [1]} : vector<16xi32> to vector<1xi32>
      %squeeze3A = vector.extract %slice3A[0] : i32 from vector<1xi32>
      %add3A_486 = arith.addi %scan3A_463, %squeeze3A : i32
      scf.yield %add3A_486 : i32
    }
    %scan3A_459 = arith.constant 1000 : i32
    %broadcast_in_dim3A_460 = vector.broadcast %scan3A_458 : i32 to vector<16xi32>
    %swap3A = arith.constant 0 : index
    %swap3A_461 = tpu.vector_load %arg15[%swap3A] {strides = array<i32>} : memref<16xi32, #tpu.memory_space<vmem>>, vector<16xi32>,
    tpu.vector_store %arg15[%swap3A], %broadcast_in_dim3A_460 {strides = array<i32>} : memref<16xi32, #tpu.memory_space<vmem>>, vector<16xi32>,
    "tpu.region"() ({
      %run_scoped3A = tpu.sem_alloc : memref<!tpu.dma_semaphore, #tpu.memory_space<semaphore_mem>>
      %dma_start3A_462 = arith.constant 0 : i32
      %dma_start3A_463 = tpu.memref_slice %arg4[%add3A, %dma_start3A_462] : memref<32x12288xi32, #tpu.memory_space<hbm>> -> memref<1x12288xi32, #tpu.memory_space<hbm>>
      %dma_start3A_464 = tpu.memref_squeeze %dma_start3A_463 : memref<1x12288xi32, #tpu.memory_space<hbm>> -> memref<12288xi32, #tpu.memory_space<hbm>>
      %dma_start3A_465 = arith.constant 0 : i32
      %dma_start3A_466 = tpu.memref_slice %arg4[%add3A, %dma_start3A_465] : memref<32x12288xi32, #tpu.memory_space<hbm>> -> memref<1x12288xi32, #tpu.memory_space<hbm>>
      %dma_start3A_467 = tpu.memref_squeeze %dma_start3A_466 : memref<1x12288xi32, #tpu.memory_space<hbm>> -> memref<12288xi32, #tpu.memory_space<hbm>>
      tpu.enqueue_dma source(%arg12 : memref<12288xi32, #tpu.memory_space<vmem>>) target(%dma_start3A_467 : memref<12288xi32, #tpu.memory_space<hbm>>) target_semaphore(%run_scoped3A : memref<!tpu.dma_semaphore, #tpu.memory_space<semaphore_mem>>)
      %dma_wait3A_468 = arith.constant 0 : i32
      %dma_wait3A_469 = tpu.memref_slice %arg4[%add3A, %dma_wait3A_468] : memref<32x12288xi32, #tpu.memory_space<hbm>> -> memref<1x12288xi32, #tpu.memory_space<hbm>>
      %dma_wait3A_470 = tpu.memref_squeeze %dma_wait3A_469 : memref<1x12288xi32, #tpu.memory_space<hbm>> -> memref<12288xi32, #tpu.memory_space<hbm>>
      %dma_wait3A_471 = arith.constant 0 : i32
      %dma_wait3A_472 = tpu.memref_slice %arg4[%add3A, %dma_wait3A_471] : memref<32x12288xi32, #tpu.memory_space<hbm>> -> memref<1x12288xi32, #tpu.memory_space<hbm>>
      %dma_wait3A_473 = tpu.memref_squeeze %dma_wait3A_472 : memref<1x12288xi32, #tpu.memory_space<hbm>> -> memref<12288xi32, #tpu.memory_space<hbm>>
      tpu.wait_dma2 semaphore(%run_scoped3A : memref<!tpu.dma_semaphore, #tpu.memory_space<semaphore_mem>>) src(%arg12 : memref<12288xi32, #tpu.memory_space<vmem>>) dst(%dma_wait3A_473 : memref<12288xi32, #tpu.memory_space<hbm>>)
      tpu.yield
    }) : () -> ()
    "tpu.region"() ({
      %run_scoped3A = tpu.sem_alloc : memref<!tpu.dma_semaphore, #tpu.memory_space<semaphore_mem>>
      %dma_start3A_462 = arith.constant 0 : i32
      %dma_start3A_463 = tpu.memref_slice %arg5[%add3A, %dma_start3A_462] : memref<32x12288xi32, #tpu.memory_space<hbm>> -> memref<1x12288xi32, #tpu.memory_space<hbm>>
      %dma_start3A_464 = tpu.memref_squeeze %dma_start3A_463 : memref<1x12288xi32, #tpu.memory_space<hbm>> -> memref<12288xi32, #tpu.memory_space<hbm>>
      %dma_start3A_465 = arith.constant 0 : i32
      %dma_start3A_466 = tpu.memref_slice %arg5[%add3A, %dma_start3A_465] : memref<32x12288xi32, #tpu.memory_space<hbm>> -> memref<1x12288xi32, #tpu.memory_space<hbm>>
      %dma_start3A_467 = tpu.memref_squeeze %dma_start3A_466 : memref<1x12288xi32, #tpu.memory_space<hbm>> -> memref<12288xi32, #tpu.memory_space<hbm>>
      tpu.enqueue_dma source(%arg13 : memref<12288xi32, #tpu.memory_space<vmem>>) target(%dma_start3A_467 : memref<12288xi32, #tpu.memory_space<hbm>>) target_semaphore(%run_scoped3A : memref<!tpu.dma_semaphore, #tpu.memory_space<semaphore_mem>>)
      %dma_wait3A_468 = arith.constant 0 : i32
      %dma_wait3A_469 = tpu.memref_slice %arg5[%add3A, %dma_wait3A_468] : memref<32x12288xi32, #tpu.memory_space<hbm>> -> memref<1x12288xi32, #tpu.memory_space<hbm>>
      %dma_wait3A_470 = tpu.memref_squeeze %dma_wait3A_469 : memref<1x12288xi32, #tpu.memory_space<hbm>> -> memref<12288xi32, #tpu.memory_space<hbm>>
      %dma_wait3A_471 = arith.constant 0 : i32
      %dma_wait3A_472 = tpu.memref_slice %arg5[%add3A, %dma_wait3A_471] : memref<32x12288xi32, #tpu.memory_space<hbm>> -> memref<1x12288xi32, #tpu.memory_space<hbm>>
      %dma_wait3A_473 = tpu.memref_squeeze %dma_wait3A_472 : memref<1x12288xi32, #tpu.memory_space<hbm>> -> memref<12288xi32, #tpu.memory_space<hbm>>
      tpu.wait_dma2 semaphore(%run_scoped3A : memref<!tpu.dma_semaphore, #tpu.memory_space<semaphore_mem>>) src(%arg13 : memref<12288xi32, #tpu.memory_space<vmem>>) dst(%dma_wait3A_473 : memref<12288xi32, #tpu.memory_space<hbm>>)
      tpu.yield
    }) : () -> ()
    "tpu.region"() ({
      %run_scoped3A = tpu.sem_alloc : memref<!tpu.dma_semaphore, #tpu.memory_space<semaphore_mem>>
      %dma_start3A_462 = arith.constant 0 : i32
      %dma_start3A_463 = tpu.memref_slice %arg6[%add3A, %dma_start3A_462] : memref<32x16xi32, #tpu.memory_space<hbm>> -> memref<1x16xi32, #tpu.memory_space<hbm>>
      %dma_start3A_464 = tpu.memref_squeeze %dma_start3A_463 : memref<1x16xi32, #tpu.memory_space<hbm>> -> memref<16xi32, #tpu.memory_space<hbm>>
      %dma_start3A_465 = arith.constant 0 : i32
      %dma_start3A_466 = tpu.memref_slice %arg6[%add3A, %dma_start3A_465] : memref<32x16xi32, #tpu.memory_space<hbm>> -> memref<1x16xi32, #tpu.memory_space<hbm>>
      %dma_start3A_467 = tpu.memref_squeeze %dma_start3A_466 : memref<1x16xi32, #tpu.memory_space<hbm>> -> memref<16xi32, #tpu.memory_space<hbm>>
      tpu.enqueue_dma source(%arg15 : memref<16xi32, #tpu.memory_space<vmem>>) target(%dma_start3A_467 : memref<16xi32, #tpu.memory_space<hbm>>) target_semaphore(%run_scoped3A : memref<!tpu.dma_semaphore, #tpu.memory_space<semaphore_mem>>)
      %dma_wait3A_468 = arith.constant 0 : i32
      %dma_wait3A_469 = tpu.memref_slice %arg6[%add3A, %dma_wait3A_468] : memref<32x16xi32, #tpu.memory_space<hbm>> -> memref<1x16xi32, #tpu.memory_space<hbm>>
      %dma_wait3A_470 = tpu.memref_squeeze %dma_wait3A_469 : memref<1x16xi32, #tpu.memory_space<hbm>> -> memref<16xi32, #tpu.memory_space<hbm>>
      %dma_wait3A_471 = arith.constant 0 : i32
      %dma_wait3A_472 = tpu.memref_slice %arg6[%add3A, %dma_wait3A_471] : memref<32x16xi32, #tpu.memory_space<hbm>> -> memref<1x16xi32, #tpu.memory_space<hbm>>
      %dma_wait3A_473 = tpu.memref_squeeze %dma_wait3A_472 : memref<1x16xi32, #tpu.memory_space<hbm>> -> memref<16xi32, #tpu.memory_space<hbm>>
      tpu.wait_dma2 semaphore(%run_scoped3A : memref<!tpu.dma_semaphore, #tpu.memory_space<semaphore_mem>>) src(%arg15 : memref<16xi32, #tpu.memory_space<vmem>>) dst(%dma_wait3A_473 : memref<16xi32, #tpu.memory_space<hbm>>)
      tpu.yield
    }) : () -> ()
    "tpu.region"() ({
      %run_scoped3A = tpu.sem_alloc : memref<!tpu.dma_semaphore, #tpu.memory_space<semaphore_mem>>
      %dma_start3A_462 = arith.constant 0 : i32
      %dma_start3A_463 = tpu.memref_slice %arg7[%add3A, %dma_start3A_462] : memref<32x320xf32, #tpu.memory_space<hbm>> -> memref<1x320xf32, #tpu.memory_space<hbm>>
      %dma_start3A_464 = tpu.memref_squeeze %dma_start3A_463 : memref<1x320xf32, #tpu.memory_space<hbm>> -> memref<320xf32, #tpu.memory_space<hbm>>
      %dma_start3A_465 = arith.constant 0 : i32
      %dma_start3A_466 = tpu.memref_slice %arg7[%add3A, %dma_start3A_465] : memref<32x320xf32, #tpu.memory_space<hbm>> -> memref<1x320xf32, #tpu.memory_space<hbm>>
      %dma_start3A_467 = tpu.memref_squeeze %dma_start3A_466 : memref<1x320xf32, #tpu.memory_space<hbm>> -> memref<320xf32, #tpu.memory_space<hbm>>
      tpu.enqueue_dma source(%arg14 : memref<320xf32, #tpu.memory_space<vmem>>) target(%dma_start3A_467 : memref<320xf32, #tpu.memory_space<hbm>>) target_semaphore(%run_scoped3A : memref<!tpu.dma_semaphore, #tpu.memory_space<semaphore_mem>>)
      %dma_wait3A_468 = arith.constant 0 : i32
      %dma_wait3A_469 = tpu.memref_slice %arg7[%add3A, %dma_wait3A_468] : memref<32x320xf32, #tpu.memory_space<hbm>> -> memref<1x320xf32, #tpu.memory_space<hbm>>
      %dma_wait3A_470 = tpu.memref_squeeze %dma_wait3A_469 : memref<1x320xf32, #tpu.memory_space<hbm>> -> memref<320xf32, #tpu.memory_space<hbm>>
      %dma_wait3A_471 = arith.constant 0 : i32
      %dma_wait3A_472 = tpu.memref_slice %arg7[%add3A, %dma_wait3A_471] : memref<32x320xf32, #tpu.memory_space<hbm>> -> memref<1x320xf32, #tpu.memory_space<hbm>>
      %dma_wait3A_473 = tpu.memref_squeeze %dma_wait3A_472 : memref<1x320xf32, #tpu.memory_space<hbm>> -> memref<320xf32, #tpu.memory_space<hbm>>
      tpu.wait_dma2 semaphore(%run_scoped3A : memref<!tpu.dma_semaphore, #tpu.memory_space<semaphore_mem>>) src(%arg14 : memref<320xf32, #tpu.memory_space<vmem>>) dst(%dma_wait3A_473 : memref<320xf32, #tpu.memory_space<hbm>>)
      tpu.yield
    }) : () -> ()
    return
  }
}

module attributes {stable_mosaic.version = 14 : i64} {
  func.func @_lin1_body(%arg0: i32, %arg1: memref<512x128xf32, #tpu.memory_space<vmem>>, %arg2: memref<128x64xf32, #tpu.memory_space<vmem>>, %arg3: memref<512x1xf32, #tpu.memory_space<vmem>>, %arg4: memref<512x128xf32, #tpu.memory_space<vmem>>, %arg5: memref<512x1xf32, #tpu.memory_space<vmem>>) attributes {dimension_semantics = [#tpu.dimension_semantics<arbitrary>], iteration_bounds = array<i64: 20>, scalar_prefetch = 0 : i64, scratch_operands = 0 : i64, tpu.core_type = #tpu.core_type<tc>, window_params = [{transform_indices = @transform_0, window_bounds = array<i64: 512, 128>}, {pipeline_mode = #tpu.pipeline_mode<synchronous>, transform_indices = @transform_1, window_bounds = array<i64: 128, 64>}, {transform_indices = @transform_2, window_bounds = array<i64: 512, 1>}, {transform_indices = @transform_3, window_bounds = array<i64: 512, 128>}, {transform_indices = @transform_4, window_bounds = array<i64: 512, 1>}]} {
    %get3A = arith.constant 0 : index
    %get3A_0 = arith.constant 0 : index
    %get3A_1 = vector.load %arg3[%get3A, %get3A_0] : memref<512x1xf32, #tpu.memory_space<vmem>>, vector<512x1xf32>
    %pow3A = arith.constant -5.000000e-01 : f32
    %pow3A_2 = vector.broadcast %pow3A : f32 to vector<512x1xf32>
    %pow3A_3 = math.powf %get3A_1, %pow3A_2 : vector<512x1xf32>
    %get3A_4 = arith.constant 0 : index
    %get3A_5 = arith.constant 0 : index
    %get3A_6 = vector.load %arg1[%get3A_4, %get3A_5] : memref<512x128xf32, #tpu.memory_space<vmem>>, vector<512x128xf32>
    %get3A_7 = arith.constant 0 : index
    %get3A_8 = arith.constant 0 : index
    %get3A_9 = vector.load %arg2[%get3A_7, %get3A_8] : memref<128x64xf32, #tpu.memory_space<vmem>>, vector<128x64xf32>
    %dot_general3A = arith.constant dense<0.000000e+00> : vector<512x64xf32>
    %dot_general3A_10 = tpu.matmul %get3A_6, %get3A_9, %dot_general3A {dimension_numbers = #tpu.dot_dimension_numbers<[1], [0], [0], [1], [0, 0, 1, 1], [], []>, transpose_lhs_hint = false} : vector<512x128xf32>, vector<128x64xf32>, vector<512x64xf32> -> vector<512x64xf32>
    %mul3A = vector.broadcast %pow3A_3 : vector<512x1xf32> to vector<512x64xf32>
    %mul3A_11 = arith.mulf %dot_general3A_10, %mul3A : vector<512x64xf32>
    %broadcast_in_dim3A = arith.constant 0.000000e+00 : f32
    %broadcast_in_dim3A_12 = vector.broadcast %broadcast_in_dim3A : f32 to vector<512x64xf32>
    %concatenate3A = tpu.concatenate %mul3A_11, %broadcast_in_dim3A_12 in 1 : vector<512x64xf32>, vector<512x64xf32> -> vector<512x128xf32>
    %swap3A = arith.constant 0 : index
    %swap3A_13 = arith.constant 0 : index
    %swap3A_14 = vector.load %arg4[%swap3A, %swap3A_13] : memref<512x128xf32, #tpu.memory_space<vmem>>, vector<512x128xf32>
    tpu.vector_store %arg4[%swap3A, %swap3A_13], %concatenate3A {strides = array<i32>} : memref<512x128xf32, #tpu.memory_space<vmem>>, vector<512x128xf32>,
    %swap3A_15 = arith.constant 0 : index
    %swap3A_16 = arith.constant 0 : index
    %swap3A_17 = vector.load %arg5[%swap3A_15, %swap3A_16] : memref<512x1xf32, #tpu.memory_space<vmem>>, vector<512x1xf32>
    tpu.vector_store %arg5[%swap3A_15, %swap3A_16], %pow3A_3 {strides = array<i32>} : memref<512x1xf32, #tpu.memory_space<vmem>>, vector<512x1xf32>,
    return
  }
  func.func @transform_0(%arg0: i32) -> (i32, i32) {
    %c0_i32 = arith.constant 0 : i32
    %c0_i32_0 = arith.constant 0 : i32
    return %arg0, %c0_i32 : i32, i32
  }
  func.func @transform_1(%arg0: i32) -> (i32, i32) {
    %c0_i32 = arith.constant 0 : i32
    %c0_i32_0 = arith.constant 0 : i32
    %c0_i32_1 = arith.constant 0 : i32
    return %c0_i32, %c0_i32_0 : i32, i32
  }
  func.func @transform_2(%arg0: i32) -> (i32, i32) {
    %c0_i32 = arith.constant 0 : i32
    %c0_i32_0 = arith.constant 0 : i32
    return %arg0, %c0_i32 : i32, i32
  }
  func.func @transform_3(%arg0: i32) -> (i32, i32) {
    %c0_i32 = arith.constant 0 : i32
    %c0_i32_0 = arith.constant 0 : i32
    return %arg0, %c0_i32 : i32, i32
  }
  func.func @transform_4(%arg0: i32) -> (i32, i32) {
    %c0_i32 = arith.constant 0 : i32
    %c0_i32_0 = arith.constant 0 : i32
    return %arg0, %c0_i32 : i32, i32
  }
}

module attributes {stable_mosaic.version = 14 : i64} {
  func.func @_lin2_body(%arg0: i32, %arg1: memref<512x64xf32, #tpu.memory_space<vmem>>, %arg2: memref<64x64xf32, #tpu.memory_space<vmem>>, %arg3: memref<512x1xf32, #tpu.memory_space<vmem>>, %arg4: memref<512x128xf32, #tpu.memory_space<vmem>>) attributes {dimension_semantics = [#tpu.dimension_semantics<arbitrary>], iteration_bounds = array<i64: 20>, scalar_prefetch = 0 : i64, scratch_operands = 0 : i64, tpu.core_type = #tpu.core_type<tc>, window_params = [{transform_indices = @transform_0, window_bounds = array<i64: 512, 64>}, {pipeline_mode = #tpu.pipeline_mode<synchronous>, transform_indices = @transform_1, window_bounds = array<i64: 64, 64>}, {transform_indices = @transform_2, window_bounds = array<i64: 512, 1>}, {transform_indices = @transform_3, window_bounds = array<i64: 512, 128>}]} {
    %get3A = arith.constant 0 : index
    %get3A_0 = arith.constant 0 : index
    %get3A_1 = vector.load %arg1[%get3A, %get3A_0] : memref<512x64xf32, #tpu.memory_space<vmem>>, vector<512x64xf32>
    %get3A_2 = arith.constant 0 : index
    %get3A_3 = arith.constant 0 : index
    %get3A_4 = vector.load %arg2[%get3A_2, %get3A_3] : memref<64x64xf32, #tpu.memory_space<vmem>>, vector<64x64xf32>
    %dot_general3A = arith.constant dense<0.000000e+00> : vector<512x64xf32>
    %dot_general3A_5 = tpu.matmul %get3A_1, %get3A_4, %dot_general3A {dimension_numbers = #tpu.dot_dimension_numbers<[1], [0], [0], [1], [0, 0, 1, 1], [], []>, transpose_lhs_hint = false} : vector<512x64xf32>, vector<64x64xf32>, vector<512x64xf32> -> vector<512x64xf32>
    %get3A_6 = arith.constant 0 : index
    %get3A_7 = arith.constant 0 : index
    %get3A_8 = vector.load %arg3[%get3A_6, %get3A_7] : memref<512x1xf32, #tpu.memory_space<vmem>>, vector<512x1xf32>
    %mul3A = vector.broadcast %get3A_8 : vector<512x1xf32> to vector<512x64xf32>
    %mul3A_9 = arith.mulf %dot_general3A_5, %mul3A : vector<512x64xf32>
    %broadcast_in_dim3A = arith.constant 0.000000e+00 : f32
    %broadcast_in_dim3A_10 = vector.broadcast %broadcast_in_dim3A : f32 to vector<512x64xf32>
    %concatenate3A = tpu.concatenate %mul3A_9, %broadcast_in_dim3A_10 in 1 : vector<512x64xf32>, vector<512x64xf32> -> vector<512x128xf32>
    %swap3A = arith.constant 0 : index
    %swap3A_11 = arith.constant 0 : index
    %swap3A_12 = vector.load %arg4[%swap3A, %swap3A_11] : memref<512x128xf32, #tpu.memory_space<vmem>>, vector<512x128xf32>
    tpu.vector_store %arg4[%swap3A, %swap3A_11], %concatenate3A {strides = array<i32>} : memref<512x128xf32, #tpu.memory_space<vmem>>, vector<512x128xf32>,
    return
  }
  func.func @transform_0(%arg0: i32) -> (i32, i32) {
    %c0_i32 = arith.constant 0 : i32
    %c0_i32_0 = arith.constant 0 : i32
    return %arg0, %c0_i32 : i32, i32
  }
  func.func @transform_1(%arg0: i32) -> (i32, i32) {
    %c0_i32 = arith.constant 0 : i32
    %c0_i32_0 = arith.constant 0 : i32
    %c0_i32_1 = arith.constant 0 : i32
    return %c0_i32, %c0_i32_0 : i32, i32
  }
  func.func @transform_2(%arg0: i32) -> (i32, i32) {
    %c0_i32 = arith.constant 0 : i32
    %c0_i32_0 = arith.constant 0 : i32
    return %arg0, %c0_i32 : i32, i32
  }
  func.func @transform_3(%arg0: i32) -> (i32, i32) {
    %c0_i32 = arith.constant 0 : i32
    %c0_i32_0 = arith.constant 0 : i32
    return %arg0, %c0_i32 : i32, i32
  }
}

module attributes {stable_mosaic.version = 14 : i64} {
  func.func @_head_body(%arg0: memref<32x128xf32, #tpu.memory_space<vmem>>, %arg1: memref<64x64xf32, #tpu.memory_space<vmem>>, %arg2: memref<1x64xf32, #tpu.memory_space<vmem>>, %arg3: memref<64x64xf32, #tpu.memory_space<vmem>>, %arg4: memref<1x64xf32, #tpu.memory_space<vmem>>, %arg5: memref<64x64xf32, #tpu.memory_space<vmem>>, %arg6: memref<1x64xf32, #tpu.memory_space<vmem>>, %arg7: memref<1x64xf32, #tpu.memory_space<vmem>>, %arg8: memref<1x64xf32, #tpu.memory_space<vmem>>, %arg9: memref<1x64xf32, #tpu.memory_space<vmem>>, %arg10: memref<1x64xf32, #tpu.memory_space<vmem>>) attributes {dimension_semantics = [], scalar_prefetch = 0 : i64, scratch_operands = 0 : i64, tpu.core_type = #tpu.core_type<tc>} {
    %get3A = arith.constant 0 : index
    %get3A_0 = arith.constant 0 : index
    %get3A_1 = vector.load %arg0[%get3A, %get3A_0] : memref<32x128xf32, #tpu.memory_space<vmem>>, vector<32x128xf32>
    %reduce_sum3A = arith.constant dense<0.000000e+00> : vector<128xf32>
    %reduce_sum3A_2 = vector.multi_reduction <add>, %get3A_1, %reduce_sum3A [0] : vector<32x128xf32> to vector<128xf32>
    %broadcast_in_dim3A = vector.shape_cast %reduce_sum3A_2 : vector<128xf32> to vector<1x128xf32>
    %slice3A = vector.extract_strided_slice %broadcast_in_dim3A {offsets = [0, 0], sizes = [1, 64], strides = [1, 1]} : vector<1x128xf32> to vector<1x64xf32>
    %mul3A = arith.constant 9.99999974E-5 : f32
    %mul3A_3 = vector.broadcast %mul3A : f32 to vector<1x64xf32>
    %mul3A_4 = arith.mulf %slice3A, %mul3A_3 : vector<1x64xf32>
    %get3A_5 = arith.constant 0 : index
    %get3A_6 = arith.constant 0 : index
    %get3A_7 = vector.load %arg1[%get3A_5, %get3A_6] : memref<64x64xf32, #tpu.memory_space<vmem>>, vector<64x64xf32>
    %dot_general3A = arith.constant dense<0.000000e+00> : vector<1x64xf32>
    %dot_general3A_8 = tpu.matmul %mul3A_4, %get3A_7, %dot_general3A {dimension_numbers = #tpu.dot_dimension_numbers<[1], [0], [0], [1], [0, 0, 1, 1], [], []>, transpose_lhs_hint = false} : vector<1x64xf32>, vector<64x64xf32>, vector<1x64xf32> -> vector<1x64xf32>
    %get3A_9 = arith.constant 0 : index
    %get3A_10 = arith.constant 0 : index
    %get3A_11 = vector.load %arg2[%get3A_9, %get3A_10] : memref<1x64xf32, #tpu.memory_space<vmem>>, vector<1x64xf32>
    %add3A = arith.addf %dot_general3A_8, %get3A_11 : vector<1x64xf32>
    %get3A_12 = arith.constant 0 : index
    %get3A_13 = arith.constant 0 : index
    %get3A_14 = vector.load %arg3[%get3A_12, %get3A_13] : memref<64x64xf32, #tpu.memory_space<vmem>>, vector<64x64xf32>
    %dot_general3A_15 = arith.constant dense<0.000000e+00> : vector<1x64xf32>
    %dot_general3A_16 = tpu.matmul %mul3A_4, %get3A_14, %dot_general3A_15 {dimension_numbers = #tpu.dot_dimension_numbers<[1], [0], [0], [1], [0, 0, 1, 1], [], []>, transpose_lhs_hint = false} : vector<1x64xf32>, vector<64x64xf32>, vector<1x64xf32> -> vector<1x64xf32>
    %get3A_17 = arith.constant 0 : index
    %get3A_18 = arith.constant 0 : index
    %get3A_19 = vector.load %arg4[%get3A_17, %get3A_18] : memref<1x64xf32, #tpu.memory_space<vmem>>, vector<1x64xf32>
    %add3A_20 = arith.addf %dot_general3A_16, %get3A_19 : vector<1x64xf32>
    %mul3A_21 = arith.constant 5.000000e-01 : f32
    %mul3A_22 = vector.broadcast %mul3A_21 : f32 to vector<1x64xf32>
    %mul3A_23 = arith.mulf %mul3A_22, %add3A_20 : vector<1x64xf32>
    %exp3A = math.exp %mul3A_23 : vector<1x64xf32>
    %get3A_24 = arith.constant 0 : index
    %get3A_25 = arith.constant 0 : index
    %get3A_26 = vector.load %arg7[%get3A_24, %get3A_25] : memref<1x64xf32, #tpu.memory_space<vmem>>, vector<1x64xf32>
    %mul3A_27 = arith.mulf %get3A_26, %exp3A : vector<1x64xf32>
    %add3A_28 = arith.addf %add3A, %mul3A_27 : vector<1x64xf32>
    %get3A_29 = arith.constant 0 : index
    %get3A_30 = arith.constant 0 : index
    %get3A_31 = vector.load %arg5[%get3A_29, %get3A_30] : memref<64x64xf32, #tpu.memory_space<vmem>>, vector<64x64xf32>
    %dot_general3A_32 = arith.constant dense<0.000000e+00> : vector<1x64xf32>
    %dot_general3A_33 = tpu.matmul %add3A_28, %get3A_31, %dot_general3A_32 {dimension_numbers = #tpu.dot_dimension_numbers<[1], [0], [0], [1], [0, 0, 1, 1], [], []>, transpose_lhs_hint = false} : vector<1x64xf32>, vector<64x64xf32>, vector<1x64xf32> -> vector<1x64xf32>
    %get3A_34 = arith.constant 0 : index
    %get3A_35 = arith.constant 0 : index
    %get3A_36 = vector.load %arg6[%get3A_34, %get3A_35] : memref<1x64xf32, #tpu.memory_space<vmem>>, vector<1x64xf32>
    %add3A_37 = arith.addf %dot_general3A_33, %get3A_36 : vector<1x64xf32>
    %swap3A = arith.constant 0 : index
    %swap3A_38 = arith.constant 0 : index
    %swap3A_39 = vector.load %arg8[%swap3A, %swap3A_38] : memref<1x64xf32, #tpu.memory_space<vmem>>, vector<1x64xf32>
    tpu.vector_store %arg8[%swap3A, %swap3A_38], %add3A {strides = array<i32>} : memref<1x64xf32, #tpu.memory_space<vmem>>, vector<1x64xf32>,
    %swap3A_40 = arith.constant 0 : index
    %swap3A_41 = arith.constant 0 : index
    %swap3A_42 = vector.load %arg9[%swap3A_40, %swap3A_41] : memref<1x64xf32, #tpu.memory_space<vmem>>, vector<1x64xf32>
    tpu.vector_store %arg9[%swap3A_40, %swap3A_41], %add3A_20 {strides = array<i32>} : memref<1x64xf32, #tpu.memory_space<vmem>>, vector<1x64xf32>,
    %max3A = arith.constant 0.000000e+00 : f32
    %max3A_43 = vector.broadcast %max3A : f32 to vector<1x64xf32>
    %max3A_44 = arith.maximumf %add3A_37, %max3A_43 : vector<1x64xf32>
    %swap3A_45 = arith.constant 0 : index
    %swap3A_46 = arith.constant 0 : index
    %swap3A_47 = vector.load %arg10[%swap3A_45, %swap3A_46] : memref<1x64xf32, #tpu.memory_space<vmem>>, vector<1x64xf32>
    tpu.vector_store %arg10[%swap3A_45, %swap3A_46], %max3A_44 {strides = array<i32>} : memref<1x64xf32, #tpu.memory_space<vmem>>, vector<1x64xf32>,
    return
  }
}

module attributes {stable_mosaic.version = 14 : i64} {
  func.func @_dec2_body(%arg0: i32, %arg1: memref<1x64xf32, #tpu.memory_space<vmem>>, %arg2: memref<64x25600xf32, #tpu.memory_space<vmem>>, %arg3: memref<1x25600xf32, #tpu.memory_space<vmem>>, %arg4: memref<1x25600xf32, #tpu.memory_space<vmem>>) attributes {dimension_semantics = [#tpu.dimension_semantics<arbitrary>], iteration_bounds = array<i64: 50>, scalar_prefetch = 0 : i64, scratch_operands = 0 : i64, tpu.core_type = #tpu.core_type<tc>, window_params = [{pipeline_mode = #tpu.pipeline_mode<synchronous>, transform_indices = @transform_0, window_bounds = array<i64: 1, 64>}, {transform_indices = @transform_1, window_bounds = array<i64: 64, 25600>}, {transform_indices = @transform_2, window_bounds = array<i64: 1, 25600>}, {transform_indices = @transform_3, window_bounds = array<i64: 1, 25600>}]} {
    %get3A = arith.constant 0 : index
    %get3A_0 = arith.constant 0 : index
    %get3A_1 = vector.load %arg1[%get3A, %get3A_0] : memref<1x64xf32, #tpu.memory_space<vmem>>, vector<1x64xf32>
    %get3A_2 = arith.constant 0 : index
    %get3A_3 = arith.constant 0 : index
    %get3A_4 = vector.load %arg2[%get3A_2, %get3A_3] : memref<64x25600xf32, #tpu.memory_space<vmem>>, vector<64x25600xf32>
    %dot_general3A = arith.constant dense<0.000000e+00> : vector<1x25600xf32>
    %dot_general3A_5 = tpu.matmul %get3A_1, %get3A_4, %dot_general3A {dimension_numbers = #tpu.dot_dimension_numbers<[1], [0], [0], [1], [0, 0, 1, 1], [], []>, transpose_lhs_hint = false} : vector<1x64xf32>, vector<64x25600xf32>, vector<1x25600xf32> -> vector<1x25600xf32>
    %get3A_6 = arith.constant 0 : index
    %get3A_7 = arith.constant 0 : index
    %get3A_8 = vector.load %arg3[%get3A_6, %get3A_7] : memref<1x25600xf32, #tpu.memory_space<vmem>>, vector<1x25600xf32>
    %add3A = arith.addf %dot_general3A_5, %get3A_8 : vector<1x25600xf32>
    %swap3A = arith.constant 0 : index
    %swap3A_9 = arith.constant 0 : index
    %swap3A_10 = vector.load %arg4[%swap3A, %swap3A_9] : memref<1x25600xf32, #tpu.memory_space<vmem>>, vector<1x25600xf32>
    tpu.vector_store %arg4[%swap3A, %swap3A_9], %add3A {strides = array<i32>} : memref<1x25600xf32, #tpu.memory_space<vmem>>, vector<1x25600xf32>,
    return
  }
  func.func @transform_0(%arg0: i32) -> (i32, i32) {
    %c0_i32 = arith.constant 0 : i32
    %c0_i32_0 = arith.constant 0 : i32
    %c0_i32_1 = arith.constant 0 : i32
    return %c0_i32, %c0_i32_0 : i32, i32
  }
  func.func @transform_1(%arg0: i32) -> (i32, i32) {
    %c0_i32 = arith.constant 0 : i32
    %c0_i32_0 = arith.constant 0 : i32
    return %c0_i32, %arg0 : i32, i32
  }
  func.func @transform_2(%arg0: i32) -> (i32, i32) {
    %c0_i32 = arith.constant 0 : i32
    %c0_i32_0 = arith.constant 0 : i32
    return %c0_i32, %arg0 : i32, i32
  }
  func.func @transform_3(%arg0: i32) -> (i32, i32) {
    %c0_i32 = arith.constant 0 : i32
    %c0_i32_0 = arith.constant 0 : i32
    return %c0_i32, %arg0 : i32, i32
  }
}

</mosaic_0001>

<sc_bundles>
// kernel: kernel.12.cloned.1.call-start
scs
__scs_entry_jumppad:
0x0: {  	(pc) =	sbr.rel $0x88, $3  }
0x1: {  	(tag) =	ssettag $0x0;
	lr =	simm.s32 $0x1  }
0x2: {  	[smem:$0x3F93] =	sst lr;
	_ =	strace $0xD0000000  }
0x3: {  	_ = 	snop  }
0x4: {  	_ = 	snop  }
0x5: {  	_ = 	snop  }
0x6: {  	_ = 	snop  }
0x7: {  	_ = 	snop  }
__scs_overlays_trampoline_lowered:
0x8: {  	[smem:$0x3FA2] =	sst s0  }
0x9: {  	[smem:$0x3FA3] =	sst s1  }
0xa: {  	[smem:$0x3FA4] =	sst s2  }
0xb: {  	[smem:$0x3FA5] =	sst s3  }
0xc: {  	[smem:$0x3FA6] =	sst s4  }
0xd: {  	[smem:$0x3FA7] =	sst s5  }
0xe: {  	[smem:$0x3FA8] =	sst s6  }
0xf: {  	[smem:$0x3FA9] =	sst s7  }
0x10: {  	[smem:$0x3FAA] =	sst s8  }
0x11: {  	[smem:$0x3FAB] =	sst s9;
	s0 =	simm.s32 @!p0 $0x0  }
0x12: {  	s1 =	sld [smem:$0x3F91];
	s0 =	simm.s32 @p0 $0x1  }
0x13: {  	[smem:$0x3FAC] =	sst s0;
	s0 =	simm.s32 @!p1 $0x0  }
0x14: {  	s2 =	sld [smem:$0x3F90];
	s0 =	simm.s32 @p1 $0x1  }
0x15: {  	[smem:$0x3FAD] =	sst s0;
	s0 =	simm.s32 @!p2 $0x0  }
0x16: {  	s3 =	sld [smem:$0x3FDB];
	s0 =	simm.s32 @p2 $0x1  }
0x17: {  	s4 =	simm.s32 $0x1BF5;
	[smem:$0x3FAF] =	sst s0  }
0x18: {  	s0 =	sld [smem:$0x3F92];
	_ =	swait.ge [sflag:s4], $0x0  }
0x19: {  	s7 =	sld [smem:$0x3F93]  }
0x1a: {  	s8 =	sadd.s32 $0xFFFFE003, lr  }
0x1b: {  	s9 =	sadd.s32 $0xFFFFFEF7, lr;
	s5 =	simm.s32 $0xFFFFFFFF;
	p2 =	slt.u32 s8, $0xFFFFF086  }
0x1c: {  	p1 =	slt.u32 s9, $0xF7A;
	s5 =	simm.s32 @!p2 $0x0  }
0x1d: {  	s5 =	simm.s32 @p1 $0x1;
	p0 =	seq.s32 s7, s2  }
0x1e: {  	s7 =	smul.u32 @!p0 $0xF7A, s2;
	p2 =	seq.s32 @!p0 s5, $0x0  }
0x1f: {  	s9 =	smul.u32 $0xF7A, s1;
	s8 =	simm.s32 @!p0 $0x1BF5;
	p2 =	por !p2, p0  }
0x20: {  	[sflag:s8] =	ssyncset.s32 @!p0 $0xFFFFF086;
	s6 =	sadd.s32 @!p0 s3, s7;
	s7 =	simm.s32 @!p0 $0x108  }
0x21: {  	s3 =	sadd.s32 s3, s9;
	s6 =	sadd.s32 @!p0 $0x88, s6;
	s7 =	simm.s32 @p2 $0x1082  }
0x22: {  	[simem:s7], [sflag:s8] =	dma.local @!p0 [hbm:s6], $0xF7A  }
0x23: {  	s9 =	sor.u32 $0xD0000000, s2;
	s6 =	simm.s32 $0x108;
	_ =	swait.ge @!p0 [sflag:s8], $0x0  }
0x24: {  	s3 =	sadd.s32 $0x88, s3;
	s6 =	simm.s32 @!p1 $0x1082;
	[sflag:s4] =	ssyncset.s32 $0xFFFFF086  }
0x25: {  	[simem:s6], [sflag:s4] =	dma.local [hbm:s3], $0xF7A  }
0x26: {  	[smem:$0x3F93] =	sst s1;
	(tag) =	ssettag s2;
	_ =	strace s9  }
0x27: {  	s1 =	sld [smem:$0x3FA3]  }
0x28: {  	s2 =	sld [smem:$0x3FA4]  }
0x29: {  	s4 =	sld [smem:$0x3FA6]  }
0x2a: {  	p0 =	seq.s32 s5, $0x0;
	s5 =	sld [smem:$0x3FA7]  }
0x2b: {  	s6 =	sld [smem:$0x3FA8]  }
0x2c: {  	s7 =	sld [smem:$0x3FA9]  }
0x2d: {  	s3 =	simm.s32 $0x108;
	s8 =	sld [smem:$0x3FAA]  }
0x2e: {  	s3 =	simm.s32 @!p0 $0x1082;
	s9 =	sld [smem:$0x3FAB]  }
0x2f: {  	lr =	sadd.s32 s0, s3;
	s0 =	sld [smem:$0x3FA2]  }
0x30: {  	s3 =	sld [smem:$0x3FA5]  }
0x31: {  	[smem:$0x3FAE] =	sst s10  }
0x32: {  	s10 =	sld [smem:$0x3FAC];
	_ =	sdelay $0x3  }
0x33: {  	p0 =	seq.s32 s10, $0x1;
	s10 =	sld [smem:$0x3FAE];
	_ =	sdelay $0x3  }
0x34: {  	[smem:$0x3FAE] =	sst s10  }
0x35: {  	s10 =	sld [smem:$0x3FAD];
	_ =	sdelay $0x3  }
0x36: {  	p1 =	seq.s32 s10, $0x1;
	s10 =	sld [smem:$0x3FAE];
	_ =	sdelay $0x3  }
0x37: {  	[smem:$0x3FAE] =	sst s10  }
0x38: {  	s10 =	sld [smem:$0x3FAF]  }
0x39: {  	_ = 	snop;
	(pc) =	sbr.ind lr, $3  }
0x3a: {  	_ = 	snop  }
0x3b: {  	_ = 	snop  }
0x3c: {  	p2 =	seq.s32 s10, $0x1;
	s10 =	sld [smem:$0x3FAE]  }
0x3d: {  	_ =	shalt  }
0x3e: {  	_ =	shalt  }
0x3f: {  	_ =	shalt  }
0x40: {  	_ =	shalt  }
0x41: {  	_ =	shalt  }
0x42: {  	_ =	shalt  }
0x43: {  	_ =	shalt  }
0x44: {  	_ =	shalt  }
0x45: {  	_ =	shalt  }
0x46: {  	_ =	shalt  }
0x47: {  	_ =	shalt  }
0x48: {  	_ =	shalt  }
0x49: {  	_ =	shalt  }
0x4a: {  	_ =	shalt  }
0x4b: {  	_ =	shalt  }
0x4c: {  	_ =	shalt  }
0x4d: {  	_ =	shalt  }
0x4e: {  	_ =	shalt  }
0x4f: {  	_ =	shalt  }
0x50: {  	_ =	shalt  }
0x51: {  	_ =	shalt  }
0x52: {  	_ =	shalt  }
0x53: {  	_ =	shalt  }
0x54: {  	_ =	shalt  }
0x55: {  	_ =	shalt  }
0x56: {  	_ =	shalt  }
0x57: {  	_ =	shalt  }
0x58: {  	_ =	shalt  }
0x59: {  	_ =	shalt  }
0x5a: {  	_ =	shalt  }
0x5b: {  	_ =	shalt  }
0x5c: {  	_ =	shalt  }
0x5d: {  	_ =	shalt  }
0x5e: {  	_ =	shalt  }
0x5f: {  	_ =	shalt  }
0x60: {  	_ =	shalt  }
0x61: {  	_ =	shalt  }
0x62: {  	_ =	shalt  }
0x63: {  	_ =	shalt  }
0x64: {  	_ =	shalt  }
0x65: {  	_ =	shalt  }
0x66: {  	_ =	shalt  }
0x67: {  	_ =	shalt  }
0x68: {  	_ =	shalt  }
0x69: {  	_ =	shalt  }
0x6a: {  	_ =	shalt  }
0x6b: {  	_ =	shalt  }
0x6c: {  	_ =	shalt  }
0x6d: {  	_ =	shalt  }
0x6e: {  	_ =	shalt  }
0x6f: {  	_ =	shalt  }
0x70: {  	_ =	shalt  }
0x71: {  	_ =	shalt  }
0x72: {  	_ =	shalt  }
0x73: {  	_ =	shalt  }
0x74: {  	_ =	shalt  }
0x75: {  	_ =	shalt  }
0x76: {  	_ =	shalt  }
0x77: {  	_ =	shalt  }
0x78: {  	_ =	shalt  }
0x79: {  	_ =	shalt  }
0x7a: {  	_ =	shalt  }
0x7b: {  	_ =	shalt  }
0x7c: {  	_ =	shalt  }
0x7d: {  	_ =	shalt  }
0x7e: {  	_ =	shalt  }
0x7f: {  	_ =	shalt  }
0x80: {  	_ =	shalt  }
0x81: {  	_ =	shalt  }
0x82: {  	_ =	shalt  }
0x83: {  	_ =	shalt  }
0x84: {  	_ =	shalt  }
0x85: {  	_ =	shalt  }
0x86: {  	_ =	shalt  }
0x87: {  	_ =	shalt  }
.Lfunc_end0:
.L_simem_size_0:
called_computation.1_lowered:
.L_overlay_start_0:
0x88: {  	s2 =	sld [smem:$0x3FD9]  }
0x89: {  	s3 =	sld [smem:$0x3FFE];
	_ =	sdelay $0x1  }
0x8a: {  	s1 =	srdreg.scid  }
0x8b: {  	s0 =	sand.u32 $0x1, s1  }
0x8c: {  	s14 =	sshll.u32 s0, $0xA;
	s2 =	sadd.s32 s3, s2  }
0x8d: {  	s2 =	sadd.s32 s2, s14  }
0x8e: {  	[smem:$0x3FBA] =	sst s2  }
0x8f: {  	_ = 	snop  }
0x90: {  	s2 =	sld [smem:$0x3FD0];
	_ =	sdelay $0x2  }
0x91: {  	s4 =	simm.s32 $0xA;
	s5 =	simm.s32 $0x10;
	s15 =	sld [smem:$0x3FC6]  }
0x92: {  	[smem:s5], [sflag:s4] =	dma.local [hbm:s2], $0x1  }
0x93: {  	_ =	swait.eq [sflag:s4], $0x1  }
0x94: {  	[sflag:s4] =	ssyncset.done $0x0  }
0x95: {  	[sflag:s4] =	ssyncadd.s32 $0xFFFFFFFF  }
0x96: {  	s16 =	sld [smem:$0x10];
	(tm) =	ssettm $0x1  }
0x97: {  	s17 =	sld [smem:$0x3FFB];
	_ =	sdelay $0x3  }
0x98: {  	_ =	strace s17  }
0x99: {  	s4 =	sld [smem:$0x3FFC];
	_ =	sdelay $0x3  }
0x9a: {  	_ =	strace s4  }
0x9b: {  	s4 =	sld [smem:$0x3FFD];
	_ =	sdelay $0x3  }
0x9c: {  	_ =	strace s4  }
0x9d: {  	_ =	strace $0x8FFFFFFF  }
0x9e: {  	s18 =	sld [smem:$0x3FDB];
	_ =	sdelay $0x1  }
0x9f: {  	s19 =	simm.s32 $_scs_section_size  }
0xa0: {  	s6 =	simm.s32 $_size__tile_overlayer_lowered;
	s7 =	simm.s32 $_tile_overlayer_lowered  }
0xa1: {  	s22 =	simm.s32 $0x1BFF;
	s21 =	sshll.u32 s7, $0x1;
	s4 =	sadd.s32 s19, s18  }
0xa2: {  	s8 =	simm.s32 $0x0;
	s20 =	sshll.u32 s6, $0x1;
	s6 =	sadd.s32 s21, s4  }
0xa3: {  	[timem:s8], [sflag:s22] =	dma.local [hbm:s6], s20  }
0xa4: {  	_ =	swait.ge [sflag:s22], s20  }
0xa5: {  	s5 =	ssub.s32 $0x0, s20;
	[sflag:s22] =	ssyncset.done $0x0  }
0xa6: {  	[sflag:s22] =	ssyncadd.s32 s5;
	_ =	sdelay $0x1  }
0xa7: {  	s23 =	simm.s32 $0x1B8B  }
0xa8: {  	_ =	swait.ge [sflag:s23], $0x1  }
0xa9: {  	[sflag:s23] =	ssyncset.done $0x0  }
0xaa: {  	s25 =	simm.s32 $0x1B8E;
	s24 =	sld [smem:$0x3FFE];
	[sflag:s23] =	ssyncadd.s32 $0xFFFFFFFF  }
0xab: {  	s26 =	simm.s32 $execute0_lowered;
	[smem:$0x3FD2] =	sst s25  }
0xac: {  	s6 =	sshll.u32 s26, $0x1;
	_ =	strace $0x80000049;
	[dreg:$0x1] =	wrdreg $0xFFFFFFFF  }
0xad: {  	s28 =	simm.s32 $_size_execute0_lowered;
	s4 =	sadd.s32 s4, s6;
	[dreg:$0x0] =	wrdreg $0x0  }
0xae: {  	s6 =	sshll.u32 s28, $0x1;
	[dreg:$0x2] =	wrdreg s4  }
0xaf: {  	[dreg:$0x3] =	wrdreg s6  }
0xb0: {  	[dreg:$0x4] =	wrdreg $0xC0  }
0xb1: {  	_ =	task [dreg:s8], $0x5FFFF  }
0xb2: {  	[dreg:$0x1] =	wrdreg $0xFFFFFFFF  }
0xb3: {  	[dreg:$0x0] =	wrdreg $0x60  }
0xb4: {  	[dreg:$0x2] =	wrdreg s24  }
0xb5: {  	[dreg:$0x3] =	wrdreg s15  }
0xb6: {  	[dreg:$0x4] =	wrdreg s16  }
0xb7: {  	[dreg:$0x5] =	wrdreg $0x9  }
0xb8: {  	_ =	task.clear_ibuf [dreg:s8], $0x6FFFF;
	_ =	strace $0x90000049  }
0xb9: {  	s29 =	simm.s32 $0x9;
	_ =	strace $0x8000004B  }
0xba: {  	_ =	swait.ge [sflag:s29], $0x1  }
0xbb: {  	[sflag:s29] =	ssyncadd.s32 $0xFFFFFFFF  }
0xbc: {  	_ =	strace $0x9000004B  }
0xbd: {  	_ =	sfence  }
0xbe: {  	s30 =	sld [smem:$0x0];
	_ =	sdelay $0x2  }
0xbf: {  	s31 =	sshll.u32 s1, $0xD;
	s1 =	sshrl.u32 s1, $0x2  }
0xc0: {  	s3 =	sand.u32 $0x4000, s31;
	s1 =	sadd.s32 s1, s30  }
0xc1: {  	s0 =	sor.u32 s3, s0;
	s1 =	sshll.u32 s1, $0x11  }
0xc2: {  	s0 =	sor.u32 s1, s0  }
0xc3: {  	s0 =	sadd.s32 $0x8F2B, s0  }
0xc4: {  	[sflag:s0] =	ssyncadd.remote.s32 $0x1  }
0xc5: {  	_ =	sfence.sel $0xFFFF  }
0xc6: {  	[dreg:$0x0] =	wrdreg $0xFFFFFFFF;
	(pc) =	sbr.abs _section_cstart, $3  }
0xc7: {  	[dreg:$0x1] =	wrdreg $0xFFFFFFFF  }
0xc8: {  	_ =	task.clear_ibuf [dreg:s8], $0x2FFFF;
	_ =	strace $0x9FFFFFFF  }
0xc9: {  	(tm) =	ssettm $0x7FFFFFFF  }
tec
execute0_lowered:
.L_overlay_start_1:
0x0: {  	(tag) =	ssettag $0x1  }
0x1: {  	s0 =	srdreg.scid  }
0x2: {  	s3 =	stileid.u32;
	s1 =	rddreg [dreg:$0x0]  }
0x3: {  	s6 =	rddreg [dreg:$0x2];
	s14 =	simm.s32 $0x1;
	s21 =	simm.s32 $0x2  }
0x4: {  	s0 =	sand.u32 $0x1, s0;
	s2 =	sshll.u32 s3, $0x1;
	s5 =	sshrl.u32 s3, $0x2  }
0x5: {  	s3 =	simm.s32 $0x0;
	s2 =	sor.u32 s0, s2;
	s7 =	smul.u32 $0x18000, s5  }
0x6: {  	[smem:$0x7FF] =	sst s3;
	s22 =	sshll.u32 s5, $0xA;
	s0 =	ssub.s32 $0x2, s0  }
0x7: {  	s5 =	smul.u32 $0x28000, s5;
	s4 =	sshll.u32 s2, $0x7;
	_ =	strace $0x8000004A  }
0x8: {  	s24 =	smul.u32 $0x28, s2;
	s25 =	sshrl.u32 s0, $0x1;
	s8 =	sand.u32 $0x380, s4  }
0x9: {  	s2 =	smul.u32 $0x1400, s2;
	s0 =	ssub.s32 s0, s25;
	s4 =	sor.u32 s7, s8  }
0xa: {  	s7 =	sor.u32 s22, s8;
	s5 =	sor.u32 s5, s8;
	s4 =	sshrl.u32 s4, $0x3  }
0xb: {  	s0 =	smax.u32 s0, $0x1;
	s23 =	sshrl.u32 s7, $0x3;
	s9 =	sadd.s32 s4, s1  }
0xc: {  	[dreg:$0xa] =	wrdreg s0;
	s10 =	sadd.s32 s23, s1;
	s26 =	sadd.s32 $0xD000, s9  }
0xd: {  	s4 =	sadd.s32 $0x25200, s1;
	s28 =	sadd.s32 $0x19000, s9;
	[dreg:$0x4] =	wrdreg s26  }
0xe: {  	s1 =	sadd.s32 s24, s1;
	s29 =	sadd.s32 $0x25000, s10;
	[dreg:$0x5] =	wrdreg s28  }
0xf: {  	s31 =	sshrl.u32 s5, $0x3;
	s1 =	sadd.s32 $0x2C00, s1;
	[dreg:$0x6] =	wrdreg s29  }
0x10: {  	s23 =	simm.s32 $0x3;
	s30 =	sadd.s32 s4, s2;
	[dreg:$0x7] =	wrdreg s1  }
0x11: {  	s24 =	simm.s32 $0x0;
	[dreg:$0x8] =	wrdreg s30;
	s1 =	sadd.s32 s6, s31  }
0x12: {  	v0 =	vimm.f32 $0.0e+00;
	s2 =	simm.s32 $0x400;
	[dreg:$0x9] =	wrdreg s1;
	s1 =	simm.s32 $0x80  }
.LBB2_1:
0x13: {  	s0 =	rddreg [dreg:$0x4]  }
0x14: {  	[tilespmem:s3], [sflag:$0x1] =	stream.strided.gather [hbm4b:s0+s1], $0x3000, s2, s1, $0x38;
	[tilespmem:$0x1F300] =	vst v63  }
0x15: {  	_ =	swait.ge [sflag:s14], $0x3000  }
0x16: {  	[sflag:s14] =	ssyncset.done $0x0  }
0x17: {  	s5 =	simm.s32 $0x3000;
	s22 =	rddreg [dreg:$0x5];
	[sflag:s14] =	ssyncadd.s32 $0xFFFFD000  }
0x18: {  	[tilespmem:s5], [sflag:$0x1] =	stream.strided.gather [hbm4b:s22+s1], $0x3000, s2, s1, $0x38;
	[tilespmem:$0x1F300] =	vst v63  }
0x19: {  	_ =	swait.ge [sflag:s14], $0x3000  }
0x1a: {  	[sflag:s14] =	ssyncset.done $0x0  }
0x1b: {  	s26 =	simm.s32 $0x1F280;
	s25 =	rddreg [dreg:$0x6];
	[sflag:s14] =	ssyncadd.s32 $0xFFFFD000  }
0x1c: {  	[tilespmem:s26], [sflag:$0x1] =	stream.linear.gather [hbm4b:s25+s3], $0x80, $0x38;
	[tilespmem:$0x1F300] =	vst v63  }
0x1d: {  	_ =	swait.ge [sflag:s14], $0x80  }
0x1e: {  	[sflag:s14] =	ssyncset.done $0x0  }
0x1f: {  	s29 =	simm.s32 $0x1F080;
	s28 =	rddreg [dreg:$0x7];
	[sflag:s14] =	ssyncadd.s32 $0xFFFFFF80  }
0x20: {  	[tilespmem:s29], [sflag:$0x1] =	stream.linear.gather [hbm4b:s28+s3], $0x140, $0x38;
	[tilespmem:$0x1F300] =	vst v63  }
0x21: {  	_ =	swait.ge [sflag:s14], $0x140  }
0x22: {  	[sflag:s14] =	ssyncset.done $0x0  }
0x23: {  	[sflag:s14] =	ssyncadd.s32 $0xFFFFFEC0  }
0x24: {  	s31 =	simm.s32 $0x1F200;
	s30 =	rddreg [dreg:$0x1]  }
0x25: {  	[tilespmem:s31], [sflag:$0x1] =	stream.linear.gather [hbm4b:s30+s3], $0x80, $0x38;
	[tilespmem:$0x1F300] =	vst v63  }
0x26: {  	_ =	swait.ge [sflag:s14], $0x80  }
0x27: {  	[sflag:s14] =	ssyncset.done $0x0  }
0x28: {  	[sflag:s14] =	ssyncadd.s32 $0xFFFFFF80  }
0x29: {  	s0 =	simm.s32 $0x0;
	s1 =	simm.s32 $0x40;
	v1 =	vld [tilespmem:$0x1F280]  }
.LBB2_2:
0x2a: {  	p0 =	sne.s32 s1, $0x13FC0;
	[tilespmem:s0+$0x1A080] =	vst v0;
	s0 =	smov.u32 s1;
	s1 =	sadd.s32 $0x40, s1  }
.Ltmp0:
0x2b: {  	(pc) =	sbr.rel @p0 .LBB2_2-.Ltmp0, $2  }
0x2c: {  	_ =	sdelay $0x2  }
0x2d: {  	s0 =	sshra.s32 s0, $0x2  }
0x2e: {  	(v2sf) =	vpush v1, $0x0;
	_ =	sdelay $0xe  }
0x2f: {  	s1 =	spop (v2sf)  }
0x30: {  	s2 =	sadd.s32 $0x13F, s1  }
0x31: {  	s5 =	smulhi.u32 $0x66666667, s2;
	s6 =	sshra.s32 s2, $0x1F  }
0x32: {  	s6 =	smul.u32 $0x66666667, s6;
	_ =	sdelay $0x1  }
0x33: {  	s5 =	sadd.s32 s6, s5  }
0x34: {  	s6 =	sshrl.u32 s5, $0x1F;
	s5 =	sshra.s32 s5, $0x7  }
0x35: {  	s5 =	sadd.s32 s6, s5  }
0x36: {  	s6 =	smul.u32 $0xFFFFFEC0, s5  }
0x37: {  	s7 =	ssub.s32 $0xFFFFFEC1, s1  }
0x38: {  	p1 =	slt.s32 s2, $0x1;
	p0 =	sne.s32 s6, s7  }
0x39: {  	p0 =	por !p1, !p0  }
0x3a: {  	s2 =	simm.s32 $0x1;
	p0 =	por !p0, !p0  }
0x3b: {  	s2 =	simm.s32 @!p0 $0x0  }
0x3c: {  	s26 =	ssub.s32 s5, s2  }
0x3d: {  	p0 =	slt.s32 s26, $0x1  }
.Ltmp1:
0x3e: {  	_ = 	snop;
	(pc) =	sbr.rel @p0 .LBB2_23-.Ltmp1, $2  }
0x3f: {  	_ =	sdelay $0x2  }
0x40: {  	[tilespmem:s0+$0x1A080] =	vst v0  }
.Ltmp2:
0x41: {  	(pc) =	sbr.rel .LBB2_5-.Ltmp2, $4  }
0x42: {  	s28 =	simm.s32 $0x0;
	s0 =	simm.s32 $0x140  }
0x43: {  	s2 =	simm.s32 $0x6080;
	s29 =	simm.s32 $0x3002;
	s30 =	simm.s32 $0x3000  }
0x44: {  	[tilespmem:s2], [sflag:$0x1] =	stream.indirect.gather [hbm4b:s4+s0], $0x80, s28, s0, $0xb8;
	[tilespmem:$0x1F300] =	vst v63  }
0x45: {  	s31 =	simm.s32 $0x3003;
	s25 =	smov.u32 s1;
	s0 =	simm.s32 $0x0  }
.LBB2_22:
0x46: {  	s0 =	sadd.s32 $0x1, s0  }
0x47: {  	p0 =	sne.s32 s0, s26  }
.Ltmp3:
0x48: {  	_ = 	snop;
	(pc) =	sbr.rel @!p0 .LBB2_23-.Ltmp3, $3  }
0x49: {  	_ =	sdelay $0x1  }
0x4a: {  	s25 =	sadd.s32 $0xFFFFFEC0, s25;
	s29 =	sadd.s32 $0x140, s29  }
0x4b: {  	s30 =	sadd.s32 $0x140, s30;
	s28 =	sadd.s32 $0x140, s28;
	s31 =	sadd.s32 $0x140, s31  }
.LBB2_5:
0x4c: {  	p0 =	slt.s32 s25, $0x140;
	s5 =	smov.u32 s25;
	s2 =	sand.u32 $0x1, s0  }
0x4d: {  	s5 =	simm.s32 @!p0 $0x140;
	p0 =	seq.s32 s2, $0x1  }
.Ltmp4:
0x4e: {  	_ = 	snop;
	(pc) =	sbr.rel @p0 .LBB2_16-.Ltmp4, $2  }
0x4f: {  	_ =	sdelay $0x2  }
0x50: {  	s2 =	sshll.u32 s5, $0x2;
	s19 =	sshll.u32 s5, $0x9  }
0x51: {  	s5 =	sor.u32 $0x1, s0  }
0x52: {  	s8 =	smul.u32 $0x140, s0;
	p0 =	sge.s32 s5, s26  }
0x53: {  	s5 =	smul.u32 @!p0 $0x500, s5  }
0x54: {  	s6 =	simm.s32 @!p0 $0x140  }
0x55: {  	s7 =	simm.s32 @!p0 $0x10080;
	s15 =	ssub.s32 s1, s8;
	s5 =	sshra.s32 @!p0 s5, $0x2  }
0x56: {  	[tilespmem:s7], [sflag:$0x2] =	stream.indirect.gather @!p0 [hbm4b:s4+s6], $0x80, s5, s6, $0xb8;
	[tilespmem:$0x1F300] =	vst v63  }
0x57: {  	p0 =	slt.s32 s15, $0x140  }
0x58: {  	s15 =	simm.s32 @!p0 $0x140  }
0x59: {  	s22 =	sshra.s32 s15, $0x1F  }
0x5a: {  	s5 =	sshrl.u32 s22, $0x1E  }
0x5b: {  	s5 =	sadd.s32 s5, s15  }
0x5c: {  	s16 =	sand.u32 $0xFFFFFFFC, s5  }
0x5d: {  	p0 =	slt.s32 s16, $0x1  }
.Ltmp5:
0x5e: {  	_ = 	snop;
	(pc) =	sbr.rel @p0 .LBB2_9-.Ltmp5, $4  }
0x5f: {  	_ = 	snop  }
0x60: {  	_ =	swait.ge [sflag:s14], $0xA000  }
0x61: {  	[sflag:s14] =	ssyncset.done $0x0  }
0x62: {  	[sflag:s14] =	ssyncadd.s32 $0xFFFF6000  }
0x63: {  	s6 =	sadd.s32 $0x0, s28  }
0x64: {  	s7 =	simm.s32 $0x2;
	s6 =	sand.u32 $0xFFFFFF80, s6  }
0x65: {  	s5 =	simm.s32 $0x0;
	s7 =	sand.u32 $0x7E, s7;
	s6 =	sadd.s32 $0x3000, s6  }
0x66: {  	s8 =	simm.s32 $0x1;
	s5 =	sand.u32 $0x7C, s5;
	s7 =	sor.u32 s7, s6  }
0x67: {  	s8 =	sand.u32 $0x7D, s8;
	s5 =	sor.u32 s5, s6;
	v1 =	vld [tilespmem:s7+$0x0]  }
0x68: {  	s6 =	sor.u32 s8, s6;
	v2 =	vld [tilespmem:s5+$0x0]  }
0x69: {  	v3 =	vld [tilespmem:s6+$0x0]  }
0x6a: {  	v4 =	vld [tilespmem:s31+$0x0];
	p1 =	sgt.s32 s16, $0x4  }
.Ltmp6:
0x6b: {  	_ = 	snop;
	(pc) =	sbr.rel @!p1 .LBB2_8-.Ltmp6, $4  }
0x6c: {  	(v2sf) =	vpush v1, $0x0  }
0x6d: {  	(v2sf) =	vpush v2, $0x0  }
0x6e: {  	s17 =	simm.s32 $0x6180;
	(v2sf) =	vpush v3, $0x0  }
0x6f: {  	p0 =	por $0x0, $0x0;
	s6 =	simm.s32 $0x4;
	s5 =	sadd.s32 $0x4, s31;
	(v2sf) =	vpush v4, $0x0  }
0x70: {  	_ =	sdelay $0x3  }
0x71: {  	v1 =	vld [tilespmem:s17+$0x0]  }
0x72: {  	v3 =	vld [tilespmem:s5+$0x0];
	s20 =	sadd.s32 $0x4, s28  }
0x73: {  	v2 =	vld [tilespmem:s17+$0xFFFFFF00];
	s20 =	sand.u32 $0xFFFFFF80, s20  }
0x74: {  	v4 =	vld [tilespmem:s17+$0xFFFFFF80];
	s9 =	simm.s32 $0x6;
	s6 =	sand.u32 $0x7C, s6;
	s20 =	sadd.s32 $0x3000, s20  }
0x75: {  	v5 =	vld [tilespmem:s17+$0x80];
	s13 =	simm.s32 $0x5;
	s9 =	sand.u32 $0x7E, s9;
	s6 =	sor.u32 s6, s20  }
0x76: {  	s9 =	sor.u32 s9, s20;
	v6 =	vld [tilespmem:s6+$0x0];
	s6 =	sand.u32 $0x7D, s13  }
0x77: {  	v63 =	vld [tilespmem:s9+$0x0];
	s6 =	sor.u32 s6, s20  }
0x78: {  	v7 =	vld [tilespmem:s6+$0x0];
	s7 =	spop (v2sf)  }
0x79: {  	[tilespmem:s7+$0x1A080] =	vst.add.f32.msk $0xffff, v1  }
0x7a: {  	s8 =	spop (v2sf);
	v1 =	vld [tilespmem:s17+$0x10]  }
0x7b: {  	s22 =	spop (v2sf);
	[tilespmem:s8+$0x1A080] =	vst.add.f32.msk $0xffff, v2  }
0x7c: {  	[tilespmem:s22+$0x1A080] =	vst.add.f32.msk $0xffff, v4  }
0x7d: {  	v2 =	vld [tilespmem:s17+$0xFFFFFF10];
	s18 =	spop (v2sf)  }
0x7e: {  	[tilespmem:s18+$0x1A080] =	vst.add.f32.msk $0xffff, v5  }
0x7f: {  	v4 =	vld [tilespmem:s17+$0xFFFFFF90]  }
0x80: {  	[tilespmem:s7+$0x1A090] =	vst.add.f32.msk $0xffff, v1  }
0x81: {  	v1 =	vld [tilespmem:s17+$0x20]  }
0x82: {  	v5 =	vld [tilespmem:s17+$0x90]  }
0x83: {  	[tilespmem:s8+$0x1A090] =	vst.add.f32.msk $0xffff, v2  }
0x84: {  	v2 =	vld [tilespmem:s17+$0xFFFFFF20]  }
0x85: {  	[tilespmem:s22+$0x1A090] =	vst.add.f32.msk $0xffff, v4  }
0x86: {  	[tilespmem:s7+$0x1A0A0] =	vst.add.f32.msk $0xffff, v1  }
0x87: {  	v1 =	vld [tilespmem:s17+$0x30]  }
0x88: {  	[tilespmem:s18+$0x1A090] =	vst.add.f32.msk $0xffff, v5  }
0x89: {  	v5 =	vld [tilespmem:s17+$0xA0]  }
0x8a: {  	[tilespmem:s8+$0x1A0A0] =	vst.add.f32.msk $0xffff, v2  }
0x8b: {  	(v2sf) =	vpush v63, $0x0;
	v8 =	vld [tilespmem:s17+$0xFFFFFF30]  }
0x8c: {  	(v2sf) =	vpush v6, $0x0;
	[tilespmem:s7+$0x1A0B0] =	vst.add.f32.msk $0xffff, v1  }
0x8d: {  	(v2sf) =	vpush v7, $0x0;
	v1 =	vld [tilespmem:s17+$0xFFFFFFA0];
	_ =	sdelay $0x1  }
0x8e: {  	p1 =	sgt.s32 s16, $0x8;
	(v2sf) =	vpush v3, $0x0  }
.Ltmp7:
0x8f: {  	[tilespmem:s18+$0x1A0A0] =	vst.add.f32.msk $0xffff, v5;
	(pc) =	sbr.rel @!p1 .LBB2_13-.Ltmp7, $4  }
0x90: {  	[tilespmem:s8+$0x1A0B0] =	vst.add.f32.msk $0xffff, v8  }
0x91: {  	[tilespmem:s22+$0x1A0A0] =	vst.add.f32.msk $0xffff, v1  }
0x92: {  	p0 =	por $0x1, $0x1;
	v1 =	vld [tilespmem:s17+$0xB0]  }
0x93: {  	s20 =	simm.s32 $0x8;
	s6 =	sadd.s32 $0x4, s5;
	s5 =	simm.s32 $0x6180;
	v2 =	vld [tilespmem:s17+$0xFFFFFFB0]  }
.LBB2_14:
0x94: {  	v3 =	vld [tilespmem:s6+$0x0];
	s5 =	sadd.s32 $0x200, s5;
	s8 =	smov.u32 s20  }
0x95: {  	v4 =	vld [tilespmem:s5+$0x0]  }
0x96: {  	v5 =	vld [tilespmem:s5+$0xFFFFFF00]  }
0x97: {  	v6 =	vld [tilespmem:s5+$0xFFFFFF80]  }
0x98: {  	v7 =	vld [tilespmem:s5+$0x80]  }
0x99: {  	s9 =	spop (v2sf);
	[tilespmem:s22+$0x1A0B0] =	vst.add.f32.msk $0xffff, v2  }
0x9a: {  	[tilespmem:s9+$0x1A080] =	vst.add.f32.msk $0xffff, v4;
	s7 =	spop (v2sf)  }
0x9b: {  	v2 =	vld [tilespmem:s5+$0x10];
	s22 =	spop (v2sf)  }
0x9c: {  	[tilespmem:s7+$0x1A080] =	vst.add.f32.msk $0xffff, v5  }
0x9d: {  	[tilespmem:s22+$0x1A080] =	vst.add.f32.msk $0xffff, v6;
	s10 =	spop (v2sf)  }
0x9e: {  	[tilespmem:s10+$0x1A080] =	vst.add.f32.msk $0xffff, v7  }
0x9f: {  	v4 =	vld [tilespmem:s5+$0xFFFFFF10]  }
0xa0: {  	[tilespmem:s9+$0x1A090] =	vst.add.f32.msk $0xffff, v2  }
0xa1: {  	v2 =	vld [tilespmem:s5+$0x20]  }
0xa2: {  	v5 =	vld [tilespmem:s5+$0xFFFFFF90]  }
0xa3: {  	v6 =	vld [tilespmem:s5+$0x90]  }
0xa4: {  	s11 =	sand.u32 $0x7C, s20;
	[tilespmem:s7+$0x1A090] =	vst.add.f32.msk $0xffff, v4  }
0xa5: {  	s20 =	sadd.s32 $0x4, s20;
	s12 =	sadd.s32 s8, s28;
	s13 =	sadd.s32 $0x1, s8;
	v4 =	vld [tilespmem:s5+$0xFFFFFF20]  }
0xa6: {  	s8 =	sadd.s32 $0x2, s8;
	p1 =	slt.s32 s20, s16;
	s12 =	sand.u32 $0xFFFFFF80, s12;
	[tilespmem:s9+$0x1A0A0] =	vst.add.f32.msk $0xffff, v2  }
0xa7: {  	s13 =	sand.u32 $0x7D, s13;
	s8 =	sand.u32 $0x7E, s8;
	s12 =	sadd.s32 $0x3000, s12;
	v2 =	vld [tilespmem:s5+$0x30]  }
0xa8: {  	s11 =	sor.u32 s11, s12;
	s13 =	sor.u32 s13, s12;
	s8 =	sor.u32 s8, s12;
	[tilespmem:s22+$0x1A090] =	vst.add.f32.msk $0xffff, v5  }
0xa9: {  	v5 =	vld [tilespmem:s8+$0x0]  }
0xaa: {  	v7 =	vld [tilespmem:s11+$0x0]  }
0xab: {  	v8 =	vld [tilespmem:s13+$0x0]  }
0xac: {  	[tilespmem:s9+$0x1A0B0] =	vst.add.f32.msk $0xffff, v2  }
0xad: {  	[tilespmem:s10+$0x1A090] =	vst.add.f32.msk $0xffff, v6  }
0xae: {  	(v2sf) =	vpush v5, $0x0;
	v2 =	vld [tilespmem:s5+$0xFFFFFFA0]  }
0xaf: {  	(v2sf) =	vpush v7, $0x0;
	v5 =	vld [tilespmem:s5+$0xA0]  }
0xb0: {  	(v2sf) =	vpush v8, $0x0;
	[tilespmem:s7+$0x1A0A0] =	vst.add.f32.msk $0xffff, v4  }
0xb1: {  	v4 =	vld [tilespmem:s5+$0xFFFFFF30]  }
0xb2: {  	(v2sf) =	vpush v3, $0x0;
	[tilespmem:s18+$0x1A0B0] =	vst.add.f32.msk $0xffff, v1;
	s18 =	smov.u32 s10  }
.Ltmp8:
0xb3: {  	[tilespmem:s22+$0x1A0A0] =	vst.add.f32.msk $0xffff, v2;
	(pc) =	sbr.rel @p1 .LBB2_14-.Ltmp8, $4  }
0xb4: {  	[tilespmem:s18+$0x1A0A0] =	vst.add.f32.msk $0xffff, v5  }
0xb5: {  	v2 =	vld [tilespmem:s5+$0xFFFFFFB0]  }
0xb6: {  	v1 =	vld [tilespmem:s5+$0xB0]  }
0xb7: {  	s6 =	sadd.s32 $0x4, s6;
	[tilespmem:s7+$0x1A0B0] =	vst.add.f32.msk $0xffff, v4  }
.LBB2_15:
0xb8: {  	s5 =	sadd.s32 @p0 $0x200, s5  }
0xb9: {  	s17 =	smov.u32 @p0 s5  }
0xba: {  	v3 =	vld [tilespmem:s17+$0x0]  }
0xbb: {  	v4 =	vld [tilespmem:s17+$0xFFFFFF00]  }
0xbc: {  	v5 =	vld [tilespmem:s17+$0xFFFFFF80]  }
0xbd: {  	v6 =	vld [tilespmem:s17+$0x80]  }
0xbe: {  	[tilespmem:s22+$0x1A0B0] =	vst.add.f32.msk @p0 $0xffff, v2;
	s20 =	spop (v2sf)  }
0xbf: {  	s6 =	spop (v2sf);
	[tilespmem:s20+$0x1A080] =	vst.add.f32.msk $0xffff, v3  }
0xc0: {  	[tilespmem:s6+$0x1A080] =	vst.add.f32.msk $0xffff, v4  }
0xc1: {  	s7 =	spop (v2sf);
	v2 =	vld [tilespmem:s17+$0x10]  }
0xc2: {  	[tilespmem:s7+$0x1A080] =	vst.add.f32.msk $0xffff, v5  }
0xc3: {  	v3 =	vld [tilespmem:s17+$0xFFFFFF10]  }
0xc4: {  	s8 =	spop (v2sf);
	v60 =	vld [tilespmem:s17+$0xFFFFFF90]  }
0xc5: {  	[tilespmem:s8+$0x1A080] =	vst.add.f32.msk $0xffff, v6  }
0xc6: {  	v61 =	vld [tilespmem:s17+$0x90]  }
0xc7: {  	[tilespmem:s20+$0x1A090] =	vst.add.f32.msk $0xffff, v2  }
0xc8: {  	[tilespmem:s6+$0x1A090] =	vst.add.f32.msk $0xffff, v3  }
0xc9: {  	v2 =	vld [tilespmem:s17+$0x20]  }
0xca: {  	v3 =	vld [tilespmem:s17+$0xFFFFFF20]  }
0xcb: {  	[tilespmem:s7+$0x1A090] =	vst.add.f32.msk $0xffff, v60  }
0xcc: {  	[tilespmem:s8+$0x1A090] =	vst.add.f32.msk $0xffff, v61  }
0xcd: {  	v62 =	vld [tilespmem:s17+$0xA0]  }
0xce: {  	[tilespmem:s20+$0x1A0A0] =	vst.add.f32.msk $0xffff, v2  }
0xcf: {  	v2 =	vld [tilespmem:s17+$0xFFFFFFA0]  }
0xd0: {  	[tilespmem:s6+$0x1A0A0] =	vst.add.f32.msk $0xffff, v3  }
0xd1: {  	v63 =	vld [tilespmem:s17+$0x30]  }
0xd2: {  	v3 =	vld [tilespmem:s17+$0xFFFFFF30]  }
0xd3: {  	[tilespmem:s8+$0x1A0A0] =	vst.add.f32.msk $0xffff, v62  }
0xd4: {  	v4 =	vld [tilespmem:s17+$0xB0]  }
0xd5: {  	[tilespmem:s7+$0x1A0A0] =	vst.add.f32.msk $0xffff, v2  }
0xd6: {  	v2 =	vld [tilespmem:s17+$0xFFFFFFB0]  }
0xd7: {  	[tilespmem:s18+$0x1A0B0] =	vst.add.f32.msk @p0 $0xffff, v1  }
0xd8: {  	[tilespmem:s20+$0x1A0B0] =	vst.add.f32.msk $0xffff, v63  }
0xd9: {  	[tilespmem:s6+$0x1A0B0] =	vst.add.f32.msk $0xffff, v3  }
0xda: {  	[tilespmem:s8+$0x1A0B0] =	vst.add.f32.msk $0xffff, v4  }
0xdb: {  	[tilespmem:s7+$0x1A0B0] =	vst.add.f32.msk $0xffff, v2  }
.LBB2_9:
0xdc: {  	p0 =	sge.s32 s16, s15  }
.Ltmp9:
0xdd: {  	_ = 	snop;
	(pc) =	sbr.rel @p0 .LBB2_22-.Ltmp9, $1  }
0xde: {  	_ =	sdelay $0x3  }
0xdf: {  	s5 =	ssub.s32 s15, s16  }
0xe0: {  	s6 =	sshll.u32 s5, $0x2;
	s7 =	sshll.u32 s5, $0x9  }
0xe1: {  	s2 =	ssub.s32 s2, s6;
	s22 =	ssub.s32 s19, s7  }
0xe2: {  	s2 =	sshra.s32 s2, $0x2;
	s6 =	sshra.s32 s22, $0x2  }
0xe3: {  	s2 =	sadd.s32 s2, s30;
	s6 =	sadd.s32 $0x60A0, s6  }
.LBB2_11:
0xe4: {  	v1 =	vld [tilespmem:s2+$0x0];
	_ =	sdelay $0x4  }
0xe5: {  	(v2sf) =	vpush v1, $0x0;
	_ =	sdelay $0xa  }
0xe6: {  	v1 =	vld [tilespmem:s6+$0xFFFFFFE0];
	_ =	sdelay $0x3  }
0xe7: {  	s7 =	spop (v2sf)  }
0xe8: {  	[tilespmem:s7+$0x1A080] =	vst.add.f32.msk $0xffff, v1  }
0xe9: {  	v1 =	vld [tilespmem:s6+$0xFFFFFFF0];
	_ =	sdelay $0x4  }
0xea: {  	[tilespmem:s7+$0x1A090] =	vst.add.f32.msk $0xffff, v1  }
0xeb: {  	v1 =	vld [tilespmem:s6+$0x0];
	_ =	sdelay $0x4  }
0xec: {  	[tilespmem:s7+$0x1A0A0] =	vst.add.f32.msk $0xffff, v1  }
0xed: {  	p0 =	seq.s32 s5, $0x1;
	v1 =	vld [tilespmem:s6+$0x10]  }
.Ltmp10:
0xee: {  	_ = 	snop;
	(pc) =	sbr.rel @!p0 .LBB2_11-.Ltmp10, $2  }
0xef: {  	_ =	sdelay $0x2  }
0xf0: {  	s2 =	sadd.s32 $0x1, s2;
	s5 =	sadd.s32 $0xFFFFFFFF, s5;
	s6 =	sadd.s32 $0x80, s6;
	[tilespmem:s7+$0x1A0B0] =	vst.add.f32.msk $0xffff, v1  }
.Ltmp11:
0xf1: {  	_ = 	snop;
	(pc) =	sbr.rel .LBB2_22-.Ltmp11, $1  }
0xf2: {  	_ =	sdelay $0x3  }
.LBB2_16:
0xf3: {  	s5 =	sadd.s32 $0x1, s0  }
0xf4: {  	s8 =	smul.u32 $0x140, s0;
	p0 =	sge.s32 s5, s26  }
0xf5: {  	s5 =	smul.u32 @!p0 $0x500, s5  }
0xf6: {  	s6 =	simm.s32 @!p0 $0x140  }
0xf7: {  	s7 =	simm.s32 @!p0 $0x6080;
	s15 =	ssub.s32 s1, s8;
	s5 =	sshra.s32 @!p0 s5, $0x2  }
0xf8: {  	[tilespmem:s7], [sflag:$0x1] =	stream.indirect.gather @!p0 [hbm4b:s4+s6], $0x80, s5, s6, $0xb8;
	[tilespmem:$0x1F300] =	vst v63  }
0xf9: {  	p0 =	slt.s32 s15, $0x140  }
0xfa: {  	s15 =	simm.s32 @!p0 $0x140  }
0xfb: {  	s22 =	sshra.s32 s15, $0x1F  }
0xfc: {  	s5 =	sshrl.u32 s22, $0x1E  }
0xfd: {  	s5 =	sadd.s32 s5, s15  }
0xfe: {  	s16 =	sand.u32 $0xFFFFFFFC, s5  }
0xff: {  	p0 =	slt.s32 s16, $0x1  }
.Ltmp12:
0x100: {  	_ = 	snop;
	(pc) =	sbr.rel @p0 .LBB2_19-.Ltmp12, $4  }
0x101: {  	_ = 	snop  }
0x102: {  	_ =	swait.ge [sflag:s21], $0xA000  }
0x103: {  	[sflag:s21] =	ssyncset.done $0x0  }
0x104: {  	[sflag:s21] =	ssyncadd.s32 $0xFFFF6000  }
0x105: {  	v1 =	vld [tilespmem:s29+$0x1];
	_ =	sdelay $0x1  }
0x106: {  	v2 =	vld [tilespmem:s29+$0xFFFFFFFF]  }
0x107: {  	v3 =	vld [tilespmem:s29+$0x0];
	_ =	sdelay $0x1  }
0x108: {  	v4 =	vld [tilespmem:s29+$0xFFFFFFFE];
	(v2sf) =	vpush v1, $0x0;
	_ =	sdelay $0x1  }
0x109: {  	(v2sf) =	vpush v2, $0x0  }
0x10a: {  	(v2sf) =	vpush v3, $0x0;
	_ =	sdelay $0x1  }
0x10b: {  	(v2sf) =	vpush v4, $0x0;
	_ =	sdelay $0x4  }
0x10c: {  	s17 =	simm.s32 $0x10180  }
0x10d: {  	v1 =	vld [tilespmem:s17+$0x80];
	_ =	sdelay $0x1  }
0x10e: {  	v2 =	vld [tilespmem:s17+$0xFFFFFF80]  }
0x10f: {  	v3 =	vld [tilespmem:s17+$0x0]  }
0x110: {  	v4 =	vld [tilespmem:s17+$0xFFFFFF00];
	s5 =	spop (v2sf)  }
0x111: {  	[tilespmem:s5+$0x1A080] =	vst.add.f32.msk $0xffff, v1  }
0x112: {  	s18 =	spop (v2sf);
	v1 =	vld [tilespmem:s17+$0x90]  }
0x113: {  	s22 =	spop (v2sf);
	[tilespmem:s18+$0x1A080] =	vst.add.f32.msk $0xffff, v2  }
0x114: {  	[tilespmem:s22+$0x1A080] =	vst.add.f32.msk $0xffff, v3  }
0x115: {  	s20 =	spop (v2sf);
	v5 =	vld [tilespmem:s17+$0xFFFFFF90]  }
0x116: {  	[tilespmem:s20+$0x1A080] =	vst.add.f32.msk $0xffff, v4  }
0x117: {  	v2 =	vld [tilespmem:s17+$0xFFFFFF10]  }
0x118: {  	[tilespmem:s5+$0x1A090] =	vst.add.f32.msk $0xffff, v1  }
0x119: {  	v1 =	vld [tilespmem:s17+$0xA0]  }
0x11a: {  	p1 =	sgt.s32 s16, $0x4;
	v3 =	vld [tilespmem:s17+$0x10]  }
.Ltmp13:
0x11b: {  	[tilespmem:s18+$0x1A090] =	vst.add.f32.msk $0xffff, v5;
	(pc) =	sbr.rel @!p1 .LBB2_18-.Ltmp13, $4  }
0x11c: {  	[tilespmem:s20+$0x1A090] =	vst.add.f32.msk $0xffff, v2  }
0x11d: {  	v2 =	vld [tilespmem:s17+$0xFFFFFF20]  }
0x11e: {  	[tilespmem:s5+$0x1A0A0] =	vst.add.f32.msk $0xffff, v1  }
0x11f: {  	s8 =	sadd.s32 $0x4, s29;
	p0 =	por $0x0, $0x0;
	v4 =	vld [tilespmem:s17+$0xB0]  }
0x120: {  	v1 =	vld [tilespmem:s8+$0x1]  }
0x121: {  	v5 =	vld [tilespmem:s8+$0xFFFFFFFF]  }
0x122: {  	v6 =	vld [tilespmem:s8+$0x0]  }
0x123: {  	v7 =	vld [tilespmem:s8+$0xFFFFFFFE]  }
0x124: {  	[tilespmem:s22+$0x1A090] =	vst.add.f32.msk $0xffff, v3  }
0x125: {  	v3 =	vld [tilespmem:s17+$0x20];
	(v2sf) =	vpush v1, $0x0  }
0x126: {  	[tilespmem:s20+$0x1A0A0] =	vst.add.f32.msk $0xffff, v2  }
0x127: {  	v2 =	vld [tilespmem:s17+$0xFFFFFF30];
	(v2sf) =	vpush v5, $0x0  }
0x128: {  	v1 =	vld [tilespmem:s17+$0xFFFFFFA0];
	(v2sf) =	vpush v6, $0x0;
	_ =	sdelay $0x1  }
0x129: {  	[tilespmem:s5+$0x1A0B0] =	vst.add.f32.msk $0xffff, v4;
	(v2sf) =	vpush v7, $0x0  }
0x12a: {  	[tilespmem:s22+$0x1A0A0] =	vst.add.f32.msk $0xffff, v3  }
0x12b: {  	[tilespmem:s20+$0x1A0B0] =	vst.add.f32.msk $0xffff, v2  }
0x12c: {  	[tilespmem:s18+$0x1A0A0] =	vst.add.f32.msk $0xffff, v1  }
0x12d: {  	v1 =	vld [tilespmem:s17+$0x30]  }
0x12e: {  	v3 =	vld [tilespmem:s17+$0xFFFFFFB0];
	s17 =	simm.s32 $0x10380  }
0x12f: {  	v2 =	vld [tilespmem:s17+$0x80]  }
0x130: {  	v4 =	vld [tilespmem:s17+$0xFFFFFF00]  }
0x131: {  	v5 =	vld [tilespmem:s17+$0xFFFFFF80]  }
0x132: {  	v6 =	vld [tilespmem:s17+$0x0]  }
0x133: {  	[tilespmem:s18+$0x1A0B0] =	vst.add.f32.msk $0xffff, v3;
	s5 =	spop (v2sf)  }
0x134: {  	[tilespmem:s5+$0x1A080] =	vst.add.f32.msk $0xffff, v2  }
0x135: {  	s18 =	spop (v2sf);
	v2 =	vld [tilespmem:s17+$0x90]  }
0x136: {  	s6 =	spop (v2sf);
	[tilespmem:s18+$0x1A080] =	vst.add.f32.msk $0xffff, v5  }
0x137: {  	[tilespmem:s6+$0x1A080] =	vst.add.f32.msk $0xffff, v6  }
0x138: {  	s20 =	spop (v2sf);
	v6 =	vld [tilespmem:s17+$0xFFFFFF90]  }
0x139: {  	[tilespmem:s20+$0x1A080] =	vst.add.f32.msk $0xffff, v4  }
0x13a: {  	v4 =	vld [tilespmem:s17+$0xFFFFFF10]  }
0x13b: {  	[tilespmem:s5+$0x1A090] =	vst.add.f32.msk $0xffff, v2  }
0x13c: {  	v5 =	vld [tilespmem:s17+$0xA0];
	_ =	sdelay $0x1  }
0x13d: {  	p1 =	sgt.s32 s16, $0x8;
	v3 =	vld [tilespmem:s17+$0x10]  }
.Ltmp14:
0x13e: {  	[tilespmem:s18+$0x1A090] =	vst.add.f32.msk $0xffff, v6;
	(pc) =	sbr.rel @!p1 .LBB2_29-.Ltmp14, $4  }
0x13f: {  	[tilespmem:s20+$0x1A090] =	vst.add.f32.msk $0xffff, v4  }
0x140: {  	[tilespmem:s5+$0x1A0A0] =	vst.add.f32.msk $0xffff, v5  }
0x141: {  	v4 =	vld [tilespmem:s17+$0xB0]  }
0x142: {  	s7 =	simm.s32 $0x8;
	s8 =	sadd.s32 $0x4, s8;
	p0 =	por $0x1, $0x1;
	v2 =	vld [tilespmem:s17+$0xFFFFFF20]  }
.LBB2_28:
0x143: {  	v5 =	vld [tilespmem:s8+$0x1];
	s7 =	sadd.s32 $0x4, s7  }
0x144: {  	v6 =	vld [tilespmem:s8+$0xFFFFFFFF];
	p1 =	slt.s32 s7, s16  }
0x145: {  	v7 =	vld [tilespmem:s8+$0x0]  }
0x146: {  	[tilespmem:s5+$0x1A0B0] =	vst.add.f32.msk $0xffff, v4  }
0x147: {  	v4 =	vld [tilespmem:s8+$0xFFFFFFFE]  }
0x148: {  	(v2sf) =	vpush v5, $0x0;
	[tilespmem:s6+$0x1A090] =	vst.add.f32.msk $0xffff, v3  }
0x149: {  	(v2sf) =	vpush v6, $0x0;
	v3 =	vld [tilespmem:s17+$0xFFFFFFA0]  }
0x14a: {  	(v2sf) =	vpush v7, $0x0;
	v5 =	vld [tilespmem:s17+$0x20]  }
0x14b: {  	[tilespmem:s20+$0x1A0A0] =	vst.add.f32.msk $0xffff, v2  }
0x14c: {  	(v2sf) =	vpush v4, $0x0;
	v2 =	vld [tilespmem:s17+$0xFFFFFF30]  }
0x14d: {  	[tilespmem:s22+$0x1A0B0] =	vst.add.f32.msk $0xffff, v1;
	s22 =	smov.u32 s6  }
0x14e: {  	[tilespmem:s18+$0x1A0A0] =	vst.add.f32.msk $0xffff, v3  }
0x14f: {  	[tilespmem:s22+$0x1A0A0] =	vst.add.f32.msk $0xffff, v5  }
0x150: {  	v3 =	vld [tilespmem:s17+$0xFFFFFFB0]  }
0x151: {  	v1 =	vld [tilespmem:s17+$0x30]  }
0x152: {  	s17 =	sadd.s32 $0x200, s17;
	[tilespmem:s20+$0x1A0B0] =	vst.add.f32.msk $0xffff, v2  }
0x153: {  	v2 =	vld [tilespmem:s17+$0x80]  }
0x154: {  	v4 =	vld [tilespmem:s17+$0xFFFFFF00]  }
0x155: {  	v5 =	vld [tilespmem:s17+$0xFFFFFF80]  }
0x156: {  	v6 =	vld [tilespmem:s17+$0x0]  }
0x157: {  	s5 =	spop (v2sf);
	[tilespmem:s18+$0x1A0B0] =	vst.add.f32.msk $0xffff, v3  }
0x158: {  	[tilespmem:s5+$0x1A080] =	vst.add.f32.msk $0xffff, v2;
	s18 =	spop (v2sf)  }
0x159: {  	v2 =	vld [tilespmem:s17+$0x90];
	s6 =	spop (v2sf)  }
0x15a: {  	[tilespmem:s18+$0x1A080] =	vst.add.f32.msk $0xffff, v5  }
0x15b: {  	[tilespmem:s6+$0x1A080] =	vst.add.f32.msk $0xffff, v6;
	s20 =	spop (v2sf)  }
0x15c: {  	[tilespmem:s20+$0x1A080] =	vst.add.f32.msk $0xffff, v4  }
0x15d: {  	v4 =	vld [tilespmem:s17+$0xFFFFFF10]  }
0x15e: {  	[tilespmem:s5+$0x1A090] =	vst.add.f32.msk $0xffff, v2  }
0x15f: {  	v5 =	vld [tilespmem:s17+$0xA0]  }
0x160: {  	v6 =	vld [tilespmem:s17+$0xFFFFFF90]  }
0x161: {  	v3 =	vld [tilespmem:s17+$0x10]  }
.Ltmp15:
0x162: {  	[tilespmem:s20+$0x1A090] =	vst.add.f32.msk $0xffff, v4;
	(pc) =	sbr.rel @p1 .LBB2_28-.Ltmp15, $4  }
0x163: {  	v2 =	vld [tilespmem:s17+$0xFFFFFF20]  }
0x164: {  	[tilespmem:s5+$0x1A0A0] =	vst.add.f32.msk $0xffff, v5  }
0x165: {  	v4 =	vld [tilespmem:s17+$0xB0]  }
0x166: {  	s8 =	sadd.s32 $0x4, s8;
	[tilespmem:s18+$0x1A090] =	vst.add.f32.msk $0xffff, v6  }
.LBB2_29:
0x167: {  	[tilespmem:s6+$0x1A090] =	vst.add.f32.msk $0xffff, v3  }
0x168: {  	v3 =	vld [tilespmem:s17+$0xFFFFFFA0]  }
0x169: {  	v5 =	vld [tilespmem:s17+$0x20];
	_ =	sdelay $0x1  }
0x16a: {  	[tilespmem:s20+$0x1A0A0] =	vst.add.f32.msk $0xffff, v2  }
0x16b: {  	v2 =	vld [tilespmem:s17+$0xFFFFFF30]  }
0x16c: {  	[tilespmem:s18+$0x1A0A0] =	vst.add.f32.msk $0xffff, v3  }
0x16d: {  	[tilespmem:s6+$0x1A0A0] =	vst.add.f32.msk $0xffff, v5  }
0x16e: {  	v3 =	vld [tilespmem:s17+$0xFFFFFFB0]  }
0x16f: {  	v5 =	vld [tilespmem:s17+$0x30]  }
0x170: {  	[tilespmem:s22+$0x1A0B0] =	vst.add.f32.msk @p0 $0xffff, v1  }
0x171: {  	[tilespmem:s5+$0x1A0B0] =	vst.add.f32.msk $0xffff, v4  }
0x172: {  	[tilespmem:s20+$0x1A0B0] =	vst.add.f32.msk $0xffff, v2  }
0x173: {  	[tilespmem:s18+$0x1A0B0] =	vst.add.f32.msk $0xffff, v3  }
0x174: {  	[tilespmem:s6+$0x1A0B0] =	vst.add.f32.msk $0xffff, v5  }
.LBB2_19:
0x175: {  	p0 =	sge.s32 s16, s15  }
.Ltmp16:
0x176: {  	_ = 	snop;
	(pc) =	sbr.rel @p0 .LBB2_22-.Ltmp16, $1  }
0x177: {  	_ =	sdelay $0x3  }
0x178: {  	s5 =	ssub.s32 s15, s16  }
0x179: {  	s6 =	sshll.u32 s5, $0x2;
	s7 =	sshll.u32 s5, $0x9  }
0x17a: {  	s2 =	ssub.s32 s2, s6;
	s22 =	ssub.s32 s19, s7  }
0x17b: {  	s2 =	sshra.s32 s2, $0x2;
	s6 =	sshra.s32 s22, $0x2  }
0x17c: {  	s2 =	sadd.s32 s2, s30;
	s6 =	sadd.s32 $0x100A0, s6  }
.LBB2_21:
0x17d: {  	v1 =	vld [tilespmem:s2+$0x0];
	_ =	sdelay $0x4  }
0x17e: {  	(v2sf) =	vpush v1, $0x0;
	_ =	sdelay $0xa  }
0x17f: {  	v1 =	vld [tilespmem:s6+$0xFFFFFFE0];
	_ =	sdelay $0x3  }
0x180: {  	s7 =	spop (v2sf)  }
0x181: {  	[tilespmem:s7+$0x1A080] =	vst.add.f32.msk $0xffff, v1  }
0x182: {  	v1 =	vld [tilespmem:s6+$0xFFFFFFF0];
	_ =	sdelay $0x4  }
0x183: {  	[tilespmem:s7+$0x1A090] =	vst.add.f32.msk $0xffff, v1  }
0x184: {  	v1 =	vld [tilespmem:s6+$0x0];
	_ =	sdelay $0x4  }
0x185: {  	[tilespmem:s7+$0x1A0A0] =	vst.add.f32.msk $0xffff, v1  }
0x186: {  	p0 =	sne.s32 s5, $0x1;
	v1 =	vld [tilespmem:s6+$0x10]  }
.Ltmp17:
0x187: {  	_ = 	snop;
	(pc) =	sbr.rel @p0 .LBB2_21-.Ltmp17, $2  }
0x188: {  	_ =	sdelay $0x2  }
0x189: {  	s2 =	sadd.s32 $0x1, s2;
	s5 =	sadd.s32 $0xFFFFFFFF, s5;
	s6 =	sadd.s32 $0x80, s6;
	[tilespmem:s7+$0x1A0B0] =	vst.add.f32.msk $0xffff, v1  }
.Ltmp18:
0x18a: {  	_ = 	snop;
	(pc) =	sbr.rel .LBB2_22-.Ltmp18, $1  }
0x18b: {  	_ =	sdelay $0x3  }
.LBB2_8:
.Ltmp19:
0x18c: {  	(pc) =	sbr.rel .LBB2_15-.Ltmp19, $2  }
0x18d: {  	_ =	sdelay $0x2  }
0x18e: {  	s5 =	simm.s32 $0x6180  }
.LBB2_18:
.Ltmp20:
0x18f: {  	(pc) =	sbr.rel .LBB2_29-.Ltmp20, $2  }
0x190: {  	_ =	sdelay $0x2  }
0x191: {  	s6 =	smov.u32 s22  }
.LBB2_13:
.Ltmp21:
0x192: {  	(pc) =	sbr.rel .LBB2_15-.Ltmp21, $2  }
0x193: {  	_ =	sdelay $0x2  }
0x194: {  	s5 =	simm.s32 $0x6180  }
.LBB2_23:
0x195: {  	s0 =	simm.s32 $0x0;
	s1 =	rddreg [dreg:$0x8];
	s2 =	simm.s32 $0x6080  }
0x196: {  	[tilespmem:s2], [sflag:$0x1] =	stream.linear.gather [hbm4b:s1+s0], $0xA000, $0x38;
	[tilespmem:$0x1F300] =	vst v63  }
0x197: {  	_ =	swait.ge [sflag:s14], $0xA000  }
0x198: {  	[sflag:s14] =	ssyncset.done $0x0  }
0x199: {  	s0 =	simm.s32 $0x1A0A0;
	[sflag:s14] =	ssyncadd.s32 $0xFFFF6000  }
0x19a: {  	s1 =	simm.s32 $0x60A0;
	v1 =	vld [tilespmem:s0+$0xFFFFFFE0]  }
0x19b: {  	s6 =	simm.s32 $0x0;
	s5 =	simm.s32 $0x4;
	s2 =	simm.s32 $0x1A0A0;
	v2 =	vld [tilespmem:s1+$0xFFFFFFE0]  }
.LBB2_24:
0x19c: {  	p0 =	sne.s32 s5, $0x4FC;
	v3 =	vld.msk [tilespmem:s6+$0x1F080 ss:$0x0], $0xffff  }
0x19d: {  	v4 =	vld [tilespmem:$0x1F200];
	_ =	sdelay $0x2  }
0x19e: {  	v1 =	vadd.f32 v2, v1;
	_ =	sdelay $0x1  }
0x19f: {  	v1 =	vmul.f32 v1, v3;
	_ =	sdelay $0x1  }
0x1a0: {  	v1 =	vadd.f32 v1, v4;
	_ =	sdelay $0x1  }
0x1a1: {  	v1 =	vmax.f32 v1, $0.0e+00  }
0x1a2: {  	[tilespmem:s0+$0xFFFFFFE0] =	vst v1;
	v1 =	vld [tilespmem:s0+$0xFFFFFFF0]  }
0x1a3: {  	v2 =	vld [tilespmem:s1+$0xFFFFFFF0];
	_ =	sdelay $0x3  }
0x1a4: {  	v4 =	vld [tilespmem:$0x1F210]  }
0x1a5: {  	v1 =	vadd.f32 v2, v1;
	_ =	sdelay $0x1  }
0x1a6: {  	v1 =	vmul.f32 v1, v3;
	_ =	sdelay $0x1  }
0x1a7: {  	v1 =	vadd.f32 v1, v4;
	_ =	sdelay $0x1  }
0x1a8: {  	v1 =	vmax.f32 v1, $0.0e+00  }
0x1a9: {  	[tilespmem:s0+$0xFFFFFFF0] =	vst v1;
	v1 =	vld [tilespmem:s0+$0x0]  }
0x1aa: {  	v2 =	vld [tilespmem:s1+$0x0];
	_ =	sdelay $0x3  }
0x1ab: {  	v4 =	vld [tilespmem:$0x1F220]  }
0x1ac: {  	v1 =	vadd.f32 v2, v1;
	_ =	sdelay $0x1  }
0x1ad: {  	v1 =	vmul.f32 v1, v3;
	_ =	sdelay $0x1  }
0x1ae: {  	v1 =	vadd.f32 v1, v4;
	_ =	sdelay $0x1  }
0x1af: {  	v1 =	vmax.f32 v1, $0.0e+00  }
0x1b0: {  	[tilespmem:s0+$0x0] =	vst v1;
	v1 =	vld [tilespmem:s0+$0x10]  }
0x1b1: {  	v2 =	vld [tilespmem:s1+$0x10]  }
0x1b2: {  	v4 =	vld [tilespmem:$0x1F230];
	_ =	sdelay $0x3  }
0x1b3: {  	v1 =	vadd.f32 v2, v1;
	_ =	sdelay $0x1  }
0x1b4: {  	v1 =	vmul.f32 v1, v3;
	_ =	sdelay $0x1  }
.Ltmp22:
0x1b5: {  	v1 =	vadd.f32 v1, v4;
	(pc) =	sbr.rel @p0 .LBB2_24-.Ltmp22, $4  }
0x1b6: {  	_ = 	snop  }
0x1b7: {  	s0 =	sadd.s32 $0x40, s0;
	v2 =	vmax.f32 v1, $0.0e+00  }
0x1b8: {  	s1 =	sadd.s32 $0x80, s1;
	v1 =	vld [tilespmem:s0+$0xFFFFFFE0];
	[tilespmem:s2+$0x10] =	vst v2;
	s2 =	smov.u32 s0  }
0x1b9: {  	s6 =	sshra.s32 s5, $0x2;
	s5 =	sadd.s32 $0x4, s5;
	v2 =	vld [tilespmem:s1+$0xFFFFFFE0]  }
0x1ba: {  	_ = 	snop  }
0x1bb: {  	v3 =	vld.msk [tilespmem:s6+$0x1F080 ss:$0x0], $0xffff;
	_ =	sdelay $0x1  }
0x1bc: {  	v4 =	vld [tilespmem:$0x1F200]  }
0x1bd: {  	v1 =	vadd.f32 v2, v1;
	_ =	sdelay $0x1  }
0x1be: {  	v1 =	vmul.f32 v1, v3;
	_ =	sdelay $0x1  }
0x1bf: {  	v1 =	vadd.f32 v1, v4;
	_ =	sdelay $0x1  }
0x1c0: {  	v1 =	vmax.f32 v1, $0.0e+00  }
0x1c1: {  	[tilespmem:s0+$0xFFFFFFE0] =	vst v1;
	v1 =	vld [tilespmem:s0+$0xFFFFFFF0]  }
0x1c2: {  	v2 =	vld [tilespmem:s1+$0xFFFFFFF0];
	_ =	sdelay $0x3  }
0x1c3: {  	v61 =	vld [tilespmem:$0x1F210]  }
0x1c4: {  	v1 =	vadd.f32 v2, v1;
	_ =	sdelay $0x1  }
0x1c5: {  	v1 =	vmul.f32 v1, v3;
	_ =	sdelay $0x1  }
0x1c6: {  	v1 =	vadd.f32 v1, v61;
	_ =	sdelay $0x1  }
0x1c7: {  	v1 =	vmax.f32 v1, $0.0e+00  }
0x1c8: {  	[tilespmem:s0+$0xFFFFFFF0] =	vst v1;
	v1 =	vld [tilespmem:s0+$0x0]  }
0x1c9: {  	v2 =	vld [tilespmem:s1+$0x0];
	_ =	sdelay $0x3  }
0x1ca: {  	v62 =	vld [tilespmem:$0x1F220]  }
0x1cb: {  	v1 =	vadd.f32 v2, v1;
	_ =	sdelay $0x1  }
0x1cc: {  	v1 =	vmul.f32 v1, v3;
	_ =	sdelay $0x1  }
0x1cd: {  	v1 =	vadd.f32 v1, v62;
	_ =	sdelay $0x1  }
0x1ce: {  	v1 =	vmax.f32 v1, $0.0e+00  }
0x1cf: {  	[tilespmem:s0+$0x0] =	vst v1;
	v1 =	vld [tilespmem:s0+$0x10]  }
0x1d0: {  	v2 =	vld [tilespmem:s1+$0x10];
	_ =	sdelay $0x3  }
0x1d1: {  	v63 =	vld [tilespmem:$0x1F230]  }
0x1d2: {  	v1 =	vadd.f32 v2, v1;
	_ =	sdelay $0x1  }
0x1d3: {  	v1 =	vmul.f32 v1, v3;
	_ =	sdelay $0x1  }
0x1d4: {  	v1 =	vadd.f32 v1, v63;
	_ =	sdelay $0x1  }
0x1d5: {  	s30 =	rddreg [dreg:$0x9];
	v1 =	vmax.f32 v1, $0.0e+00  }
0x1d6: {  	s5 =	simm.s32 $0x1A080;
	s1 =	simm.s32 $0x80;
	[tilespmem:s2+$0x10] =	vst v1;
	s2 =	simm.s32 $0x400  }
0x1d7: {  	[hbm4b:s30+s1] =	stream.strided.scatter [tilespmem:s5], [sflag:$0x3], $0x5000, s2, s1, $0x38;
	[tilespmem:$0x1F300] =	vst v63  }
0x1d8: {  	_ =	swait.ge [sflag:s23], $0x5000  }
0x1d9: {  	s24 =	sadd.s32 $0x1, s24;
	s31 =	rddreg [dreg:$0xa]  }
0x1da: {  	p0 =	sne.s32 s24, s31  }
.Ltmp23:
0x1db: {  	_ = 	snop;
	(pc) =	sbr.rel @p0 .LBB2_1-.Ltmp23, $3  }
0x1dc: {  	_ =	sdelay $0x1  }
0x1dd: {  	[sflag:s23] =	ssyncset.done $0x0  }
0x1de: {  	[sflag:s23] =	ssyncadd.s32 $0xFFFFB000  }
0x1df: {  	_ =	sfence.sel $0x180000  }
0x1e0: {  	[bflag:$0x0] =	sbarrier.arrive $0xFFFF  }
0x1e1: {  	_ =	strace $0x9000004A  }
0x1e2: {  	s0 =	stileid.u32;
	[bflag:$0x2] =	sbarrier.arrive $0xFFFF  }
0x1e3: {  	p0 =	sne.s32 s0, $0x0;
	s0 =	rddreg [dreg:$0x3]  }
0x1e4: {  	s0 =	sadd.s32 @!p0 $0x100000, s0  }
0x1e5: {  	[sflag:s0] =	ssyncadd.tile.s32 @!p0 $0x1;
	_ =	shalt  }
.Lfunc_end2:
_tile_overlayer_lowered:
.L_overlay_start_2:
0x1e6: {  	(tag) =	ssettag $0x2  }
0x1e7: {  	s0 =	rddreg [dreg:$0x0];
	s2 =	stileid.u32  }
0x1e8: {  	s1 =	rddreg [dreg:$0x1];
	p0 =	sne.s32 s2, $0x0  }
0x1e9: {  	s3 =	rddreg [dreg:$0x2];
	[bflag:$0x3] =	sbarrier.arrive $0xFFFF;
	s2 =	simm.s32 @!p0 $0x1C03  }
0x1ea: {  	[timem:s3], [sflag:s2] =	dma.local @!p0 [hbm:s0], s1  }
0x1eb: {  	s0 =	simm.s32 @!p0 $0x3  }
0x1ec: {  	_ =	swait.ge @!p0 [sflag:s0], s1  }
0x1ed: {  	s1 =	ssub.s32 @!p0 $0x0, s1;
	[sflag:s0] =	ssyncset.done @!p0 $0x0  }
0x1ee: {  	[sflag:s0] =	ssyncadd.s32 @!p0 s1  }
0x1ef: {  	[bflag:$0x3] =	sbarrier.arrive $0xFFFF  }
0x1f0: {  	_ =	shalt  }

// kernel: kernel.15.cloned.1.call-start
scs
__scs_entry_jumppad:
0x0: {  	(pc) =	sbr.rel $0x88, $3  }
0x1: {  	(tag) =	ssettag $0x0;
	lr =	simm.s32 $0x1  }
0x2: {  	[smem:$0x3F93] =	sst lr;
	_ =	strace $0xD0000000  }
0x3: {  	_ = 	snop  }
0x4: {  	_ = 	snop  }
0x5: {  	_ = 	snop  }
0x6: {  	_ = 	snop  }
0x7: {  	_ = 	snop  }
__scs_overlays_trampoline_lowered:
0x8: {  	[smem:$0x3FA2] =	sst s0  }
0x9: {  	[smem:$0x3FA3] =	sst s1  }
0xa: {  	[smem:$0x3FA4] =	sst s2  }
0xb: {  	[smem:$0x3FA5] =	sst s3  }
0xc: {  	[smem:$0x3FA6] =	sst s4  }
0xd: {  	[smem:$0x3FA7] =	sst s5  }
0xe: {  	[smem:$0x3FA8] =	sst s6  }
0xf: {  	[smem:$0x3FA9] =	sst s7  }
0x10: {  	[smem:$0x3FAA] =	sst s8  }
0x11: {  	[smem:$0x3FAB] =	sst s9;
	s0 =	simm.s32 @!p0 $0x0  }
0x12: {  	s1 =	sld [smem:$0x3F91];
	s0 =	simm.s32 @p0 $0x1  }
0x13: {  	[smem:$0x3FAC] =	sst s0;
	s0 =	simm.s32 @!p1 $0x0  }
0x14: {  	s2 =	sld [smem:$0x3F90];
	s0 =	simm.s32 @p1 $0x1  }
0x15: {  	[smem:$0x3FAD] =	sst s0;
	s0 =	simm.s32 @!p2 $0x0  }
0x16: {  	s3 =	sld [smem:$0x3FDB];
	s0 =	simm.s32 @p2 $0x1  }
0x17: {  	s4 =	simm.s32 $0x1BF5;
	[smem:$0x3FAF] =	sst s0  }
0x18: {  	s0 =	sld [smem:$0x3F92];
	_ =	swait.ge [sflag:s4], $0x0  }
0x19: {  	s7 =	sld [smem:$0x3F93]  }
0x1a: {  	s8 =	sadd.s32 $0xFFFFE003, lr  }
0x1b: {  	s9 =	sadd.s32 $0xFFFFFEF7, lr;
	s5 =	simm.s32 $0xFFFFFFFF;
	p2 =	slt.u32 s8, $0xFFFFF086  }
0x1c: {  	p1 =	slt.u32 s9, $0xF7A;
	s5 =	simm.s32 @!p2 $0x0  }
0x1d: {  	s5 =	simm.s32 @p1 $0x1;
	p0 =	seq.s32 s7, s2  }
0x1e: {  	s7 =	smul.u32 @!p0 $0xF7A, s2;
	p2 =	seq.s32 @!p0 s5, $0x0  }
0x1f: {  	s9 =	smul.u32 $0xF7A, s1;
	s8 =	simm.s32 @!p0 $0x1BF5;
	p2 =	por !p2, p0  }
0x20: {  	[sflag:s8] =	ssyncset.s32 @!p0 $0xFFFFF086;
	s6 =	sadd.s32 @!p0 s3, s7;
	s7 =	simm.s32 @!p0 $0x108  }
0x21: {  	s3 =	sadd.s32 s3, s9;
	s6 =	sadd.s32 @!p0 $0x88, s6;
	s7 =	simm.s32 @p2 $0x1082  }
0x22: {  	[simem:s7], [sflag:s8] =	dma.local @!p0 [hbm:s6], $0xF7A  }
0x23: {  	s9 =	sor.u32 $0xD0000000, s2;
	s6 =	simm.s32 $0x108;
	_ =	swait.ge @!p0 [sflag:s8], $0x0  }
0x24: {  	s3 =	sadd.s32 $0x88, s3;
	s6 =	simm.s32 @!p1 $0x1082;
	[sflag:s4] =	ssyncset.s32 $0xFFFFF086  }
0x25: {  	[simem:s6], [sflag:s4] =	dma.local [hbm:s3], $0xF7A  }
0x26: {  	[smem:$0x3F93] =	sst s1;
	(tag) =	ssettag s2;
	_ =	strace s9  }
0x27: {  	s1 =	sld [smem:$0x3FA3]  }
0x28: {  	s2 =	sld [smem:$0x3FA4]  }
0x29: {  	s4 =	sld [smem:$0x3FA6]  }
0x2a: {  	p0 =	seq.s32 s5, $0x0;
	s5 =	sld [smem:$0x3FA7]  }
0x2b: {  	s6 =	sld [smem:$0x3FA8]  }
0x2c: {  	s7 =	sld [smem:$0x3FA9]  }
0x2d: {  	s3 =	simm.s32 $0x108;
	s8 =	sld [smem:$0x3FAA]  }
0x2e: {  	s3 =	simm.s32 @!p0 $0x1082;
	s9 =	sld [smem:$0x3FAB]  }
0x2f: {  	lr =	sadd.s32 s0, s3;
	s0 =	sld [smem:$0x3FA2]  }
0x30: {  	s3 =	sld [smem:$0x3FA5]  }
0x31: {  	[smem:$0x3FAE] =	sst s10  }
0x32: {  	s10 =	sld [smem:$0x3FAC];
	_ =	sdelay $0x3  }
0x33: {  	p0 =	seq.s32 s10, $0x1;
	s10 =	sld [smem:$0x3FAE];
	_ =	sdelay $0x3  }
0x34: {  	[smem:$0x3FAE] =	sst s10  }
0x35: {  	s10 =	sld [smem:$0x3FAD];
	_ =	sdelay $0x3  }
0x36: {  	p1 =	seq.s32 s10, $0x1;
	s10 =	sld [smem:$0x3FAE];
	_ =	sdelay $0x3  }
0x37: {  	[smem:$0x3FAE] =	sst s10  }
0x38: {  	s10 =	sld [smem:$0x3FAF]  }
0x39: {  	_ = 	snop;
	(pc) =	sbr.ind lr, $3  }
0x3a: {  	_ = 	snop  }
0x3b: {  	_ = 	snop  }
0x3c: {  	p2 =	seq.s32 s10, $0x1;
	s10 =	sld [smem:$0x3FAE]  }
0x3d: {  	_ =	shalt  }
0x3e: {  	_ =	shalt  }
0x3f: {  	_ =	shalt  }
0x40: {  	_ =	shalt  }
0x41: {  	_ =	shalt  }
0x42: {  	_ =	shalt  }
0x43: {  	_ =	shalt  }
0x44: {  	_ =	shalt  }
0x45: {  	_ =	shalt  }
0x46: {  	_ =	shalt  }
0x47: {  	_ =	shalt  }
0x48: {  	_ =	shalt  }
0x49: {  	_ =	shalt  }
0x4a: {  	_ =	shalt  }
0x4b: {  	_ =	shalt  }
0x4c: {  	_ =	shalt  }
0x4d: {  	_ =	shalt  }
0x4e: {  	_ =	shalt  }
0x4f: {  	_ =	shalt  }
0x50: {  	_ =	shalt  }
0x51: {  	_ =	shalt  }
0x52: {  	_ =	shalt  }
0x53: {  	_ =	shalt  }
0x54: {  	_ =	shalt  }
0x55: {  	_ =	shalt  }
0x56: {  	_ =	shalt  }
0x57: {  	_ =	shalt  }
0x58: {  	_ =	shalt  }
0x59: {  	_ =	shalt  }
0x5a: {  	_ =	shalt  }
0x5b: {  	_ =	shalt  }
0x5c: {  	_ =	shalt  }
0x5d: {  	_ =	shalt  }
0x5e: {  	_ =	shalt  }
0x5f: {  	_ =	shalt  }
0x60: {  	_ =	shalt  }
0x61: {  	_ =	shalt  }
0x62: {  	_ =	shalt  }
0x63: {  	_ =	shalt  }
0x64: {  	_ =	shalt  }
0x65: {  	_ =	shalt  }
0x66: {  	_ =	shalt  }
0x67: {  	_ =	shalt  }
0x68: {  	_ =	shalt  }
0x69: {  	_ =	shalt  }
0x6a: {  	_ =	shalt  }
0x6b: {  	_ =	shalt  }
0x6c: {  	_ =	shalt  }
0x6d: {  	_ =	shalt  }
0x6e: {  	_ =	shalt  }
0x6f: {  	_ =	shalt  }
0x70: {  	_ =	shalt  }
0x71: {  	_ =	shalt  }
0x72: {  	_ =	shalt  }
0x73: {  	_ =	shalt  }
0x74: {  	_ =	shalt  }
0x75: {  	_ =	shalt  }
0x76: {  	_ =	shalt  }
0x77: {  	_ =	shalt  }
0x78: {  	_ =	shalt  }
0x79: {  	_ =	shalt  }
0x7a: {  	_ =	shalt  }
0x7b: {  	_ =	shalt  }
0x7c: {  	_ =	shalt  }
0x7d: {  	_ =	shalt  }
0x7e: {  	_ =	shalt  }
0x7f: {  	_ =	shalt  }
0x80: {  	_ =	shalt  }
0x81: {  	_ =	shalt  }
0x82: {  	_ =	shalt  }
0x83: {  	_ =	shalt  }
0x84: {  	_ =	shalt  }
0x85: {  	_ =	shalt  }
0x86: {  	_ =	shalt  }
0x87: {  	_ =	shalt  }
.Lfunc_end0:
.L_simem_size_0:
called_computation.2_lowered:
.L_overlay_start_0:
0x88: {  	s2 =	sld [smem:$0x3FD9]  }
0x89: {  	s3 =	sld [smem:$0x3FFE];
	_ =	sdelay $0x1  }
0x8a: {  	s1 =	srdreg.scid  }
0x8b: {  	s0 =	sand.u32 $0x1, s1  }
0x8c: {  	s14 =	sshll.u32 s0, $0xA;
	s2 =	sadd.s32 s3, s2  }
0x8d: {  	s2 =	sadd.s32 s2, s14  }
0x8e: {  	[smem:$0x3FBA] =	sst s2  }
0x8f: {  	_ = 	snop  }
0x90: {  	s2 =	sld [smem:$0x3FD0];
	_ =	sdelay $0x2  }
0x91: {  	s4 =	simm.s32 $0xA;
	s5 =	simm.s32 $0x10;
	s15 =	sld [smem:$0x3FC4]  }
0x92: {  	[smem:s5], [sflag:s4] =	dma.local [hbm:s2], $0x1  }
0x93: {  	_ =	swait.eq [sflag:s4], $0x1  }
0x94: {  	[sflag:s4] =	ssyncset.done $0x0  }
0x95: {  	[sflag:s4] =	ssyncadd.s32 $0xFFFFFFFF  }
0x96: {  	s16 =	sld [smem:$0x10];
	(tm) =	ssettm $0x1  }
0x97: {  	s17 =	sld [smem:$0x3FFB];
	_ =	sdelay $0x3  }
0x98: {  	_ =	strace s17  }
0x99: {  	s4 =	sld [smem:$0x3FFC];
	_ =	sdelay $0x3  }
0x9a: {  	_ =	strace s4  }
0x9b: {  	s4 =	sld [smem:$0x3FFD];
	_ =	sdelay $0x3  }
0x9c: {  	_ =	strace s4  }
0x9d: {  	_ =	strace $0x8FFFFFFF  }
0x9e: {  	s18 =	sld [smem:$0x3FDB];
	_ =	sdelay $0x1  }
0x9f: {  	s19 =	simm.s32 $_scs_section_size  }
0xa0: {  	s6 =	simm.s32 $_size__tile_overlayer_lowered;
	s7 =	simm.s32 $_tile_overlayer_lowered  }
0xa1: {  	s22 =	simm.s32 $0x1BFF;
	s21 =	sshll.u32 s7, $0x1;
	s4 =	sadd.s32 s19, s18  }
0xa2: {  	s8 =	simm.s32 $0x0;
	s20 =	sshll.u32 s6, $0x1;
	s6 =	sadd.s32 s21, s4  }
0xa3: {  	[timem:s8], [sflag:s22] =	dma.local [hbm:s6], s20  }
0xa4: {  	_ =	swait.ge [sflag:s22], s20  }
0xa5: {  	s5 =	ssub.s32 $0x0, s20;
	[sflag:s22] =	ssyncset.done $0x0  }
0xa6: {  	[sflag:s22] =	ssyncadd.s32 s5;
	_ =	sdelay $0x1  }
0xa7: {  	s23 =	simm.s32 $0x1B8B  }
0xa8: {  	_ =	swait.ge [sflag:s23], $0x1  }
0xa9: {  	[sflag:s23] =	ssyncset.done $0x0  }
0xaa: {  	s25 =	simm.s32 $0x1B8E;
	s24 =	sld [smem:$0x3FFE];
	[sflag:s23] =	ssyncadd.s32 $0xFFFFFFFF  }
0xab: {  	s26 =	simm.s32 $execute0_lowered;
	[smem:$0x3FD2] =	sst s25  }
0xac: {  	s6 =	sshll.u32 s26, $0x1;
	_ =	strace $0x8000004C;
	[dreg:$0x1] =	wrdreg $0xFFFFFFFF  }
0xad: {  	s28 =	simm.s32 $_size_execute0_lowered;
	s4 =	sadd.s32 s4, s6;
	[dreg:$0x0] =	wrdreg $0x0  }
0xae: {  	s6 =	sshll.u32 s28, $0x1;
	[dreg:$0x2] =	wrdreg s4  }
0xaf: {  	[dreg:$0x3] =	wrdreg s6  }
0xb0: {  	[dreg:$0x4] =	wrdreg $0xC0  }
0xb1: {  	_ =	task [dreg:s8], $0x5FFFF  }
0xb2: {  	[dreg:$0x1] =	wrdreg $0xFFFFFFFF  }
0xb3: {  	[dreg:$0x0] =	wrdreg $0x60  }
0xb4: {  	[dreg:$0x2] =	wrdreg s24  }
0xb5: {  	[dreg:$0x3] =	wrdreg s15  }
0xb6: {  	[dreg:$0x4] =	wrdreg s16  }
0xb7: {  	[dreg:$0x5] =	wrdreg $0x9  }
0xb8: {  	_ =	task.clear_ibuf [dreg:s8], $0x6FFFF;
	_ =	strace $0x9000004C  }
0xb9: {  	s29 =	simm.s32 $0x9;
	_ =	strace $0x8000004E  }
0xba: {  	_ =	swait.ge [sflag:s29], $0x1  }
0xbb: {  	[sflag:s29] =	ssyncadd.s32 $0xFFFFFFFF  }
0xbc: {  	_ =	strace $0x9000004E  }
0xbd: {  	_ =	sfence  }
0xbe: {  	s30 =	sld [smem:$0x0];
	_ =	sdelay $0x2  }
0xbf: {  	s31 =	sshll.u32 s1, $0xD;
	s1 =	sshrl.u32 s1, $0x2  }
0xc0: {  	s3 =	sand.u32 $0x4000, s31;
	s1 =	sadd.s32 s1, s30  }
0xc1: {  	s0 =	sor.u32 s3, s0;
	s1 =	sshll.u32 s1, $0x11  }
0xc2: {  	s0 =	sor.u32 s1, s0  }
0xc3: {  	s0 =	sadd.s32 $0x8F2B, s0  }
0xc4: {  	[sflag:s0] =	ssyncadd.remote.s32 $0x1  }
0xc5: {  	_ =	sfence.sel $0xFFFF  }
0xc6: {  	[dreg:$0x0] =	wrdreg $0xFFFFFFFF;
	(pc) =	sbr.abs _section_cstart, $3  }
0xc7: {  	[dreg:$0x1] =	wrdreg $0xFFFFFFFF  }
0xc8: {  	_ =	task.clear_ibuf [dreg:s8], $0x2FFFF;
	_ =	strace $0x9FFFFFFF  }
0xc9: {  	(tm) =	ssettm $0x7FFFFFFF  }
tec
execute0_lowered:
.L_overlay_start_1:
0x0: {  	(tag) =	ssettag $0x1  }
0x1: {  	s0 =	rddreg [dreg:$0x0];
	s1 =	srdreg.scid  }
0x2: {  	s12 =	stileid.u32;
	s5 =	rddreg [dreg:$0x2]  }
0x3: {  	s3 =	simm.s32 $0x0;
	s15 =	simm.s32 $0x1;
	s1 =	sand.u32 $0x1, s1  }
0x4: {  	s2 =	sshll.u32 s12, $0x1;
	s4 =	sshrl.u32 s12, $0x2;
	s12 =	smul.u32 $0x280, s12  }
0x5: {  	[smem:$0x7FF] =	sst s3;
	s2 =	sor.u32 s1, s2;
	s7 =	smul.u32 $0x18000, s4  }
0x6: {  	s4 =	sshll.u32 s4, $0xA;
	s10 =	ssub.s32 $0x2, s1;
	s1 =	smul.u32 $0x140, s1  }
0x7: {  	_ =	strace $0x8000004D;
	s6 =	sshll.u32 s2, $0x7;
	s8 =	smul.u32 $0x140, s2  }
0x8: {  	s25 =	sshrl.u32 s10, $0x1;
	s2 =	smul.u32 $0x1400, s2;
	s6 =	sand.u32 $0x380, s6  }
0x9: {  	s11 =	ssub.s32 s10, s25;
	s7 =	sor.u32 s7, s6;
	s4 =	sor.u32 s4, s6  }
0xa: {  	s31 =	smax.u32 s11, $0x1;
	s24 =	sshrl.u32 s4, $0x3;
	s4 =	sadd.s32 $0x25200, s0  }
0xb: {  	s23 =	sshrl.u32 s7, $0x3;
	[dreg:$0xa] =	wrdreg s31;
	s29 =	sadd.s32 s4, s2  }
0xc: {  	s6 =	sadd.s32 s23, s0;
	s30 =	sadd.s32 s5, s24;
	[dreg:$0x8] =	wrdreg s29  }
0xd: {  	s8 =	sshrl.u32 s8, $0x3;
	s26 =	sadd.s32 $0xD000, s6;
	[dreg:$0x9] =	wrdreg s30  }
0xe: {  	s9 =	sadd.s32 s24, s0;
	s6 =	sadd.s32 $0x19000, s6;
	[dreg:$0x4] =	wrdreg s26  }
0xf: {  	s0 =	sadd.s32 s8, s0;
	s28 =	sadd.s32 $0x25000, s9;
	[dreg:$0x5] =	wrdreg s6  }
0x10: {  	s22 =	simm.s32 $0x2;
	s0 =	sadd.s32 $0x2C00, s0;
	[dreg:$0x6] =	wrdreg s28  }
0x11: {  	v0 =	vimm.f32 $0.0e+00;
	s12 =	sadd.s32 s1, s12;
	s25 =	simm.s32 $0x0;
	[dreg:$0x7] =	wrdreg s0  }
.LBB2_1:
0x12: {  	s0 =	rddreg [dreg:$0x4];
	s1 =	simm.s32 $0x80;
	s2 =	simm.s32 $0x400  }
0x13: {  	[tilespmem:s3], [sflag:$0x1] =	stream.strided.gather [hbm4b:s0+s1], $0x3000, s2, s1, $0x38;
	[tilespmem:$0x1F380] =	vst v63  }
0x14: {  	_ =	swait.ge [sflag:s15], $0x3000  }
0x15: {  	[sflag:s15] =	ssyncset.done $0x0  }
0x16: {  	s5 =	simm.s32 $0x3000;
	s23 =	rddreg [dreg:$0x5];
	[sflag:s15] =	ssyncadd.s32 $0xFFFFD000  }
0x17: {  	[tilespmem:s5], [sflag:$0x1] =	stream.strided.gather [hbm4b:s23+s1], $0x3000, s2, s1, $0x38;
	[tilespmem:$0x1F380] =	vst v63  }
0x18: {  	_ =	swait.ge [sflag:s15], $0x3000  }
0x19: {  	[sflag:s15] =	ssyncset.done $0x0  }
0x1a: {  	s26 =	simm.s32 $0x1F280;
	s24 =	rddreg [dreg:$0x6];
	[sflag:s15] =	ssyncadd.s32 $0xFFFFD000  }
0x1b: {  	[tilespmem:s26], [sflag:$0x1] =	stream.linear.gather [hbm4b:s24+s3], $0x80, $0x38;
	[tilespmem:$0x1F380] =	vst v63  }
0x1c: {  	_ =	swait.ge [sflag:s15], $0x80  }
0x1d: {  	[sflag:s15] =	ssyncset.done $0x0  }
0x1e: {  	s29 =	simm.s32 $0x1F080;
	s28 =	rddreg [dreg:$0x7];
	[sflag:s15] =	ssyncadd.s32 $0xFFFFFF80  }
0x1f: {  	[tilespmem:s29], [sflag:$0x1] =	stream.linear.gather [hbm4b:s28+s3], $0x140, $0x38;
	[tilespmem:$0x1F380] =	vst v63  }
0x20: {  	_ =	swait.ge [sflag:s15], $0x140  }
0x21: {  	[sflag:s15] =	ssyncset.done $0x0  }
0x22: {  	[sflag:s15] =	ssyncadd.s32 $0xFFFFFEC0  }
0x23: {  	s31 =	simm.s32 $0x1F200;
	s30 =	rddreg [dreg:$0x1]  }
0x24: {  	[tilespmem:s31], [sflag:$0x1] =	stream.linear.gather [hbm4b:s30+s3], $0x80, $0x38;
	[tilespmem:$0x1F380] =	vst v63  }
0x25: {  	_ =	swait.ge [sflag:s15], $0x80  }
0x26: {  	[sflag:s15] =	ssyncset.done $0x0  }
0x27: {  	[sflag:s15] =	ssyncadd.s32 $0xFFFFFF80  }
0x28: {  	s0 =	simm.s32 $0x40;
	s1 =	simm.s32 $0x0;
	v1 =	vld [tilespmem:$0x1F280]  }
.LBB2_2:
0x29: {  	p0 =	sne.s32 s0, $0x13FC0;
	[tilespmem:s1+$0x1A080] =	vst v0;
	s1 =	smov.u32 s0;
	s0 =	sadd.s32 $0x40, s0  }
.Ltmp0:
0x2a: {  	(pc) =	sbr.rel @p0 .LBB2_2-.Ltmp0, $2  }
0x2b: {  	_ =	sdelay $0x2  }
0x2c: {  	s1 =	sshra.s32 s1, $0x2  }
0x2d: {  	(v2sf) =	vpush v1, $0x0;
	_ =	sdelay $0xe  }
0x2e: {  	s0 =	spop (v2sf)  }
0x2f: {  	s2 =	sadd.s32 $0x13F, s0  }
0x30: {  	s5 =	smulhi.u32 $0x66666667, s2;
	s6 =	sshra.s32 s2, $0x1F  }
0x31: {  	s6 =	smul.u32 $0x66666667, s6;
	_ =	sdelay $0x1  }
0x32: {  	s5 =	sadd.s32 s6, s5  }
0x33: {  	s6 =	sshrl.u32 s5, $0x1F;
	s5 =	sshra.s32 s5, $0x7  }
0x34: {  	s5 =	sadd.s32 s6, s5  }
0x35: {  	s6 =	smul.u32 $0xFFFFFEC0, s5  }
0x36: {  	s7 =	ssub.s32 $0xFFFFFEC1, s0  }
0x37: {  	p1 =	slt.s32 s2, $0x1;
	p0 =	sne.s32 s6, s7  }
0x38: {  	p0 =	por !p1, !p0  }
0x39: {  	s2 =	simm.s32 $0x1;
	p0 =	por !p0, !p0  }
0x3a: {  	s2 =	simm.s32 @!p0 $0x0  }
0x3b: {  	s28 =	ssub.s32 s5, s2  }
0x3c: {  	p0 =	slt.s32 s28, $0x1  }
.Ltmp1:
0x3d: {  	_ = 	snop;
	(pc) =	sbr.rel @p0 .LBB2_23-.Ltmp1, $2  }
0x3e: {  	_ =	sdelay $0x2  }
0x3f: {  	[tilespmem:s1+$0x1A080] =	vst v0  }
.Ltmp2:
0x40: {  	(pc) =	sbr.rel .LBB2_5-.Ltmp2, $4  }
0x41: {  	s29 =	simm.s32 $0x0;
	s1 =	simm.s32 $0x140  }
0x42: {  	s2 =	simm.s32 $0x6080;
	s30 =	simm.s32 $0x3002;
	s31 =	simm.s32 $0x3000  }
0x43: {  	[tilespmem:s2], [sflag:$0x1] =	stream.indirect.gather [hbm4b:s4+s1], $0x80, s29, s1, $0xb8;
	[tilespmem:$0x1F380] =	vst v63  }
0x44: {  	s26 =	smov.u32 s0;
	s20 =	simm.s32 $0x0;
	s1 =	simm.s32 $0x3003  }
.LBB2_22:
0x45: {  	s20 =	sadd.s32 $0x1, s20  }
0x46: {  	p0 =	sne.s32 s20, s28  }
.Ltmp3:
0x47: {  	_ = 	snop;
	(pc) =	sbr.rel @!p0 .LBB2_23-.Ltmp3, $3  }
0x48: {  	_ =	sdelay $0x1  }
0x49: {  	s26 =	sadd.s32 $0xFFFFFEC0, s26;
	s30 =	sadd.s32 $0x140, s30  }
0x4a: {  	s31 =	sadd.s32 $0x140, s31;
	s29 =	sadd.s32 $0x140, s29;
	s1 =	sadd.s32 $0x140, s1  }
.LBB2_5:
0x4b: {  	p0 =	slt.s32 s26, $0x140;
	s2 =	smov.u32 s26;
	s5 =	sand.u32 $0x1, s20  }
0x4c: {  	s2 =	simm.s32 @!p0 $0x140;
	p0 =	seq.s32 s5, $0x1  }
.Ltmp4:
0x4d: {  	_ = 	snop;
	(pc) =	sbr.rel @p0 .LBB2_16-.Ltmp4, $2  }
0x4e: {  	_ =	sdelay $0x2  }
0x4f: {  	s16 =	sshll.u32 s2, $0x2;
	s2 =	sshll.u32 s2, $0x9  }
0x50: {  	s5 =	sor.u32 $0x1, s20  }
0x51: {  	s13 =	smul.u32 $0x140, s20;
	p0 =	sge.s32 s5, s28  }
0x52: {  	s5 =	smul.u32 @!p0 $0x500, s5  }
0x53: {  	s6 =	simm.s32 @!p0 $0x140  }
0x54: {  	s7 =	simm.s32 @!p0 $0x10080;
	s17 =	ssub.s32 s0, s13;
	s5 =	sshra.s32 @!p0 s5, $0x2  }
0x55: {  	[tilespmem:s7], [sflag:$0x2] =	stream.indirect.gather @!p0 [hbm4b:s4+s6], $0x80, s5, s6, $0xb8;
	[tilespmem:$0x1F380] =	vst v63  }
0x56: {  	p0 =	slt.s32 s17, $0x140  }
0x57: {  	s17 =	simm.s32 @!p0 $0x140  }
0x58: {  	s24 =	sshra.s32 s17, $0x1F  }
0x59: {  	s5 =	sshrl.u32 s24, $0x1E  }
0x5a: {  	s5 =	sadd.s32 s5, s17  }
0x5b: {  	s18 =	sand.u32 $0xFFFFFFFC, s5  }
0x5c: {  	p0 =	slt.s32 s18, $0x1  }
.Ltmp5:
0x5d: {  	_ = 	snop;
	(pc) =	sbr.rel @p0 .LBB2_9-.Ltmp5, $4  }
0x5e: {  	_ = 	snop  }
0x5f: {  	_ =	swait.ge [sflag:s15], $0xA000  }
0x60: {  	[sflag:s15] =	ssyncset.done $0x0  }
0x61: {  	[sflag:s15] =	ssyncadd.s32 $0xFFFF6000  }
0x62: {  	s6 =	sadd.s32 $0x0, s29  }
0x63: {  	s7 =	simm.s32 $0x2;
	s6 =	sand.u32 $0xFFFFFF80, s6  }
0x64: {  	s5 =	simm.s32 $0x0;
	s7 =	sand.u32 $0x7E, s7;
	s6 =	sadd.s32 $0x3000, s6  }
0x65: {  	s13 =	simm.s32 $0x1;
	s5 =	sand.u32 $0x7C, s5;
	s7 =	sor.u32 s7, s6  }
0x66: {  	s13 =	sand.u32 $0x7D, s13;
	s5 =	sor.u32 s5, s6;
	v1 =	vld [tilespmem:s7+$0x0]  }
0x67: {  	s6 =	sor.u32 s13, s6;
	v2 =	vld [tilespmem:s5+$0x0]  }
0x68: {  	v3 =	vld [tilespmem:s6+$0x0]  }
0x69: {  	v4 =	vld [tilespmem:s1+$0x0];
	p1 =	sgt.s32 s18, $0x4  }
.Ltmp6:
0x6a: {  	_ = 	snop;
	(pc) =	sbr.rel @!p1 .LBB2_8-.Ltmp6, $4  }
0x6b: {  	(v2sf) =	vpush v1, $0x0  }
0x6c: {  	(v2sf) =	vpush v2, $0x0  }
0x6d: {  	s19 =	simm.s32 $0x6180;
	(v2sf) =	vpush v3, $0x0  }
0x6e: {  	p0 =	por $0x0, $0x0;
	s6 =	simm.s32 $0x4;
	s5 =	sadd.s32 $0x4, s1;
	(v2sf) =	vpush v4, $0x0  }
0x6f: {  	_ =	sdelay $0x3  }
0x70: {  	v1 =	vld [tilespmem:s19+$0x0]  }
0x71: {  	v3 =	vld [tilespmem:s5+$0x0];
	s14 =	sadd.s32 $0x4, s29  }
0x72: {  	v2 =	vld [tilespmem:s19+$0xFFFFFF00];
	s14 =	sand.u32 $0xFFFFFF80, s14  }
0x73: {  	v4 =	vld [tilespmem:s19+$0xFFFFFF80];
	s8 =	simm.s32 $0x6;
	s6 =	sand.u32 $0x7C, s6;
	s14 =	sadd.s32 $0x3000, s14  }
0x74: {  	v5 =	vld [tilespmem:s19+$0x80];
	s24 =	simm.s32 $0x5;
	s8 =	sand.u32 $0x7E, s8;
	s6 =	sor.u32 s6, s14  }
0x75: {  	s8 =	sor.u32 s8, s14;
	v6 =	vld [tilespmem:s6+$0x0];
	s6 =	sand.u32 $0x7D, s24  }
0x76: {  	v63 =	vld [tilespmem:s8+$0x0];
	s6 =	sor.u32 s6, s14  }
0x77: {  	v7 =	vld [tilespmem:s6+$0x0];
	s7 =	spop (v2sf)  }
0x78: {  	[tilespmem:s7+$0x1A080] =	vst.add.f32.msk $0xffff, v1  }
0x79: {  	s13 =	spop (v2sf);
	v1 =	vld [tilespmem:s19+$0x10]  }
0x7a: {  	s21 =	spop (v2sf);
	[tilespmem:s13+$0x1A080] =	vst.add.f32.msk $0xffff, v2  }
0x7b: {  	[tilespmem:s21+$0x1A080] =	vst.add.f32.msk $0xffff, v4  }
0x7c: {  	v2 =	vld [tilespmem:s19+$0xFFFFFF10];
	s23 =	spop (v2sf)  }
0x7d: {  	[tilespmem:s23+$0x1A080] =	vst.add.f32.msk $0xffff, v5  }
0x7e: {  	v4 =	vld [tilespmem:s19+$0xFFFFFF90]  }
0x7f: {  	[tilespmem:s7+$0x1A090] =	vst.add.f32.msk $0xffff, v1  }
0x80: {  	v1 =	vld [tilespmem:s19+$0x20]  }
0x81: {  	v5 =	vld [tilespmem:s19+$0x90]  }
0x82: {  	[tilespmem:s13+$0x1A090] =	vst.add.f32.msk $0xffff, v2  }
0x83: {  	v2 =	vld [tilespmem:s19+$0xFFFFFF20]  }
0x84: {  	[tilespmem:s21+$0x1A090] =	vst.add.f32.msk $0xffff, v4  }
0x85: {  	[tilespmem:s7+$0x1A0A0] =	vst.add.f32.msk $0xffff, v1  }
0x86: {  	v1 =	vld [tilespmem:s19+$0x30]  }
0x87: {  	[tilespmem:s23+$0x1A090] =	vst.add.f32.msk $0xffff, v5  }
0x88: {  	v5 =	vld [tilespmem:s19+$0xA0]  }
0x89: {  	[tilespmem:s13+$0x1A0A0] =	vst.add.f32.msk $0xffff, v2  }
0x8a: {  	(v2sf) =	vpush v63, $0x0;
	v8 =	vld [tilespmem:s19+$0xFFFFFF30]  }
0x8b: {  	(v2sf) =	vpush v6, $0x0;
	[tilespmem:s7+$0x1A0B0] =	vst.add.f32.msk $0xffff, v1  }
0x8c: {  	(v2sf) =	vpush v7, $0x0;
	v1 =	vld [tilespmem:s19+$0xFFFFFFA0];
	_ =	sdelay $0x1  }
0x8d: {  	p1 =	sgt.s32 s18, $0x8;
	(v2sf) =	vpush v3, $0x0  }
.Ltmp7:
0x8e: {  	[tilespmem:s23+$0x1A0A0] =	vst.add.f32.msk $0xffff, v5;
	(pc) =	sbr.rel @!p1 .LBB2_13-.Ltmp7, $4  }
0x8f: {  	[tilespmem:s13+$0x1A0B0] =	vst.add.f32.msk $0xffff, v8  }
0x90: {  	[tilespmem:s21+$0x1A0A0] =	vst.add.f32.msk $0xffff, v1  }
0x91: {  	s5 =	sadd.s32 $0x4, s5;
	v1 =	vld [tilespmem:s19+$0xB0]  }
0x92: {  	p0 =	por $0x1, $0x1;
	s14 =	simm.s32 $0x8;
	s13 =	simm.s32 $0x6180;
	v2 =	vld [tilespmem:s19+$0xFFFFFFB0]  }
.LBB2_14:
0x93: {  	v3 =	vld [tilespmem:s5+$0x0];
	s13 =	sadd.s32 $0x200, s13;
	s7 =	smov.u32 s14  }
0x94: {  	v4 =	vld [tilespmem:s13+$0x0]  }
0x95: {  	v5 =	vld [tilespmem:s13+$0xFFFFFF00]  }
0x96: {  	v6 =	vld [tilespmem:s13+$0xFFFFFF80]  }
0x97: {  	v7 =	vld [tilespmem:s13+$0x80]  }
0x98: {  	s8 =	spop (v2sf);
	[tilespmem:s21+$0x1A0B0] =	vst.add.f32.msk $0xffff, v2  }
0x99: {  	[tilespmem:s8+$0x1A080] =	vst.add.f32.msk $0xffff, v4;
	s6 =	spop (v2sf)  }
0x9a: {  	v2 =	vld [tilespmem:s13+$0x10];
	s21 =	spop (v2sf)  }
0x9b: {  	[tilespmem:s6+$0x1A080] =	vst.add.f32.msk $0xffff, v5  }
0x9c: {  	[tilespmem:s21+$0x1A080] =	vst.add.f32.msk $0xffff, v6;
	s9 =	spop (v2sf)  }
0x9d: {  	[tilespmem:s9+$0x1A080] =	vst.add.f32.msk $0xffff, v7  }
0x9e: {  	v4 =	vld [tilespmem:s13+$0xFFFFFF10]  }
0x9f: {  	[tilespmem:s8+$0x1A090] =	vst.add.f32.msk $0xffff, v2  }
0xa0: {  	v2 =	vld [tilespmem:s13+$0x20]  }
0xa1: {  	v5 =	vld [tilespmem:s13+$0xFFFFFF90]  }
0xa2: {  	v6 =	vld [tilespmem:s13+$0x90]  }
0xa3: {  	s10 =	sand.u32 $0x7C, s14;
	[tilespmem:s6+$0x1A090] =	vst.add.f32.msk $0xffff, v4  }
0xa4: {  	s14 =	sadd.s32 $0x4, s14;
	s11 =	sadd.s32 s7, s29;
	s24 =	sadd.s32 $0x1, s7;
	v4 =	vld [tilespmem:s13+$0xFFFFFF20]  }
0xa5: {  	s7 =	sadd.s32 $0x2, s7;
	p1 =	slt.s32 s14, s18;
	s11 =	sand.u32 $0xFFFFFF80, s11;
	[tilespmem:s8+$0x1A0A0] =	vst.add.f32.msk $0xffff, v2  }
0xa6: {  	s24 =	sand.u32 $0x7D, s24;
	s7 =	sand.u32 $0x7E, s7;
	s11 =	sadd.s32 $0x3000, s11;
	v2 =	vld [tilespmem:s13+$0x30]  }
0xa7: {  	s10 =	sor.u32 s10, s11;
	s24 =	sor.u32 s24, s11;
	s7 =	sor.u32 s7, s11;
	[tilespmem:s21+$0x1A090] =	vst.add.f32.msk $0xffff, v5  }
0xa8: {  	v5 =	vld [tilespmem:s7+$0x0]  }
0xa9: {  	v7 =	vld [tilespmem:s10+$0x0]  }
0xaa: {  	v8 =	vld [tilespmem:s24+$0x0]  }
0xab: {  	[tilespmem:s8+$0x1A0B0] =	vst.add.f32.msk $0xffff, v2  }
0xac: {  	[tilespmem:s9+$0x1A090] =	vst.add.f32.msk $0xffff, v6  }
0xad: {  	(v2sf) =	vpush v5, $0x0;
	v2 =	vld [tilespmem:s13+$0xFFFFFFA0]  }
0xae: {  	(v2sf) =	vpush v7, $0x0;
	v5 =	vld [tilespmem:s13+$0xA0]  }
0xaf: {  	(v2sf) =	vpush v8, $0x0;
	[tilespmem:s6+$0x1A0A0] =	vst.add.f32.msk $0xffff, v4  }
0xb0: {  	v4 =	vld [tilespmem:s13+$0xFFFFFF30]  }
0xb1: {  	(v2sf) =	vpush v3, $0x0;
	[tilespmem:s23+$0x1A0B0] =	vst.add.f32.msk $0xffff, v1;
	s23 =	smov.u32 s9  }
.Ltmp8:
0xb2: {  	[tilespmem:s21+$0x1A0A0] =	vst.add.f32.msk $0xffff, v2;
	(pc) =	sbr.rel @p1 .LBB2_14-.Ltmp8, $4  }
0xb3: {  	[tilespmem:s23+$0x1A0A0] =	vst.add.f32.msk $0xffff, v5  }
0xb4: {  	v2 =	vld [tilespmem:s13+$0xFFFFFFB0]  }
0xb5: {  	v1 =	vld [tilespmem:s13+$0xB0]  }
0xb6: {  	s5 =	sadd.s32 $0x4, s5;
	[tilespmem:s6+$0x1A0B0] =	vst.add.f32.msk $0xffff, v4  }
.LBB2_15:
0xb7: {  	s5 =	sadd.s32 @p0 $0x200, s13  }
0xb8: {  	s19 =	smov.u32 @p0 s5  }
0xb9: {  	v3 =	vld [tilespmem:s19+$0x0]  }
0xba: {  	v4 =	vld [tilespmem:s19+$0xFFFFFF00]  }
0xbb: {  	v5 =	vld [tilespmem:s19+$0xFFFFFF80]  }
0xbc: {  	v6 =	vld [tilespmem:s19+$0x80]  }
0xbd: {  	[tilespmem:s21+$0x1A0B0] =	vst.add.f32.msk @p0 $0xffff, v2;
	s24 =	spop (v2sf)  }
0xbe: {  	s6 =	spop (v2sf);
	[tilespmem:s24+$0x1A080] =	vst.add.f32.msk $0xffff, v3  }
0xbf: {  	[tilespmem:s6+$0x1A080] =	vst.add.f32.msk $0xffff, v4  }
0xc0: {  	s7 =	spop (v2sf);
	v2 =	vld [tilespmem:s19+$0x10]  }
0xc1: {  	[tilespmem:s7+$0x1A080] =	vst.add.f32.msk $0xffff, v5  }
0xc2: {  	v3 =	vld [tilespmem:s19+$0xFFFFFF10]  }
0xc3: {  	s8 =	spop (v2sf);
	v60 =	vld [tilespmem:s19+$0xFFFFFF90]  }
0xc4: {  	[tilespmem:s8+$0x1A080] =	vst.add.f32.msk $0xffff, v6  }
0xc5: {  	v61 =	vld [tilespmem:s19+$0x90]  }
0xc6: {  	[tilespmem:s24+$0x1A090] =	vst.add.f32.msk $0xffff, v2  }
0xc7: {  	[tilespmem:s6+$0x1A090] =	vst.add.f32.msk $0xffff, v3  }
0xc8: {  	v2 =	vld [tilespmem:s19+$0x20]  }
0xc9: {  	v3 =	vld [tilespmem:s19+$0xFFFFFF20]  }
0xca: {  	[tilespmem:s7+$0x1A090] =	vst.add.f32.msk $0xffff, v60  }
0xcb: {  	[tilespmem:s8+$0x1A090] =	vst.add.f32.msk $0xffff, v61  }
0xcc: {  	v62 =	vld [tilespmem:s19+$0xA0]  }
0xcd: {  	[tilespmem:s24+$0x1A0A0] =	vst.add.f32.msk $0xffff, v2  }
0xce: {  	v2 =	vld [tilespmem:s19+$0xFFFFFFA0]  }
0xcf: {  	[tilespmem:s6+$0x1A0A0] =	vst.add.f32.msk $0xffff, v3  }
0xd0: {  	v63 =	vld [tilespmem:s19+$0x30]  }
0xd1: {  	v3 =	vld [tilespmem:s19+$0xFFFFFF30]  }
0xd2: {  	[tilespmem:s8+$0x1A0A0] =	vst.add.f32.msk $0xffff, v62  }
0xd3: {  	v4 =	vld [tilespmem:s19+$0xB0]  }
0xd4: {  	[tilespmem:s7+$0x1A0A0] =	vst.add.f32.msk $0xffff, v2  }
0xd5: {  	v2 =	vld [tilespmem:s19+$0xFFFFFFB0]  }
0xd6: {  	[tilespmem:s23+$0x1A0B0] =	vst.add.f32.msk @p0 $0xffff, v1  }
0xd7: {  	[tilespmem:s24+$0x1A0B0] =	vst.add.f32.msk $0xffff, v63  }
0xd8: {  	[tilespmem:s6+$0x1A0B0] =	vst.add.f32.msk $0xffff, v3  }
0xd9: {  	[tilespmem:s8+$0x1A0B0] =	vst.add.f32.msk $0xffff, v4  }
0xda: {  	[tilespmem:s7+$0x1A0B0] =	vst.add.f32.msk $0xffff, v2  }
.LBB2_9:
0xdb: {  	p0 =	sge.s32 s18, s17  }
.Ltmp9:
0xdc: {  	_ = 	snop;
	(pc) =	sbr.rel @p0 .LBB2_22-.Ltmp9, $1  }
0xdd: {  	_ =	sdelay $0x3  }
0xde: {  	s5 =	ssub.s32 s17, s18  }
0xdf: {  	s6 =	sshll.u32 s5, $0x2;
	s7 =	sshll.u32 s5, $0x9  }
0xe0: {  	s6 =	ssub.s32 s16, s6;
	s2 =	ssub.s32 s2, s7  }
0xe1: {  	s6 =	sshra.s32 s6, $0x2;
	s7 =	sshra.s32 s2, $0x2  }
0xe2: {  	s2 =	sadd.s32 s6, s31;
	s6 =	sadd.s32 $0x60A0, s7  }
.LBB2_11:
0xe3: {  	v1 =	vld [tilespmem:s2+$0x0];
	_ =	sdelay $0x4  }
0xe4: {  	(v2sf) =	vpush v1, $0x0;
	_ =	sdelay $0xa  }
0xe5: {  	v1 =	vld [tilespmem:s6+$0xFFFFFFE0];
	_ =	sdelay $0x3  }
0xe6: {  	s7 =	spop (v2sf)  }
0xe7: {  	[tilespmem:s7+$0x1A080] =	vst.add.f32.msk $0xffff, v1  }
0xe8: {  	v1 =	vld [tilespmem:s6+$0xFFFFFFF0];
	_ =	sdelay $0x4  }
0xe9: {  	[tilespmem:s7+$0x1A090] =	vst.add.f32.msk $0xffff, v1  }
0xea: {  	v1 =	vld [tilespmem:s6+$0x0];
	_ =	sdelay $0x4  }
0xeb: {  	[tilespmem:s7+$0x1A0A0] =	vst.add.f32.msk $0xffff, v1  }
0xec: {  	p0 =	seq.s32 s5, $0x1;
	v1 =	vld [tilespmem:s6+$0x10]  }
.Ltmp10:
0xed: {  	_ = 	snop;
	(pc) =	sbr.rel @!p0 .LBB2_11-.Ltmp10, $2  }
0xee: {  	_ =	sdelay $0x2  }
0xef: {  	s2 =	sadd.s32 $0x1, s2;
	s5 =	sadd.s32 $0xFFFFFFFF, s5;
	s6 =	sadd.s32 $0x80, s6;
	[tilespmem:s7+$0x1A0B0] =	vst.add.f32.msk $0xffff, v1  }
.Ltmp11:
0xf0: {  	_ = 	snop;
	(pc) =	sbr.rel .LBB2_22-.Ltmp11, $1  }
0xf1: {  	_ =	sdelay $0x3  }
.LBB2_16:
0xf2: {  	s5 =	sadd.s32 $0x1, s20  }
0xf3: {  	s8 =	smul.u32 $0x140, s20;
	p0 =	sge.s32 s5, s28  }
0xf4: {  	s5 =	smul.u32 @!p0 $0x500, s5  }
0xf5: {  	s6 =	simm.s32 @!p0 $0x140  }
0xf6: {  	s7 =	simm.s32 @!p0 $0x6080;
	s17 =	ssub.s32 s0, s8;
	s5 =	sshra.s32 @!p0 s5, $0x2  }
0xf7: {  	[tilespmem:s7], [sflag:$0x1] =	stream.indirect.gather @!p0 [hbm4b:s4+s6], $0x80, s5, s6, $0xb8;
	[tilespmem:$0x1F380] =	vst v63  }
0xf8: {  	p0 =	slt.s32 s17, $0x140  }
0xf9: {  	s17 =	simm.s32 @!p0 $0x140  }
0xfa: {  	s24 =	sshra.s32 s17, $0x1F  }
0xfb: {  	s5 =	sshrl.u32 s24, $0x1E  }
0xfc: {  	s5 =	sadd.s32 s5, s17  }
0xfd: {  	s18 =	sand.u32 $0xFFFFFFFC, s5  }
0xfe: {  	p0 =	slt.s32 s18, $0x1  }
.Ltmp12:
0xff: {  	_ = 	snop;
	(pc) =	sbr.rel @p0 .LBB2_19-.Ltmp12, $4  }
0x100: {  	_ = 	snop  }
0x101: {  	_ =	swait.ge [sflag:s22], $0xA000  }
0x102: {  	[sflag:s22] =	ssyncset.done $0x0  }
0x103: {  	[sflag:s22] =	ssyncadd.s32 $0xFFFF6000  }
0x104: {  	v1 =	vld [tilespmem:s30+$0x1];
	_ =	sdelay $0x1  }
0x105: {  	v2 =	vld [tilespmem:s30+$0xFFFFFFFF]  }
0x106: {  	v3 =	vld [tilespmem:s30+$0x0];
	_ =	sdelay $0x1  }
0x107: {  	v4 =	vld [tilespmem:s30+$0xFFFFFFFE];
	(v2sf) =	vpush v1, $0x0;
	_ =	sdelay $0x1  }
0x108: {  	(v2sf) =	vpush v2, $0x0  }
0x109: {  	(v2sf) =	vpush v3, $0x0;
	_ =	sdelay $0x1  }
0x10a: {  	(v2sf) =	vpush v4, $0x0;
	_ =	sdelay $0x4  }
0x10b: {  	s19 =	simm.s32 $0x10180  }
0x10c: {  	v1 =	vld [tilespmem:s19+$0x80];
	_ =	sdelay $0x1  }
0x10d: {  	v2 =	vld [tilespmem:s19+$0xFFFFFF80]  }
0x10e: {  	v3 =	vld [tilespmem:s19+$0x0]  }
0x10f: {  	v4 =	vld [tilespmem:s19+$0xFFFFFF00];
	s14 =	spop (v2sf)  }
0x110: {  	[tilespmem:s14+$0x1A080] =	vst.add.f32.msk $0xffff, v1  }
0x111: {  	s23 =	spop (v2sf);
	v1 =	vld [tilespmem:s19+$0x90]  }
0x112: {  	s21 =	spop (v2sf);
	[tilespmem:s23+$0x1A080] =	vst.add.f32.msk $0xffff, v2  }
0x113: {  	[tilespmem:s21+$0x1A080] =	vst.add.f32.msk $0xffff, v3  }
0x114: {  	s13 =	spop (v2sf);
	v5 =	vld [tilespmem:s19+$0xFFFFFF90]  }
0x115: {  	[tilespmem:s13+$0x1A080] =	vst.add.f32.msk $0xffff, v4  }
0x116: {  	v2 =	vld [tilespmem:s19+$0xFFFFFF10]  }
0x117: {  	[tilespmem:s14+$0x1A090] =	vst.add.f32.msk $0xffff, v1  }
0x118: {  	v1 =	vld [tilespmem:s19+$0xA0]  }
0x119: {  	p1 =	sgt.s32 s18, $0x4;
	v3 =	vld [tilespmem:s19+$0x10]  }
.Ltmp13:
0x11a: {  	[tilespmem:s23+$0x1A090] =	vst.add.f32.msk $0xffff, v5;
	(pc) =	sbr.rel @!p1 .LBB2_18-.Ltmp13, $4  }
0x11b: {  	[tilespmem:s13+$0x1A090] =	vst.add.f32.msk $0xffff, v2  }
0x11c: {  	v2 =	vld [tilespmem:s19+$0xFFFFFF20]  }
0x11d: {  	[tilespmem:s14+$0x1A0A0] =	vst.add.f32.msk $0xffff, v1  }
0x11e: {  	s7 =	sadd.s32 $0x4, s30;
	p0 =	por $0x0, $0x0;
	v4 =	vld [tilespmem:s19+$0xB0]  }
0x11f: {  	v1 =	vld [tilespmem:s7+$0x1]  }
0x120: {  	v5 =	vld [tilespmem:s7+$0xFFFFFFFF]  }
0x121: {  	v6 =	vld [tilespmem:s7+$0x0]  }
0x122: {  	v7 =	vld [tilespmem:s7+$0xFFFFFFFE]  }
0x123: {  	[tilespmem:s21+$0x1A090] =	vst.add.f32.msk $0xffff, v3  }
0x124: {  	v3 =	vld [tilespmem:s19+$0x20];
	(v2sf) =	vpush v1, $0x0  }
0x125: {  	[tilespmem:s13+$0x1A0A0] =	vst.add.f32.msk $0xffff, v2  }
0x126: {  	v2 =	vld [tilespmem:s19+$0xFFFFFF30];
	(v2sf) =	vpush v5, $0x0  }
0x127: {  	v1 =	vld [tilespmem:s19+$0xFFFFFFA0];
	(v2sf) =	vpush v6, $0x0;
	_ =	sdelay $0x1  }
0x128: {  	[tilespmem:s14+$0x1A0B0] =	vst.add.f32.msk $0xffff, v4;
	(v2sf) =	vpush v7, $0x0  }
0x129: {  	[tilespmem:s21+$0x1A0A0] =	vst.add.f32.msk $0xffff, v3  }
0x12a: {  	[tilespmem:s13+$0x1A0B0] =	vst.add.f32.msk $0xffff, v2  }
0x12b: {  	[tilespmem:s23+$0x1A0A0] =	vst.add.f32.msk $0xffff, v1  }
0x12c: {  	v1 =	vld [tilespmem:s19+$0x30]  }
0x12d: {  	v3 =	vld [tilespmem:s19+$0xFFFFFFB0];
	s19 =	simm.s32 $0x10380  }
0x12e: {  	v2 =	vld [tilespmem:s19+$0x80]  }
0x12f: {  	v4 =	vld [tilespmem:s19+$0xFFFFFF00]  }
0x130: {  	v5 =	vld [tilespmem:s19+$0xFFFFFF80]  }
0x131: {  	v6 =	vld [tilespmem:s19+$0x0]  }
0x132: {  	[tilespmem:s23+$0x1A0B0] =	vst.add.f32.msk $0xffff, v3;
	s14 =	spop (v2sf)  }
0x133: {  	[tilespmem:s14+$0x1A080] =	vst.add.f32.msk $0xffff, v2  }
0x134: {  	s23 =	spop (v2sf);
	v2 =	vld [tilespmem:s19+$0x90]  }
0x135: {  	s5 =	spop (v2sf);
	[tilespmem:s23+$0x1A080] =	vst.add.f32.msk $0xffff, v5  }
0x136: {  	[tilespmem:s5+$0x1A080] =	vst.add.f32.msk $0xffff, v6  }
0x137: {  	s13 =	spop (v2sf);
	v6 =	vld [tilespmem:s19+$0xFFFFFF90]  }
0x138: {  	[tilespmem:s13+$0x1A080] =	vst.add.f32.msk $0xffff, v4  }
0x139: {  	v4 =	vld [tilespmem:s19+$0xFFFFFF10]  }
0x13a: {  	[tilespmem:s14+$0x1A090] =	vst.add.f32.msk $0xffff, v2  }
0x13b: {  	v5 =	vld [tilespmem:s19+$0xA0];
	_ =	sdelay $0x1  }
0x13c: {  	p1 =	sgt.s32 s18, $0x8;
	v3 =	vld [tilespmem:s19+$0x10]  }
.Ltmp14:
0x13d: {  	[tilespmem:s23+$0x1A090] =	vst.add.f32.msk $0xffff, v6;
	(pc) =	sbr.rel @!p1 .LBB2_29-.Ltmp14, $4  }
0x13e: {  	[tilespmem:s13+$0x1A090] =	vst.add.f32.msk $0xffff, v4  }
0x13f: {  	[tilespmem:s14+$0x1A0A0] =	vst.add.f32.msk $0xffff, v5  }
0x140: {  	v4 =	vld [tilespmem:s19+$0xB0]  }
0x141: {  	s6 =	simm.s32 $0x8;
	s7 =	sadd.s32 $0x4, s7;
	p0 =	por $0x1, $0x1;
	v2 =	vld [tilespmem:s19+$0xFFFFFF20]  }
.LBB2_28:
0x142: {  	v5 =	vld [tilespmem:s7+$0x1];
	s6 =	sadd.s32 $0x4, s6  }
0x143: {  	v6 =	vld [tilespmem:s7+$0xFFFFFFFF];
	p1 =	slt.s32 s6, s18  }
0x144: {  	v7 =	vld [tilespmem:s7+$0x0]  }
0x145: {  	[tilespmem:s14+$0x1A0B0] =	vst.add.f32.msk $0xffff, v4  }
0x146: {  	v4 =	vld [tilespmem:s7+$0xFFFFFFFE]  }
0x147: {  	(v2sf) =	vpush v5, $0x0;
	[tilespmem:s5+$0x1A090] =	vst.add.f32.msk $0xffff, v3  }
0x148: {  	(v2sf) =	vpush v6, $0x0;
	v3 =	vld [tilespmem:s19+$0xFFFFFFA0]  }
0x149: {  	(v2sf) =	vpush v7, $0x0;
	v5 =	vld [tilespmem:s19+$0x20]  }
0x14a: {  	[tilespmem:s13+$0x1A0A0] =	vst.add.f32.msk $0xffff, v2  }
0x14b: {  	(v2sf) =	vpush v4, $0x0;
	v2 =	vld [tilespmem:s19+$0xFFFFFF30]  }
0x14c: {  	[tilespmem:s21+$0x1A0B0] =	vst.add.f32.msk $0xffff, v1;
	s21 =	smov.u32 s5  }
0x14d: {  	[tilespmem:s23+$0x1A0A0] =	vst.add.f32.msk $0xffff, v3  }
0x14e: {  	[tilespmem:s21+$0x1A0A0] =	vst.add.f32.msk $0xffff, v5  }
0x14f: {  	v3 =	vld [tilespmem:s19+$0xFFFFFFB0]  }
0x150: {  	v1 =	vld [tilespmem:s19+$0x30]  }
0x151: {  	s19 =	sadd.s32 $0x200, s19;
	[tilespmem:s13+$0x1A0B0] =	vst.add.f32.msk $0xffff, v2  }
0x152: {  	v2 =	vld [tilespmem:s19+$0x80]  }
0x153: {  	v4 =	vld [tilespmem:s19+$0xFFFFFF00]  }
0x154: {  	v5 =	vld [tilespmem:s19+$0xFFFFFF80]  }
0x155: {  	v6 =	vld [tilespmem:s19+$0x0]  }
0x156: {  	s14 =	spop (v2sf);
	[tilespmem:s23+$0x1A0B0] =	vst.add.f32.msk $0xffff, v3  }
0x157: {  	[tilespmem:s14+$0x1A080] =	vst.add.f32.msk $0xffff, v2;
	s23 =	spop (v2sf)  }
0x158: {  	v2 =	vld [tilespmem:s19+$0x90];
	s5 =	spop (v2sf)  }
0x159: {  	[tilespmem:s23+$0x1A080] =	vst.add.f32.msk $0xffff, v5  }
0x15a: {  	[tilespmem:s5+$0x1A080] =	vst.add.f32.msk $0xffff, v6;
	s13 =	spop (v2sf)  }
0x15b: {  	[tilespmem:s13+$0x1A080] =	vst.add.f32.msk $0xffff, v4  }
0x15c: {  	v4 =	vld [tilespmem:s19+$0xFFFFFF10]  }
0x15d: {  	[tilespmem:s14+$0x1A090] =	vst.add.f32.msk $0xffff, v2  }
0x15e: {  	v5 =	vld [tilespmem:s19+$0xA0]  }
0x15f: {  	v6 =	vld [tilespmem:s19+$0xFFFFFF90]  }
0x160: {  	v3 =	vld [tilespmem:s19+$0x10]  }
.Ltmp15:
0x161: {  	[tilespmem:s13+$0x1A090] =	vst.add.f32.msk $0xffff, v4;
	(pc) =	sbr.rel @p1 .LBB2_28-.Ltmp15, $4  }
0x162: {  	v2 =	vld [tilespmem:s19+$0xFFFFFF20]  }
0x163: {  	[tilespmem:s14+$0x1A0A0] =	vst.add.f32.msk $0xffff, v5  }
0x164: {  	v4 =	vld [tilespmem:s19+$0xB0]  }
0x165: {  	s7 =	sadd.s32 $0x4, s7;
	[tilespmem:s23+$0x1A090] =	vst.add.f32.msk $0xffff, v6  }
.LBB2_29:
0x166: {  	[tilespmem:s5+$0x1A090] =	vst.add.f32.msk $0xffff, v3  }
0x167: {  	v3 =	vld [tilespmem:s19+$0xFFFFFFA0]  }
0x168: {  	v5 =	vld [tilespmem:s19+$0x20];
	_ =	sdelay $0x1  }
0x169: {  	[tilespmem:s13+$0x1A0A0] =	vst.add.f32.msk $0xffff, v2  }
0x16a: {  	v2 =	vld [tilespmem:s19+$0xFFFFFF30]  }
0x16b: {  	[tilespmem:s23+$0x1A0A0] =	vst.add.f32.msk $0xffff, v3  }
0x16c: {  	[tilespmem:s5+$0x1A0A0] =	vst.add.f32.msk $0xffff, v5  }
0x16d: {  	v3 =	vld [tilespmem:s19+$0xFFFFFFB0]  }
0x16e: {  	v5 =	vld [tilespmem:s19+$0x30]  }
0x16f: {  	[tilespmem:s21+$0x1A0B0] =	vst.add.f32.msk @p0 $0xffff, v1  }
0x170: {  	[tilespmem:s14+$0x1A0B0] =	vst.add.f32.msk $0xffff, v4  }
0x171: {  	[tilespmem:s13+$0x1A0B0] =	vst.add.f32.msk $0xffff, v2  }
0x172: {  	[tilespmem:s23+$0x1A0B0] =	vst.add.f32.msk $0xffff, v3  }
0x173: {  	[tilespmem:s5+$0x1A0B0] =	vst.add.f32.msk $0xffff, v5  }
.LBB2_19:
0x174: {  	p0 =	sge.s32 s18, s17  }
.Ltmp16:
0x175: {  	_ = 	snop;
	(pc) =	sbr.rel @p0 .LBB2_22-.Ltmp16, $1  }
0x176: {  	_ =	sdelay $0x3  }
0x177: {  	s5 =	ssub.s32 s17, s18  }
0x178: {  	s6 =	sshll.u32 s5, $0x2;
	s7 =	sshll.u32 s5, $0x9  }
0x179: {  	s6 =	ssub.s32 s16, s6;
	s2 =	ssub.s32 s2, s7  }
0x17a: {  	s6 =	sshra.s32 s6, $0x2;
	s7 =	sshra.s32 s2, $0x2  }
0x17b: {  	s2 =	sadd.s32 s6, s31;
	s6 =	sadd.s32 $0x100A0, s7  }
.LBB2_21:
0x17c: {  	v1 =	vld [tilespmem:s2+$0x0];
	_ =	sdelay $0x4  }
0x17d: {  	(v2sf) =	vpush v1, $0x0;
	_ =	sdelay $0xa  }
0x17e: {  	v1 =	vld [tilespmem:s6+$0xFFFFFFE0];
	_ =	sdelay $0x3  }
0x17f: {  	s7 =	spop (v2sf)  }
0x180: {  	[tilespmem:s7+$0x1A080] =	vst.add.f32.msk $0xffff, v1  }
0x181: {  	v1 =	vld [tilespmem:s6+$0xFFFFFFF0];
	_ =	sdelay $0x4  }
0x182: {  	[tilespmem:s7+$0x1A090] =	vst.add.f32.msk $0xffff, v1  }
0x183: {  	v1 =	vld [tilespmem:s6+$0x0];
	_ =	sdelay $0x4  }
0x184: {  	[tilespmem:s7+$0x1A0A0] =	vst.add.f32.msk $0xffff, v1  }
0x185: {  	p0 =	sne.s32 s5, $0x1;
	v1 =	vld [tilespmem:s6+$0x10]  }
.Ltmp17:
0x186: {  	_ = 	snop;
	(pc) =	sbr.rel @p0 .LBB2_21-.Ltmp17, $2  }
0x187: {  	_ =	sdelay $0x2  }
0x188: {  	s2 =	sadd.s32 $0x1, s2;
	s5 =	sadd.s32 $0xFFFFFFFF, s5;
	s6 =	sadd.s32 $0x80, s6;
	[tilespmem:s7+$0x1A0B0] =	vst.add.f32.msk $0xffff, v1  }
.Ltmp18:
0x189: {  	_ = 	snop;
	(pc) =	sbr.rel .LBB2_22-.Ltmp18, $1  }
0x18a: {  	_ =	sdelay $0x3  }
.LBB2_8:
.Ltmp19:
0x18b: {  	(pc) =	sbr.rel .LBB2_15-.Ltmp19, $2  }
0x18c: {  	_ =	sdelay $0x2  }
0x18d: {  	s13 =	simm.s32 $0x6180  }
.LBB2_18:
.Ltmp20:
0x18e: {  	(pc) =	sbr.rel .LBB2_29-.Ltmp20, $2  }
0x18f: {  	_ =	sdelay $0x2  }
0x190: {  	s5 =	smov.u32 s21  }
.LBB2_13:
.Ltmp21:
0x191: {  	(pc) =	sbr.rel .LBB2_15-.Ltmp21, $2  }
0x192: {  	_ =	sdelay $0x2  }
0x193: {  	s13 =	simm.s32 $0x6180  }
.LBB2_23:
0x194: {  	s0 =	simm.s32 $0x0;
	s1 =	rddreg [dreg:$0x8];
	s2 =	simm.s32 $0x6080  }
0x195: {  	[tilespmem:s2], [sflag:$0x1] =	stream.linear.gather [hbm4b:s1+s0], $0xA000, $0x38;
	[tilespmem:$0x1F380] =	vst v63  }
0x196: {  	_ =	swait.ge [sflag:s15], $0xA000  }
0x197: {  	[sflag:s15] =	ssyncset.done $0x0  }
0x198: {  	[sflag:s15] =	ssyncadd.s32 $0xFFFF6000  }
0x199: {  	v2 =	vld [tilespmem:$0x1F200]  }
0x19a: {  	v1 =	vld [tilespmem:$0x1F210]  }
0x19b: {  	s24 =	simm.s32 $0x1A0A0;
	v3 =	vld [tilespmem:$0x1F230]  }
0x19c: {  	s26 =	simm.s32 $0x60A0;
	v4 =	vld [tilespmem:s24+$0x10]  }
0x19d: {  	s28 =	simm.s32 $0x0;
	v5 =	vld [tilespmem:s26+$0x10]  }
0x19e: {  	v8 =	vld.msk [tilespmem:s28+$0x1F080 ss:$0x0], $0xffff  }
0x19f: {  	v6 =	vld [tilespmem:s24+$0xFFFFFFE0]  }
0x1a0: {  	v9 =	vld [tilespmem:s24+$0xFFFFFFF0]  }
0x1a1: {  	v10 =	vld [tilespmem:s26+$0xFFFFFFF0]  }
0x1a2: {  	v7 =	vld [tilespmem:s26+$0xFFFFFFE0]  }
0x1a3: {  	s29 =	simm.s32 $0x1A0E0;
	v11 =	vld [tilespmem:s24+$0x0]  }
0x1a4: {  	v12 =	vld [tilespmem:s29+$0x10];
	v4 =	vadd.f32 v5, v4  }
0x1a5: {  	s30 =	simm.s32 $0x6120;
	v5 =	vld [tilespmem:s26+$0x0]  }
0x1a6: {  	v14 =	vld [tilespmem:s30+$0x10];
	v9 =	vadd.f32 v10, v9;
	v13 =	vmul.f32 v4, v8  }
0x1a7: {  	s31 =	simm.s32 $0x1;
	v15 =	vld [tilespmem:s29+$0xFFFFFFE0];
	v7 =	vadd.f32 v7, v6  }
0x1a8: {  	v6 =	vld.msk [tilespmem:s31+$0x1F080 ss:$0x0], $0xffff;
	v16 =	vmul.f32 v9, v8;
	v13 =	vadd.f32 v13, v3  }
0x1a9: {  	p0 =	slt.u32 s12, $0x2710;
	s1 =	simm.f32 $1.000000000e+00;
	v4 =	vld [tilespmem:$0x1F220];
	v7 =	vmul.f32 v7, v8  }
0x1aa: {  	s1 =	simm.s32 @!p0 $0x0;
	v18 =	vadd.f32 v16, v1;
	v5 =	vadd.f32 v5, v11;
	v10 =	vmax.f32 v13, $0.0e+00;
	v13 =	vld [tilespmem:s30+$0xFFFFFFE0]  }
0x1ab: {  	v12 =	vadd.f32 v14, v12;
	v14 =	vld [tilespmem:s30+$0xFFFFFFF0];
	v11 =	vadd.f32 v7, v2;
	v10 =	vmul.f32 s1, v10  }
0x1ac: {  	v9 =	vld [tilespmem:s29+$0xFFFFFFF0];
	v7 =	vimm.f32 $0.0e+00;
	v19 =	vmax.f32 v18, $0.0e+00;
	v17 =	vmul.f32 v5, v8  }
0x1ad: {  	v8 =	vld [tilespmem:s29+$0x0];
	v5 =	vadd.f32 v10, v7;
	v10 =	vmax.f32 v11, $0.0e+00;
	v11 =	vmul.f32 v12, v6  }
0x1ae: {  	s2 =	simm.s32 $0x1A120;
	v19 =	vmul.f32 s1, v19;
	v12 =	vld [tilespmem:s30+$0x0];
	v20 =	vadd.f32 v17, v4  }
0x1af: {  	s5 =	simm.s32 $0x61A0;
	v16 =	vmul.f32 s1, v10;
	v10 =	vld [tilespmem:s2+$0x10];
	v18 =	vadd.f32 v13, v15;
	v17 =	vadd.f32 v11, v3  }
0x1b0: {  	s7 =	simm.s32 $0x2;
	s6 =	simm.s32 $0xC;
	s0 =	sadd.s32 $0x1, s12;
	v15 =	vld [tilespmem:s5+$0x10];
	v20 =	vmax.f32 v20, $0.0e+00;
	v13 =	vimm.f32 $0.0e+00;
	v11 =	vimm.f32 $0.0e+00  }
.LBB2_24:
0x1b1: {  	p0 =	sne.s32 s6, $0x4FC;
	v21 =	vld.msk [tilespmem:s7+$0x1F080 ss:$0x0], $0xffff;
	p1 =	slt.u32 s0, $0x2710;
	v18 =	vmul.f32 v18, v6;
	v9 =	vadd.f32 v14, v9;
	v14 =	vmul.f32 s1, v20;
	s1 =	simm.f32 $1.000000000e+00  }
0x1b2: {  	v7 =	vadd.f32 v16, v7;
	v20 =	vld [tilespmem:s2+$0xFFFFFFE0];
	s1 =	simm.s32 @!p1 $0x0;
	v17 =	vmax.f32 v17, $0.0e+00;
	v13 =	vadd.f32 v19, v13  }
0x1b3: {  	v19 =	vld [tilespmem:s5+$0xFFFFFFE0];
	v16 =	vmul.f32 v9, v6;
	v8 =	vadd.f32 v12, v8;
	v12 =	vmul.f32 s1, v17  }
0x1b4: {  	v17 =	vadd.f32 v18, v2;
	v11 =	vadd.f32 v14, v11;
	v9 =	vld [tilespmem:s2+$0xFFFFFFF0]  }
.Ltmp22:
0x1b5: {  	v14 =	vld [tilespmem:s5+$0xFFFFFFF0];
	v10 =	vadd.f32 v15, v10;
	v18 =	vmul.f32 v8, v6;
	v5 =	vadd.f32 v12, v5;
	(pc) =	sbr.rel @p0 .LBB2_24-.Ltmp22, $4  }
0x1b6: {  	v15 =	vmax.f32 v17, $0.0e+00;
	v17 =	vadd.f32 v16, v1;
	v8 =	vld [tilespmem:s2+$0x0]  }
0x1b7: {  	s2 =	sadd.s32 $0x40, s2;
	v16 =	vmul.f32 s1, v15;
	v6 =	vmovc v21;
	v12 =	vld [tilespmem:s5+$0x0];
	v22 =	vmul.f32 v10, v21;
	v23 =	vadd.f32 v18, v4  }
0x1b8: {  	s5 =	sadd.s32 $0x80, s5;
	v10 =	vld [tilespmem:s2+$0x10];
	v18 =	vadd.f32 v19, v20;
	v19 =	vmax.f32 v17, $0.0e+00  }
0x1b9: {  	s7 =	sshra.s32 s6, $0x2;
	s6 =	sadd.s32 $0x4, s6;
	s0 =	sadd.s32 $0x1, s0;
	v15 =	vld [tilespmem:s5+$0x10];
	v17 =	vadd.f32 v22, v3;
	v19 =	vmul.f32 s1, v19;
	v20 =	vmax.f32 v23, $0.0e+00  }
0x1ba: {  	v22 =	vld [tilespmem:s2+$0xFFFFFFE0]  }
0x1bb: {  	v23 =	vld [tilespmem:s5+$0xFFFFFFE0]  }
0x1bc: {  	v24 =	vld [tilespmem:s2+$0xFFFFFFF0]  }
0x1bd: {  	v52 =	vld [tilespmem:s5+$0xFFFFFFF0]  }
0x1be: {  	v9 =	vadd.f32 v14, v9;
	v54 =	vld [tilespmem:s2+$0x0]  }
0x1bf: {  	v51 =	vmul.f32 s1, v20;
	v7 =	vadd.f32 v16, v7;
	v53 =	vmul.f32 v18, v6;
	v55 =	vld [tilespmem:s5+$0x0]  }
0x1c0: {  	v21 =	vld.msk [tilespmem:s7+$0x1F080 ss:$0x0], $0xffff;
	p0 =	slt.u32 s0, $0x2710;
	s1 =	simm.f32 $1.000000000e+00;
	v13 =	vadd.f32 v19, v13;
	v56 =	vmax.f32 v17, $0.0e+00;
	v8 =	vadd.f32 v12, v8  }
0x1c1: {  	s1 =	simm.s32 @!p0 $0x0;
	v11 =	vadd.f32 v51, v11;
	v9 =	vmul.f32 v9, v6;
	v16 =	vadd.f32 v53, v2  }
0x1c2: {  	v14 =	vmul.f32 s1, v56;
	v10 =	vadd.f32 v15, v10;
	v57 =	vmul.f32 v8, v6  }
0x1c3: {  	v58 =	vmax.f32 v16, $0.0e+00;
	v9 =	vadd.f32 v9, v1;
	v59 =	vadd.f32 v23, v22  }
0x1c4: {  	v8 =	vmul.f32 s1, v58;
	v60 =	vadd.f32 v52, v24;
	v12 =	vadd.f32 v55, v54  }
0x1c5: {  	v10 =	vmul.f32 v10, v21;
	v6 =	vadd.f32 v57, v4;
	v15 =	vmul.f32 v59, v21  }
0x1c6: {  	v9 =	vmax.f32 v9, $0.0e+00;
	v61 =	vmul.f32 v60, v21;
	v12 =	vmul.f32 v12, v21  }
0x1c7: {  	s26 =	sadd.s32 $0x1, s0;
	v9 =	vmul.f32 s1, v9;
	v7 =	vadd.f32 v8, v7;
	v2 =	vadd.f32 v15, v2  }
0x1c8: {  	s0 =	simm.f32 $1.000000000e+00;
	p0 =	slt.u32 s26, $0x2710;
	v3 =	vadd.f32 v10, v3;
	v6 =	vmax.f32 v6, $0.0e+00;
	v1 =	vadd.f32 v61, v1  }
0x1c9: {  	s0 =	simm.s32 @!p0 $0x0;
	v6 =	vmul.f32 s1, v6;
	v62 =	vadd.f32 v12, v4;
	v2 =	vmax.f32 v2, $0.0e+00  }
0x1ca: {  	[tilespmem:$0x1F340] =	vst v0;
	v63 =	vadd.f32 v9, v13;
	v1 =	vmax.f32 v1, $0.0e+00;
	v2 =	vmul.f32 s0, v2  }
0x1cb: {  	[tilespmem:$0x1F350] =	vst v0;
	v3 =	vmax.f32 v3, $0.0e+00;
	v4 =	vmax.f32 v62, $0.0e+00;
	v1 =	vmul.f32 s0, v1  }
0x1cc: {  	[tilespmem:$0x1F360] =	vst v0;
	v6 =	vadd.f32 v6, v11;
	v4 =	vmul.f32 s0, v4;
	v2 =	vadd.f32 v2, v7  }
0x1cd: {  	[tilespmem:$0x1F370] =	vst v0;
	v5 =	vadd.f32 v14, v5;
	v3 =	vmul.f32 s0, v3;
	v1 =	vadd.f32 v1, v63  }
0x1ce: {  	v4 =	vadd.f32 v4, v6;
	[tilespmem:$0x1F300] =	vst v2  }
0x1cf: {  	v2 =	vadd.f32 v3, v5;
	[tilespmem:$0x1F310] =	vst v1  }
0x1d0: {  	[tilespmem:$0x1F320] =	vst v4  }
0x1d1: {  	s28 =	rddreg [dreg:$0x9];
	s29 =	simm.s32 $0x1F300;
	s30 =	simm.s32 $0x3;
	[tilespmem:$0x1F330] =	vst v2  }
0x1d2: {  	[hbm4b:s28+s3] =	stream.linear.scatter [tilespmem:s29], [sflag:$0x3], $0x80, $0x38;
	[tilespmem:$0x1F380] =	vst v63  }
0x1d3: {  	_ =	swait.ge [sflag:s30], $0x80  }
0x1d4: {  	s25 =	sadd.s32 $0x1, s25;
	s31 =	rddreg [dreg:$0xa]  }
0x1d5: {  	p0 =	sne.s32 s25, s31  }
.Ltmp23:
0x1d6: {  	_ = 	snop;
	(pc) =	sbr.rel @p0 .LBB2_1-.Ltmp23, $3  }
0x1d7: {  	_ =	sdelay $0x1  }
0x1d8: {  	[sflag:s30] =	ssyncset.done $0x0  }
0x1d9: {  	[sflag:s30] =	ssyncadd.s32 $0xFFFFFF80  }
0x1da: {  	_ =	sfence.sel $0x180000  }
0x1db: {  	[bflag:$0x0] =	sbarrier.arrive $0xFFFF  }
0x1dc: {  	_ =	strace $0x9000004D  }
0x1dd: {  	s0 =	stileid.u32;
	[bflag:$0x2] =	sbarrier.arrive $0xFFFF  }
0x1de: {  	p0 =	sne.s32 s0, $0x0;
	s0 =	rddreg [dreg:$0x3]  }
0x1df: {  	s0 =	sadd.s32 @!p0 $0x100000, s0  }
0x1e0: {  	[sflag:s0] =	ssyncadd.tile.s32 @!p0 $0x1;
	_ =	shalt  }
.Lfunc_end2:
_tile_overlayer_lowered:
.L_overlay_start_2:
0x1e1: {  	(tag) =	ssettag $0x2  }
0x1e2: {  	s0 =	rddreg [dreg:$0x0];
	s2 =	stileid.u32  }
0x1e3: {  	s1 =	rddreg [dreg:$0x1];
	p0 =	sne.s32 s2, $0x0  }
0x1e4: {  	s3 =	rddreg [dreg:$0x2];
	[bflag:$0x3] =	sbarrier.arrive $0xFFFF;
	s2 =	simm.s32 @!p0 $0x1C03  }
0x1e5: {  	[timem:s3], [sflag:s2] =	dma.local @!p0 [hbm:s0], s1  }
0x1e6: {  	s0 =	simm.s32 @!p0 $0x3  }
0x1e7: {  	_ =	swait.ge @!p0 [sflag:s0], s1  }
0x1e8: {  	s1 =	ssub.s32 @!p0 $0x0, s1;
	[sflag:s0] =	ssyncset.done @!p0 $0x0  }
0x1e9: {  	[sflag:s0] =	ssyncadd.s32 @!p0 s1  }
0x1ea: {  	[bflag:$0x3] =	sbarrier.arrive $0xFFFF  }
0x1eb: {  	_ =	shalt  }

// kernel: kernel.9.cloned.1.call-start
scs
__scs_entry_jumppad:
0x0: {  	(pc) =	sbr.rel $0x88, $3  }
0x1: {  	(tag) =	ssettag $0x0;
	lr =	simm.s32 $0x1  }
0x2: {  	[smem:$0x3F93] =	sst lr;
	_ =	strace $0xD0000000  }
0x3: {  	_ = 	snop  }
0x4: {  	_ = 	snop  }
0x5: {  	_ = 	snop  }
0x6: {  	_ = 	snop  }
0x7: {  	_ = 	snop  }
__scs_overlays_trampoline_lowered:
0x8: {  	[smem:$0x3FA2] =	sst s0  }
0x9: {  	[smem:$0x3FA3] =	sst s1  }
0xa: {  	[smem:$0x3FA4] =	sst s2  }
0xb: {  	[smem:$0x3FA5] =	sst s3  }
0xc: {  	[smem:$0x3FA6] =	sst s4  }
0xd: {  	[smem:$0x3FA7] =	sst s5  }
0xe: {  	[smem:$0x3FA8] =	sst s6  }
0xf: {  	[smem:$0x3FA9] =	sst s7  }
0x10: {  	[smem:$0x3FAA] =	sst s8  }
0x11: {  	[smem:$0x3FAB] =	sst s9;
	s0 =	simm.s32 @!p0 $0x0  }
0x12: {  	s1 =	sld [smem:$0x3F91];
	s0 =	simm.s32 @p0 $0x1  }
0x13: {  	[smem:$0x3FAC] =	sst s0;
	s0 =	simm.s32 @!p1 $0x0  }
0x14: {  	s2 =	sld [smem:$0x3F90];
	s0 =	simm.s32 @p1 $0x1  }
0x15: {  	[smem:$0x3FAD] =	sst s0;
	s0 =	simm.s32 @!p2 $0x0  }
0x16: {  	s3 =	sld [smem:$0x3FDB];
	s0 =	simm.s32 @p2 $0x1  }
0x17: {  	s4 =	simm.s32 $0x1BF5;
	[smem:$0x3FAF] =	sst s0  }
0x18: {  	s0 =	sld [smem:$0x3F92];
	_ =	swait.ge [sflag:s4], $0x0  }
0x19: {  	s7 =	sld [smem:$0x3F93]  }
0x1a: {  	s8 =	sadd.s32 $0xFFFFE003, lr  }
0x1b: {  	s9 =	sadd.s32 $0xFFFFFEF7, lr;
	s5 =	simm.s32 $0xFFFFFFFF;
	p2 =	slt.u32 s8, $0xFFFFF086  }
0x1c: {  	p1 =	slt.u32 s9, $0xF7A;
	s5 =	simm.s32 @!p2 $0x0  }
0x1d: {  	s5 =	simm.s32 @p1 $0x1;
	p0 =	seq.s32 s7, s2  }
0x1e: {  	s7 =	smul.u32 @!p0 $0xF7A, s2;
	p2 =	seq.s32 @!p0 s5, $0x0  }
0x1f: {  	s9 =	smul.u32 $0xF7A, s1;
	s8 =	simm.s32 @!p0 $0x1BF5;
	p2 =	por !p2, p0  }
0x20: {  	[sflag:s8] =	ssyncset.s32 @!p0 $0xFFFFF086;
	s6 =	sadd.s32 @!p0 s3, s7;
	s7 =	simm.s32 @!p0 $0x108  }
0x21: {  	s3 =	sadd.s32 s3, s9;
	s6 =	sadd.s32 @!p0 $0x88, s6;
	s7 =	simm.s32 @p2 $0x1082  }
0x22: {  	[simem:s7], [sflag:s8] =	dma.local @!p0 [hbm:s6], $0xF7A  }
0x23: {  	s9 =	sor.u32 $0xD0000000, s2;
	s6 =	simm.s32 $0x108;
	_ =	swait.ge @!p0 [sflag:s8], $0x0  }
0x24: {  	s3 =	sadd.s32 $0x88, s3;
	s6 =	simm.s32 @!p1 $0x1082;
	[sflag:s4] =	ssyncset.s32 $0xFFFFF086  }
0x25: {  	[simem:s6], [sflag:s4] =	dma.local [hbm:s3], $0xF7A  }
0x26: {  	[smem:$0x3F93] =	sst s1;
	(tag) =	ssettag s2;
	_ =	strace s9  }
0x27: {  	s1 =	sld [smem:$0x3FA3]  }
0x28: {  	s2 =	sld [smem:$0x3FA4]  }
0x29: {  	s4 =	sld [smem:$0x3FA6]  }
0x2a: {  	p0 =	seq.s32 s5, $0x0;
	s5 =	sld [smem:$0x3FA7]  }
0x2b: {  	s6 =	sld [smem:$0x3FA8]  }
0x2c: {  	s7 =	sld [smem:$0x3FA9]  }
0x2d: {  	s3 =	simm.s32 $0x108;
	s8 =	sld [smem:$0x3FAA]  }
0x2e: {  	s3 =	simm.s32 @!p0 $0x1082;
	s9 =	sld [smem:$0x3FAB]  }
0x2f: {  	lr =	sadd.s32 s0, s3;
	s0 =	sld [smem:$0x3FA2]  }
0x30: {  	s3 =	sld [smem:$0x3FA5]  }
0x31: {  	[smem:$0x3FAE] =	sst s10  }
0x32: {  	s10 =	sld [smem:$0x3FAC];
	_ =	sdelay $0x3  }
0x33: {  	p0 =	seq.s32 s10, $0x1;
	s10 =	sld [smem:$0x3FAE];
	_ =	sdelay $0x3  }
0x34: {  	[smem:$0x3FAE] =	sst s10  }
0x35: {  	s10 =	sld [smem:$0x3FAD];
	_ =	sdelay $0x3  }
0x36: {  	p1 =	seq.s32 s10, $0x1;
	s10 =	sld [smem:$0x3FAE];
	_ =	sdelay $0x3  }
0x37: {  	[smem:$0x3FAE] =	sst s10  }
0x38: {  	s10 =	sld [smem:$0x3FAF]  }
0x39: {  	_ = 	snop;
	(pc) =	sbr.ind lr, $3  }
0x3a: {  	_ = 	snop  }
0x3b: {  	_ = 	snop  }
0x3c: {  	p2 =	seq.s32 s10, $0x1;
	s10 =	sld [smem:$0x3FAE]  }
0x3d: {  	_ =	shalt  }
0x3e: {  	_ =	shalt  }
0x3f: {  	_ =	shalt  }
0x40: {  	_ =	shalt  }
0x41: {  	_ =	shalt  }
0x42: {  	_ =	shalt  }
0x43: {  	_ =	shalt  }
0x44: {  	_ =	shalt  }
0x45: {  	_ =	shalt  }
0x46: {  	_ =	shalt  }
0x47: {  	_ =	shalt  }
0x48: {  	_ =	shalt  }
0x49: {  	_ =	shalt  }
0x4a: {  	_ =	shalt  }
0x4b: {  	_ =	shalt  }
0x4c: {  	_ =	shalt  }
0x4d: {  	_ =	shalt  }
0x4e: {  	_ =	shalt  }
0x4f: {  	_ =	shalt  }
0x50: {  	_ =	shalt  }
0x51: {  	_ =	shalt  }
0x52: {  	_ =	shalt  }
0x53: {  	_ =	shalt  }
0x54: {  	_ =	shalt  }
0x55: {  	_ =	shalt  }
0x56: {  	_ =	shalt  }
0x57: {  	_ =	shalt  }
0x58: {  	_ =	shalt  }
0x59: {  	_ =	shalt  }
0x5a: {  	_ =	shalt  }
0x5b: {  	_ =	shalt  }
0x5c: {  	_ =	shalt  }
0x5d: {  	_ =	shalt  }
0x5e: {  	_ =	shalt  }
0x5f: {  	_ =	shalt  }
0x60: {  	_ =	shalt  }
0x61: {  	_ =	shalt  }
0x62: {  	_ =	shalt  }
0x63: {  	_ =	shalt  }
0x64: {  	_ =	shalt  }
0x65: {  	_ =	shalt  }
0x66: {  	_ =	shalt  }
0x67: {  	_ =	shalt  }
0x68: {  	_ =	shalt  }
0x69: {  	_ =	shalt  }
0x6a: {  	_ =	shalt  }
0x6b: {  	_ =	shalt  }
0x6c: {  	_ =	shalt  }
0x6d: {  	_ =	shalt  }
0x6e: {  	_ =	shalt  }
0x6f: {  	_ =	shalt  }
0x70: {  	_ =	shalt  }
0x71: {  	_ =	shalt  }
0x72: {  	_ =	shalt  }
0x73: {  	_ =	shalt  }
0x74: {  	_ =	shalt  }
0x75: {  	_ =	shalt  }
0x76: {  	_ =	shalt  }
0x77: {  	_ =	shalt  }
0x78: {  	_ =	shalt  }
0x79: {  	_ =	shalt  }
0x7a: {  	_ =	shalt  }
0x7b: {  	_ =	shalt  }
0x7c: {  	_ =	shalt  }
0x7d: {  	_ =	shalt  }
0x7e: {  	_ =	shalt  }
0x7f: {  	_ =	shalt  }
0x80: {  	_ =	shalt  }
0x81: {  	_ =	shalt  }
0x82: {  	_ =	shalt  }
0x83: {  	_ =	shalt  }
0x84: {  	_ =	shalt  }
0x85: {  	_ =	shalt  }
0x86: {  	_ =	shalt  }
0x87: {  	_ =	shalt  }
.Lfunc_end0:
.L_simem_size_0:
called_computation_lowered:
.L_overlay_start_0:
0x88: {  	s2 =	sld [smem:$0x3FD9]  }
0x89: {  	s3 =	sld [smem:$0x3FFE];
	_ =	sdelay $0x1  }
0x8a: {  	s1 =	srdreg.scid  }
0x8b: {  	s0 =	sand.u32 $0x1, s1  }
0x8c: {  	s14 =	sshll.u32 s0, $0xA;
	s2 =	sadd.s32 s3, s2  }
0x8d: {  	s2 =	sadd.s32 s2, s14  }
0x8e: {  	[smem:$0x3FBA] =	sst s2  }
0x8f: {  	_ = 	snop  }
0x90: {  	s2 =	sld [smem:$0x3FD0];
	_ =	sdelay $0x2  }
0x91: {  	s15 =	simm.s32 $0xA;
	s4 =	simm.s32 $0x10  }
0x92: {  	[smem:s4], [sflag:s15] =	dma.local [hbm:s2], $0x1  }
0x93: {  	_ =	swait.eq [sflag:s15], $0x1  }
0x94: {  	[sflag:s15] =	ssyncset.done $0x0  }
0x95: {  	[sflag:s15] =	ssyncadd.s32 $0xFFFFFFFF  }
0x96: {  	s16 =	sld [smem:$0x10];
	(tm) =	ssettm $0x1  }
0x97: {  	s17 =	sld [smem:$0x3FFB];
	_ =	sdelay $0x3  }
0x98: {  	_ =	strace s17  }
0x99: {  	s3 =	sld [smem:$0x3FFC];
	_ =	sdelay $0x3  }
0x9a: {  	_ =	strace s3  }
0x9b: {  	s3 =	sld [smem:$0x3FFD];
	_ =	sdelay $0x3  }
0x9c: {  	_ =	strace s3  }
0x9d: {  	_ =	strace $0x8FFFFFFF  }
0x9e: {  	s18 =	sld [smem:$0x3FDB];
	_ =	sdelay $0x1  }
0x9f: {  	s19 =	simm.s32 $_scs_section_size  }
0xa0: {  	s5 =	simm.s32 $_size__tile_overlayer_lowered;
	s6 =	simm.s32 $_tile_overlayer_lowered  }
0xa1: {  	s22 =	simm.s32 $0x1BFF;
	s21 =	sshll.u32 s6, $0x1;
	s3 =	sadd.s32 s19, s18  }
0xa2: {  	s7 =	simm.s32 $0x0;
	s20 =	sshll.u32 s5, $0x1;
	s5 =	sadd.s32 s21, s3  }
0xa3: {  	[timem:s7], [sflag:s22] =	dma.local [hbm:s5], s20  }
0xa4: {  	_ =	swait.ge [sflag:s22], s20  }
0xa5: {  	s4 =	ssub.s32 $0x0, s20;
	[sflag:s22] =	ssyncset.done $0x0  }
0xa6: {  	[sflag:s22] =	ssyncadd.s32 s4;
	_ =	sdelay $0x1  }
0xa7: {  	s23 =	simm.s32 $0x1B8B  }
0xa8: {  	_ =	swait.ge [sflag:s23], $0x1  }
0xa9: {  	[sflag:s23] =	ssyncset.done $0x0  }
0xaa: {  	s25 =	simm.s32 $0x1B8E;
	s24 =	sld [smem:$0x3FFE];
	[sflag:s23] =	ssyncadd.s32 $0xFFFFFFFF  }
0xab: {  	s26 =	simm.s32 $execute0_lowered;
	[smem:$0x3FD2] =	sst s25  }
0xac: {  	s5 =	sshll.u32 s26, $0x1;
	_ =	strace $0x80000046;
	[dreg:$0x1] =	wrdreg $0xFFFFFFFF  }
0xad: {  	s28 =	simm.s32 $_size_execute0_lowered;
	s3 =	sadd.s32 s3, s5;
	[dreg:$0x0] =	wrdreg $0x0  }
0xae: {  	s5 =	sshll.u32 s28, $0x1;
	[dreg:$0x2] =	wrdreg s3  }
0xaf: {  	[dreg:$0x3] =	wrdreg s5  }
0xb0: {  	[dreg:$0x4] =	wrdreg $0xC0  }
0xb1: {  	_ =	task [dreg:s7], $0x5FFFF  }
0xb2: {  	[dreg:$0x1] =	wrdreg $0xFFFFFFFF  }
0xb3: {  	[dreg:$0x0] =	wrdreg $0x60  }
0xb4: {  	[dreg:$0x2] =	wrdreg s24  }
0xb5: {  	[dreg:$0x3] =	wrdreg s16  }
0xb6: {  	[dreg:$0x4] =	wrdreg $0x9  }
0xb7: {  	_ =	task.clear_ibuf [dreg:s7], $0x5FFFF;
	_ =	strace $0x90000046  }
0xb8: {  	s29 =	simm.s32 $0x9;
	_ =	strace $0x80000048  }
0xb9: {  	_ =	swait.ge [sflag:s29], $0x1  }
0xba: {  	[sflag:s29] =	ssyncadd.s32 $0xFFFFFFFF  }
0xbb: {  	_ =	strace $0x90000048  }
0xbc: {  	_ =	sfence  }
0xbd: {  	s30 =	sld [smem:$0x0];
	_ =	sdelay $0x2  }
0xbe: {  	s31 =	sshll.u32 s1, $0xD;
	s1 =	sshrl.u32 s1, $0x2  }
0xbf: {  	s3 =	sand.u32 $0x4000, s31;
	s1 =	sadd.s32 s1, s30  }
0xc0: {  	s0 =	sor.u32 s3, s0;
	s1 =	sshll.u32 s1, $0x11  }
0xc1: {  	s0 =	sor.u32 s1, s0  }
0xc2: {  	s0 =	sadd.s32 $0x8F2B, s0  }
0xc3: {  	[sflag:s0] =	ssyncadd.remote.s32 $0x1  }
0xc4: {  	_ =	sfence.sel $0xFFFF  }
0xc5: {  	[dreg:$0x0] =	wrdreg $0xFFFFFFFF;
	(pc) =	sbr.abs _section_cstart, $3  }
0xc6: {  	[dreg:$0x1] =	wrdreg $0xFFFFFFFF  }
0xc7: {  	_ =	task.clear_ibuf [dreg:s7], $0x2FFFF;
	_ =	strace $0x9FFFFFFF  }
0xc8: {  	(tm) =	ssettm $0x7FFFFFFF  }
0xc9: {  	_ =	shalt  }
tec
execute0_lowered:
.L_overlay_start_1:
0x0: {  	(tag) =	ssettag $0x1  }
0x1: {  	s0 =	rddreg [dreg:$0x0]  }
0x2: {  	s16 =	rddreg [dreg:$0x1];
	s6 =	simm.s32 $0x0  }
0x3: {  	[smem:$0x7FF] =	sst s6;
	s7 =	sadd.s32 $0x2C00, s0  }
0x4: {  	s22 =	sadd.s32 $0x33D0, s0;
	_ =	strace $0x80000047;
	[dreg:$0x3] =	wrdreg s7  }
0x5: {  	s23 =	sadd.s32 $0x3BA0, s0;
	[dreg:$0x4] =	wrdreg s22  }
0x6: {  	s25 =	sadd.s32 $0x4370, s0;
	[dreg:$0x5] =	wrdreg s23  }
0x7: {  	s26 =	sadd.s32 $0x4B40, s0;
	[dreg:$0x6] =	wrdreg s25  }
0x8: {  	s30 =	sadd.s32 $0x5310, s0;
	[dreg:$0x7] =	wrdreg s26  }
0x9: {  	s1 =	srdreg.scid;
	s31 =	sadd.s32 $0x5AE0, s0;
	[dreg:$0x8] =	wrdreg s30  }
0xa: {  	s3 =	stileid.u32;
	s8 =	sadd.s32 $0x7250, s0;
	[dreg:$0x9] =	wrdreg s31  }
0xb: {  	s28 =	simm.s32 $0x3;
	s9 =	sadd.s32 $0x7A20, s0;
	[dreg:$0xc] =	wrdreg s8  }
0xc: {  	s29 =	simm.s32 $0x0;
	s10 =	sadd.s32 $0x81F0, s0;
	[dreg:$0xd] =	wrdreg s9  }
0xd: {  	s1 =	sand.u32 $0x1, s1;
	s11 =	sadd.s32 $0x89C0, s0;
	[dreg:$0xe] =	wrdreg s10  }
0xe: {  	s2 =	sshll.u32 s3, $0x1;
	s12 =	sadd.s32 $0x9190, s0;
	[dreg:$0xf] =	wrdreg s11  }
0xf: {  	s3 =	sshrl.u32 s3, $0x2;
	s13 =	sadd.s32 $0x9960, s0;
	[dreg:$0x10] =	wrdreg s12  }
0x10: {  	s14 =	sadd.s32 $0xA130, s0;
	s15 =	sadd.s32 $0xA900, s0;
	[dreg:$0x11] =	wrdreg s13  }
0x11: {  	s17 =	sadd.s32 $0xB0D0, s0;
	s18 =	sadd.s32 $0xB8A0, s0;
	[dreg:$0x12] =	wrdreg s14  }
0x12: {  	s2 =	sor.u32 s1, s2;
	s5 =	smul.u32 $0x18000, s3;
	[dreg:$0x13] =	wrdreg s15  }
0x13: {  	s20 =	sshll.u32 s3, $0xA;
	s3 =	smul.u32 $0xC00, s3;
	[dreg:$0x14] =	wrdreg s17  }
0x14: {  	s1 =	ssub.s32 $0x2, s1;
	s7 =	sadd.s32 $0x6A80, s0;
	[dreg:$0x15] =	wrdreg s18  }
0x15: {  	s25 =	sadd.s32 $0x7D0, s16;
	s26 =	sadd.s32 $0xFA0, s16;
	s30 =	sadd.s32 $0x1770, s16  }
0x16: {  	s31 =	sadd.s32 $0x1F40, s16;
	s8 =	sadd.s32 $0x55F0, s16;
	s9 =	sadd.s32 $0x5DC0, s16  }
0x17: {  	s10 =	sadd.s32 $0x6590, s16;
	s11 =	sadd.s32 $0x6D60, s16;
	s12 =	sadd.s32 $0x7530, s16  }
0x18: {  	s13 =	sadd.s32 $0x7D00, s16;
	s14 =	sadd.s32 $0x84D0, s16;
	[dreg:$0xb] =	wrdreg s7  }
0x19: {  	s15 =	sadd.s32 $0x8CA0, s16;
	s17 =	simm.s32 $0x3E80;
	[dreg:$0x1c] =	wrdreg s25  }
0x1a: {  	s18 =	simm.s32 $0x7D00;
	s4 =	sshll.u32 s2, $0x7;
	[dreg:$0x1d] =	wrdreg s26  }
0x1b: {  	s21 =	sshrl.u32 s1, $0x1;
	s24 =	smul.u32 $0x140, s2;
	[dreg:$0x1e] =	wrdreg s30  }
0x1c: {  	[dreg:$0x1f] =	wrdreg s31;
	s2 =	sadd.s32 $0x2EE0, s16;
	s7 =	sadd.s32 $0x4E20, s16  }
0x1d: {  	s25 =	simm.s32 $0x80;
	s26 =	simm.s32 $0x400;
	s4 =	sand.u32 $0x380, s4  }
0x1e: {  	s1 =	ssub.s32 s1, s21;
	s5 =	sor.u32 s5, s4;
	s6 =	sor.u32 s20, s4  }
0x1f: {  	s3 =	sor.u32 s3, s4;
	s23 =	smax.u32 s1, $0x1;
	s1 =	sadd.s32 $0x140, s24  }
0x20: {  	v0 =	vmov s24;
	s24 =	simm.s32 $0x2;
	s5 =	sshrl.u32 s5, $0x3;
	s6 =	sshrl.u32 s6, $0x3  }
0x21: {  	s3 =	sshrl.u32 s3, $0x3;
	[dreg:$0x1b] =	wrdreg s23;
	s23 =	simm.s32 $0x15A00  }
0x22: {  	s5 =	sadd.s32 s5, s0;
	s4 =	sadd.s32 s6, s0;
	s6 =	sadd.s32 $0x62B0, s0  }
0x23: {  	s3 =	sadd.s32 s3, s0;
	s0 =	sadd.s32 $0xC070, s0;
	[dreg:$0xa] =	wrdreg s6  }
0x24: {  	[dreg:$0x16] =	wrdreg s0;
	s19 =	sadd.s32 $0xD000, s5;
	s20 =	sadd.s32 $0x19000, s5  }
0x25: {  	s21 =	sadd.s32 $0x25000, s4;
	s22 =	sadd.s32 $0xCA00, s3;
	[dreg:$0x17] =	wrdreg s19  }
0x26: {  	s3 =	sadd.s32 $0x2710, s16;
	s4 =	sadd.s32 $0x36B0, s16;
	[dreg:$0x18] =	wrdreg s20  }
0x27: {  	s5 =	sadd.s32 $0x3E80, s16;
	s6 =	sadd.s32 $0x4650, s16;
	[dreg:$0x19] =	wrdreg s21  }
0x28: {  	s16 =	sadd.s32 $0x9470, s16;
	[dreg:$0x1a] =	wrdreg s22;
	s19 =	simm.s32 $0xBB80  }
0x29: {  	v2 =	vimm.f32 $1.000000000e+00;
	v3 =	vimm.s32 $0x0;
	v1 =	vmov s1;
	s20 =	simm.s32 $0x1;
	s21 =	simm.s32 $0xFA00;
	s22 =	simm.s32 $0x12A00  }
.LBB2_1:
0x2a: {  	[tilespmem:$0x15A00] =	vst v2  }
0x2b: {  	[tilespmem:$0x15A10] =	vst v2  }
0x2c: {  	[tilespmem:$0x15A20] =	vst v2  }
0x2d: {  	[tilespmem:$0x15A30] =	vst v2  }
0x2e: {  	[tilespmem:$0x15A40] =	vst v2  }
0x2f: {  	[tilespmem:$0x15A50] =	vst v2  }
0x30: {  	[tilespmem:$0x15A60] =	vst v2  }
0x31: {  	[tilespmem:$0x15A70] =	vst v2  }
0x32: {  	[tilespmem:$0x15A80] =	vst v2  }
0x33: {  	[tilespmem:$0x15A90] =	vst v2  }
0x34: {  	[tilespmem:$0x15AA0] =	vst v2  }
0x35: {  	[tilespmem:$0x15AB0] =	vst v2  }
0x36: {  	[tilespmem:$0x15AC0] =	vst v2  }
0x37: {  	[tilespmem:$0x15AD0] =	vst v2  }
0x38: {  	[tilespmem:$0x15AE0] =	vst v2  }
0x39: {  	[tilespmem:$0x15AF0] =	vst v2  }
0x3a: {  	[tilespmem:$0x15B00] =	vst v2  }
0x3b: {  	[tilespmem:$0x15B10] =	vst v2  }
0x3c: {  	[tilespmem:$0x15B20] =	vst v2  }
0x3d: {  	[tilespmem:$0x15B30] =	vst v2;
	s1 =	simm.s32 $0x40;
	s30 =	simm.s32 $0x0  }
.LBB2_2:
0x3e: {  	p0 =	sne.s32 s1, $0xBFC0;
	[tilespmem:s30+$0xFA00] =	vst v3;
	s30 =	smov.u32 s1;
	s1 =	sadd.s32 $0x40, s1  }
.Ltmp0:
0x3f: {  	(pc) =	sbr.rel @p0 .LBB2_2-.Ltmp0, $2  }
0x40: {  	_ =	sdelay $0x2  }
0x41: {  	s30 =	sshra.s32 s30, $0x2  }
0x42: {  	[tilespmem:s30+$0xFA00] =	vst v3;
	s30 =	simm.s32 $0x0;
	s1 =	rddreg [dreg:$0x3]  }
0x43: {  	[tilespmem:s30], [sflag:$0x1] =	stream.linear.gather [hbm4b:s1+s30], $0x3E80, $0x38;
	[tilespmem:$0x15C00] =	vst v63  }
0x44: {  	s0 =	rddreg [dreg:$0x1]  }
0x45: {  	[tilespmem:s17], [sflag:$0x1] =	stream.linear.gather [hbm4b:s0+s30], $0x3E80, $0x38;
	[tilespmem:$0x15C00] =	vst v63  }
0x46: {  	s0 =	rddreg [dreg:$0x4]  }
0x47: {  	[tilespmem:s18], [sflag:$0x2] =	stream.linear.gather [hbm4b:s0+s30], $0x3E80, $0x38;
	[tilespmem:$0x15C00] =	vst v63  }
0x48: {  	s0 =	rddreg [dreg:$0x1c]  }
0x49: {  	[tilespmem:s19], [sflag:$0x2] =	stream.linear.gather [hbm4b:s0+s30], $0x3E80, $0x38;
	[tilespmem:$0x15C00] =	vst v63  }
0x4a: {  	_ =	swait.ge [sflag:s20], $0x3E80  }
0x4b: {  	[sflag:s20] =	ssyncset.done $0x0  }
0x4c: {  	[sflag:s20] =	ssyncadd.s32 $0xFFFFC180  }
0x4d: {  	_ =	swait.ge [sflag:s20], $0x3E80  }
0x4e: {  	[sflag:s20] =	ssyncset.done $0x0  }
0x4f: {  	s0 =	simm.s32 $0x0;
	[sflag:s20] =	ssyncadd.s32 $0xFFFFC180  }
0x50: {  	v4 =	vld [tilespmem:s0+$0x3E80];
	_ =	sdelay $0x4  }
0x51: {  	vm0 =	vge.s32 v4, v0;
	vm1 =	vlt.s32 v4, v1  }
0x52: {  	vm0 =	vmand vm0, vm1  }
0x53: {  	v5 =	vsel vm0, $0x1, v3  }
0x54: {  	(xrf0) =	vadd.scan.msk.s32 $0xffff, v5;
	_ =	sdelay $0x2  }
0x55: {  	v5 =	vmov s30  }
0x56: {  	v5 =	vadd.s32 $0xFFFFFFFF, v5  }
0x57: {  	v5 =	vbroadcast v5, $0x0  }
0x58: {  	v6, _, _ =	vpop (xrf0)  }
0x59: {  	v7 =	vld [tilespmem:s0+$0x0];
	v5 =	vadd.s32 v6, v5;
	(v2sf) =	vpush v6, $0xF;
	_ =	sdelay $0x1  }
0x5a: {  	v4 =	vsub.s32 v4, v0;
	_ =	sdelay $0x2  }
0x5b: {  	v63 =	vshll.u32 v4, $0x6;
	[tilespmem:v5+s21+$0x0] =	vst.idx.msk vm0, v7  }
0x5c: {  	[tilespmem:v5+s22+$0x0] =	vst.idx.msk vm0, v63  }
0x5d: {  	s31 =	simm.s32 $0x80;
	s1 =	simm.s32 $0x10;
	[tilespmem:v4+s23+$0x0] =	vst.idx.add.f32.msk vm0, v2  }
.LBB2_4:
0x5e: {  	p0 =	sne.s32 s31, $0xF9C0;
	v4 =	vld [tilespmem:s1+$0x3E80]  }
0x5f: {  	v5 =	vld [tilespmem:s1+$0x0];
	_ =	sdelay $0x3  }
0x60: {  	vm0 =	vge.s32 v4, v0;
	vm1 =	vlt.s32 v4, v1;
	v4 =	vsub.s32 v4, v0  }
0x61: {  	vm0 =	vmand vm0, vm1  }
0x62: {  	v6 =	vsel vm0, $0x1, v3;
	s1 =	spop (v2sf)  }
0x63: {  	(xrf0) =	vadd.scan.msk.s32 $0xffff, v6;
	s30 =	sadd.s32 s30, s1  }
0x64: {  	v6 =	vmov s30  }
0x65: {  	v6 =	vadd.s32 $0xFFFFFFFF, v6  }
0x66: {  	v6 =	vbroadcast v6, $0x0;
	_ =	sdelay $0x2  }
0x67: {  	v7, _, _ =	vpop (xrf0)  }
0x68: {  	v6 =	vadd.s32 v7, v6;
	(v2sf) =	vpush v7, $0xF;
	_ =	sdelay $0x2  }
.Ltmp1:
0x69: {  	(pc) =	sbr.rel @p0 .LBB2_4-.Ltmp1, $4  }
0x6a: {  	_ = 	snop  }
0x6b: {  	[tilespmem:v6+s21+$0x0] =	vst.idx.msk vm0, v5;
	v5 =	vshll.u32 v4, $0x6  }
0x6c: {  	[tilespmem:v6+s22+$0x0] =	vst.idx.msk vm0, v5  }
0x6d: {  	s1 =	sshra.s32 s31, $0x2;
	s31 =	sadd.s32 $0x40, s31;
	[tilespmem:v4+s23+$0x0] =	vst.idx.add.f32.msk vm0, v2  }
0x6e: {  	v4 =	vld [tilespmem:s1+$0x3E80];
	_ =	sdelay $0x4  }
0x6f: {  	vm0 =	vge.s32 v4, v0;
	vm1 =	vlt.s32 v4, v1  }
0x70: {  	vm0 =	vmand vm0, vm1  }
0x71: {  	v5 =	vsel vm0, $0x1, v3  }
0x72: {  	(xrf0) =	vadd.scan.msk.s32 $0xffff, v5;
	_ =	sdelay $0x4  }
0x73: {  	s31 =	spop (v2sf)  }
0x74: {  	s30 =	sadd.s32 s30, s31;
	v5, _, _ =	vpop (xrf0)  }
0x75: {  	v6 =	vmov s30;
	(v2sf) =	vpush v5, $0xF  }
0x76: {  	v6 =	vadd.s32 $0xFFFFFFFF, v6  }
0x77: {  	v6 =	vbroadcast v6, $0x0;
	_ =	sdelay $0x1  }
0x78: {  	v7 =	vld [tilespmem:s1+$0x0];
	v5 =	vadd.s32 v5, v6;
	_ =	sdelay $0x1  }
0x79: {  	v4 =	vsub.s32 v4, v0;
	_ =	sdelay $0x2  }
0x7a: {  	v60 =	vshll.u32 v4, $0x6;
	[tilespmem:v5+s21+$0x0] =	vst.idx.msk vm0, v7  }
0x7b: {  	[tilespmem:v5+s22+$0x0] =	vst.idx.msk vm0, v60  }
0x7c: {  	s1 =	simm.s32 $0x0;
	s31 =	rddreg [dreg:$0x5];
	[tilespmem:v4+s23+$0x0] =	vst.idx.add.f32.msk vm0, v2  }
0x7d: {  	[tilespmem:s1], [sflag:$0x1] =	stream.linear.gather [hbm4b:s31+s1], $0x3E80, $0x38;
	[tilespmem:$0x15C00] =	vst v63  }
0x7e: {  	s0 =	rddreg [dreg:$0x1d]  }
0x7f: {  	[tilespmem:s17], [sflag:$0x1] =	stream.linear.gather [hbm4b:s0+s1], $0x3E80, $0x38;
	[tilespmem:$0x15C00] =	vst v63  }
0x80: {  	s31 =	spop (v2sf)  }
0x81: {  	_ =	swait.ge [sflag:s24], $0x3E80  }
0x82: {  	[sflag:s24] =	ssyncset.done $0x0  }
0x83: {  	[sflag:s24] =	ssyncadd.s32 $0xFFFFC180  }
0x84: {  	_ =	swait.ge [sflag:s24], $0x3E80  }
0x85: {  	[sflag:s24] =	ssyncset.done $0x0  }
0x86: {  	s0 =	simm.s32 $0x0;
	[sflag:s24] =	ssyncadd.s32 $0xFFFFC180  }
0x87: {  	v4 =	vld [tilespmem:s0+$0xBB80];
	_ =	sdelay $0x4  }
0x88: {  	vm14 =	vge.s32 v4, v0;
	vm15 =	vlt.s32 v4, v1  }
0x89: {  	vm0 =	vmand vm14, vm15  }
0x8a: {  	v5 =	vsel vm0, $0x1, v3  }
0x8b: {  	(xrf0) =	vadd.scan.msk.s32 $0xffff, v5;
	_ =	sdelay $0x1  }
0x8c: {  	s30 =	sadd.s32 s30, s31  }
0x8d: {  	v5 =	vmov s30  }
0x8e: {  	v5 =	vadd.s32 $0xFFFFFFFF, v5  }
0x8f: {  	v5 =	vbroadcast v5, $0x0  }
0x90: {  	v61, _, _ =	vpop (xrf0)  }
0x91: {  	v62 =	vld [tilespmem:s0+$0x7D00];
	v5 =	vadd.s32 v61, v5;
	(v2sf) =	vpush v61, $0xF;
	_ =	sdelay $0x1  }
0x92: {  	v4 =	vsub.s32 v4, v0;
	_ =	sdelay $0x2  }
0x93: {  	v63 =	vshll.u32 v4, $0x6;
	[tilespmem:v5+s21+$0x0] =	vst.idx.msk vm0, v62  }
0x94: {  	[tilespmem:v5+s22+$0x0] =	vst.idx.msk vm0, v63  }
0x95: {  	s1 =	simm.s32 $0x10;
	s31 =	simm.s32 $0x80;
	[tilespmem:v4+s23+$0x0] =	vst.idx.add.f32.msk vm0, v2  }
.LBB2_6:
0x96: {  	p0 =	sne.s32 s31, $0xF9C0;
	v4 =	vld [tilespmem:s1+$0xBB80]  }
0x97: {  	v5 =	vld [tilespmem:s1+$0x7D00];
	_ =	sdelay $0x3  }
0x98: {  	vm0 =	vge.s32 v4, v0;
	vm1 =	vlt.s32 v4, v1;
	v4 =	vsub.s32 v4, v0  }
0x99: {  	vm0 =	vmand vm0, vm1  }
0x9a: {  	v6 =	vsel vm0, $0x1, v3;
	s1 =	spop (v2sf)  }
0x9b: {  	(xrf0) =	vadd.scan.msk.s32 $0xffff, v6;
	s30 =	sadd.s32 s30, s1  }
0x9c: {  	v6 =	vmov s30  }
0x9d: {  	v6 =	vadd.s32 $0xFFFFFFFF, v6  }
0x9e: {  	v6 =	vbroadcast v6, $0x0;
	_ =	sdelay $0x2  }
0x9f: {  	v7, _, _ =	vpop (xrf0)  }
0xa0: {  	v6 =	vadd.s32 v7, v6;
	(v2sf) =	vpush v7, $0xF;
	_ =	sdelay $0x2  }
.Ltmp2:
0xa1: {  	(pc) =	sbr.rel @p0 .LBB2_6-.Ltmp2, $4  }
0xa2: {  	_ = 	snop  }
0xa3: {  	[tilespmem:v6+s21+$0x0] =	vst.idx.msk vm0, v5;
	v5 =	vshll.u32 v4, $0x6  }
0xa4: {  	[tilespmem:v6+s22+$0x0] =	vst.idx.msk vm0, v5  }
0xa5: {  	s1 =	sshra.s32 s31, $0x2;
	s31 =	sadd.s32 $0x40, s31;
	[tilespmem:v4+s23+$0x0] =	vst.idx.add.f32.msk vm0, v2  }
0xa6: {  	v4 =	vld [tilespmem:s1+$0xBB80];
	_ =	sdelay $0x4  }
0xa7: {  	vm0 =	vge.s32 v4, v0;
	vm1 =	vlt.s32 v4, v1  }
0xa8: {  	vm0 =	vmand vm0, vm1  }
0xa9: {  	v5 =	vsel vm0, $0x1, v3  }
0xaa: {  	(xrf0) =	vadd.scan.msk.s32 $0xffff, v5;
	_ =	sdelay $0x4  }
0xab: {  	s31 =	spop (v2sf)  }
0xac: {  	s30 =	sadd.s32 s30, s31;
	v5, _, _ =	vpop (xrf0)  }
0xad: {  	v6 =	vmov s30;
	(v2sf) =	vpush v5, $0xF  }
0xae: {  	v6 =	vadd.s32 $0xFFFFFFFF, v6  }
0xaf: {  	v6 =	vbroadcast v6, $0x0;
	_ =	sdelay $0x1  }
0xb0: {  	v7 =	vld [tilespmem:s1+$0x7D00];
	v5 =	vadd.s32 v5, v6;
	_ =	sdelay $0x1  }
0xb1: {  	v4 =	vsub.s32 v4, v0;
	_ =	sdelay $0x2  }
0xb2: {  	v60 =	vshll.u32 v4, $0x6;
	[tilespmem:v5+s21+$0x0] =	vst.idx.msk vm0, v7  }
0xb3: {  	[tilespmem:v5+s22+$0x0] =	vst.idx.msk vm0, v60  }
0xb4: {  	s1 =	simm.s32 $0x0;
	s31 =	rddreg [dreg:$0x6];
	[tilespmem:v4+s23+$0x0] =	vst.idx.add.f32.msk vm0, v2  }
0xb5: {  	[tilespmem:s18], [sflag:$0x2] =	stream.linear.gather [hbm4b:s31+s1], $0x3E80, $0x38;
	[tilespmem:$0x15C00] =	vst v63  }
0xb6: {  	s0 =	rddreg [dreg:$0x1e]  }
0xb7: {  	[tilespmem:s19], [sflag:$0x2] =	stream.linear.gather [hbm4b:s0+s1], $0x3E80, $0x38;
	[tilespmem:$0x15C00] =	vst v63  }
0xb8: {  	s31 =	spop (v2sf)  }
0xb9: {  	_ =	swait.ge [sflag:s20], $0x3E80  }
0xba: {  	[sflag:s20] =	ssyncset.done $0x0  }
0xbb: {  	[sflag:s20] =	ssyncadd.s32 $0xFFFFC180  }
0xbc: {  	_ =	swait.ge [sflag:s20], $0x3E80  }
0xbd: {  	[sflag:s20] =	ssyncset.done $0x0  }
0xbe: {  	s0 =	simm.s32 $0x0;
	[sflag:s20] =	ssyncadd.s32 $0xFFFFC180  }
0xbf: {  	v4 =	vld [tilespmem:s0+$0x3E80];
	_ =	sdelay $0x4  }
0xc0: {  	vm14 =	vge.s32 v4, v0;
	vm15 =	vlt.s32 v4, v1  }
0xc1: {  	vm0 =	vmand vm14, vm15  }
0xc2: {  	v5 =	vsel vm0, $0x1, v3  }
0xc3: {  	(xrf0) =	vadd.scan.msk.s32 $0xffff, v5;
	_ =	sdelay $0x1  }
0xc4: {  	s30 =	sadd.s32 s30, s31  }
0xc5: {  	v5 =	vmov s30  }
0xc6: {  	v5 =	vadd.s32 $0xFFFFFFFF, v5  }
0xc7: {  	v5 =	vbroadcast v5, $0x0  }
0xc8: {  	v61, _, _ =	vpop (xrf0)  }
0xc9: {  	v62 =	vld [tilespmem:s0+$0x0];
	v5 =	vadd.s32 v61, v5;
	(v2sf) =	vpush v61, $0xF;
	_ =	sdelay $0x1  }
0xca: {  	v4 =	vsub.s32 v4, v0;
	_ =	sdelay $0x2  }
0xcb: {  	v63 =	vshll.u32 v4, $0x6;
	[tilespmem:v5+s21+$0x0] =	vst.idx.msk vm0, v62  }
0xcc: {  	[tilespmem:v5+s22+$0x0] =	vst.idx.msk vm0, v63  }
0xcd: {  	s1 =	simm.s32 $0x10;
	s31 =	simm.s32 $0x80;
	[tilespmem:v4+s23+$0x0] =	vst.idx.add.f32.msk vm0, v2  }
.LBB2_8:
0xce: {  	p0 =	sne.s32 s31, $0xF9C0;
	v4 =	vld [tilespmem:s1+$0x3E80]  }
0xcf: {  	v5 =	vld [tilespmem:s1+$0x0];
	_ =	sdelay $0x3  }
0xd0: {  	vm0 =	vge.s32 v4, v0;
	vm1 =	vlt.s32 v4, v1;
	v4 =	vsub.s32 v4, v0  }
0xd1: {  	vm0 =	vmand vm0, vm1  }
0xd2: {  	v6 =	vsel vm0, $0x1, v3;
	s1 =	spop (v2sf)  }
0xd3: {  	(xrf0) =	vadd.scan.msk.s32 $0xffff, v6;
	s30 =	sadd.s32 s30, s1  }
0xd4: {  	v6 =	vmov s30  }
0xd5: {  	v6 =	vadd.s32 $0xFFFFFFFF, v6  }
0xd6: {  	v6 =	vbroadcast v6, $0x0;
	_ =	sdelay $0x2  }
0xd7: {  	v7, _, _ =	vpop (xrf0)  }
0xd8: {  	v6 =	vadd.s32 v7, v6;
	(v2sf) =	vpush v7, $0xF;
	_ =	sdelay $0x2  }
.Ltmp3:
0xd9: {  	(pc) =	sbr.rel @p0 .LBB2_8-.Ltmp3, $4  }
0xda: {  	_ = 	snop  }
0xdb: {  	[tilespmem:v6+s21+$0x0] =	vst.idx.msk vm0, v5;
	v5 =	vshll.u32 v4, $0x6  }
0xdc: {  	[tilespmem:v6+s22+$0x0] =	vst.idx.msk vm0, v5  }
0xdd: {  	s1 =	sshra.s32 s31, $0x2;
	s31 =	sadd.s32 $0x40, s31;
	[tilespmem:v4+s23+$0x0] =	vst.idx.add.f32.msk vm0, v2  }
0xde: {  	v4 =	vld [tilespmem:s1+$0x3E80];
	_ =	sdelay $0x4  }
0xdf: {  	vm0 =	vge.s32 v4, v0;
	vm1 =	vlt.s32 v4, v1  }
0xe0: {  	vm0 =	vmand vm0, vm1  }
0xe1: {  	v5 =	vsel vm0, $0x1, v3  }
0xe2: {  	(xrf0) =	vadd.scan.msk.s32 $0xffff, v5;
	_ =	sdelay $0x4  }
0xe3: {  	s31 =	spop (v2sf)  }
0xe4: {  	s30 =	sadd.s32 s30, s31;
	v5, _, _ =	vpop (xrf0)  }
0xe5: {  	v6 =	vmov s30;
	(v2sf) =	vpush v5, $0xF  }
0xe6: {  	v6 =	vadd.s32 $0xFFFFFFFF, v6  }
0xe7: {  	v6 =	vbroadcast v6, $0x0;
	_ =	sdelay $0x1  }
0xe8: {  	v7 =	vld [tilespmem:s1+$0x0];
	v5 =	vadd.s32 v5, v6;
	_ =	sdelay $0x1  }
0xe9: {  	v4 =	vsub.s32 v4, v0;
	_ =	sdelay $0x2  }
0xea: {  	v60 =	vshll.u32 v4, $0x6;
	[tilespmem:v5+s21+$0x0] =	vst.idx.msk vm0, v7  }
0xeb: {  	[tilespmem:v5+s22+$0x0] =	vst.idx.msk vm0, v60  }
0xec: {  	s1 =	simm.s32 $0x0;
	s31 =	rddreg [dreg:$0x7];
	[tilespmem:v4+s23+$0x0] =	vst.idx.add.f32.msk vm0, v2  }
0xed: {  	[tilespmem:s1], [sflag:$0x1] =	stream.linear.gather [hbm4b:s31+s1], $0x3E80, $0x38;
	[tilespmem:$0x15C00] =	vst v63  }
0xee: {  	s0 =	rddreg [dreg:$0x1f]  }
0xef: {  	[tilespmem:s17], [sflag:$0x1] =	stream.linear.gather [hbm4b:s0+s1], $0x3E80, $0x38;
	[tilespmem:$0x15C00] =	vst v63  }
0xf0: {  	s31 =	spop (v2sf)  }
0xf1: {  	_ =	swait.ge [sflag:s24], $0x3E80  }
0xf2: {  	[sflag:s24] =	ssyncset.done $0x0  }
0xf3: {  	[sflag:s24] =	ssyncadd.s32 $0xFFFFC180  }
0xf4: {  	_ =	swait.ge [sflag:s24], $0x3E80  }
0xf5: {  	[sflag:s24] =	ssyncset.done $0x0  }
0xf6: {  	s0 =	simm.s32 $0x0;
	[sflag:s24] =	ssyncadd.s32 $0xFFFFC180  }
0xf7: {  	v4 =	vld [tilespmem:s0+$0xBB80];
	_ =	sdelay $0x4  }
0xf8: {  	vm14 =	vge.s32 v4, v0;
	vm15 =	vlt.s32 v4, v1  }
0xf9: {  	vm0 =	vmand vm14, vm15  }
0xfa: {  	v5 =	vsel vm0, $0x1, v3  }
0xfb: {  	(xrf0) =	vadd.scan.msk.s32 $0xffff, v5;
	_ =	sdelay $0x1  }
0xfc: {  	s30 =	sadd.s32 s30, s31  }
0xfd: {  	v5 =	vmov s30  }
0xfe: {  	v5 =	vadd.s32 $0xFFFFFFFF, v5  }
0xff: {  	v5 =	vbroadcast v5, $0x0  }
0x100: {  	v61, _, _ =	vpop (xrf0)  }
0x101: {  	v62 =	vld [tilespmem:s0+$0x7D00];
	v5 =	vadd.s32 v61, v5;
	(v2sf) =	vpush v61, $0xF;
	_ =	sdelay $0x1  }
0x102: {  	v4 =	vsub.s32 v4, v0;
	_ =	sdelay $0x2  }
0x103: {  	v63 =	vshll.u32 v4, $0x6;
	[tilespmem:v5+s21+$0x0] =	vst.idx.msk vm0, v62  }
0x104: {  	[tilespmem:v5+s22+$0x0] =	vst.idx.msk vm0, v63  }
0x105: {  	s1 =	simm.s32 $0x10;
	s31 =	simm.s32 $0x80;
	[tilespmem:v4+s23+$0x0] =	vst.idx.add.f32.msk vm0, v2  }
.LBB2_10:
0x106: {  	p0 =	sne.s32 s31, $0xF9C0;
	v4 =	vld [tilespmem:s1+$0xBB80]  }
0x107: {  	v5 =	vld [tilespmem:s1+$0x7D00];
	_ =	sdelay $0x3  }
0x108: {  	vm0 =	vge.s32 v4, v0;
	vm1 =	vlt.s32 v4, v1;
	v4 =	vsub.s32 v4, v0  }
0x109: {  	vm0 =	vmand vm0, vm1  }
0x10a: {  	v6 =	vsel vm0, $0x1, v3;
	s1 =	spop (v2sf)  }
0x10b: {  	(xrf0) =	vadd.scan.msk.s32 $0xffff, v6;
	s30 =	sadd.s32 s30, s1  }
0x10c: {  	v6 =	vmov s30  }
0x10d: {  	v6 =	vadd.s32 $0xFFFFFFFF, v6  }
0x10e: {  	v6 =	vbroadcast v6, $0x0;
	_ =	sdelay $0x2  }
0x10f: {  	v7, _, _ =	vpop (xrf0)  }
0x110: {  	v6 =	vadd.s32 v7, v6;
	(v2sf) =	vpush v7, $0xF;
	_ =	sdelay $0x2  }
.Ltmp4:
0x111: {  	(pc) =	sbr.rel @p0 .LBB2_10-.Ltmp4, $4  }
0x112: {  	_ = 	snop  }
0x113: {  	[tilespmem:v6+s21+$0x0] =	vst.idx.msk vm0, v5;
	v5 =	vshll.u32 v4, $0x6  }
0x114: {  	[tilespmem:v6+s22+$0x0] =	vst.idx.msk vm0, v5  }
0x115: {  	s1 =	sshra.s32 s31, $0x2;
	s31 =	sadd.s32 $0x40, s31;
	[tilespmem:v4+s23+$0x0] =	vst.idx.add.f32.msk vm0, v2  }
0x116: {  	v4 =	vld [tilespmem:s1+$0xBB80];
	_ =	sdelay $0x4  }
0x117: {  	vm0 =	vge.s32 v4, v0;
	vm1 =	vlt.s32 v4, v1  }
0x118: {  	vm0 =	vmand vm0, vm1  }
0x119: {  	v5 =	vsel vm0, $0x1, v3  }
0x11a: {  	(xrf0) =	vadd.scan.msk.s32 $0xffff, v5;
	_ =	sdelay $0x4  }
0x11b: {  	s31 =	spop (v2sf)  }
0x11c: {  	s30 =	sadd.s32 s30, s31;
	v5, _, _ =	vpop (xrf0)  }
0x11d: {  	v6 =	vmov s30;
	(v2sf) =	vpush v5, $0xF  }
0x11e: {  	v6 =	vadd.s32 $0xFFFFFFFF, v6  }
0x11f: {  	v6 =	vbroadcast v6, $0x0;
	_ =	sdelay $0x1  }
0x120: {  	v7 =	vld [tilespmem:s1+$0x7D00];
	v5 =	vadd.s32 v5, v6;
	_ =	sdelay $0x1  }
0x121: {  	v4 =	vsub.s32 v4, v0;
	_ =	sdelay $0x2  }
0x122: {  	v60 =	vshll.u32 v4, $0x6;
	[tilespmem:v5+s21+$0x0] =	vst.idx.msk vm0, v7  }
0x123: {  	[tilespmem:v5+s22+$0x0] =	vst.idx.msk vm0, v60  }
0x124: {  	s0 =	simm.s32 $0x0;
	s31 =	rddreg [dreg:$0x8];
	[tilespmem:v4+s23+$0x0] =	vst.idx.add.f32.msk vm0, v2  }
0x125: {  	[tilespmem:s18], [sflag:$0x2] =	stream.linear.gather [hbm4b:s31+s0], $0x3E80, $0x38;
	[tilespmem:$0x15C00] =	vst v63  }
0x126: {  	_ = 	snop  }
0x127: {  	[tilespmem:s19], [sflag:$0x2] =	stream.linear.gather [hbm4b:s3+s0], $0x3E80, $0x38;
	[tilespmem:$0x15C00] =	vst v63  }
0x128: {  	s31 =	spop (v2sf)  }
0x129: {  	_ =	swait.ge [sflag:s20], $0x3E80  }
0x12a: {  	[sflag:s20] =	ssyncset.done $0x0  }
0x12b: {  	[sflag:s20] =	ssyncadd.s32 $0xFFFFC180  }
0x12c: {  	_ =	swait.ge [sflag:s20], $0x3E80  }
0x12d: {  	[sflag:s20] =	ssyncset.done $0x0  }
0x12e: {  	s0 =	simm.s32 $0x0;
	[sflag:s20] =	ssyncadd.s32 $0xFFFFC180  }
0x12f: {  	v4 =	vld [tilespmem:s0+$0x3E80];
	_ =	sdelay $0x4  }
0x130: {  	vm14 =	vge.s32 v4, v0;
	vm15 =	vlt.s32 v4, v1  }
0x131: {  	vm0 =	vmand vm14, vm15  }
0x132: {  	v5 =	vsel vm0, $0x1, v3  }
0x133: {  	(xrf0) =	vadd.scan.msk.s32 $0xffff, v5;
	_ =	sdelay $0x1  }
0x134: {  	s30 =	sadd.s32 s30, s31  }
0x135: {  	v5 =	vmov s30  }
0x136: {  	v5 =	vadd.s32 $0xFFFFFFFF, v5  }
0x137: {  	v5 =	vbroadcast v5, $0x0  }
0x138: {  	v61, _, _ =	vpop (xrf0)  }
0x139: {  	v62 =	vld [tilespmem:s0+$0x0];
	v5 =	vadd.s32 v61, v5;
	(v2sf) =	vpush v61, $0xF;
	_ =	sdelay $0x1  }
0x13a: {  	v4 =	vsub.s32 v4, v0;
	_ =	sdelay $0x2  }
0x13b: {  	v63 =	vshll.u32 v4, $0x6;
	[tilespmem:v5+s21+$0x0] =	vst.idx.msk vm0, v62  }
0x13c: {  	[tilespmem:v5+s22+$0x0] =	vst.idx.msk vm0, v63  }
0x13d: {  	s1 =	simm.s32 $0x10;
	s31 =	simm.s32 $0x80;
	[tilespmem:v4+s23+$0x0] =	vst.idx.add.f32.msk vm0, v2  }
.LBB2_12:
0x13e: {  	p0 =	sne.s32 s31, $0xF9C0;
	v4 =	vld [tilespmem:s1+$0x3E80]  }
0x13f: {  	v5 =	vld [tilespmem:s1+$0x0];
	_ =	sdelay $0x3  }
0x140: {  	vm0 =	vge.s32 v4, v0;
	vm1 =	vlt.s32 v4, v1;
	v4 =	vsub.s32 v4, v0  }
0x141: {  	vm0 =	vmand vm0, vm1  }
0x142: {  	v6 =	vsel vm0, $0x1, v3;
	s1 =	spop (v2sf)  }
0x143: {  	(xrf0) =	vadd.scan.msk.s32 $0xffff, v6;
	s30 =	sadd.s32 s30, s1  }
0x144: {  	v6 =	vmov s30  }
0x145: {  	v6 =	vadd.s32 $0xFFFFFFFF, v6  }
0x146: {  	v6 =	vbroadcast v6, $0x0;
	_ =	sdelay $0x2  }
0x147: {  	v7, _, _ =	vpop (xrf0)  }
0x148: {  	v6 =	vadd.s32 v7, v6;
	(v2sf) =	vpush v7, $0xF;
	_ =	sdelay $0x2  }
.Ltmp5:
0x149: {  	(pc) =	sbr.rel @p0 .LBB2_12-.Ltmp5, $4  }
0x14a: {  	_ = 	snop  }
0x14b: {  	[tilespmem:v6+s21+$0x0] =	vst.idx.msk vm0, v5;
	v5 =	vshll.u32 v4, $0x6  }
0x14c: {  	[tilespmem:v6+s22+$0x0] =	vst.idx.msk vm0, v5  }
0x14d: {  	s1 =	sshra.s32 s31, $0x2;
	s31 =	sadd.s32 $0x40, s31;
	[tilespmem:v4+s23+$0x0] =	vst.idx.add.f32.msk vm0, v2  }
0x14e: {  	v4 =	vld [tilespmem:s1+$0x3E80];
	_ =	sdelay $0x4  }
0x14f: {  	vm0 =	vge.s32 v4, v0;
	vm1 =	vlt.s32 v4, v1  }
0x150: {  	vm0 =	vmand vm0, vm1  }
0x151: {  	v5 =	vsel vm0, $0x1, v3  }
0x152: {  	(xrf0) =	vadd.scan.msk.s32 $0xffff, v5;
	_ =	sdelay $0x4  }
0x153: {  	s31 =	spop (v2sf)  }
0x154: {  	s30 =	sadd.s32 s30, s31;
	v5, _, _ =	vpop (xrf0)  }
0x155: {  	v6 =	vmov s30;
	(v2sf) =	vpush v5, $0xF  }
0x156: {  	v6 =	vadd.s32 $0xFFFFFFFF, v6  }
0x157: {  	v6 =	vbroadcast v6, $0x0;
	_ =	sdelay $0x1  }
0x158: {  	v7 =	vld [tilespmem:s1+$0x0];
	v5 =	vadd.s32 v5, v6;
	_ =	sdelay $0x1  }
0x159: {  	v4 =	vsub.s32 v4, v0;
	_ =	sdelay $0x2  }
0x15a: {  	v60 =	vshll.u32 v4, $0x6;
	[tilespmem:v5+s21+$0x0] =	vst.idx.msk vm0, v7  }
0x15b: {  	[tilespmem:v5+s22+$0x0] =	vst.idx.msk vm0, v60  }
0x15c: {  	s0 =	simm.s32 $0x0;
	s31 =	rddreg [dreg:$0x9];
	[tilespmem:v4+s23+$0x0] =	vst.idx.add.f32.msk vm0, v2  }
0x15d: {  	[tilespmem:s0], [sflag:$0x1] =	stream.linear.gather [hbm4b:s31+s0], $0x3E80, $0x38;
	[tilespmem:$0x15C00] =	vst v63  }
0x15e: {  	_ = 	snop  }
0x15f: {  	[tilespmem:s17], [sflag:$0x1] =	stream.linear.gather [hbm4b:s2+s0], $0x3E80, $0x38;
	[tilespmem:$0x15C00] =	vst v63  }
0x160: {  	s31 =	spop (v2sf)  }
0x161: {  	_ =	swait.ge [sflag:s24], $0x3E80  }
0x162: {  	[sflag:s24] =	ssyncset.done $0x0  }
0x163: {  	[sflag:s24] =	ssyncadd.s32 $0xFFFFC180  }
0x164: {  	_ =	swait.ge [sflag:s24], $0x3E80  }
0x165: {  	[sflag:s24] =	ssyncset.done $0x0  }
0x166: {  	s0 =	simm.s32 $0x0;
	[sflag:s24] =	ssyncadd.s32 $0xFFFFC180  }
0x167: {  	v4 =	vld [tilespmem:s0+$0xBB80];
	_ =	sdelay $0x4  }
0x168: {  	vm14 =	vge.s32 v4, v0;
	vm15 =	vlt.s32 v4, v1  }
0x169: {  	vm0 =	vmand vm14, vm15  }
0x16a: {  	v5 =	vsel vm0, $0x1, v3  }
0x16b: {  	(xrf0) =	vadd.scan.msk.s32 $0xffff, v5;
	_ =	sdelay $0x1  }
0x16c: {  	s30 =	sadd.s32 s30, s31  }
0x16d: {  	v5 =	vmov s30  }
0x16e: {  	v5 =	vadd.s32 $0xFFFFFFFF, v5  }
0x16f: {  	v5 =	vbroadcast v5, $0x0  }
0x170: {  	v61, _, _ =	vpop (xrf0)  }
0x171: {  	v62 =	vld [tilespmem:s0+$0x7D00];
	v5 =	vadd.s32 v61, v5;
	(v2sf) =	vpush v61, $0xF;
	_ =	sdelay $0x1  }
0x172: {  	v4 =	vsub.s32 v4, v0;
	_ =	sdelay $0x2  }
0x173: {  	v63 =	vshll.u32 v4, $0x6;
	[tilespmem:v5+s21+$0x0] =	vst.idx.msk vm0, v62  }
0x174: {  	[tilespmem:v5+s22+$0x0] =	vst.idx.msk vm0, v63  }
0x175: {  	s1 =	simm.s32 $0x10;
	s31 =	simm.s32 $0x80;
	[tilespmem:v4+s23+$0x0] =	vst.idx.add.f32.msk vm0, v2  }
.LBB2_14:
0x176: {  	p0 =	sne.s32 s31, $0xF9C0;
	v4 =	vld [tilespmem:s1+$0xBB80]  }
0x177: {  	v5 =	vld [tilespmem:s1+$0x7D00];
	_ =	sdelay $0x3  }
0x178: {  	vm0 =	vge.s32 v4, v0;
	vm1 =	vlt.s32 v4, v1;
	v4 =	vsub.s32 v4, v0  }
0x179: {  	vm0 =	vmand vm0, vm1  }
0x17a: {  	v6 =	vsel vm0, $0x1, v3;
	s1 =	spop (v2sf)  }
0x17b: {  	(xrf0) =	vadd.scan.msk.s32 $0xffff, v6;
	s30 =	sadd.s32 s30, s1  }
0x17c: {  	v6 =	vmov s30  }
0x17d: {  	v6 =	vadd.s32 $0xFFFFFFFF, v6  }
0x17e: {  	v6 =	vbroadcast v6, $0x0;
	_ =	sdelay $0x2  }
0x17f: {  	v7, _, _ =	vpop (xrf0)  }
0x180: {  	v6 =	vadd.s32 v7, v6;
	(v2sf) =	vpush v7, $0xF;
	_ =	sdelay $0x2  }
.Ltmp6:
0x181: {  	(pc) =	sbr.rel @p0 .LBB2_14-.Ltmp6, $4  }
0x182: {  	_ = 	snop  }
0x183: {  	[tilespmem:v6+s21+$0x0] =	vst.idx.msk vm0, v5;
	v5 =	vshll.u32 v4, $0x6  }
0x184: {  	[tilespmem:v6+s22+$0x0] =	vst.idx.msk vm0, v5  }
0x185: {  	s1 =	sshra.s32 s31, $0x2;
	s31 =	sadd.s32 $0x40, s31;
	[tilespmem:v4+s23+$0x0] =	vst.idx.add.f32.msk vm0, v2  }
0x186: {  	v4 =	vld [tilespmem:s1+$0xBB80];
	_ =	sdelay $0x4  }
0x187: {  	vm0 =	vge.s32 v4, v0;
	vm1 =	vlt.s32 v4, v1  }
0x188: {  	vm0 =	vmand vm0, vm1  }
0x189: {  	v5 =	vsel vm0, $0x1, v3  }
0x18a: {  	(xrf0) =	vadd.scan.msk.s32 $0xffff, v5;
	_ =	sdelay $0x4  }
0x18b: {  	s31 =	spop (v2sf)  }
0x18c: {  	s30 =	sadd.s32 s30, s31;
	v5, _, _ =	vpop (xrf0)  }
0x18d: {  	v6 =	vmov s30;
	(v2sf) =	vpush v5, $0xF  }
0x18e: {  	v6 =	vadd.s32 $0xFFFFFFFF, v6  }
0x18f: {  	v6 =	vbroadcast v6, $0x0;
	_ =	sdelay $0x1  }
0x190: {  	v7 =	vld [tilespmem:s1+$0x7D00];
	v5 =	vadd.s32 v5, v6;
	_ =	sdelay $0x1  }
0x191: {  	v4 =	vsub.s32 v4, v0;
	_ =	sdelay $0x2  }
0x192: {  	v60 =	vshll.u32 v4, $0x6;
	[tilespmem:v5+s21+$0x0] =	vst.idx.msk vm0, v7  }
0x193: {  	[tilespmem:v5+s22+$0x0] =	vst.idx.msk vm0, v60  }
0x194: {  	s0 =	simm.s32 $0x0;
	s31 =	rddreg [dreg:$0xa];
	[tilespmem:v4+s23+$0x0] =	vst.idx.add.f32.msk vm0, v2  }
0x195: {  	[tilespmem:s18], [sflag:$0x2] =	stream.linear.gather [hbm4b:s31+s0], $0x3E80, $0x38;
	[tilespmem:$0x15C00] =	vst v63  }
0x196: {  	_ = 	snop  }
0x197: {  	[tilespmem:s19], [sflag:$0x2] =	stream.linear.gather [hbm4b:s4+s0], $0x3E80, $0x38;
	[tilespmem:$0x15C00] =	vst v63  }
0x198: {  	s31 =	spop (v2sf)  }
0x199: {  	_ =	swait.ge [sflag:s20], $0x3E80  }
0x19a: {  	[sflag:s20] =	ssyncset.done $0x0  }
0x19b: {  	[sflag:s20] =	ssyncadd.s32 $0xFFFFC180  }
0x19c: {  	_ =	swait.ge [sflag:s20], $0x3E80  }
0x19d: {  	[sflag:s20] =	ssyncset.done $0x0  }
0x19e: {  	s0 =	simm.s32 $0x0;
	[sflag:s20] =	ssyncadd.s32 $0xFFFFC180  }
0x19f: {  	v4 =	vld [tilespmem:s0+$0x3E80];
	_ =	sdelay $0x4  }
0x1a0: {  	vm14 =	vge.s32 v4, v0;
	vm15 =	vlt.s32 v4, v1  }
0x1a1: {  	vm0 =	vmand vm14, vm15  }
0x1a2: {  	v5 =	vsel vm0, $0x1, v3  }
0x1a3: {  	(xrf0) =	vadd.scan.msk.s32 $0xffff, v5;
	_ =	sdelay $0x1  }
0x1a4: {  	s30 =	sadd.s32 s30, s31  }
0x1a5: {  	v5 =	vmov s30  }
0x1a6: {  	v5 =	vadd.s32 $0xFFFFFFFF, v5  }
0x1a7: {  	v5 =	vbroadcast v5, $0x0  }
0x1a8: {  	v61, _, _ =	vpop (xrf0)  }
0x1a9: {  	v62 =	vld [tilespmem:s0+$0x0];
	v5 =	vadd.s32 v61, v5;
	(v2sf) =	vpush v61, $0xF;
	_ =	sdelay $0x1  }
0x1aa: {  	v4 =	vsub.s32 v4, v0;
	_ =	sdelay $0x2  }
0x1ab: {  	v63 =	vshll.u32 v4, $0x6;
	[tilespmem:v5+s21+$0x0] =	vst.idx.msk vm0, v62  }
0x1ac: {  	[tilespmem:v5+s22+$0x0] =	vst.idx.msk vm0, v63  }
0x1ad: {  	s1 =	simm.s32 $0x10;
	s31 =	simm.s32 $0x80;
	[tilespmem:v4+s23+$0x0] =	vst.idx.add.f32.msk vm0, v2  }
.LBB2_16:
0x1ae: {  	p0 =	sne.s32 s31, $0xF9C0;
	v4 =	vld [tilespmem:s1+$0x3E80]  }
0x1af: {  	v5 =	vld [tilespmem:s1+$0x0];
	_ =	sdelay $0x3  }
0x1b0: {  	vm0 =	vge.s32 v4, v0;
	vm1 =	vlt.s32 v4, v1;
	v4 =	vsub.s32 v4, v0  }
0x1b1: {  	vm0 =	vmand vm0, vm1  }
0x1b2: {  	v6 =	vsel vm0, $0x1, v3;
	s1 =	spop (v2sf)  }
0x1b3: {  	(xrf0) =	vadd.scan.msk.s32 $0xffff, v6;
	s30 =	sadd.s32 s30, s1  }
0x1b4: {  	v6 =	vmov s30  }
0x1b5: {  	v6 =	vadd.s32 $0xFFFFFFFF, v6  }
0x1b6: {  	v6 =	vbroadcast v6, $0x0;
	_ =	sdelay $0x2  }
0x1b7: {  	v7, _, _ =	vpop (xrf0)  }
0x1b8: {  	v6 =	vadd.s32 v7, v6;
	(v2sf) =	vpush v7, $0xF;
	_ =	sdelay $0x2  }
.Ltmp7:
0x1b9: {  	(pc) =	sbr.rel @p0 .LBB2_16-.Ltmp7, $4  }
0x1ba: {  	_ = 	snop  }
0x1bb: {  	[tilespmem:v6+s21+$0x0] =	vst.idx.msk vm0, v5;
	v5 =	vshll.u32 v4, $0x6  }
0x1bc: {  	[tilespmem:v6+s22+$0x0] =	vst.idx.msk vm0, v5  }
0x1bd: {  	s1 =	sshra.s32 s31, $0x2;
	s31 =	sadd.s32 $0x40, s31;
	[tilespmem:v4+s23+$0x0] =	vst.idx.add.f32.msk vm0, v2  }
0x1be: {  	v4 =	vld [tilespmem:s1+$0x3E80];
	_ =	sdelay $0x4  }
0x1bf: {  	vm0 =	vge.s32 v4, v0;
	vm1 =	vlt.s32 v4, v1  }
0x1c0: {  	vm0 =	vmand vm0, vm1  }
0x1c1: {  	v5 =	vsel vm0, $0x1, v3  }
0x1c2: {  	(xrf0) =	vadd.scan.msk.s32 $0xffff, v5;
	_ =	sdelay $0x4  }
0x1c3: {  	s31 =	spop (v2sf)  }
0x1c4: {  	s30 =	sadd.s32 s30, s31;
	v5, _, _ =	vpop (xrf0)  }
0x1c5: {  	v6 =	vmov s30;
	(v2sf) =	vpush v5, $0xF  }
0x1c6: {  	v6 =	vadd.s32 $0xFFFFFFFF, v6  }
0x1c7: {  	v6 =	vbroadcast v6, $0x0;
	_ =	sdelay $0x1  }
0x1c8: {  	v7 =	vld [tilespmem:s1+$0x0];
	v5 =	vadd.s32 v5, v6;
	_ =	sdelay $0x1  }
0x1c9: {  	v4 =	vsub.s32 v4, v0;
	_ =	sdelay $0x2  }
0x1ca: {  	v60 =	vshll.u32 v4, $0x6;
	[tilespmem:v5+s21+$0x0] =	vst.idx.msk vm0, v7  }
0x1cb: {  	[tilespmem:v5+s22+$0x0] =	vst.idx.msk vm0, v60  }
0x1cc: {  	s0 =	simm.s32 $0x0;
	s31 =	rddreg [dreg:$0xb];
	[tilespmem:v4+s23+$0x0] =	vst.idx.add.f32.msk vm0, v2  }
0x1cd: {  	[tilespmem:s0], [sflag:$0x1] =	stream.linear.gather [hbm4b:s31+s0], $0x3E80, $0x38;
	[tilespmem:$0x15C00] =	vst v63  }
0x1ce: {  	_ = 	snop  }
0x1cf: {  	[tilespmem:s17], [sflag:$0x1] =	stream.linear.gather [hbm4b:s5+s0], $0x3E80, $0x38;
	[tilespmem:$0x15C00] =	vst v63  }
0x1d0: {  	s31 =	spop (v2sf)  }
0x1d1: {  	_ =	swait.ge [sflag:s24], $0x3E80  }
0x1d2: {  	[sflag:s24] =	ssyncset.done $0x0  }
0x1d3: {  	[sflag:s24] =	ssyncadd.s32 $0xFFFFC180  }
0x1d4: {  	_ =	swait.ge [sflag:s24], $0x3E80  }
0x1d5: {  	[sflag:s24] =	ssyncset.done $0x0  }
0x1d6: {  	s0 =	simm.s32 $0x0;
	[sflag:s24] =	ssyncadd.s32 $0xFFFFC180  }
0x1d7: {  	v4 =	vld [tilespmem:s0+$0xBB80];
	_ =	sdelay $0x4  }
0x1d8: {  	vm14 =	vge.s32 v4, v0;
	vm15 =	vlt.s32 v4, v1  }
0x1d9: {  	vm0 =	vmand vm14, vm15  }
0x1da: {  	v5 =	vsel vm0, $0x1, v3  }
0x1db: {  	(xrf0) =	vadd.scan.msk.s32 $0xffff, v5;
	_ =	sdelay $0x1  }
0x1dc: {  	s30 =	sadd.s32 s30, s31  }
0x1dd: {  	v5 =	vmov s30  }
0x1de: {  	v5 =	vadd.s32 $0xFFFFFFFF, v5  }
0x1df: {  	v5 =	vbroadcast v5, $0x0  }
0x1e0: {  	v61, _, _ =	vpop (xrf0)  }
0x1e1: {  	v62 =	vld [tilespmem:s0+$0x7D00];
	v5 =	vadd.s32 v61, v5;
	(v2sf) =	vpush v61, $0xF;
	_ =	sdelay $0x1  }
0x1e2: {  	v4 =	vsub.s32 v4, v0;
	_ =	sdelay $0x2  }
0x1e3: {  	v63 =	vshll.u32 v4, $0x6;
	[tilespmem:v5+s21+$0x0] =	vst.idx.msk vm0, v62  }
0x1e4: {  	[tilespmem:v5+s22+$0x0] =	vst.idx.msk vm0, v63  }
0x1e5: {  	s1 =	simm.s32 $0x10;
	s31 =	simm.s32 $0x80;
	[tilespmem:v4+s23+$0x0] =	vst.idx.add.f32.msk vm0, v2  }
.LBB2_18:
0x1e6: {  	p0 =	sne.s32 s31, $0xF9C0;
	v4 =	vld [tilespmem:s1+$0xBB80]  }
0x1e7: {  	v5 =	vld [tilespmem:s1+$0x7D00];
	_ =	sdelay $0x3  }
0x1e8: {  	vm0 =	vge.s32 v4, v0;
	vm1 =	vlt.s32 v4, v1;
	v4 =	vsub.s32 v4, v0  }
0x1e9: {  	vm0 =	vmand vm0, vm1  }
0x1ea: {  	v6 =	vsel vm0, $0x1, v3;
	s1 =	spop (v2sf)  }
0x1eb: {  	(xrf0) =	vadd.scan.msk.s32 $0xffff, v6;
	s30 =	sadd.s32 s30, s1  }
0x1ec: {  	v6 =	vmov s30  }
0x1ed: {  	v6 =	vadd.s32 $0xFFFFFFFF, v6  }
0x1ee: {  	v6 =	vbroadcast v6, $0x0;
	_ =	sdelay $0x2  }
0x1ef: {  	v7, _, _ =	vpop (xrf0)  }
0x1f0: {  	v6 =	vadd.s32 v7, v6;
	(v2sf) =	vpush v7, $0xF;
	_ =	sdelay $0x2  }
.Ltmp8:
0x1f1: {  	(pc) =	sbr.rel @p0 .LBB2_18-.Ltmp8, $4  }
0x1f2: {  	_ = 	snop  }
0x1f3: {  	[tilespmem:v6+s21+$0x0] =	vst.idx.msk vm0, v5;
	v5 =	vshll.u32 v4, $0x6  }
0x1f4: {  	[tilespmem:v6+s22+$0x0] =	vst.idx.msk vm0, v5  }
0x1f5: {  	s1 =	sshra.s32 s31, $0x2;
	s31 =	sadd.s32 $0x40, s31;
	[tilespmem:v4+s23+$0x0] =	vst.idx.add.f32.msk vm0, v2  }
0x1f6: {  	v4 =	vld [tilespmem:s1+$0xBB80];
	_ =	sdelay $0x4  }
0x1f7: {  	vm0 =	vge.s32 v4, v0;
	vm1 =	vlt.s32 v4, v1  }
0x1f8: {  	vm0 =	vmand vm0, vm1  }
0x1f9: {  	v5 =	vsel vm0, $0x1, v3  }
0x1fa: {  	(xrf0) =	vadd.scan.msk.s32 $0xffff, v5;
	_ =	sdelay $0x4  }
0x1fb: {  	s31 =	spop (v2sf)  }
0x1fc: {  	s30 =	sadd.s32 s30, s31;
	v5, _, _ =	vpop (xrf0)  }
0x1fd: {  	v6 =	vmov s30;
	(v2sf) =	vpush v5, $0xF  }
0x1fe: {  	v6 =	vadd.s32 $0xFFFFFFFF, v6  }
0x1ff: {  	v6 =	vbroadcast v6, $0x0;
	_ =	sdelay $0x1  }
0x200: {  	v7 =	vld [tilespmem:s1+$0x7D00];
	v5 =	vadd.s32 v5, v6;
	_ =	sdelay $0x1  }
0x201: {  	v4 =	vsub.s32 v4, v0;
	_ =	sdelay $0x2  }
0x202: {  	v60 =	vshll.u32 v4, $0x6;
	[tilespmem:v5+s21+$0x0] =	vst.idx.msk vm0, v7  }
0x203: {  	[tilespmem:v5+s22+$0x0] =	vst.idx.msk vm0, v60  }
0x204: {  	s0 =	simm.s32 $0x0;
	s31 =	rddreg [dreg:$0xc];
	[tilespmem:v4+s23+$0x0] =	vst.idx.add.f32.msk vm0, v2  }
0x205: {  	[tilespmem:s18], [sflag:$0x2] =	stream.linear.gather [hbm4b:s31+s0], $0x3E80, $0x38;
	[tilespmem:$0x15C00] =	vst v63  }
0x206: {  	_ = 	snop  }
0x207: {  	[tilespmem:s19], [sflag:$0x2] =	stream.linear.gather [hbm4b:s6+s0], $0x3E80, $0x38;
	[tilespmem:$0x15C00] =	vst v63  }
0x208: {  	s31 =	spop (v2sf)  }
0x209: {  	_ =	swait.ge [sflag:s20], $0x3E80  }
0x20a: {  	[sflag:s20] =	ssyncset.done $0x0  }
0x20b: {  	[sflag:s20] =	ssyncadd.s32 $0xFFFFC180  }
0x20c: {  	_ =	swait.ge [sflag:s20], $0x3E80  }
0x20d: {  	[sflag:s20] =	ssyncset.done $0x0  }
0x20e: {  	s0 =	simm.s32 $0x0;
	[sflag:s20] =	ssyncadd.s32 $0xFFFFC180  }
0x20f: {  	v4 =	vld [tilespmem:s0+$0x3E80];
	_ =	sdelay $0x4  }
0x210: {  	vm14 =	vge.s32 v4, v0;
	vm15 =	vlt.s32 v4, v1  }
0x211: {  	vm0 =	vmand vm14, vm15  }
0x212: {  	v5 =	vsel vm0, $0x1, v3  }
0x213: {  	(xrf0) =	vadd.scan.msk.s32 $0xffff, v5;
	_ =	sdelay $0x1  }
0x214: {  	s30 =	sadd.s32 s30, s31  }
0x215: {  	v5 =	vmov s30  }
0x216: {  	v5 =	vadd.s32 $0xFFFFFFFF, v5  }
0x217: {  	v5 =	vbroadcast v5, $0x0  }
0x218: {  	v61, _, _ =	vpop (xrf0)  }
0x219: {  	v62 =	vld [tilespmem:s0+$0x0];
	v5 =	vadd.s32 v61, v5;
	(v2sf) =	vpush v61, $0xF;
	_ =	sdelay $0x1  }
0x21a: {  	v4 =	vsub.s32 v4, v0;
	_ =	sdelay $0x2  }
0x21b: {  	v63 =	vshll.u32 v4, $0x6;
	[tilespmem:v5+s21+$0x0] =	vst.idx.msk vm0, v62  }
0x21c: {  	[tilespmem:v5+s22+$0x0] =	vst.idx.msk vm0, v63  }
0x21d: {  	s1 =	simm.s32 $0x10;
	s31 =	simm.s32 $0x80;
	[tilespmem:v4+s23+$0x0] =	vst.idx.add.f32.msk vm0, v2  }
.LBB2_20:
0x21e: {  	p0 =	sne.s32 s31, $0xF9C0;
	v4 =	vld [tilespmem:s1+$0x3E80]  }
0x21f: {  	v5 =	vld [tilespmem:s1+$0x0];
	_ =	sdelay $0x3  }
0x220: {  	vm0 =	vge.s32 v4, v0;
	vm1 =	vlt.s32 v4, v1;
	v4 =	vsub.s32 v4, v0  }
0x221: {  	vm0 =	vmand vm0, vm1  }
0x222: {  	v6 =	vsel vm0, $0x1, v3;
	s1 =	spop (v2sf)  }
0x223: {  	(xrf0) =	vadd.scan.msk.s32 $0xffff, v6;
	s30 =	sadd.s32 s30, s1  }
0x224: {  	v6 =	vmov s30  }
0x225: {  	v6 =	vadd.s32 $0xFFFFFFFF, v6  }
0x226: {  	v6 =	vbroadcast v6, $0x0;
	_ =	sdelay $0x2  }
0x227: {  	v7, _, _ =	vpop (xrf0)  }
0x228: {  	v6 =	vadd.s32 v7, v6;
	(v2sf) =	vpush v7, $0xF;
	_ =	sdelay $0x2  }
.Ltmp9:
0x229: {  	(pc) =	sbr.rel @p0 .LBB2_20-.Ltmp9, $4  }
0x22a: {  	_ = 	snop  }
0x22b: {  	[tilespmem:v6+s21+$0x0] =	vst.idx.msk vm0, v5;
	v5 =	vshll.u32 v4, $0x6  }
0x22c: {  	[tilespmem:v6+s22+$0x0] =	vst.idx.msk vm0, v5  }
0x22d: {  	s1 =	sshra.s32 s31, $0x2;
	s31 =	sadd.s32 $0x40, s31;
	[tilespmem:v4+s23+$0x0] =	vst.idx.add.f32.msk vm0, v2  }
0x22e: {  	v4 =	vld [tilespmem:s1+$0x3E80];
	_ =	sdelay $0x4  }
0x22f: {  	vm0 =	vge.s32 v4, v0;
	vm1 =	vlt.s32 v4, v1  }
0x230: {  	vm0 =	vmand vm0, vm1  }
0x231: {  	v5 =	vsel vm0, $0x1, v3  }
0x232: {  	(xrf0) =	vadd.scan.msk.s32 $0xffff, v5;
	_ =	sdelay $0x4  }
0x233: {  	s31 =	spop (v2sf)  }
0x234: {  	s30 =	sadd.s32 s30, s31;
	v5, _, _ =	vpop (xrf0)  }
0x235: {  	v6 =	vmov s30;
	(v2sf) =	vpush v5, $0xF  }
0x236: {  	v6 =	vadd.s32 $0xFFFFFFFF, v6  }
0x237: {  	v6 =	vbroadcast v6, $0x0;
	_ =	sdelay $0x1  }
0x238: {  	v7 =	vld [tilespmem:s1+$0x0];
	v5 =	vadd.s32 v5, v6;
	_ =	sdelay $0x1  }
0x239: {  	v4 =	vsub.s32 v4, v0;
	_ =	sdelay $0x2  }
0x23a: {  	v60 =	vshll.u32 v4, $0x6;
	[tilespmem:v5+s21+$0x0] =	vst.idx.msk vm0, v7  }
0x23b: {  	[tilespmem:v5+s22+$0x0] =	vst.idx.msk vm0, v60  }
0x23c: {  	s0 =	simm.s32 $0x0;
	s31 =	rddreg [dreg:$0xd];
	[tilespmem:v4+s23+$0x0] =	vst.idx.add.f32.msk vm0, v2  }
0x23d: {  	[tilespmem:s0], [sflag:$0x1] =	stream.linear.gather [hbm4b:s31+s0], $0x3E80, $0x38;
	[tilespmem:$0x15C00] =	vst v63  }
0x23e: {  	_ = 	snop  }
0x23f: {  	[tilespmem:s17], [sflag:$0x1] =	stream.linear.gather [hbm4b:s7+s0], $0x3E80, $0x38;
	[tilespmem:$0x15C00] =	vst v63  }
0x240: {  	s31 =	spop (v2sf)  }
0x241: {  	_ =	swait.ge [sflag:s24], $0x3E80  }
0x242: {  	[sflag:s24] =	ssyncset.done $0x0  }
0x243: {  	[sflag:s24] =	ssyncadd.s32 $0xFFFFC180  }
0x244: {  	_ =	swait.ge [sflag:s24], $0x3E80  }
0x245: {  	[sflag:s24] =	ssyncset.done $0x0  }
0x246: {  	s0 =	simm.s32 $0x0;
	[sflag:s24] =	ssyncadd.s32 $0xFFFFC180  }
0x247: {  	v4 =	vld [tilespmem:s0+$0xBB80];
	_ =	sdelay $0x4  }
0x248: {  	vm14 =	vge.s32 v4, v0;
	vm15 =	vlt.s32 v4, v1  }
0x249: {  	vm0 =	vmand vm14, vm15  }
0x24a: {  	v5 =	vsel vm0, $0x1, v3  }
0x24b: {  	(xrf0) =	vadd.scan.msk.s32 $0xffff, v5;
	_ =	sdelay $0x1  }
0x24c: {  	s30 =	sadd.s32 s30, s31  }
0x24d: {  	v5 =	vmov s30  }
0x24e: {  	v5 =	vadd.s32 $0xFFFFFFFF, v5  }
0x24f: {  	v5 =	vbroadcast v5, $0x0  }
0x250: {  	v61, _, _ =	vpop (xrf0)  }
0x251: {  	v62 =	vld [tilespmem:s0+$0x7D00];
	v5 =	vadd.s32 v61, v5;
	(v2sf) =	vpush v61, $0xF;
	_ =	sdelay $0x1  }
0x252: {  	v4 =	vsub.s32 v4, v0;
	_ =	sdelay $0x2  }
0x253: {  	v63 =	vshll.u32 v4, $0x6;
	[tilespmem:v5+s21+$0x0] =	vst.idx.msk vm0, v62  }
0x254: {  	[tilespmem:v5+s22+$0x0] =	vst.idx.msk vm0, v63  }
0x255: {  	s1 =	simm.s32 $0x10;
	s31 =	simm.s32 $0x80;
	[tilespmem:v4+s23+$0x0] =	vst.idx.add.f32.msk vm0, v2  }
.LBB2_22:
0x256: {  	p0 =	sne.s32 s31, $0xF9C0;
	v4 =	vld [tilespmem:s1+$0xBB80]  }
0x257: {  	v5 =	vld [tilespmem:s1+$0x7D00];
	_ =	sdelay $0x3  }
0x258: {  	vm0 =	vge.s32 v4, v0;
	vm1 =	vlt.s32 v4, v1;
	v4 =	vsub.s32 v4, v0  }
0x259: {  	vm0 =	vmand vm0, vm1  }
0x25a: {  	v6 =	vsel vm0, $0x1, v3;
	s1 =	spop (v2sf)  }
0x25b: {  	(xrf0) =	vadd.scan.msk.s32 $0xffff, v6;
	s30 =	sadd.s32 s30, s1  }
0x25c: {  	v6 =	vmov s30  }
0x25d: {  	v6 =	vadd.s32 $0xFFFFFFFF, v6  }
0x25e: {  	v6 =	vbroadcast v6, $0x0;
	_ =	sdelay $0x2  }
0x25f: {  	v7, _, _ =	vpop (xrf0)  }
0x260: {  	v6 =	vadd.s32 v7, v6;
	(v2sf) =	vpush v7, $0xF;
	_ =	sdelay $0x2  }
.Ltmp10:
0x261: {  	(pc) =	sbr.rel @p0 .LBB2_22-.Ltmp10, $4  }
0x262: {  	_ = 	snop  }
0x263: {  	[tilespmem:v6+s21+$0x0] =	vst.idx.msk vm0, v5;
	v5 =	vshll.u32 v4, $0x6  }
0x264: {  	[tilespmem:v6+s22+$0x0] =	vst.idx.msk vm0, v5  }
0x265: {  	s1 =	sshra.s32 s31, $0x2;
	s31 =	sadd.s32 $0x40, s31;
	[tilespmem:v4+s23+$0x0] =	vst.idx.add.f32.msk vm0, v2  }
0x266: {  	v4 =	vld [tilespmem:s1+$0xBB80];
	_ =	sdelay $0x4  }
0x267: {  	vm0 =	vge.s32 v4, v0;
	vm1 =	vlt.s32 v4, v1  }
0x268: {  	vm0 =	vmand vm0, vm1  }
0x269: {  	v5 =	vsel vm0, $0x1, v3  }
0x26a: {  	(xrf0) =	vadd.scan.msk.s32 $0xffff, v5;
	_ =	sdelay $0x4  }
0x26b: {  	s31 =	spop (v2sf)  }
0x26c: {  	s30 =	sadd.s32 s30, s31;
	v5, _, _ =	vpop (xrf0)  }
0x26d: {  	v6 =	vmov s30;
	(v2sf) =	vpush v5, $0xF  }
0x26e: {  	v6 =	vadd.s32 $0xFFFFFFFF, v6  }
0x26f: {  	v6 =	vbroadcast v6, $0x0;
	_ =	sdelay $0x1  }
0x270: {  	v7 =	vld [tilespmem:s1+$0x7D00];
	v5 =	vadd.s32 v5, v6;
	_ =	sdelay $0x1  }
0x271: {  	v4 =	vsub.s32 v4, v0;
	_ =	sdelay $0x2  }
0x272: {  	v60 =	vshll.u32 v4, $0x6;
	[tilespmem:v5+s21+$0x0] =	vst.idx.msk vm0, v7  }
0x273: {  	[tilespmem:v5+s22+$0x0] =	vst.idx.msk vm0, v60  }
0x274: {  	s0 =	simm.s32 $0x0;
	s31 =	rddreg [dreg:$0xe];
	[tilespmem:v4+s23+$0x0] =	vst.idx.add.f32.msk vm0, v2  }
0x275: {  	[tilespmem:s18], [sflag:$0x2] =	stream.linear.gather [hbm4b:s31+s0], $0x3E80, $0x38;
	[tilespmem:$0x15C00] =	vst v63  }
0x276: {  	_ = 	snop  }
0x277: {  	[tilespmem:s19], [sflag:$0x2] =	stream.linear.gather [hbm4b:s8+s0], $0x3E80, $0x38;
	[tilespmem:$0x15C00] =	vst v63  }
0x278: {  	s31 =	spop (v2sf)  }
0x279: {  	_ =	swait.ge [sflag:s20], $0x3E80  }
0x27a: {  	[sflag:s20] =	ssyncset.done $0x0  }
0x27b: {  	[sflag:s20] =	ssyncadd.s32 $0xFFFFC180  }
0x27c: {  	_ =	swait.ge [sflag:s20], $0x3E80  }
0x27d: {  	[sflag:s20] =	ssyncset.done $0x0  }
0x27e: {  	s0 =	simm.s32 $0x0;
	[sflag:s20] =	ssyncadd.s32 $0xFFFFC180  }
0x27f: {  	v4 =	vld [tilespmem:s0+$0x3E80];
	_ =	sdelay $0x4  }
0x280: {  	vm14 =	vge.s32 v4, v0;
	vm15 =	vlt.s32 v4, v1  }
0x281: {  	vm0 =	vmand vm14, vm15  }
0x282: {  	v5 =	vsel vm0, $0x1, v3  }
0x283: {  	(xrf0) =	vadd.scan.msk.s32 $0xffff, v5;
	_ =	sdelay $0x1  }
0x284: {  	s30 =	sadd.s32 s30, s31  }
0x285: {  	v5 =	vmov s30  }
0x286: {  	v5 =	vadd.s32 $0xFFFFFFFF, v5  }
0x287: {  	v5 =	vbroadcast v5, $0x0  }
0x288: {  	v61, _, _ =	vpop (xrf0)  }
0x289: {  	v62 =	vld [tilespmem:s0+$0x0];
	v5 =	vadd.s32 v61, v5;
	(v2sf) =	vpush v61, $0xF;
	_ =	sdelay $0x1  }
0x28a: {  	v4 =	vsub.s32 v4, v0;
	_ =	sdelay $0x2  }
0x28b: {  	v63 =	vshll.u32 v4, $0x6;
	[tilespmem:v5+s21+$0x0] =	vst.idx.msk vm0, v62  }
0x28c: {  	[tilespmem:v5+s22+$0x0] =	vst.idx.msk vm0, v63  }
0x28d: {  	s1 =	simm.s32 $0x10;
	s31 =	simm.s32 $0x80;
	[tilespmem:v4+s23+$0x0] =	vst.idx.add.f32.msk vm0, v2  }
.LBB2_24:
0x28e: {  	p0 =	sne.s32 s31, $0xF9C0;
	v4 =	vld [tilespmem:s1+$0x3E80]  }
0x28f: {  	v5 =	vld [tilespmem:s1+$0x0];
	_ =	sdelay $0x3  }
0x290: {  	vm0 =	vge.s32 v4, v0;
	vm1 =	vlt.s32 v4, v1;
	v4 =	vsub.s32 v4, v0  }
0x291: {  	vm0 =	vmand vm0, vm1  }
0x292: {  	v6 =	vsel vm0, $0x1, v3;
	s1 =	spop (v2sf)  }
0x293: {  	(xrf0) =	vadd.scan.msk.s32 $0xffff, v6;
	s30 =	sadd.s32 s30, s1  }
0x294: {  	v6 =	vmov s30  }
0x295: {  	v6 =	vadd.s32 $0xFFFFFFFF, v6  }
0x296: {  	v6 =	vbroadcast v6, $0x0;
	_ =	sdelay $0x2  }
0x297: {  	v7, _, _ =	vpop (xrf0)  }
0x298: {  	v6 =	vadd.s32 v7, v6;
	(v2sf) =	vpush v7, $0xF;
	_ =	sdelay $0x2  }
.Ltmp11:
0x299: {  	(pc) =	sbr.rel @p0 .LBB2_24-.Ltmp11, $4  }
0x29a: {  	_ = 	snop  }
0x29b: {  	[tilespmem:v6+s21+$0x0] =	vst.idx.msk vm0, v5;
	v5 =	vshll.u32 v4, $0x6  }
0x29c: {  	[tilespmem:v6+s22+$0x0] =	vst.idx.msk vm0, v5  }
0x29d: {  	s1 =	sshra.s32 s31, $0x2;
	s31 =	sadd.s32 $0x40, s31;
	[tilespmem:v4+s23+$0x0] =	vst.idx.add.f32.msk vm0, v2  }
0x29e: {  	v4 =	vld [tilespmem:s1+$0x3E80];
	_ =	sdelay $0x4  }
0x29f: {  	vm0 =	vge.s32 v4, v0;
	vm1 =	vlt.s32 v4, v1  }
0x2a0: {  	vm0 =	vmand vm0, vm1  }
0x2a1: {  	v5 =	vsel vm0, $0x1, v3  }
0x2a2: {  	(xrf0) =	vadd.scan.msk.s32 $0xffff, v5;
	_ =	sdelay $0x4  }
0x2a3: {  	s31 =	spop (v2sf)  }
0x2a4: {  	s30 =	sadd.s32 s30, s31;
	v5, _, _ =	vpop (xrf0)  }
0x2a5: {  	v6 =	vmov s30;
	(v2sf) =	vpush v5, $0xF  }
0x2a6: {  	v6 =	vadd.s32 $0xFFFFFFFF, v6  }
0x2a7: {  	v6 =	vbroadcast v6, $0x0;
	_ =	sdelay $0x1  }
0x2a8: {  	v7 =	vld [tilespmem:s1+$0x0];
	v5 =	vadd.s32 v5, v6;
	_ =	sdelay $0x1  }
0x2a9: {  	v4 =	vsub.s32 v4, v0;
	_ =	sdelay $0x2  }
0x2aa: {  	v60 =	vshll.u32 v4, $0x6;
	[tilespmem:v5+s21+$0x0] =	vst.idx.msk vm0, v7  }
0x2ab: {  	[tilespmem:v5+s22+$0x0] =	vst.idx.msk vm0, v60  }
0x2ac: {  	s0 =	simm.s32 $0x0;
	s31 =	rddreg [dreg:$0xf];
	[tilespmem:v4+s23+$0x0] =	vst.idx.add.f32.msk vm0, v2  }
0x2ad: {  	[tilespmem:s0], [sflag:$0x1] =	stream.linear.gather [hbm4b:s31+s0], $0x3E80, $0x38;
	[tilespmem:$0x15C00] =	vst v63  }
0x2ae: {  	_ = 	snop  }
0x2af: {  	[tilespmem:s17], [sflag:$0x1] =	stream.linear.gather [hbm4b:s9+s0], $0x3E80, $0x38;
	[tilespmem:$0x15C00] =	vst v63  }
0x2b0: {  	s31 =	spop (v2sf)  }
0x2b1: {  	_ =	swait.ge [sflag:s24], $0x3E80  }
0x2b2: {  	[sflag:s24] =	ssyncset.done $0x0  }
0x2b3: {  	[sflag:s24] =	ssyncadd.s32 $0xFFFFC180  }
0x2b4: {  	_ =	swait.ge [sflag:s24], $0x3E80  }
0x2b5: {  	[sflag:s24] =	ssyncset.done $0x0  }
0x2b6: {  	s0 =	simm.s32 $0x0;
	[sflag:s24] =	ssyncadd.s32 $0xFFFFC180  }
0x2b7: {  	v4 =	vld [tilespmem:s0+$0xBB80];
	_ =	sdelay $0x4  }
0x2b8: {  	vm14 =	vge.s32 v4, v0;
	vm15 =	vlt.s32 v4, v1  }
0x2b9: {  	vm0 =	vmand vm14, vm15  }
0x2ba: {  	v5 =	vsel vm0, $0x1, v3  }
0x2bb: {  	(xrf0) =	vadd.scan.msk.s32 $0xffff, v5;
	_ =	sdelay $0x1  }
0x2bc: {  	s30 =	sadd.s32 s30, s31  }
0x2bd: {  	v5 =	vmov s30  }
0x2be: {  	v5 =	vadd.s32 $0xFFFFFFFF, v5  }
0x2bf: {  	v5 =	vbroadcast v5, $0x0  }
0x2c0: {  	v61, _, _ =	vpop (xrf0)  }
0x2c1: {  	v62 =	vld [tilespmem:s0+$0x7D00];
	v5 =	vadd.s32 v61, v5;
	(v2sf) =	vpush v61, $0xF;
	_ =	sdelay $0x1  }
0x2c2: {  	v4 =	vsub.s32 v4, v0;
	_ =	sdelay $0x2  }
0x2c3: {  	v63 =	vshll.u32 v4, $0x6;
	[tilespmem:v5+s21+$0x0] =	vst.idx.msk vm0, v62  }
0x2c4: {  	[tilespmem:v5+s22+$0x0] =	vst.idx.msk vm0, v63  }
0x2c5: {  	s1 =	simm.s32 $0x10;
	s31 =	simm.s32 $0x80;
	[tilespmem:v4+s23+$0x0] =	vst.idx.add.f32.msk vm0, v2  }
.LBB2_26:
0x2c6: {  	p0 =	sne.s32 s31, $0xF9C0;
	v4 =	vld [tilespmem:s1+$0xBB80]  }
0x2c7: {  	v5 =	vld [tilespmem:s1+$0x7D00];
	_ =	sdelay $0x3  }
0x2c8: {  	vm0 =	vge.s32 v4, v0;
	vm1 =	vlt.s32 v4, v1;
	v4 =	vsub.s32 v4, v0  }
0x2c9: {  	vm0 =	vmand vm0, vm1  }
0x2ca: {  	v6 =	vsel vm0, $0x1, v3;
	s1 =	spop (v2sf)  }
0x2cb: {  	(xrf0) =	vadd.scan.msk.s32 $0xffff, v6;
	s30 =	sadd.s32 s30, s1  }
0x2cc: {  	v6 =	vmov s30  }
0x2cd: {  	v6 =	vadd.s32 $0xFFFFFFFF, v6  }
0x2ce: {  	v6 =	vbroadcast v6, $0x0;
	_ =	sdelay $0x2  }
0x2cf: {  	v7, _, _ =	vpop (xrf0)  }
0x2d0: {  	v6 =	vadd.s32 v7, v6;
	(v2sf) =	vpush v7, $0xF;
	_ =	sdelay $0x2  }
.Ltmp12:
0x2d1: {  	(pc) =	sbr.rel @p0 .LBB2_26-.Ltmp12, $4  }
0x2d2: {  	_ = 	snop  }
0x2d3: {  	[tilespmem:v6+s21+$0x0] =	vst.idx.msk vm0, v5;
	v5 =	vshll.u32 v4, $0x6  }
0x2d4: {  	[tilespmem:v6+s22+$0x0] =	vst.idx.msk vm0, v5  }
0x2d5: {  	s1 =	sshra.s32 s31, $0x2;
	s31 =	sadd.s32 $0x40, s31;
	[tilespmem:v4+s23+$0x0] =	vst.idx.add.f32.msk vm0, v2  }
0x2d6: {  	v4 =	vld [tilespmem:s1+$0xBB80];
	_ =	sdelay $0x4  }
0x2d7: {  	vm0 =	vge.s32 v4, v0;
	vm1 =	vlt.s32 v4, v1  }
0x2d8: {  	vm0 =	vmand vm0, vm1  }
0x2d9: {  	v5 =	vsel vm0, $0x1, v3  }
0x2da: {  	(xrf0) =	vadd.scan.msk.s32 $0xffff, v5;
	_ =	sdelay $0x4  }
0x2db: {  	s31 =	spop (v2sf)  }
0x2dc: {  	s30 =	sadd.s32 s30, s31;
	v5, _, _ =	vpop (xrf0)  }
0x2dd: {  	v6 =	vmov s30;
	(v2sf) =	vpush v5, $0xF  }
0x2de: {  	v6 =	vadd.s32 $0xFFFFFFFF, v6  }
0x2df: {  	v6 =	vbroadcast v6, $0x0;
	_ =	sdelay $0x1  }
0x2e0: {  	v7 =	vld [tilespmem:s1+$0x7D00];
	v5 =	vadd.s32 v5, v6;
	_ =	sdelay $0x1  }
0x2e1: {  	v4 =	vsub.s32 v4, v0;
	_ =	sdelay $0x2  }
0x2e2: {  	v60 =	vshll.u32 v4, $0x6;
	[tilespmem:v5+s21+$0x0] =	vst.idx.msk vm0, v7  }
0x2e3: {  	[tilespmem:v5+s22+$0x0] =	vst.idx.msk vm0, v60  }
0x2e4: {  	s0 =	simm.s32 $0x0;
	s31 =	rddreg [dreg:$0x10];
	[tilespmem:v4+s23+$0x0] =	vst.idx.add.f32.msk vm0, v2  }
0x2e5: {  	[tilespmem:s18], [sflag:$0x2] =	stream.linear.gather [hbm4b:s31+s0], $0x3E80, $0x38;
	[tilespmem:$0x15C00] =	vst v63  }
0x2e6: {  	_ = 	snop  }
0x2e7: {  	[tilespmem:s19], [sflag:$0x2] =	stream.linear.gather [hbm4b:s10+s0], $0x3E80, $0x38;
	[tilespmem:$0x15C00] =	vst v63  }
0x2e8: {  	s31 =	spop (v2sf)  }
0x2e9: {  	_ =	swait.ge [sflag:s20], $0x3E80  }
0x2ea: {  	[sflag:s20] =	ssyncset.done $0x0  }
0x2eb: {  	[sflag:s20] =	ssyncadd.s32 $0xFFFFC180  }
0x2ec: {  	_ =	swait.ge [sflag:s20], $0x3E80  }
0x2ed: {  	[sflag:s20] =	ssyncset.done $0x0  }
0x2ee: {  	s0 =	simm.s32 $0x0;
	[sflag:s20] =	ssyncadd.s32 $0xFFFFC180  }
0x2ef: {  	v4 =	vld [tilespmem:s0+$0x3E80];
	_ =	sdelay $0x4  }
0x2f0: {  	vm14 =	vge.s32 v4, v0;
	vm15 =	vlt.s32 v4, v1  }
0x2f1: {  	vm0 =	vmand vm14, vm15  }
0x2f2: {  	v5 =	vsel vm0, $0x1, v3  }
0x2f3: {  	(xrf0) =	vadd.scan.msk.s32 $0xffff, v5;
	_ =	sdelay $0x1  }
0x2f4: {  	s30 =	sadd.s32 s30, s31  }
0x2f5: {  	v5 =	vmov s30  }
0x2f6: {  	v5 =	vadd.s32 $0xFFFFFFFF, v5  }
0x2f7: {  	v5 =	vbroadcast v5, $0x0  }
0x2f8: {  	v61, _, _ =	vpop (xrf0)  }
0x2f9: {  	v62 =	vld [tilespmem:s0+$0x0];
	v5 =	vadd.s32 v61, v5;
	(v2sf) =	vpush v61, $0xF;
	_ =	sdelay $0x1  }
0x2fa: {  	v4 =	vsub.s32 v4, v0;
	_ =	sdelay $0x2  }
0x2fb: {  	v63 =	vshll.u32 v4, $0x6;
	[tilespmem:v5+s21+$0x0] =	vst.idx.msk vm0, v62  }
0x2fc: {  	[tilespmem:v5+s22+$0x0] =	vst.idx.msk vm0, v63  }
0x2fd: {  	s1 =	simm.s32 $0x10;
	s31 =	simm.s32 $0x80;
	[tilespmem:v4+s23+$0x0] =	vst.idx.add.f32.msk vm0, v2  }
.LBB2_28:
0x2fe: {  	p0 =	sne.s32 s31, $0xF9C0;
	v4 =	vld [tilespmem:s1+$0x3E80]  }
0x2ff: {  	v5 =	vld [tilespmem:s1+$0x0];
	_ =	sdelay $0x3  }
0x300: {  	vm0 =	vge.s32 v4, v0;
	vm1 =	vlt.s32 v4, v1;
	v4 =	vsub.s32 v4, v0  }
0x301: {  	vm0 =	vmand vm0, vm1  }
0x302: {  	v6 =	vsel vm0, $0x1, v3;
	s1 =	spop (v2sf)  }
0x303: {  	(xrf0) =	vadd.scan.msk.s32 $0xffff, v6;
	s30 =	sadd.s32 s30, s1  }
0x304: {  	v6 =	vmov s30  }
0x305: {  	v6 =	vadd.s32 $0xFFFFFFFF, v6  }
0x306: {  	v6 =	vbroadcast v6, $0x0;
	_ =	sdelay $0x2  }
0x307: {  	v7, _, _ =	vpop (xrf0)  }
0x308: {  	v6 =	vadd.s32 v7, v6;
	(v2sf) =	vpush v7, $0xF;
	_ =	sdelay $0x2  }
.Ltmp13:
0x309: {  	(pc) =	sbr.rel @p0 .LBB2_28-.Ltmp13, $4  }
0x30a: {  	_ = 	snop  }
0x30b: {  	[tilespmem:v6+s21+$0x0] =	vst.idx.msk vm0, v5;
	v5 =	vshll.u32 v4, $0x6  }
0x30c: {  	[tilespmem:v6+s22+$0x0] =	vst.idx.msk vm0, v5  }
0x30d: {  	s1 =	sshra.s32 s31, $0x2;
	s31 =	sadd.s32 $0x40, s31;
	[tilespmem:v4+s23+$0x0] =	vst.idx.add.f32.msk vm0, v2  }
0x30e: {  	v4 =	vld [tilespmem:s1+$0x3E80];
	_ =	sdelay $0x4  }
0x30f: {  	vm0 =	vge.s32 v4, v0;
	vm1 =	vlt.s32 v4, v1  }
0x310: {  	vm0 =	vmand vm0, vm1  }
0x311: {  	v5 =	vsel vm0, $0x1, v3  }
0x312: {  	(xrf0) =	vadd.scan.msk.s32 $0xffff, v5;
	_ =	sdelay $0x4  }
0x313: {  	s31 =	spop (v2sf)  }
0x314: {  	s30 =	sadd.s32 s30, s31;
	v5, _, _ =	vpop (xrf0)  }
0x315: {  	v6 =	vmov s30;
	(v2sf) =	vpush v5, $0xF  }
0x316: {  	v6 =	vadd.s32 $0xFFFFFFFF, v6  }
0x317: {  	v6 =	vbroadcast v6, $0x0;
	_ =	sdelay $0x1  }
0x318: {  	v7 =	vld [tilespmem:s1+$0x0];
	v5 =	vadd.s32 v5, v6;
	_ =	sdelay $0x1  }
0x319: {  	v4 =	vsub.s32 v4, v0;
	_ =	sdelay $0x2  }
0x31a: {  	v60 =	vshll.u32 v4, $0x6;
	[tilespmem:v5+s21+$0x0] =	vst.idx.msk vm0, v7  }
0x31b: {  	[tilespmem:v5+s22+$0x0] =	vst.idx.msk vm0, v60  }
0x31c: {  	s0 =	simm.s32 $0x0;
	s31 =	rddreg [dreg:$0x11];
	[tilespmem:v4+s23+$0x0] =	vst.idx.add.f32.msk vm0, v2  }
0x31d: {  	[tilespmem:s0], [sflag:$0x1] =	stream.linear.gather [hbm4b:s31+s0], $0x3E80, $0x38;
	[tilespmem:$0x15C00] =	vst v63  }
0x31e: {  	_ = 	snop  }
0x31f: {  	[tilespmem:s17], [sflag:$0x1] =	stream.linear.gather [hbm4b:s11+s0], $0x3E80, $0x38;
	[tilespmem:$0x15C00] =	vst v63  }
0x320: {  	s31 =	spop (v2sf)  }
0x321: {  	_ =	swait.ge [sflag:s24], $0x3E80  }
0x322: {  	[sflag:s24] =	ssyncset.done $0x0  }
0x323: {  	[sflag:s24] =	ssyncadd.s32 $0xFFFFC180  }
0x324: {  	_ =	swait.ge [sflag:s24], $0x3E80  }
0x325: {  	[sflag:s24] =	ssyncset.done $0x0  }
0x326: {  	s0 =	simm.s32 $0x0;
	[sflag:s24] =	ssyncadd.s32 $0xFFFFC180  }
0x327: {  	v4 =	vld [tilespmem:s0+$0xBB80];
	_ =	sdelay $0x4  }
0x328: {  	vm14 =	vge.s32 v4, v0;
	vm15 =	vlt.s32 v4, v1  }
0x329: {  	vm0 =	vmand vm14, vm15  }
0x32a: {  	v5 =	vsel vm0, $0x1, v3  }
0x32b: {  	(xrf0) =	vadd.scan.msk.s32 $0xffff, v5;
	_ =	sdelay $0x1  }
0x32c: {  	s30 =	sadd.s32 s30, s31  }
0x32d: {  	v5 =	vmov s30  }
0x32e: {  	v5 =	vadd.s32 $0xFFFFFFFF, v5  }
0x32f: {  	v5 =	vbroadcast v5, $0x0  }
0x330: {  	v61, _, _ =	vpop (xrf0)  }
0x331: {  	v62 =	vld [tilespmem:s0+$0x7D00];
	v5 =	vadd.s32 v61, v5;
	(v2sf) =	vpush v61, $0xF;
	_ =	sdelay $0x1  }
0x332: {  	v4 =	vsub.s32 v4, v0;
	_ =	sdelay $0x2  }
0x333: {  	v63 =	vshll.u32 v4, $0x6;
	[tilespmem:v5+s21+$0x0] =	vst.idx.msk vm0, v62  }
0x334: {  	[tilespmem:v5+s22+$0x0] =	vst.idx.msk vm0, v63  }
0x335: {  	s1 =	simm.s32 $0x10;
	s31 =	simm.s32 $0x80;
	[tilespmem:v4+s23+$0x0] =	vst.idx.add.f32.msk vm0, v2  }
.LBB2_30:
0x336: {  	p0 =	sne.s32 s31, $0xF9C0;
	v4 =	vld [tilespmem:s1+$0xBB80]  }
0x337: {  	v5 =	vld [tilespmem:s1+$0x7D00];
	_ =	sdelay $0x3  }
0x338: {  	vm0 =	vge.s32 v4, v0;
	vm1 =	vlt.s32 v4, v1;
	v4 =	vsub.s32 v4, v0  }
0x339: {  	vm0 =	vmand vm0, vm1  }
0x33a: {  	v6 =	vsel vm0, $0x1, v3;
	s1 =	spop (v2sf)  }
0x33b: {  	(xrf0) =	vadd.scan.msk.s32 $0xffff, v6;
	s30 =	sadd.s32 s30, s1  }
0x33c: {  	v6 =	vmov s30  }
0x33d: {  	v6 =	vadd.s32 $0xFFFFFFFF, v6  }
0x33e: {  	v6 =	vbroadcast v6, $0x0;
	_ =	sdelay $0x2  }
0x33f: {  	v7, _, _ =	vpop (xrf0)  }
0x340: {  	v6 =	vadd.s32 v7, v6;
	(v2sf) =	vpush v7, $0xF;
	_ =	sdelay $0x2  }
.Ltmp14:
0x341: {  	(pc) =	sbr.rel @p0 .LBB2_30-.Ltmp14, $4  }
0x342: {  	_ = 	snop  }
0x343: {  	[tilespmem:v6+s21+$0x0] =	vst.idx.msk vm0, v5;
	v5 =	vshll.u32 v4, $0x6  }
0x344: {  	[tilespmem:v6+s22+$0x0] =	vst.idx.msk vm0, v5  }
0x345: {  	s1 =	sshra.s32 s31, $0x2;
	s31 =	sadd.s32 $0x40, s31;
	[tilespmem:v4+s23+$0x0] =	vst.idx.add.f32.msk vm0, v2  }
0x346: {  	v4 =	vld [tilespmem:s1+$0xBB80];
	_ =	sdelay $0x4  }
0x347: {  	vm0 =	vge.s32 v4, v0;
	vm1 =	vlt.s32 v4, v1  }
0x348: {  	vm0 =	vmand vm0, vm1  }
0x349: {  	v5 =	vsel vm0, $0x1, v3  }
0x34a: {  	(xrf0) =	vadd.scan.msk.s32 $0xffff, v5;
	_ =	sdelay $0x4  }
0x34b: {  	s31 =	spop (v2sf)  }
0x34c: {  	s30 =	sadd.s32 s30, s31;
	v5, _, _ =	vpop (xrf0)  }
0x34d: {  	v6 =	vmov s30;
	(v2sf) =	vpush v5, $0xF  }
0x34e: {  	v6 =	vadd.s32 $0xFFFFFFFF, v6  }
0x34f: {  	v6 =	vbroadcast v6, $0x0;
	_ =	sdelay $0x1  }
0x350: {  	v7 =	vld [tilespmem:s1+$0x7D00];
	v5 =	vadd.s32 v5, v6;
	_ =	sdelay $0x1  }
0x351: {  	v4 =	vsub.s32 v4, v0;
	_ =	sdelay $0x2  }
0x352: {  	v60 =	vshll.u32 v4, $0x6;
	[tilespmem:v5+s21+$0x0] =	vst.idx.msk vm0, v7  }
0x353: {  	[tilespmem:v5+s22+$0x0] =	vst.idx.msk vm0, v60  }
0x354: {  	s0 =	simm.s32 $0x0;
	s31 =	rddreg [dreg:$0x12];
	[tilespmem:v4+s23+$0x0] =	vst.idx.add.f32.msk vm0, v2  }
0x355: {  	[tilespmem:s18], [sflag:$0x2] =	stream.linear.gather [hbm4b:s31+s0], $0x3E80, $0x38;
	[tilespmem:$0x15C00] =	vst v63  }
0x356: {  	_ = 	snop  }
0x357: {  	[tilespmem:s19], [sflag:$0x2] =	stream.linear.gather [hbm4b:s12+s0], $0x3E80, $0x38;
	[tilespmem:$0x15C00] =	vst v63  }
0x358: {  	s31 =	spop (v2sf)  }
0x359: {  	_ =	swait.ge [sflag:s20], $0x3E80  }
0x35a: {  	[sflag:s20] =	ssyncset.done $0x0  }
0x35b: {  	[sflag:s20] =	ssyncadd.s32 $0xFFFFC180  }
0x35c: {  	_ =	swait.ge [sflag:s20], $0x3E80  }
0x35d: {  	[sflag:s20] =	ssyncset.done $0x0  }
0x35e: {  	s0 =	simm.s32 $0x0;
	[sflag:s20] =	ssyncadd.s32 $0xFFFFC180  }
0x35f: {  	v4 =	vld [tilespmem:s0+$0x3E80];
	_ =	sdelay $0x4  }
0x360: {  	vm14 =	vge.s32 v4, v0;
	vm15 =	vlt.s32 v4, v1  }
0x361: {  	vm0 =	vmand vm14, vm15  }
0x362: {  	v5 =	vsel vm0, $0x1, v3  }
0x363: {  	(xrf0) =	vadd.scan.msk.s32 $0xffff, v5;
	_ =	sdelay $0x1  }
0x364: {  	s30 =	sadd.s32 s30, s31  }
0x365: {  	v5 =	vmov s30  }
0x366: {  	v5 =	vadd.s32 $0xFFFFFFFF, v5  }
0x367: {  	v5 =	vbroadcast v5, $0x0  }
0x368: {  	v61, _, _ =	vpop (xrf0)  }
0x369: {  	v62 =	vld [tilespmem:s0+$0x0];
	v5 =	vadd.s32 v61, v5;
	(v2sf) =	vpush v61, $0xF;
	_ =	sdelay $0x1  }
0x36a: {  	v4 =	vsub.s32 v4, v0;
	_ =	sdelay $0x2  }
0x36b: {  	v63 =	vshll.u32 v4, $0x6;
	[tilespmem:v5+s21+$0x0] =	vst.idx.msk vm0, v62  }
0x36c: {  	[tilespmem:v5+s22+$0x0] =	vst.idx.msk vm0, v63  }
0x36d: {  	s1 =	simm.s32 $0x10;
	s31 =	simm.s32 $0x80;
	[tilespmem:v4+s23+$0x0] =	vst.idx.add.f32.msk vm0, v2  }
.LBB2_32:
0x36e: {  	p0 =	sne.s32 s31, $0xF9C0;
	v4 =	vld [tilespmem:s1+$0x3E80]  }
0x36f: {  	v5 =	vld [tilespmem:s1+$0x0];
	_ =	sdelay $0x3  }
0x370: {  	vm0 =	vge.s32 v4, v0;
	vm1 =	vlt.s32 v4, v1;
	v4 =	vsub.s32 v4, v0  }
0x371: {  	vm0 =	vmand vm0, vm1  }
0x372: {  	v6 =	vsel vm0, $0x1, v3;
	s1 =	spop (v2sf)  }
0x373: {  	(xrf0) =	vadd.scan.msk.s32 $0xffff, v6;
	s30 =	sadd.s32 s30, s1  }
0x374: {  	v6 =	vmov s30  }
0x375: {  	v6 =	vadd.s32 $0xFFFFFFFF, v6  }
0x376: {  	v6 =	vbroadcast v6, $0x0;
	_ =	sdelay $0x2  }
0x377: {  	v7, _, _ =	vpop (xrf0)  }
0x378: {  	v6 =	vadd.s32 v7, v6;
	(v2sf) =	vpush v7, $0xF;
	_ =	sdelay $0x2  }
.Ltmp15:
0x379: {  	(pc) =	sbr.rel @p0 .LBB2_32-.Ltmp15, $4  }
0x37a: {  	_ = 	snop  }
0x37b: {  	[tilespmem:v6+s21+$0x0] =	vst.idx.msk vm0, v5;
	v5 =	vshll.u32 v4, $0x6  }
0x37c: {  	[tilespmem:v6+s22+$0x0] =	vst.idx.msk vm0, v5  }
0x37d: {  	s1 =	sshra.s32 s31, $0x2;
	s31 =	sadd.s32 $0x40, s31;
	[tilespmem:v4+s23+$0x0] =	vst.idx.add.f32.msk vm0, v2  }
0x37e: {  	v4 =	vld [tilespmem:s1+$0x3E80];
	_ =	sdelay $0x4  }
0x37f: {  	vm0 =	vge.s32 v4, v0;
	vm1 =	vlt.s32 v4, v1  }
0x380: {  	vm0 =	vmand vm0, vm1  }
0x381: {  	v5 =	vsel vm0, $0x1, v3  }
0x382: {  	(xrf0) =	vadd.scan.msk.s32 $0xffff, v5;
	_ =	sdelay $0x4  }
0x383: {  	s31 =	spop (v2sf)  }
0x384: {  	s30 =	sadd.s32 s30, s31;
	v5, _, _ =	vpop (xrf0)  }
0x385: {  	v6 =	vmov s30;
	(v2sf) =	vpush v5, $0xF  }
0x386: {  	v6 =	vadd.s32 $0xFFFFFFFF, v6  }
0x387: {  	v6 =	vbroadcast v6, $0x0;
	_ =	sdelay $0x1  }
0x388: {  	v7 =	vld [tilespmem:s1+$0x0];
	v5 =	vadd.s32 v5, v6;
	_ =	sdelay $0x1  }
0x389: {  	v4 =	vsub.s32 v4, v0;
	_ =	sdelay $0x2  }
0x38a: {  	v60 =	vshll.u32 v4, $0x6;
	[tilespmem:v5+s21+$0x0] =	vst.idx.msk vm0, v7  }
0x38b: {  	[tilespmem:v5+s22+$0x0] =	vst.idx.msk vm0, v60  }
0x38c: {  	s0 =	simm.s32 $0x0;
	s31 =	rddreg [dreg:$0x13];
	[tilespmem:v4+s23+$0x0] =	vst.idx.add.f32.msk vm0, v2  }
0x38d: {  	[tilespmem:s0], [sflag:$0x1] =	stream.linear.gather [hbm4b:s31+s0], $0x3E80, $0x38;
	[tilespmem:$0x15C00] =	vst v63  }
0x38e: {  	_ = 	snop  }
0x38f: {  	[tilespmem:s17], [sflag:$0x1] =	stream.linear.gather [hbm4b:s13+s0], $0x3E80, $0x38;
	[tilespmem:$0x15C00] =	vst v63  }
0x390: {  	s31 =	spop (v2sf)  }
0x391: {  	_ =	swait.ge [sflag:s24], $0x3E80  }
0x392: {  	[sflag:s24] =	ssyncset.done $0x0  }
0x393: {  	[sflag:s24] =	ssyncadd.s32 $0xFFFFC180  }
0x394: {  	_ =	swait.ge [sflag:s24], $0x3E80  }
0x395: {  	[sflag:s24] =	ssyncset.done $0x0  }
0x396: {  	s0 =	simm.s32 $0x0;
	[sflag:s24] =	ssyncadd.s32 $0xFFFFC180  }
0x397: {  	v4 =	vld [tilespmem:s0+$0xBB80];
	_ =	sdelay $0x4  }
0x398: {  	vm14 =	vge.s32 v4, v0;
	vm15 =	vlt.s32 v4, v1  }
0x399: {  	vm0 =	vmand vm14, vm15  }
0x39a: {  	v5 =	vsel vm0, $0x1, v3  }
0x39b: {  	(xrf0) =	vadd.scan.msk.s32 $0xffff, v5;
	_ =	sdelay $0x1  }
0x39c: {  	s30 =	sadd.s32 s30, s31  }
0x39d: {  	v5 =	vmov s30  }
0x39e: {  	v5 =	vadd.s32 $0xFFFFFFFF, v5  }
0x39f: {  	v5 =	vbroadcast v5, $0x0  }
0x3a0: {  	v61, _, _ =	vpop (xrf0)  }
0x3a1: {  	v62 =	vld [tilespmem:s0+$0x7D00];
	v5 =	vadd.s32 v61, v5;
	(v2sf) =	vpush v61, $0xF;
	_ =	sdelay $0x1  }
0x3a2: {  	v4 =	vsub.s32 v4, v0;
	_ =	sdelay $0x2  }
0x3a3: {  	v63 =	vshll.u32 v4, $0x6;
	[tilespmem:v5+s21+$0x0] =	vst.idx.msk vm0, v62  }
0x3a4: {  	[tilespmem:v5+s22+$0x0] =	vst.idx.msk vm0, v63  }
0x3a5: {  	s1 =	simm.s32 $0x10;
	s31 =	simm.s32 $0x80;
	[tilespmem:v4+s23+$0x0] =	vst.idx.add.f32.msk vm0, v2  }
.LBB2_34:
0x3a6: {  	p0 =	sne.s32 s31, $0xF9C0;
	v4 =	vld [tilespmem:s1+$0xBB80]  }
0x3a7: {  	v5 =	vld [tilespmem:s1+$0x7D00];
	_ =	sdelay $0x3  }
0x3a8: {  	vm0 =	vge.s32 v4, v0;
	vm1 =	vlt.s32 v4, v1;
	v4 =	vsub.s32 v4, v0  }
0x3a9: {  	vm0 =	vmand vm0, vm1  }
0x3aa: {  	v6 =	vsel vm0, $0x1, v3;
	s1 =	spop (v2sf)  }
0x3ab: {  	(xrf0) =	vadd.scan.msk.s32 $0xffff, v6;
	s30 =	sadd.s32 s30, s1  }
0x3ac: {  	v6 =	vmov s30  }
0x3ad: {  	v6 =	vadd.s32 $0xFFFFFFFF, v6  }
0x3ae: {  	v6 =	vbroadcast v6, $0x0;
	_ =	sdelay $0x2  }
0x3af: {  	v7, _, _ =	vpop (xrf0)  }
0x3b0: {  	v6 =	vadd.s32 v7, v6;
	(v2sf) =	vpush v7, $0xF;
	_ =	sdelay $0x2  }
.Ltmp16:
0x3b1: {  	(pc) =	sbr.rel @p0 .LBB2_34-.Ltmp16, $4  }
0x3b2: {  	_ = 	snop  }
0x3b3: {  	[tilespmem:v6+s21+$0x0] =	vst.idx.msk vm0, v5;
	v5 =	vshll.u32 v4, $0x6  }
0x3b4: {  	[tilespmem:v6+s22+$0x0] =	vst.idx.msk vm0, v5  }
0x3b5: {  	s1 =	sshra.s32 s31, $0x2;
	s31 =	sadd.s32 $0x40, s31;
	[tilespmem:v4+s23+$0x0] =	vst.idx.add.f32.msk vm0, v2  }
0x3b6: {  	v4 =	vld [tilespmem:s1+$0xBB80];
	_ =	sdelay $0x4  }
0x3b7: {  	vm0 =	vge.s32 v4, v0;
	vm1 =	vlt.s32 v4, v1  }
0x3b8: {  	vm0 =	vmand vm0, vm1  }
0x3b9: {  	v5 =	vsel vm0, $0x1, v3  }
0x3ba: {  	(xrf0) =	vadd.scan.msk.s32 $0xffff, v5;
	_ =	sdelay $0x4  }
0x3bb: {  	s31 =	spop (v2sf)  }
0x3bc: {  	s30 =	sadd.s32 s30, s31;
	v5, _, _ =	vpop (xrf0)  }
0x3bd: {  	v6 =	vmov s30;
	(v2sf) =	vpush v5, $0xF  }
0x3be: {  	v6 =	vadd.s32 $0xFFFFFFFF, v6  }
0x3bf: {  	v6 =	vbroadcast v6, $0x0;
	_ =	sdelay $0x1  }
0x3c0: {  	v7 =	vld [tilespmem:s1+$0x7D00];
	v5 =	vadd.s32 v5, v6;
	_ =	sdelay $0x1  }
0x3c1: {  	v4 =	vsub.s32 v4, v0;
	_ =	sdelay $0x2  }
0x3c2: {  	v60 =	vshll.u32 v4, $0x6;
	[tilespmem:v5+s21+$0x0] =	vst.idx.msk vm0, v7  }
0x3c3: {  	[tilespmem:v5+s22+$0x0] =	vst.idx.msk vm0, v60  }
0x3c4: {  	s0 =	simm.s32 $0x0;
	s31 =	rddreg [dreg:$0x14];
	[tilespmem:v4+s23+$0x0] =	vst.idx.add.f32.msk vm0, v2  }
0x3c5: {  	[tilespmem:s18], [sflag:$0x2] =	stream.linear.gather [hbm4b:s31+s0], $0x3E80, $0x38;
	[tilespmem:$0x15C00] =	vst v63  }
0x3c6: {  	_ = 	snop  }
0x3c7: {  	[tilespmem:s19], [sflag:$0x2] =	stream.linear.gather [hbm4b:s14+s0], $0x3E80, $0x38;
	[tilespmem:$0x15C00] =	vst v63  }
0x3c8: {  	s31 =	spop (v2sf)  }
0x3c9: {  	_ =	swait.ge [sflag:s20], $0x3E80  }
0x3ca: {  	[sflag:s20] =	ssyncset.done $0x0  }
0x3cb: {  	[sflag:s20] =	ssyncadd.s32 $0xFFFFC180  }
0x3cc: {  	_ =	swait.ge [sflag:s20], $0x3E80  }
0x3cd: {  	[sflag:s20] =	ssyncset.done $0x0  }
0x3ce: {  	s0 =	simm.s32 $0x0;
	[sflag:s20] =	ssyncadd.s32 $0xFFFFC180  }
0x3cf: {  	v4 =	vld [tilespmem:s0+$0x3E80];
	_ =	sdelay $0x4  }
0x3d0: {  	vm14 =	vge.s32 v4, v0;
	vm15 =	vlt.s32 v4, v1  }
0x3d1: {  	vm0 =	vmand vm14, vm15  }
0x3d2: {  	v5 =	vsel vm0, $0x1, v3  }
0x3d3: {  	(xrf0) =	vadd.scan.msk.s32 $0xffff, v5;
	_ =	sdelay $0x1  }
0x3d4: {  	s30 =	sadd.s32 s30, s31  }
0x3d5: {  	v5 =	vmov s30  }
0x3d6: {  	v5 =	vadd.s32 $0xFFFFFFFF, v5  }
0x3d7: {  	v5 =	vbroadcast v5, $0x0  }
0x3d8: {  	v61, _, _ =	vpop (xrf0)  }
0x3d9: {  	v62 =	vld [tilespmem:s0+$0x0];
	v5 =	vadd.s32 v61, v5;
	(v2sf) =	vpush v61, $0xF;
	_ =	sdelay $0x1  }
0x3da: {  	v4 =	vsub.s32 v4, v0;
	_ =	sdelay $0x2  }
0x3db: {  	v63 =	vshll.u32 v4, $0x6;
	[tilespmem:v5+s21+$0x0] =	vst.idx.msk vm0, v62  }
0x3dc: {  	[tilespmem:v5+s22+$0x0] =	vst.idx.msk vm0, v63  }
0x3dd: {  	s1 =	simm.s32 $0x10;
	s31 =	simm.s32 $0x80;
	[tilespmem:v4+s23+$0x0] =	vst.idx.add.f32.msk vm0, v2  }
.LBB2_36:
0x3de: {  	p0 =	sne.s32 s31, $0xF9C0;
	v4 =	vld [tilespmem:s1+$0x3E80]  }
0x3df: {  	v5 =	vld [tilespmem:s1+$0x0];
	_ =	sdelay $0x3  }
0x3e0: {  	vm0 =	vge.s32 v4, v0;
	vm1 =	vlt.s32 v4, v1;
	v4 =	vsub.s32 v4, v0  }
0x3e1: {  	vm0 =	vmand vm0, vm1  }
0x3e2: {  	v6 =	vsel vm0, $0x1, v3;
	s1 =	spop (v2sf)  }
0x3e3: {  	(xrf0) =	vadd.scan.msk.s32 $0xffff, v6;
	s30 =	sadd.s32 s30, s1  }
0x3e4: {  	v6 =	vmov s30  }
0x3e5: {  	v6 =	vadd.s32 $0xFFFFFFFF, v6  }
0x3e6: {  	v6 =	vbroadcast v6, $0x0;
	_ =	sdelay $0x2  }
0x3e7: {  	v7, _, _ =	vpop (xrf0)  }
0x3e8: {  	v6 =	vadd.s32 v7, v6;
	(v2sf) =	vpush v7, $0xF;
	_ =	sdelay $0x2  }
.Ltmp17:
0x3e9: {  	(pc) =	sbr.rel @p0 .LBB2_36-.Ltmp17, $4  }
0x3ea: {  	_ = 	snop  }
0x3eb: {  	[tilespmem:v6+s21+$0x0] =	vst.idx.msk vm0, v5;
	v5 =	vshll.u32 v4, $0x6  }
0x3ec: {  	[tilespmem:v6+s22+$0x0] =	vst.idx.msk vm0, v5  }
0x3ed: {  	s1 =	sshra.s32 s31, $0x2;
	s31 =	sadd.s32 $0x40, s31;
	[tilespmem:v4+s23+$0x0] =	vst.idx.add.f32.msk vm0, v2  }
0x3ee: {  	v4 =	vld [tilespmem:s1+$0x3E80];
	_ =	sdelay $0x4  }
0x3ef: {  	vm0 =	vge.s32 v4, v0;
	vm1 =	vlt.s32 v4, v1  }
0x3f0: {  	vm0 =	vmand vm0, vm1  }
0x3f1: {  	v5 =	vsel vm0, $0x1, v3  }
0x3f2: {  	(xrf0) =	vadd.scan.msk.s32 $0xffff, v5;
	_ =	sdelay $0x4  }
0x3f3: {  	s31 =	spop (v2sf)  }
0x3f4: {  	s30 =	sadd.s32 s30, s31;
	v5, _, _ =	vpop (xrf0)  }
0x3f5: {  	v6 =	vmov s30;
	(v2sf) =	vpush v5, $0xF  }
0x3f6: {  	v6 =	vadd.s32 $0xFFFFFFFF, v6  }
0x3f7: {  	v6 =	vbroadcast v6, $0x0;
	_ =	sdelay $0x1  }
0x3f8: {  	v7 =	vld [tilespmem:s1+$0x0];
	v5 =	vadd.s32 v5, v6;
	_ =	sdelay $0x1  }
0x3f9: {  	v4 =	vsub.s32 v4, v0;
	_ =	sdelay $0x2  }
0x3fa: {  	v60 =	vshll.u32 v4, $0x6;
	[tilespmem:v5+s21+$0x0] =	vst.idx.msk vm0, v7  }
0x3fb: {  	[tilespmem:v5+s22+$0x0] =	vst.idx.msk vm0, v60  }
0x3fc: {  	s0 =	simm.s32 $0x0;
	s31 =	rddreg [dreg:$0x15];
	[tilespmem:v4+s23+$0x0] =	vst.idx.add.f32.msk vm0, v2  }
0x3fd: {  	[tilespmem:s0], [sflag:$0x1] =	stream.linear.gather [hbm4b:s31+s0], $0x3E80, $0x38;
	[tilespmem:$0x15C00] =	vst v63  }
0x3fe: {  	_ = 	snop  }
0x3ff: {  	[tilespmem:s17], [sflag:$0x1] =	stream.linear.gather [hbm4b:s15+s0], $0x3E80, $0x38;
	[tilespmem:$0x15C00] =	vst v63  }
0x400: {  	s31 =	spop (v2sf)  }
0x401: {  	_ =	swait.ge [sflag:s24], $0x3E80  }
0x402: {  	[sflag:s24] =	ssyncset.done $0x0  }
0x403: {  	[sflag:s24] =	ssyncadd.s32 $0xFFFFC180  }
0x404: {  	_ =	swait.ge [sflag:s24], $0x3E80  }
0x405: {  	[sflag:s24] =	ssyncset.done $0x0  }
0x406: {  	s0 =	simm.s32 $0x0;
	[sflag:s24] =	ssyncadd.s32 $0xFFFFC180  }
0x407: {  	v4 =	vld [tilespmem:s0+$0xBB80];
	_ =	sdelay $0x4  }
0x408: {  	vm14 =	vge.s32 v4, v0;
	vm15 =	vlt.s32 v4, v1  }
0x409: {  	vm0 =	vmand vm14, vm15  }
0x40a: {  	v5 =	vsel vm0, $0x1, v3  }
0x40b: {  	(xrf0) =	vadd.scan.msk.s32 $0xffff, v5;
	_ =	sdelay $0x1  }
0x40c: {  	s30 =	sadd.s32 s30, s31  }
0x40d: {  	v5 =	vmov s30  }
0x40e: {  	v5 =	vadd.s32 $0xFFFFFFFF, v5  }
0x40f: {  	v5 =	vbroadcast v5, $0x0  }
0x410: {  	v61, _, _ =	vpop (xrf0)  }
0x411: {  	v62 =	vld [tilespmem:s0+$0x7D00];
	v5 =	vadd.s32 v61, v5;
	(v2sf) =	vpush v61, $0xF;
	_ =	sdelay $0x1  }
0x412: {  	v4 =	vsub.s32 v4, v0;
	_ =	sdelay $0x2  }
0x413: {  	v63 =	vshll.u32 v4, $0x6;
	[tilespmem:v5+s21+$0x0] =	vst.idx.msk vm0, v62  }
0x414: {  	[tilespmem:v5+s22+$0x0] =	vst.idx.msk vm0, v63  }
0x415: {  	s1 =	simm.s32 $0x10;
	s31 =	simm.s32 $0x80;
	[tilespmem:v4+s23+$0x0] =	vst.idx.add.f32.msk vm0, v2  }
.LBB2_38:
0x416: {  	p0 =	sne.s32 s31, $0xF9C0;
	v4 =	vld [tilespmem:s1+$0xBB80]  }
0x417: {  	v5 =	vld [tilespmem:s1+$0x7D00];
	_ =	sdelay $0x3  }
0x418: {  	vm0 =	vge.s32 v4, v0;
	vm1 =	vlt.s32 v4, v1;
	v4 =	vsub.s32 v4, v0  }
0x419: {  	vm0 =	vmand vm0, vm1  }
0x41a: {  	v6 =	vsel vm0, $0x1, v3;
	s1 =	spop (v2sf)  }
0x41b: {  	(xrf0) =	vadd.scan.msk.s32 $0xffff, v6;
	s30 =	sadd.s32 s30, s1  }
0x41c: {  	v6 =	vmov s30  }
0x41d: {  	v6 =	vadd.s32 $0xFFFFFFFF, v6  }
0x41e: {  	v6 =	vbroadcast v6, $0x0;
	_ =	sdelay $0x2  }
0x41f: {  	v7, _, _ =	vpop (xrf0)  }
0x420: {  	v6 =	vadd.s32 v7, v6;
	(v2sf) =	vpush v7, $0xF;
	_ =	sdelay $0x2  }
.Ltmp18:
0x421: {  	(pc) =	sbr.rel @p0 .LBB2_38-.Ltmp18, $4  }
0x422: {  	_ = 	snop  }
0x423: {  	[tilespmem:v6+s21+$0x0] =	vst.idx.msk vm0, v5;
	v5 =	vshll.u32 v4, $0x6  }
0x424: {  	[tilespmem:v6+s22+$0x0] =	vst.idx.msk vm0, v5  }
0x425: {  	s1 =	sshra.s32 s31, $0x2;
	s31 =	sadd.s32 $0x40, s31;
	[tilespmem:v4+s23+$0x0] =	vst.idx.add.f32.msk vm0, v2  }
0x426: {  	v4 =	vld [tilespmem:s1+$0xBB80];
	_ =	sdelay $0x4  }
0x427: {  	vm0 =	vge.s32 v4, v0;
	vm1 =	vlt.s32 v4, v1  }
0x428: {  	vm0 =	vmand vm0, vm1  }
0x429: {  	v5 =	vsel vm0, $0x1, v3  }
0x42a: {  	(xrf0) =	vadd.scan.msk.s32 $0xffff, v5;
	_ =	sdelay $0x4  }
0x42b: {  	s31 =	spop (v2sf)  }
0x42c: {  	s30 =	sadd.s32 s30, s31;
	v5, _, _ =	vpop (xrf0)  }
0x42d: {  	v6 =	vmov s30;
	(v2sf) =	vpush v5, $0xF  }
0x42e: {  	v6 =	vadd.s32 $0xFFFFFFFF, v6  }
0x42f: {  	v6 =	vbroadcast v6, $0x0;
	_ =	sdelay $0x1  }
0x430: {  	v7 =	vld [tilespmem:s1+$0x7D00];
	v5 =	vadd.s32 v5, v6;
	_ =	sdelay $0x1  }
0x431: {  	v4 =	vsub.s32 v4, v0;
	_ =	sdelay $0x2  }
0x432: {  	v60 =	vshll.u32 v4, $0x6;
	[tilespmem:v5+s21+$0x0] =	vst.idx.msk vm0, v7  }
0x433: {  	[tilespmem:v5+s22+$0x0] =	vst.idx.msk vm0, v60  }
0x434: {  	s0 =	simm.s32 $0x0;
	s31 =	rddreg [dreg:$0x16];
	[tilespmem:v4+s23+$0x0] =	vst.idx.add.f32.msk vm0, v2  }
0x435: {  	[tilespmem:s18], [sflag:$0x2] =	stream.linear.gather [hbm4b:s31+s0], $0x3E80, $0x38;
	[tilespmem:$0x15C00] =	vst v63  }
0x436: {  	_ = 	snop  }
0x437: {  	[tilespmem:s19], [sflag:$0x2] =	stream.linear.gather [hbm4b:s16+s0], $0x3E80, $0x38;
	[tilespmem:$0x15C00] =	vst v63  }
0x438: {  	s31 =	spop (v2sf)  }
0x439: {  	_ =	swait.ge [sflag:s20], $0x3E80  }
0x43a: {  	[sflag:s20] =	ssyncset.done $0x0  }
0x43b: {  	[sflag:s20] =	ssyncadd.s32 $0xFFFFC180  }
0x43c: {  	_ =	swait.ge [sflag:s20], $0x3E80  }
0x43d: {  	[sflag:s20] =	ssyncset.done $0x0  }
0x43e: {  	s0 =	simm.s32 $0x0;
	[sflag:s20] =	ssyncadd.s32 $0xFFFFC180  }
0x43f: {  	v4 =	vld [tilespmem:s0+$0x3E80];
	_ =	sdelay $0x4  }
0x440: {  	vm14 =	vge.s32 v4, v0;
	vm15 =	vlt.s32 v4, v1  }
0x441: {  	vm0 =	vmand vm14, vm15  }
0x442: {  	v5 =	vsel vm0, $0x1, v3  }
0x443: {  	(xrf0) =	vadd.scan.msk.s32 $0xffff, v5;
	_ =	sdelay $0x1  }
0x444: {  	s30 =	sadd.s32 s30, s31  }
0x445: {  	v5 =	vmov s30  }
0x446: {  	v5 =	vadd.s32 $0xFFFFFFFF, v5  }
0x447: {  	v5 =	vbroadcast v5, $0x0  }
0x448: {  	v61, _, _ =	vpop (xrf0)  }
0x449: {  	v62 =	vld [tilespmem:s0+$0x0];
	v5 =	vadd.s32 v61, v5;
	(v2sf) =	vpush v61, $0xF;
	_ =	sdelay $0x1  }
0x44a: {  	v4 =	vsub.s32 v4, v0;
	_ =	sdelay $0x2  }
0x44b: {  	v63 =	vshll.u32 v4, $0x6;
	[tilespmem:v5+s21+$0x0] =	vst.idx.msk vm0, v62  }
0x44c: {  	[tilespmem:v5+s22+$0x0] =	vst.idx.msk vm0, v63  }
0x44d: {  	s1 =	simm.s32 $0x10;
	s31 =	simm.s32 $0x80;
	[tilespmem:v4+s23+$0x0] =	vst.idx.add.f32.msk vm0, v2  }
.LBB2_40:
0x44e: {  	p0 =	sne.s32 s31, $0xF9C0;
	v4 =	vld [tilespmem:s1+$0x3E80]  }
0x44f: {  	v5 =	vld [tilespmem:s1+$0x0];
	_ =	sdelay $0x3  }
0x450: {  	vm0 =	vge.s32 v4, v0;
	vm1 =	vlt.s32 v4, v1;
	v4 =	vsub.s32 v4, v0  }
0x451: {  	vm0 =	vmand vm0, vm1  }
0x452: {  	v6 =	vsel vm0, $0x1, v3;
	s1 =	spop (v2sf)  }
0x453: {  	(xrf0) =	vadd.scan.msk.s32 $0xffff, v6;
	s30 =	sadd.s32 s30, s1  }
0x454: {  	v6 =	vmov s30  }
0x455: {  	v6 =	vadd.s32 $0xFFFFFFFF, v6  }
0x456: {  	v6 =	vbroadcast v6, $0x0;
	_ =	sdelay $0x2  }
0x457: {  	v7, _, _ =	vpop (xrf0)  }
0x458: {  	v6 =	vadd.s32 v7, v6;
	(v2sf) =	vpush v7, $0xF;
	_ =	sdelay $0x2  }
.Ltmp19:
0x459: {  	(pc) =	sbr.rel @p0 .LBB2_40-.Ltmp19, $4  }
0x45a: {  	_ = 	snop  }
0x45b: {  	[tilespmem:v6+s21+$0x0] =	vst.idx.msk vm0, v5;
	v5 =	vshll.u32 v4, $0x6  }
0x45c: {  	[tilespmem:v6+s22+$0x0] =	vst.idx.msk vm0, v5  }
0x45d: {  	s1 =	sshra.s32 s31, $0x2;
	s31 =	sadd.s32 $0x40, s31;
	[tilespmem:v4+s23+$0x0] =	vst.idx.add.f32.msk vm0, v2  }
0x45e: {  	v4 =	vld [tilespmem:s1+$0x3E80];
	_ =	sdelay $0x4  }
0x45f: {  	vm0 =	vge.s32 v4, v0;
	vm1 =	vlt.s32 v4, v1  }
0x460: {  	vm0 =	vmand vm0, vm1  }
0x461: {  	v5 =	vsel vm0, $0x1, v3  }
0x462: {  	(xrf0) =	vadd.scan.msk.s32 $0xffff, v5;
	_ =	sdelay $0x5  }
0x463: {  	v5, _, _ =	vpop (xrf0)  }
0x464: {  	(v2sf) =	vpush v5, $0xF;
	_ =	sdelay $0x1  }
0x465: {  	s31 =	spop (v2sf)  }
0x466: {  	s30 =	sadd.s32 s30, s31  }
0x467: {  	v6 =	vmov s30  }
0x468: {  	v6 =	vadd.s32 $0xFFFFFFFF, v6  }
0x469: {  	v6 =	vbroadcast v6, $0x0;
	_ =	sdelay $0x1  }
0x46a: {  	v7 =	vld [tilespmem:s1+$0x0];
	v5 =	vadd.s32 v5, v6;
	_ =	sdelay $0x1  }
0x46b: {  	v4 =	vsub.s32 v4, v0;
	_ =	sdelay $0x2  }
0x46c: {  	v60 =	vshll.u32 v4, $0x6;
	[tilespmem:v5+s21+$0x0] =	vst.idx.msk vm0, v7  }
0x46d: {  	[tilespmem:v5+s22+$0x0] =	vst.idx.msk vm0, v60  }
0x46e: {  	[tilespmem:v4+s23+$0x0] =	vst.idx.add.f32.msk vm0, v2;
	s0 =	spop (v2sf)  }
0x46f: {  	_ =	swait.ge [sflag:s24], $0x3E80  }
0x470: {  	[sflag:s24] =	ssyncset.done $0x0  }
0x471: {  	[sflag:s24] =	ssyncadd.s32 $0xFFFFC180  }
0x472: {  	_ =	swait.ge [sflag:s24], $0x3E80  }
0x473: {  	[sflag:s24] =	ssyncset.done $0x0  }
0x474: {  	s31 =	simm.s32 $0x0;
	[sflag:s24] =	ssyncadd.s32 $0xFFFFC180  }
0x475: {  	v4 =	vld [tilespmem:s31+$0xBB80];
	_ =	sdelay $0x4  }
0x476: {  	vm14 =	vge.s32 v4, v0;
	vm15 =	vlt.s32 v4, v1  }
0x477: {  	vm0 =	vmand vm14, vm15  }
0x478: {  	v5 =	vsel vm0, $0x1, v3  }
0x479: {  	(xrf0) =	vadd.scan.msk.s32 $0xffff, v5;
	_ =	sdelay $0x1  }
0x47a: {  	s30 =	sadd.s32 s30, s0  }
0x47b: {  	v5 =	vmov s30  }
0x47c: {  	v5 =	vadd.s32 $0xFFFFFFFF, v5  }
0x47d: {  	v5 =	vbroadcast v5, $0x0  }
0x47e: {  	v61, _, _ =	vpop (xrf0)  }
0x47f: {  	v62 =	vld [tilespmem:s31+$0x7D00];
	v5 =	vadd.s32 v61, v5;
	(v2sf) =	vpush v61, $0xF;
	_ =	sdelay $0x1  }
0x480: {  	v4 =	vsub.s32 v4, v0;
	_ =	sdelay $0x2  }
0x481: {  	v63 =	vshll.u32 v4, $0x6;
	[tilespmem:v5+s21+$0x0] =	vst.idx.msk vm0, v62  }
0x482: {  	[tilespmem:v5+s22+$0x0] =	vst.idx.msk vm0, v63  }
0x483: {  	s1 =	simm.s32 $0x10;
	s31 =	simm.s32 $0x80;
	[tilespmem:v4+s23+$0x0] =	vst.idx.add.f32.msk vm0, v2  }
.LBB2_42:
0x484: {  	p0 =	sne.s32 s31, $0xF9C0;
	v4 =	vld [tilespmem:s1+$0xBB80]  }
0x485: {  	v5 =	vld [tilespmem:s1+$0x7D00];
	_ =	sdelay $0x3  }
0x486: {  	vm0 =	vge.s32 v4, v0;
	vm1 =	vlt.s32 v4, v1;
	v4 =	vsub.s32 v4, v0  }
0x487: {  	vm0 =	vmand vm0, vm1  }
0x488: {  	v6 =	vsel vm0, $0x1, v3;
	s1 =	spop (v2sf)  }
0x489: {  	(xrf0) =	vadd.scan.msk.s32 $0xffff, v6;
	s30 =	sadd.s32 s30, s1  }
0x48a: {  	v6 =	vmov s30  }
0x48b: {  	v6 =	vadd.s32 $0xFFFFFFFF, v6  }
0x48c: {  	v6 =	vbroadcast v6, $0x0;
	_ =	sdelay $0x2  }
0x48d: {  	v7, _, _ =	vpop (xrf0)  }
0x48e: {  	v6 =	vadd.s32 v7, v6;
	(v2sf) =	vpush v7, $0xF;
	_ =	sdelay $0x2  }
.Ltmp20:
0x48f: {  	(pc) =	sbr.rel @p0 .LBB2_42-.Ltmp20, $4  }
0x490: {  	_ = 	snop  }
0x491: {  	[tilespmem:v6+s21+$0x0] =	vst.idx.msk vm0, v5;
	v5 =	vshll.u32 v4, $0x6  }
0x492: {  	[tilespmem:v6+s22+$0x0] =	vst.idx.msk vm0, v5  }
0x493: {  	s1 =	sshra.s32 s31, $0x2;
	s31 =	sadd.s32 $0x40, s31;
	[tilespmem:v4+s23+$0x0] =	vst.idx.add.f32.msk vm0, v2  }
0x494: {  	v4 =	vld [tilespmem:s1+$0xBB80];
	_ =	sdelay $0x4  }
0x495: {  	vm0 =	vge.s32 v4, v0;
	vm1 =	vlt.s32 v4, v1  }
0x496: {  	vm0 =	vmand vm0, vm1  }
0x497: {  	v5 =	vsel vm0, $0x1, v3  }
0x498: {  	(xrf0) =	vadd.scan.msk.s32 $0xffff, v5;
	_ =	sdelay $0x5  }
0x499: {  	v5, _, _ =	vpop (xrf0)  }
0x49a: {  	(v2sf) =	vpush v5, $0xF;
	_ =	sdelay $0x3  }
0x49b: {  	s31 =	spop (v2sf)  }
0x49c: {  	s30 =	sadd.s32 s30, s31  }
0x49d: {  	v6 =	vmov s30  }
0x49e: {  	v6 =	vadd.s32 $0xFFFFFFFF, v6  }
0x49f: {  	v6 =	vbroadcast v6, $0x0;
	_ =	sdelay $0x1  }
0x4a0: {  	v7 =	vld [tilespmem:s1+$0x7D00];
	v5 =	vadd.s32 v5, v6;
	_ =	sdelay $0x1  }
0x4a1: {  	v4 =	vsub.s32 v4, v0;
	_ =	sdelay $0x2  }
0x4a2: {  	v63 =	vshll.u32 v4, $0x6;
	[tilespmem:v5+s21+$0x0] =	vst.idx.msk vm0, v7;
	s31 =	spop (v2sf)  }
0x4a3: {  	[tilespmem:v5+s22+$0x0] =	vst.idx.msk vm0, v63;
	s1 =	sadd.s32 s30, s31  }
0x4a4: {  	[tilespmem:v4+s23+$0x0] =	vst.idx.add.f32.msk vm0, v2;
	v4 =	vmov s1  }
0x4a5: {  	s0 =	rddreg [dreg:$0x17];
	[tilespmem:$0x15B80] =	vst v4  }
0x4a6: {  	[hbm4b:s0+s25] =	stream.strided.scatter [tilespmem:s21], [sflag:$0x3], $0x3000, s26, s25, $0x38;
	[tilespmem:$0x15C00] =	vst v63  }
0x4a7: {  	_ =	swait.ge [sflag:s28], $0x3000  }
0x4a8: {  	[sflag:s28] =	ssyncset.done $0x0  }
0x4a9: {  	s30 =	rddreg [dreg:$0x18];
	[sflag:s28] =	ssyncadd.s32 $0xFFFFD000  }
0x4aa: {  	[hbm4b:s30+s25] =	stream.strided.scatter [tilespmem:s22], [sflag:$0x3], $0x3000, s26, s25, $0x38;
	[tilespmem:$0x15C00] =	vst v63  }
0x4ab: {  	_ =	swait.ge [sflag:s28], $0x3000  }
0x4ac: {  	s1 =	simm.s32 $0x0;
	[sflag:s28] =	ssyncset.done $0x0  }
0x4ad: {  	s0 =	simm.s32 $0x15B80;
	s31 =	rddreg [dreg:$0x19];
	[sflag:s28] =	ssyncadd.s32 $0xFFFFD000  }
0x4ae: {  	[hbm4b:s31+s1] =	stream.linear.scatter [tilespmem:s0], [sflag:$0x3], $0x80, $0x38;
	[tilespmem:$0x15C00] =	vst v63  }
0x4af: {  	_ =	swait.ge [sflag:s28], $0x80  }
0x4b0: {  	[sflag:s28] =	ssyncset.done $0x0  }
0x4b1: {  	s30 =	rddreg [dreg:$0x1a];
	[sflag:s28] =	ssyncadd.s32 $0xFFFFFF80  }
0x4b2: {  	[hbm4b:s30+s25] =	stream.strided.scatter [tilespmem:s23], [sflag:$0x3], $0x180, s26, s25, $0x38;
	[tilespmem:$0x15C00] =	vst v63  }
0x4b3: {  	_ =	swait.ge [sflag:s28], $0x180  }
0x4b4: {  	s29 =	sadd.s32 $0x1, s29;
	s31 =	rddreg [dreg:$0x1b]  }
0x4b5: {  	p0 =	sne.s32 s29, s31  }
.Ltmp21:
0x4b6: {  	_ = 	snop;
	(pc) =	sbr.rel @p0 .LBB2_1-.Ltmp21, $3  }
0x4b7: {  	_ =	sdelay $0x1  }
0x4b8: {  	[sflag:s28] =	ssyncset.done $0x0  }
0x4b9: {  	[sflag:s28] =	ssyncadd.s32 $0xFFFFFE80  }
0x4ba: {  	_ =	sfence.sel $0x180000  }
0x4bb: {  	[bflag:$0x0] =	sbarrier.arrive $0xFFFF  }
0x4bc: {  	_ =	strace $0x90000047  }
0x4bd: {  	s0 =	stileid.u32;
	[bflag:$0x2] =	sbarrier.arrive $0xFFFF  }
0x4be: {  	p0 =	sne.s32 s0, $0x0;
	s0 =	rddreg [dreg:$0x2]  }
0x4bf: {  	s0 =	sadd.s32 @!p0 $0x100000, s0  }
0x4c0: {  	[sflag:s0] =	ssyncadd.tile.s32 @!p0 $0x1;
	_ =	shalt  }
.Lfunc_end2:
_tile_overlayer_lowered:
.L_overlay_start_2:
0x4c1: {  	(tag) =	ssettag $0x2  }
0x4c2: {  	s0 =	rddreg [dreg:$0x0];
	s2 =	stileid.u32  }
0x4c3: {  	s1 =	rddreg [dreg:$0x1];
	p0 =	sne.s32 s2, $0x0  }
0x4c4: {  	s3 =	rddreg [dreg:$0x2];
	[bflag:$0x3] =	sbarrier.arrive $0xFFFF;
	s2 =	simm.s32 @!p0 $0x1C03  }
0x4c5: {  	[timem:s3], [sflag:s2] =	dma.local @!p0 [hbm:s0], s1  }
0x4c6: {  	s0 =	simm.s32 @!p0 $0x3  }
0x4c7: {  	_ =	swait.ge @!p0 [sflag:s0], s1  }
0x4c8: {  	s1 =	ssub.s32 @!p0 $0x0, s1;
	[sflag:s0] =	ssyncset.done @!p0 $0x0  }
0x4c9: {  	[sflag:s0] =	ssyncadd.s32 @!p0 s1  }
0x4ca: {  	[bflag:$0x3] =	sbarrier.arrive $0xFFFF  }
0x4cb: {  	_ =	shalt  }

</sc_bundles>
